<compile_context>
chip_gen: v7x
topology: tpu7x:2x2x1
jax: 0.10.2.dev20260603
libtpu: 0.0.44.dev20260713+nightly
codegen_flags: <defaults>
</compile_context>

<pallas_src>
import functools

import jax
import jax.numpy as jnp
from jax import lax
from jax.experimental import pallas as pl
from jax.experimental.pallas import tpu as pltpu
from jax.experimental.pallas import tpu_sc as plsc

N = 10000
NP = 10240
E = 320000
EROWS = 2560
EP = EROWS * 128
D = 128
H = 512
G = 64
PAD_IDX = N
BN_EPS = 1e-5

RPT = EROWS // 32
BM = 256
NBLK = NP // BM

_mesh = plsc.VectorSubcoreMesh(core_axis_name="c", subcore_axis_name="s")
f32 = jnp.float32


def _make_gather(width, bq):
    nb = EP // (32 * bq)

    @functools.partial(
        pl.kernel,
        out_type=jax.ShapeDtypeStruct((EP, width), f32),
        mesh=_mesh,
        scratch_types=[
            pltpu.VMEM((bq,), jnp.int32),
            pltpu.VMEM((bq, width), f32),
            pltpu.SemaphoreType.DMA,
        ],
    )
    def gather(table_hbm, src_hbm, msg_out, src_i, rows_v, sem):
        c = lax.axis_index("c")
        t = lax.axis_index("s")
        base = (t * 2 + c) * nb

        def body(jb, carry):
            eoff = pl.multiple_of((base + jb) * bq, 8)
            pltpu.sync_copy(src_hbm.at[pl.ds(eoff, bq)], src_i)
            pltpu.async_copy(table_hbm.at[src_i], rows_v, sem).wait()
            pltpu.sync_copy(rows_v, msg_out.at[pl.ds(eoff, bq)])
            return carry

        lax.fori_loop(0, nb, body, 0)

    return gather


_gather_d = _make_gather(D, 128)
_gather_h = _make_gather(H, 128)


def _mlp_body(x, s, inv, Wa, ba, Wb, bb, gsc, be, out):
    h0 = x[...] + s[...] * inv[:, 0:1]
    a = jnp.maximum(jnp.dot(h0, Wa[...], preferred_element_type=f32,
                    precision=lax.Precision.HIGHEST)
                    + ba[0], 0.0)
    b = jnp.maximum(jnp.dot(a, Wb[...], preferred_element_type=f32,
                    precision=lax.Precision.HIGHEST)
                    + bb[0], 0.0)
    out[...] = b * gsc[0] + be[0]


def _w_spec(shape):
    nd = len(shape)
    return pl.BlockSpec(shape, lambda i, _n=nd: (0,) * _n)


def _make_mlp(k_in):
    return pl.pallas_call(
        _mlp_body,
        grid=(NBLK,),
        in_specs=[
            pl.BlockSpec((BM, k_in), lambda i: (i, 0)),
            pl.BlockSpec((BM, k_in), lambda i: (i, 0)),
            pl.BlockSpec((BM, 16), lambda i: (i, 0)),
            _w_spec((k_in, H)),
            _w_spec((1, H)),
            _w_spec((H, H)),
            _w_spec((1, H)),
            _w_spec((1, H)),
            _w_spec((1, H)),
        ],
        out_specs=pl.BlockSpec((BM, H), lambda i: (i, 0)),
        out_shape=jax.ShapeDtypeStruct((NP, H), f32),
    )


_mlp_d = _make_mlp(D)
_mlp_h = _make_mlp(H)


def _pool_body(hc, b3, Wl1, bl1, Wl2, bl2, out, pacc):
    i = pl.program_id(0)

    @pl.when(i == 0)
    def _init():
        pacc[...] = jnp.zeros((G, H), f32)

    iota_g = lax.broadcasted_iota(jnp.int32, (G, BM), 0)
    onehot_t = (b3[0] == iota_g).astype(f32)
    pacc[...] += lax.dot_general(
        onehot_t, hc[...], (((1,), (0,)), ((), ())),
        preferred_element_type=f32,
                    precision=lax.Precision.HIGHEST)

    @pl.when(i == NBLK - 1)
    def _readout():
        p = pacc[...]
        r = jnp.maximum(jnp.dot(p, Wl1[...], preferred_element_type=f32,
                    precision=lax.Precision.HIGHEST)
                        + bl1[0], 0.0)
        out[...] = jnp.dot(r, Wl2[...], preferred_element_type=f32,
                    precision=lax.Precision.HIGHEST) + bl2[0]


_pool_call = pl.pallas_call(
    _pool_body,
    grid=(NBLK,),
    in_specs=[
        pl.BlockSpec((BM, H), lambda i: (i, 0)),
        pl.BlockSpec((1, 1, BM), lambda i: (i, 0, 0)),
        _w_spec((H, H)),
        _w_spec((1, H)),
        _w_spec((H, 1)),
        _w_spec((1, 1)),
    ],
    out_specs=pl.BlockSpec((G, 1), lambda i: (0, 0)),
    out_shape=jax.ShapeDtypeStruct((G, 1), f32),
    scratch_shapes=[pltpu.VMEM((G, H), f32)],
)


def _pad_rows(a):
    return jnp.concatenate(
        [a, jnp.zeros((NP - N,) + a.shape[1:], a.dtype)], axis=0)


def kernel(x, edge_index, batch, W1a, b1a, W1b, b1b, g1, be1,
           W2a, b2a, W2b, b2b, g2, be2,
           W3a, b3a, W3b, b3b, g3, be3,
           Wl1, bl1, Wl2, bl2):
    src = edge_index[0].astype(jnp.int32)
    dst = edge_index[1]
    src_flat = jnp.concatenate(
        [src, jnp.full((EP - E,), PAD_IDX, jnp.int32)])
    x_pad = _pad_rows(x)
    batch3 = jnp.concatenate(
        [batch.astype(jnp.int32), jnp.full((NP - N,), G, jnp.int32)]
    ).reshape(NBLK, 1, BM)

    cnt = jax.ops.segment_sum(jnp.ones((E,), f32), dst, num_segments=N)
    inv16 = _pad_rows(
        jnp.broadcast_to((1.0 / jnp.maximum(cnt, 1.0))[:, None], (N, 16)))
    bn = 1.0 / jnp.sqrt(1.0 + BN_EPS)

    def row(v):
        return v.reshape(1, -1)

    h = x_pad
    gathers = (_gather_d, _gather_h, _gather_h)
    mlps = (_mlp_d, _mlp_h, _mlp_h)
    params = ((W1a, b1a, W1b, b1b, g1, be1),
              (W2a, b2a, W2b, b2b, g2, be2),
              (W3a, b3a, W3b, b3b, g3, be3))
    for gat, mlp, (Wa, ba, Wb, bb, g, be) in zip(gathers, mlps, params):
        msg = gat(h, src_flat)
        s = jax.ops.segment_sum(msg[:E], dst, num_segments=N)
        h = mlp(x_pad if gat is _gather_d else h, _pad_rows(s), inv16,
                Wa, row(ba), Wb, row(bb), row(g * bn), row(be))

    return _pool_call(h, batch3, Wl1, row(bl1), Wl2, row(bl2))

# --- scband reference (transcript-rebuilt; emitter-appended) ---
"""Pipeline reference for scband-gin0-14516989460936 (READ-ONLY COPY).

The authoritative reference and input builder live on the scoring server;
editing this copy changes nothing except your own understanding.
"""

import jax, jax.numpy as jnp
import numpy as np

N_NODES = 10000
N_EDGES = 320000
D_FEAT = 128
HIDDEN = 512
N_GRAPHS = 64
BN_EPS = 1e-5


def _lin(key, fan_in, fan_out):
    return jax.random.normal(key, (fan_in, fan_out), dtype=jnp.float32) * (1.0 / np.sqrt(fan_in))


def setup_inputs(seed: int = 0) -> dict:
    key = jax.random.key(seed)
    ks = [jax.random.fold_in(key, i) for i in range(40)]
    inp = {}
    inp['x'] = jax.random.normal(ks[0], (N_NODES, D_FEAT), dtype=jnp.float32)
    inp['edge_index'] = jax.random.randint(ks[1], (2, N_EDGES), 0, N_NODES, dtype=jnp.int64)
    inp['batch'] = jnp.sort(jax.random.randint(ks[2], (N_NODES,), 0, N_GRAPHS, dtype=jnp.int64))
    # conv1 MLP: Linear(128,512) ReLU Linear(512,512) ReLU BN(512)
    inp['W1a'] = _lin(ks[3], D_FEAT, HIDDEN); inp['b1a'] = jnp.zeros((HIDDEN,), jnp.float32)
    inp['W1b'] = _lin(ks[4], HIDDEN, HIDDEN); inp['b1b'] = jnp.zeros((HIDDEN,), jnp.float32)
    inp['g1'] = jnp.ones((HIDDEN,), jnp.float32); inp['be1'] = jnp.zeros((HIDDEN,), jnp.float32)
    # conv2
    inp['W2a'] = _lin(ks[5], HIDDEN, HIDDEN); inp['b2a'] = jnp.zeros((HIDDEN,), jnp.float32)
    inp['W2b'] = _lin(ks[6], HIDDEN, HIDDEN); inp['b2b'] = jnp.zeros((HIDDEN,), jnp.float32)
    inp['g2'] = jnp.ones((HIDDEN,), jnp.float32); inp['be2'] = jnp.zeros((HIDDEN,), jnp.float32)
    # conv3
    inp['W3a'] = _lin(ks[7], HIDDEN, HIDDEN); inp['b3a'] = jnp.zeros((HIDDEN,), jnp.float32)
    inp['W3b'] = _lin(ks[8], HIDDEN, HIDDEN); inp['b3b'] = jnp.zeros((HIDDEN,), jnp.float32)
    inp['g3'] = jnp.ones((HIDDEN,), jnp.float32); inp['be3'] = jnp.zeros((HIDDEN,), jnp.float32)
    # readout MLP
    inp['Wl1'] = _lin(ks[9], HIDDEN, HIDDEN); inp['bl1'] = jnp.zeros((HIDDEN,), jnp.float32)
    inp['Wl2'] = _lin(ks[10], HIDDEN, 1); inp['bl2'] = jnp.zeros((1,), jnp.float32)
    return inp


def _gin_conv(x, edge_index, Wa, ba, Wb, bb, g, be):
    # GINConv with train_eps=False (eps=0) and aggr='mean':
    #   out = nn(x + mean_{j in N(i)} x_j)
    src = edge_index[0]
    dst = edge_index[1]
    msg = jnp.take(x, src, axis=0)
    s = jax.ops.segment_sum(msg, dst, num_segments=N_NODES)
    cnt = jax.ops.segment_sum(jnp.ones((msg.shape[0],), x.dtype), dst, num_segments=N_NODES)
    mean = s / jnp.maximum(cnt, 1.0)[:, None]
    h = x + mean
    h = jax.nn.relu(h @ Wa + ba)
    h = jax.nn.relu(h @ Wb + bb)
    # BatchNorm1d in eval mode: running_mean=0, running_var=1
    h = h * (g / jnp.sqrt(1.0 + BN_EPS)) + be
    return h


def reference(x, edge_index, batch, W1a, b1a, W1b, b1b, g1, be1,
              W2a, b2a, W2b, b2b, g2, be2,
              W3a, b3a, W3b, b3b, g3, be3,
              Wl1, bl1, Wl2, bl2):
    h = _gin_conv(x, edge_index, W1a, b1a, W1b, b1b, g1, be1)
    h = _gin_conv(h, edge_index, W2a, b2a, W2b, b2b, g2, be2)  # dropout is identity in eval
    h = _gin_conv(h, edge_index, W3a, b3a, W3b, b3b, g3, be3)
    # global_add_pool (pool='sum')
    pooled = jax.ops.segment_sum(h, batch, num_segments=N_GRAPHS)
    out = jax.nn.relu(pooled @ Wl1 + bl1)
    out = out @ Wl2 + bl2
    return out

if __name__ == "__main__":
    import jax
    _d = setup_inputs()
    print(jax.jit(kernel)(*tuple(_d.values())))

</pallas_src>

<mosaic_0001>
#map = affine_map<(d0, d1) -> (0, 0)>
#map1 = affine_map<(d0, d1) -> (0)>
module attributes {stable_mosaic.version = 14 : i64} {
  func.func @gather(%arg0: i32, %arg1: i32, %arg2: memref<10240x512xf32, #tpu.memory_space<hbm>>, %arg3: memref<327680xi32, #tpu.memory_space<hbm>>, %arg4: memref<327680x512xf32, #tpu.memory_space<hbm>>, %arg5: memref<128xi32, #tpu.memory_space<vmem>>, %arg6: memref<128x512xf32, #tpu.memory_space<vmem>>, %arg7: memref<!tpu.dma_semaphore, #tpu.memory_space<semaphore_mem>>) attributes {dimension_semantics = [#tpu.dimension_semantics<core_parallel>, #tpu.dimension_semantics<subcore_parallel>], iteration_bounds = array<i64: 2, 16>, scalar_prefetch = 0 : i64, scratch_operands = 3 : i64, tpu.core_type = #tpu.core_type<sc_vector_subcore>, window_params = [{transform_indices = #map}, {transform_indices = #map1}, {transform_indices = #map}]} {
    %mul3A = arith.constant 2 : i32
    %mul3A_0 = arith.muli %arg1, %mul3A : i32
    %add3A = arith.addi %mul3A_0, %arg0 : i32
    %mul3A_1 = arith.constant 80 : i32
    %mul3A_2 = arith.muli %add3A, %mul3A_1 : i32
    %scan3A = arith.constant 0 : i32
    %scan3A_3 = arith.constant 0 : i32
    %scan3A_4 = arith.constant 80 : i32
    %scan3A_5 = arith.addi %scan3A_3, %scan3A_4 : i32
    %scan3A_6 = arith.constant 1 : i32
    scf.for %scan3A_8 = %scan3A_3 to %scan3A_5 step %scan3A_6  : i32 {
      %add3A_9 = arith.addi %mul3A_2, %scan3A_8 : i32
      %mul3A_10 = arith.constant 128 : i32
      %mul3A_11 = arith.muli %add3A_9, %mul3A_10 : i32
      %multiple_of3A = tpu.assume_multiple %mul3A_11, 8 : i32
      "tpu.region"() ({
        %run_scoped3A = tpu.sem_alloc : memref<!tpu.dma_semaphore, #tpu.memory_space<semaphore_mem>>
        %dma_start3A_16 = tpu.memref_slice %arg3[%multiple_of3A] : memref<327680xi32, #tpu.memory_space<hbm>> -> memref<128xi32, #tpu.memory_space<hbm>>
        %dma_start3A_17 = tpu.memref_slice %arg3[%multiple_of3A] : memref<327680xi32, #tpu.memory_space<hbm>> -> memref<128xi32, #tpu.memory_space<hbm>>
        tpu.enqueue_dma source(%dma_start3A_17 : memref<128xi32, #tpu.memory_space<hbm>>) target(%arg5 : memref<128xi32, #tpu.memory_space<vmem>>) target_semaphore(%run_scoped3A : memref<!tpu.dma_semaphore, #tpu.memory_space<semaphore_mem>>)
        %dma_wait3A_18 = tpu.memref_slice %arg3[%multiple_of3A] : memref<327680xi32, #tpu.memory_space<hbm>> -> memref<128xi32, #tpu.memory_space<hbm>>
        %dma_wait3A_19 = tpu.memref_slice %arg3[%multiple_of3A] : memref<327680xi32, #tpu.memory_space<hbm>> -> memref<128xi32, #tpu.memory_space<hbm>>
        tpu.wait_dma2 semaphore(%run_scoped3A : memref<!tpu.dma_semaphore, #tpu.memory_space<semaphore_mem>>) src(%dma_wait3A_19 : memref<128xi32, #tpu.memory_space<hbm>>) dst(%arg5 : memref<128xi32, #tpu.memory_space<vmem>>)
        tpu.yield
      }) : () -> ()
      %dma_start3A = arith.constant 0 : i32
      %dma_start3A_12 = arith.constant 0 : i32
      %dma_start3A_13 = tpu.memref_slice %arg2[%dma_start3A, %dma_start3A_12] : memref<10240x512xf32, #tpu.memory_space<hbm>> -> memref<10240x512xf32, #tpu.memory_space<hbm>>
      tpu.enqueue_indirect_dma source(%dma_start3A_13 : memref<10240x512xf32, #tpu.memory_space<hbm>>) target(%arg6 : memref<128x512xf32, #tpu.memory_space<vmem>>) offsets(%arg5 : memref<128xi32, #tpu.memory_space<vmem>>) semaphore(%arg7 : memref<!tpu.dma_semaphore, #tpu.memory_space<semaphore_mem>>)
      %dma_wait3A = arith.constant 0 : i32
      %dma_wait3A_14 = arith.constant 0 : i32
      %dma_wait3A_15 = tpu.memref_slice %arg2[%dma_wait3A, %dma_wait3A_14] : memref<10240x512xf32, #tpu.memory_space<hbm>> -> memref<10240x512xf32, #tpu.memory_space<hbm>>
      tpu.wait_indirect_dma semaphore(%arg7 : memref<!tpu.dma_semaphore, #tpu.memory_space<semaphore_mem>>) src(%dma_wait3A_15 : memref<10240x512xf32, #tpu.memory_space<hbm>>) dst(%arg6 : memref<128x512xf32, #tpu.memory_space<vmem>>)
      "tpu.region"() ({
        %run_scoped3A = tpu.sem_alloc : memref<!tpu.dma_semaphore, #tpu.memory_space<semaphore_mem>>
        %dma_start3A_16 = arith.constant 0 : i32
        %dma_start3A_17 = tpu.memref_slice %arg4[%multiple_of3A, %dma_start3A_16] : memref<327680x512xf32, #tpu.memory_space<hbm>> -> memref<128x512xf32, #tpu.memory_space<hbm>>
        %dma_start3A_18 = arith.constant 0 : i32
        %dma_start3A_19 = tpu.memref_slice %arg4[%multiple_of3A, %dma_start3A_18] : memref<327680x512xf32, #tpu.memory_space<hbm>> -> memref<128x512xf32, #tpu.memory_space<hbm>>
        tpu.enqueue_dma source(%arg6 : memref<128x512xf32, #tpu.memory_space<vmem>>) target(%dma_start3A_19 : memref<128x512xf32, #tpu.memory_space<hbm>>) target_semaphore(%run_scoped3A : memref<!tpu.dma_semaphore, #tpu.memory_space<semaphore_mem>>)
        %dma_wait3A_20 = arith.constant 0 : i32
        %dma_wait3A_21 = tpu.memref_slice %arg4[%multiple_of3A, %dma_wait3A_20] : memref<327680x512xf32, #tpu.memory_space<hbm>> -> memref<128x512xf32, #tpu.memory_space<hbm>>
        %dma_wait3A_22 = arith.constant 0 : i32
        %dma_wait3A_23 = tpu.memref_slice %arg4[%multiple_of3A, %dma_wait3A_22] : memref<327680x512xf32, #tpu.memory_space<hbm>> -> memref<128x512xf32, #tpu.memory_space<hbm>>
        tpu.wait_dma2 semaphore(%run_scoped3A : memref<!tpu.dma_semaphore, #tpu.memory_space<semaphore_mem>>) src(%arg6 : memref<128x512xf32, #tpu.memory_space<vmem>>) dst(%dma_wait3A_23 : memref<128x512xf32, #tpu.memory_space<hbm>>)
        tpu.yield
      }) : () -> ()
    }
    %scan3A_7 = arith.constant 80 : i32
    return
  }
}

#map = affine_map<(d0, d1) -> (0, 0)>
#map1 = affine_map<(d0, d1) -> (0)>
module attributes {stable_mosaic.version = 14 : i64} {
  func.func @gather(%arg0: i32, %arg1: i32, %arg2: memref<10240x128xf32, #tpu.memory_space<hbm>>, %arg3: memref<327680xi32, #tpu.memory_space<hbm>>, %arg4: memref<327680x128xf32, #tpu.memory_space<hbm>>, %arg5: memref<128xi32, #tpu.memory_space<vmem>>, %arg6: memref<128x128xf32, #tpu.memory_space<vmem>>, %arg7: memref<!tpu.dma_semaphore, #tpu.memory_space<semaphore_mem>>) attributes {dimension_semantics = [#tpu.dimension_semantics<core_parallel>, #tpu.dimension_semantics<subcore_parallel>], iteration_bounds = array<i64: 2, 16>, scalar_prefetch = 0 : i64, scratch_operands = 3 : i64, tpu.core_type = #tpu.core_type<sc_vector_subcore>, window_params = [{transform_indices = #map}, {transform_indices = #map1}, {transform_indices = #map}]} {
    %mul3A = arith.constant 2 : i32
    %mul3A_0 = arith.muli %arg1, %mul3A : i32
    %add3A = arith.addi %mul3A_0, %arg0 : i32
    %mul3A_1 = arith.constant 80 : i32
    %mul3A_2 = arith.muli %add3A, %mul3A_1 : i32
    %scan3A = arith.constant 0 : i32
    %scan3A_3 = arith.constant 0 : i32
    %scan3A_4 = arith.constant 80 : i32
    %scan3A_5 = arith.addi %scan3A_3, %scan3A_4 : i32
    %scan3A_6 = arith.constant 1 : i32
    scf.for %scan3A_8 = %scan3A_3 to %scan3A_5 step %scan3A_6  : i32 {
      %add3A_9 = arith.addi %mul3A_2, %scan3A_8 : i32
      %mul3A_10 = arith.constant 128 : i32
      %mul3A_11 = arith.muli %add3A_9, %mul3A_10 : i32
      %multiple_of3A = tpu.assume_multiple %mul3A_11, 8 : i32
      "tpu.region"() ({
        %run_scoped3A = tpu.sem_alloc : memref<!tpu.dma_semaphore, #tpu.memory_space<semaphore_mem>>
        %dma_start3A_16 = tpu.memref_slice %arg3[%multiple_of3A] : memref<327680xi32, #tpu.memory_space<hbm>> -> memref<128xi32, #tpu.memory_space<hbm>>
        %dma_start3A_17 = tpu.memref_slice %arg3[%multiple_of3A] : memref<327680xi32, #tpu.memory_space<hbm>> -> memref<128xi32, #tpu.memory_space<hbm>>
        tpu.enqueue_dma source(%dma_start3A_17 : memref<128xi32, #tpu.memory_space<hbm>>) target(%arg5 : memref<128xi32, #tpu.memory_space<vmem>>) target_semaphore(%run_scoped3A : memref<!tpu.dma_semaphore, #tpu.memory_space<semaphore_mem>>)
        %dma_wait3A_18 = tpu.memref_slice %arg3[%multiple_of3A] : memref<327680xi32, #tpu.memory_space<hbm>> -> memref<128xi32, #tpu.memory_space<hbm>>
        %dma_wait3A_19 = tpu.memref_slice %arg3[%multiple_of3A] : memref<327680xi32, #tpu.memory_space<hbm>> -> memref<128xi32, #tpu.memory_space<hbm>>
        tpu.wait_dma2 semaphore(%run_scoped3A : memref<!tpu.dma_semaphore, #tpu.memory_space<semaphore_mem>>) src(%dma_wait3A_19 : memref<128xi32, #tpu.memory_space<hbm>>) dst(%arg5 : memref<128xi32, #tpu.memory_space<vmem>>)
        tpu.yield
      }) : () -> ()
      %dma_start3A = arith.constant 0 : i32
      %dma_start3A_12 = arith.constant 0 : i32
      %dma_start3A_13 = tpu.memref_slice %arg2[%dma_start3A, %dma_start3A_12] : memref<10240x128xf32, #tpu.memory_space<hbm>> -> memref<10240x128xf32, #tpu.memory_space<hbm>>
      tpu.enqueue_indirect_dma source(%dma_start3A_13 : memref<10240x128xf32, #tpu.memory_space<hbm>>) target(%arg6 : memref<128x128xf32, #tpu.memory_space<vmem>>) offsets(%arg5 : memref<128xi32, #tpu.memory_space<vmem>>) semaphore(%arg7 : memref<!tpu.dma_semaphore, #tpu.memory_space<semaphore_mem>>)
      %dma_wait3A = arith.constant 0 : i32
      %dma_wait3A_14 = arith.constant 0 : i32
      %dma_wait3A_15 = tpu.memref_slice %arg2[%dma_wait3A, %dma_wait3A_14] : memref<10240x128xf32, #tpu.memory_space<hbm>> -> memref<10240x128xf32, #tpu.memory_space<hbm>>
      tpu.wait_indirect_dma semaphore(%arg7 : memref<!tpu.dma_semaphore, #tpu.memory_space<semaphore_mem>>) src(%dma_wait3A_15 : memref<10240x128xf32, #tpu.memory_space<hbm>>) dst(%arg6 : memref<128x128xf32, #tpu.memory_space<vmem>>)
      "tpu.region"() ({
        %run_scoped3A = tpu.sem_alloc : memref<!tpu.dma_semaphore, #tpu.memory_space<semaphore_mem>>
        %dma_start3A_16 = arith.constant 0 : i32
        %dma_start3A_17 = tpu.memref_slice %arg4[%multiple_of3A, %dma_start3A_16] : memref<327680x128xf32, #tpu.memory_space<hbm>> -> memref<128x128xf32, #tpu.memory_space<hbm>>
        %dma_start3A_18 = arith.constant 0 : i32
        %dma_start3A_19 = tpu.memref_slice %arg4[%multiple_of3A, %dma_start3A_18] : memref<327680x128xf32, #tpu.memory_space<hbm>> -> memref<128x128xf32, #tpu.memory_space<hbm>>
        tpu.enqueue_dma source(%arg6 : memref<128x128xf32, #tpu.memory_space<vmem>>) target(%dma_start3A_19 : memref<128x128xf32, #tpu.memory_space<hbm>>) target_semaphore(%run_scoped3A : memref<!tpu.dma_semaphore, #tpu.memory_space<semaphore_mem>>)
        %dma_wait3A_20 = arith.constant 0 : i32
        %dma_wait3A_21 = tpu.memref_slice %arg4[%multiple_of3A, %dma_wait3A_20] : memref<327680x128xf32, #tpu.memory_space<hbm>> -> memref<128x128xf32, #tpu.memory_space<hbm>>
        %dma_wait3A_22 = arith.constant 0 : i32
        %dma_wait3A_23 = tpu.memref_slice %arg4[%multiple_of3A, %dma_wait3A_22] : memref<327680x128xf32, #tpu.memory_space<hbm>> -> memref<128x128xf32, #tpu.memory_space<hbm>>
        tpu.wait_dma2 semaphore(%run_scoped3A : memref<!tpu.dma_semaphore, #tpu.memory_space<semaphore_mem>>) src(%arg6 : memref<128x128xf32, #tpu.memory_space<vmem>>) dst(%dma_wait3A_23 : memref<128x128xf32, #tpu.memory_space<hbm>>)
        tpu.yield
      }) : () -> ()
    }
    %scan3A_7 = arith.constant 80 : i32
    return
  }
}

#map = affine_map<(d0, d1) -> (0, 0)>
#map1 = affine_map<(d0, d1) -> (0)>
module attributes {stable_mosaic.version = 14 : i64} {
  func.func @gather(%arg0: i32, %arg1: i32, %arg2: memref<10240x512xf32, #tpu.memory_space<hbm>>, %arg3: memref<327680xi32, #tpu.memory_space<hbm>>, %arg4: memref<327680x512xf32, #tpu.memory_space<hbm>>, %arg5: memref<128xi32, #tpu.memory_space<vmem>>, %arg6: memref<128x512xf32, #tpu.memory_space<vmem>>, %arg7: memref<!tpu.dma_semaphore, #tpu.memory_space<semaphore_mem>>) attributes {dimension_semantics = [#tpu.dimension_semantics<core_parallel>, #tpu.dimension_semantics<subcore_parallel>], iteration_bounds = array<i64: 2, 16>, scalar_prefetch = 0 : i64, scratch_operands = 3 : i64, tpu.core_type = #tpu.core_type<sc_vector_subcore>, window_params = [{transform_indices = #map}, {transform_indices = #map1}, {transform_indices = #map}]} {
    %mul3A = arith.constant 2 : i32
    %mul3A_0 = arith.muli %arg1, %mul3A : i32
    %add3A = arith.addi %mul3A_0, %arg0 : i32
    %mul3A_1 = arith.constant 80 : i32
    %mul3A_2 = arith.muli %add3A, %mul3A_1 : i32
    %scan3A = arith.constant 0 : i32
    %scan3A_3 = arith.constant 0 : i32
    %scan3A_4 = arith.constant 80 : i32
    %scan3A_5 = arith.addi %scan3A_3, %scan3A_4 : i32
    %scan3A_6 = arith.constant 1 : i32
    scf.for %scan3A_8 = %scan3A_3 to %scan3A_5 step %scan3A_6  : i32 {
      %add3A_9 = arith.addi %mul3A_2, %scan3A_8 : i32
      %mul3A_10 = arith.constant 128 : i32
      %mul3A_11 = arith.muli %add3A_9, %mul3A_10 : i32
      %multiple_of3A = tpu.assume_multiple %mul3A_11, 8 : i32
      "tpu.region"() ({
        %run_scoped3A = tpu.sem_alloc : memref<!tpu.dma_semaphore, #tpu.memory_space<semaphore_mem>>
        %dma_start3A_16 = tpu.memref_slice %arg3[%multiple_of3A] : memref<327680xi32, #tpu.memory_space<hbm>> -> memref<128xi32, #tpu.memory_space<hbm>>
        %dma_start3A_17 = tpu.memref_slice %arg3[%multiple_of3A] : memref<327680xi32, #tpu.memory_space<hbm>> -> memref<128xi32, #tpu.memory_space<hbm>>
        tpu.enqueue_dma source(%dma_start3A_17 : memref<128xi32, #tpu.memory_space<hbm>>) target(%arg5 : memref<128xi32, #tpu.memory_space<vmem>>) target_semaphore(%run_scoped3A : memref<!tpu.dma_semaphore, #tpu.memory_space<semaphore_mem>>)
        %dma_wait3A_18 = tpu.memref_slice %arg3[%multiple_of3A] : memref<327680xi32, #tpu.memory_space<hbm>> -> memref<128xi32, #tpu.memory_space<hbm>>
        %dma_wait3A_19 = tpu.memref_slice %arg3[%multiple_of3A] : memref<327680xi32, #tpu.memory_space<hbm>> -> memref<128xi32, #tpu.memory_space<hbm>>
        tpu.wait_dma2 semaphore(%run_scoped3A : memref<!tpu.dma_semaphore, #tpu.memory_space<semaphore_mem>>) src(%dma_wait3A_19 : memref<128xi32, #tpu.memory_space<hbm>>) dst(%arg5 : memref<128xi32, #tpu.memory_space<vmem>>)
        tpu.yield
      }) : () -> ()
      %dma_start3A = arith.constant 0 : i32
      %dma_start3A_12 = arith.constant 0 : i32
      %dma_start3A_13 = tpu.memref_slice %arg2[%dma_start3A, %dma_start3A_12] : memref<10240x512xf32, #tpu.memory_space<hbm>> -> memref<10240x512xf32, #tpu.memory_space<hbm>>
      tpu.enqueue_indirect_dma source(%dma_start3A_13 : memref<10240x512xf32, #tpu.memory_space<hbm>>) target(%arg6 : memref<128x512xf32, #tpu.memory_space<vmem>>) offsets(%arg5 : memref<128xi32, #tpu.memory_space<vmem>>) semaphore(%arg7 : memref<!tpu.dma_semaphore, #tpu.memory_space<semaphore_mem>>)
      %dma_wait3A = arith.constant 0 : i32
      %dma_wait3A_14 = arith.constant 0 : i32
      %dma_wait3A_15 = tpu.memref_slice %arg2[%dma_wait3A, %dma_wait3A_14] : memref<10240x512xf32, #tpu.memory_space<hbm>> -> memref<10240x512xf32, #tpu.memory_space<hbm>>
      tpu.wait_indirect_dma semaphore(%arg7 : memref<!tpu.dma_semaphore, #tpu.memory_space<semaphore_mem>>) src(%dma_wait3A_15 : memref<10240x512xf32, #tpu.memory_space<hbm>>) dst(%arg6 : memref<128x512xf32, #tpu.memory_space<vmem>>)
      "tpu.region"() ({
        %run_scoped3A = tpu.sem_alloc : memref<!tpu.dma_semaphore, #tpu.memory_space<semaphore_mem>>
        %dma_start3A_16 = arith.constant 0 : i32
        %dma_start3A_17 = tpu.memref_slice %arg4[%multiple_of3A, %dma_start3A_16] : memref<327680x512xf32, #tpu.memory_space<hbm>> -> memref<128x512xf32, #tpu.memory_space<hbm>>
        %dma_start3A_18 = arith.constant 0 : i32
        %dma_start3A_19 = tpu.memref_slice %arg4[%multiple_of3A, %dma_start3A_18] : memref<327680x512xf32, #tpu.memory_space<hbm>> -> memref<128x512xf32, #tpu.memory_space<hbm>>
        tpu.enqueue_dma source(%arg6 : memref<128x512xf32, #tpu.memory_space<vmem>>) target(%dma_start3A_19 : memref<128x512xf32, #tpu.memory_space<hbm>>) target_semaphore(%run_scoped3A : memref<!tpu.dma_semaphore, #tpu.memory_space<semaphore_mem>>)
        %dma_wait3A_20 = arith.constant 0 : i32
        %dma_wait3A_21 = tpu.memref_slice %arg4[%multiple_of3A, %dma_wait3A_20] : memref<327680x512xf32, #tpu.memory_space<hbm>> -> memref<128x512xf32, #tpu.memory_space<hbm>>
        %dma_wait3A_22 = arith.constant 0 : i32
        %dma_wait3A_23 = tpu.memref_slice %arg4[%multiple_of3A, %dma_wait3A_22] : memref<327680x512xf32, #tpu.memory_space<hbm>> -> memref<128x512xf32, #tpu.memory_space<hbm>>
        tpu.wait_dma2 semaphore(%run_scoped3A : memref<!tpu.dma_semaphore, #tpu.memory_space<semaphore_mem>>) src(%arg6 : memref<128x512xf32, #tpu.memory_space<vmem>>) dst(%dma_wait3A_23 : memref<128x512xf32, #tpu.memory_space<hbm>>)
        tpu.yield
      }) : () -> ()
    }
    %scan3A_7 = arith.constant 80 : i32
    return
  }
}

module attributes {stable_mosaic.version = 14 : i64} {
  func.func @_mlp_body(%arg0: i32, %arg1: memref<256x128xf32, #tpu.memory_space<vmem>>, %arg2: memref<256x128xf32, #tpu.memory_space<vmem>>, %arg3: memref<256x16xf32, #tpu.memory_space<vmem>>, %arg4: memref<128x512xf32, #tpu.memory_space<vmem>>, %arg5: memref<1x512xf32, #tpu.memory_space<vmem>>, %arg6: memref<512x512xf32, #tpu.memory_space<vmem>>, %arg7: memref<1x512xf32, #tpu.memory_space<vmem>>, %arg8: memref<1x512xf32, #tpu.memory_space<vmem>>, %arg9: memref<1x512xf32, #tpu.memory_space<vmem>>, %arg10: memref<256x512xf32, #tpu.memory_space<vmem>>) attributes {dimension_semantics = [#tpu.dimension_semantics<arbitrary>], iteration_bounds = array<i64: 40>, scalar_prefetch = 0 : i64, scratch_operands = 0 : i64, tpu.core_type = #tpu.core_type<tc>, window_params = [{transform_indices = @transform_0, window_bounds = array<i64: 256, 128>}, {transform_indices = @transform_1, window_bounds = array<i64: 256, 128>}, {transform_indices = @transform_2, window_bounds = array<i64: 256, 16>}, {pipeline_mode = #tpu.pipeline_mode<synchronous>, transform_indices = @transform_3, window_bounds = array<i64: 128, 512>}, {pipeline_mode = #tpu.pipeline_mode<synchronous>, transform_indices = @transform_4, window_bounds = array<i64: 1, 512>}, {pipeline_mode = #tpu.pipeline_mode<synchronous>, transform_indices = @transform_5, window_bounds = array<i64: 512, 512>}, {pipeline_mode = #tpu.pipeline_mode<synchronous>, transform_indices = @transform_6, window_bounds = array<i64: 1, 512>}, {pipeline_mode = #tpu.pipeline_mode<synchronous>, transform_indices = @transform_7, window_bounds = array<i64: 1, 512>}, {pipeline_mode = #tpu.pipeline_mode<synchronous>, transform_indices = @transform_8, window_bounds = array<i64: 1, 512>}, {transform_indices = @transform_9, window_bounds = array<i64: 256, 512>}]} {
    %get3A = arith.constant 0 : index
    %get3A_0 = arith.constant 0 : index
    %get3A_1 = vector.load %arg1[%get3A, %get3A_0] : memref<256x128xf32, #tpu.memory_space<vmem>>, vector<256x128xf32>
    %get3A_2 = arith.constant 0 : index
    %get3A_3 = arith.constant 0 : index
    %get3A_4 = vector.load %arg2[%get3A_2, %get3A_3] : memref<256x128xf32, #tpu.memory_space<vmem>>, vector<256x128xf32>
    %get3A_5 = arith.constant 0 : index
    %get3A_6 = arith.constant 0 : index
    %get3A_7 = vector.load %arg3[%get3A_5, %get3A_6] : memref<256x16xf32, #tpu.memory_space<vmem>>, vector<256x1xf32>
    %mul3A = vector.broadcast %get3A_7 : vector<256x1xf32> to vector<256x128xf32>
    %mul3A_8 = arith.mulf %get3A_4, %mul3A : vector<256x128xf32>
    %add3A = arith.addf %get3A_1, %mul3A_8 : vector<256x128xf32>
    %get3A_9 = arith.constant 0 : index
    %get3A_10 = arith.constant 0 : index
    %get3A_11 = vector.load %arg4[%get3A_9, %get3A_10] : memref<128x512xf32, #tpu.memory_space<vmem>>, vector<128x512xf32>
    %dot_general3A = arith.constant dense<0.000000e+00> : vector<256x512xf32>
    %dot_general3A_12 = tpu.matmul %add3A, %get3A_11, %dot_general3A {dimension_numbers = #tpu.dot_dimension_numbers<[1], [0], [0], [1], [0, 0, 1, 1], [], []>, precision = #tpu.contract_precision<fp32>, transpose_lhs_hint = false} : vector<256x128xf32>, vector<128x512xf32>, vector<256x512xf32> -> vector<256x512xf32>
    %get3A_13 = arith.constant 0 : index
    %get3A_14 = arith.constant 0 : index
    %get3A_15 = vector.load %arg5[%get3A_13, %get3A_14] : memref<1x512xf32, #tpu.memory_space<vmem>>, vector<1x512xf32>
    %get3A_16 = vector.shape_cast %get3A_15 : vector<1x512xf32> to vector<512xf32>
    %broadcast_in_dim3A = vector.shape_cast %get3A_16 : vector<512xf32> to vector<1x512xf32>
    %add3A_17 = vector.broadcast %broadcast_in_dim3A : vector<1x512xf32> to vector<256x512xf32>
    %add3A_18 = arith.addf %dot_general3A_12, %add3A_17 : vector<256x512xf32>
    %max3A = arith.constant 0.000000e+00 : f32
    %max3A_19 = vector.broadcast %max3A : f32 to vector<256x512xf32>
    %max3A_20 = arith.maximumf %add3A_18, %max3A_19 : vector<256x512xf32>
    %get3A_21 = arith.constant 0 : index
    %get3A_22 = arith.constant 0 : index
    %get3A_23 = vector.load %arg6[%get3A_21, %get3A_22] : memref<512x512xf32, #tpu.memory_space<vmem>>, vector<512x512xf32>
    %dot_general3A_24 = arith.constant dense<0.000000e+00> : vector<256x512xf32>
    %dot_general3A_25 = tpu.matmul %max3A_20, %get3A_23, %dot_general3A_24 {dimension_numbers = #tpu.dot_dimension_numbers<[1], [0], [0], [1], [0, 0, 1, 1], [], []>, precision = #tpu.contract_precision<fp32>, transpose_lhs_hint = false} : vector<256x512xf32>, vector<512x512xf32>, vector<256x512xf32> -> vector<256x512xf32>
    %get3A_26 = arith.constant 0 : index
    %get3A_27 = arith.constant 0 : index
    %get3A_28 = vector.load %arg7[%get3A_26, %get3A_27] : memref<1x512xf32, #tpu.memory_space<vmem>>, vector<1x512xf32>
    %get3A_29 = vector.shape_cast %get3A_28 : vector<1x512xf32> to vector<512xf32>
    %broadcast_in_dim3A_30 = vector.shape_cast %get3A_29 : vector<512xf32> to vector<1x512xf32>
    %add3A_31 = vector.broadcast %broadcast_in_dim3A_30 : vector<1x512xf32> to vector<256x512xf32>
    %add3A_32 = arith.addf %dot_general3A_25, %add3A_31 : vector<256x512xf32>
    %max3A_33 = arith.constant 0.000000e+00 : f32
    %max3A_34 = vector.broadcast %max3A_33 : f32 to vector<256x512xf32>
    %max3A_35 = arith.maximumf %add3A_32, %max3A_34 : vector<256x512xf32>
    %get3A_36 = arith.constant 0 : index
    %get3A_37 = arith.constant 0 : index
    %get3A_38 = vector.load %arg8[%get3A_36, %get3A_37] : memref<1x512xf32, #tpu.memory_space<vmem>>, vector<1x512xf32>
    %get3A_39 = vector.shape_cast %get3A_38 : vector<1x512xf32> to vector<512xf32>
    %broadcast_in_dim3A_40 = vector.shape_cast %get3A_39 : vector<512xf32> to vector<1x512xf32>
    %mul3A_41 = vector.broadcast %broadcast_in_dim3A_40 : vector<1x512xf32> to vector<256x512xf32>
    %mul3A_42 = arith.mulf %max3A_35, %mul3A_41 : vector<256x512xf32>
    %get3A_43 = arith.constant 0 : index
    %get3A_44 = arith.constant 0 : index
    %get3A_45 = vector.load %arg9[%get3A_43, %get3A_44] : memref<1x512xf32, #tpu.memory_space<vmem>>, vector<1x512xf32>
    %get3A_46 = vector.shape_cast %get3A_45 : vector<1x512xf32> to vector<512xf32>
    %broadcast_in_dim3A_47 = vector.shape_cast %get3A_46 : vector<512xf32> to vector<1x512xf32>
    %add3A_48 = vector.broadcast %broadcast_in_dim3A_47 : vector<1x512xf32> to vector<256x512xf32>
    %add3A_49 = arith.addf %mul3A_42, %add3A_48 : vector<256x512xf32>
    %swap3A = arith.constant 0 : index
    %swap3A_50 = arith.constant 0 : index
    %swap3A_51 = vector.load %arg10[%swap3A, %swap3A_50] : memref<256x512xf32, #tpu.memory_space<vmem>>, vector<256x512xf32>
    tpu.vector_store %arg10[%swap3A, %swap3A_50], %add3A_49 {strides = array<i32>} : memref<256x512xf32, #tpu.memory_space<vmem>>, vector<256x512xf32>,
    return
  }
  func.func @transform_0(%arg0: i32) -> (i32, i32) {
    %c0_i32 = arith.constant 0 : i32
    %c0_i32_0 = arith.constant 0 : i32
    return %arg0, %c0_i32 : i32, i32
  }
  func.func @transform_1(%arg0: i32) -> (i32, i32) {
    %c0_i32 = arith.constant 0 : i32
    %c0_i32_0 = arith.constant 0 : i32
    return %arg0, %c0_i32 : i32, i32
  }
  func.func @transform_2(%arg0: i32) -> (i32, i32) {
    %c0_i32 = arith.constant 0 : i32
    %c0_i32_0 = arith.constant 0 : i32
    return %arg0, %c0_i32 : i32, i32
  }
  func.func @transform_3(%arg0: i32) -> (i32, i32) {
    %c0_i32 = arith.constant 0 : i32
    %c0_i32_0 = arith.constant 0 : i32
    %c0_i32_1 = arith.constant 0 : i32
    return %c0_i32, %c0_i32_0 : i32, i32
  }
  func.func @transform_4(%arg0: i32) -> (i32, i32) {
    %c0_i32 = arith.constant 0 : i32
    %c0_i32_0 = arith.constant 0 : i32
    %c0_i32_1 = arith.constant 0 : i32
    return %c0_i32, %c0_i32_0 : i32, i32
  }
  func.func @transform_5(%arg0: i32) -> (i32, i32) {
    %c0_i32 = arith.constant 0 : i32
    %c0_i32_0 = arith.constant 0 : i32
    %c0_i32_1 = arith.constant 0 : i32
    return %c0_i32, %c0_i32_0 : i32, i32
  }
  func.func @transform_6(%arg0: i32) -> (i32, i32) {
    %c0_i32 = arith.constant 0 : i32
    %c0_i32_0 = arith.constant 0 : i32
    %c0_i32_1 = arith.constant 0 : i32
    return %c0_i32, %c0_i32_0 : i32, i32
  }
  func.func @transform_7(%arg0: i32) -> (i32, i32) {
    %c0_i32 = arith.constant 0 : i32
    %c0_i32_0 = arith.constant 0 : i32
    %c0_i32_1 = arith.constant 0 : i32
    return %c0_i32, %c0_i32_0 : i32, i32
  }
  func.func @transform_8(%arg0: i32) -> (i32, i32) {
    %c0_i32 = arith.constant 0 : i32
    %c0_i32_0 = arith.constant 0 : i32
    %c0_i32_1 = arith.constant 0 : i32
    return %c0_i32, %c0_i32_0 : i32, i32
  }
  func.func @transform_9(%arg0: i32) -> (i32, i32) {
    %c0_i32 = arith.constant 0 : i32
    %c0_i32_0 = arith.constant 0 : i32
    return %arg0, %c0_i32 : i32, i32
  }
}

module attributes {stable_mosaic.version = 14 : i64} {
  func.func @_mlp_body(%arg0: i32, %arg1: memref<256x512xf32, #tpu.memory_space<vmem>>, %arg2: memref<256x512xf32, #tpu.memory_space<vmem>>, %arg3: memref<256x16xf32, #tpu.memory_space<vmem>>, %arg4: memref<512x512xf32, #tpu.memory_space<vmem>>, %arg5: memref<1x512xf32, #tpu.memory_space<vmem>>, %arg6: memref<512x512xf32, #tpu.memory_space<vmem>>, %arg7: memref<1x512xf32, #tpu.memory_space<vmem>>, %arg8: memref<1x512xf32, #tpu.memory_space<vmem>>, %arg9: memref<1x512xf32, #tpu.memory_space<vmem>>, %arg10: memref<256x512xf32, #tpu.memory_space<vmem>>) attributes {dimension_semantics = [#tpu.dimension_semantics<arbitrary>], iteration_bounds = array<i64: 40>, scalar_prefetch = 0 : i64, scratch_operands = 0 : i64, tpu.core_type = #tpu.core_type<tc>, window_params = [{transform_indices = @transform_0, window_bounds = array<i64: 256, 512>}, {transform_indices = @transform_1, window_bounds = array<i64: 256, 512>}, {transform_indices = @transform_2, window_bounds = array<i64: 256, 16>}, {pipeline_mode = #tpu.pipeline_mode<synchronous>, transform_indices = @transform_3, window_bounds = array<i64: 512, 512>}, {pipeline_mode = #tpu.pipeline_mode<synchronous>, transform_indices = @transform_4, window_bounds = array<i64: 1, 512>}, {pipeline_mode = #tpu.pipeline_mode<synchronous>, transform_indices = @transform_5, window_bounds = array<i64: 512, 512>}, {pipeline_mode = #tpu.pipeline_mode<synchronous>, transform_indices = @transform_6, window_bounds = array<i64: 1, 512>}, {pipeline_mode = #tpu.pipeline_mode<synchronous>, transform_indices = @transform_7, window_bounds = array<i64: 1, 512>}, {pipeline_mode = #tpu.pipeline_mode<synchronous>, transform_indices = @transform_8, window_bounds = array<i64: 1, 512>}, {transform_indices = @transform_9, window_bounds = array<i64: 256, 512>}]} {
    %get3A = arith.constant 0 : index
    %get3A_0 = arith.constant 0 : index
    %get3A_1 = vector.load %arg1[%get3A, %get3A_0] : memref<256x512xf32, #tpu.memory_space<vmem>>, vector<256x512xf32>
    %get3A_2 = arith.constant 0 : index
    %get3A_3 = arith.constant 0 : index
    %get3A_4 = vector.load %arg2[%get3A_2, %get3A_3] : memref<256x512xf32, #tpu.memory_space<vmem>>, vector<256x512xf32>
    %get3A_5 = arith.constant 0 : index
    %get3A_6 = arith.constant 0 : index
    %get3A_7 = vector.load %arg3[%get3A_5, %get3A_6] : memref<256x16xf32, #tpu.memory_space<vmem>>, vector<256x1xf32>
    %mul3A = vector.broadcast %get3A_7 : vector<256x1xf32> to vector<256x512xf32>
    %mul3A_8 = arith.mulf %get3A_4, %mul3A : vector<256x512xf32>
    %add3A = arith.addf %get3A_1, %mul3A_8 : vector<256x512xf32>
    %get3A_9 = arith.constant 0 : index
    %get3A_10 = arith.constant 0 : index
    %get3A_11 = vector.load %arg4[%get3A_9, %get3A_10] : memref<512x512xf32, #tpu.memory_space<vmem>>, vector<512x512xf32>
    %dot_general3A = arith.constant dense<0.000000e+00> : vector<256x512xf32>
    %dot_general3A_12 = tpu.matmul %add3A, %get3A_11, %dot_general3A {dimension_numbers = #tpu.dot_dimension_numbers<[1], [0], [0], [1], [0, 0, 1, 1], [], []>, precision = #tpu.contract_precision<fp32>, transpose_lhs_hint = false} : vector<256x512xf32>, vector<512x512xf32>, vector<256x512xf32> -> vector<256x512xf32>
    %get3A_13 = arith.constant 0 : index
    %get3A_14 = arith.constant 0 : index
    %get3A_15 = vector.load %arg5[%get3A_13, %get3A_14] : memref<1x512xf32, #tpu.memory_space<vmem>>, vector<1x512xf32>
    %get3A_16 = vector.shape_cast %get3A_15 : vector<1x512xf32> to vector<512xf32>
    %broadcast_in_dim3A = vector.shape_cast %get3A_16 : vector<512xf32> to vector<1x512xf32>
    %add3A_17 = vector.broadcast %broadcast_in_dim3A : vector<1x512xf32> to vector<256x512xf32>
    %add3A_18 = arith.addf %dot_general3A_12, %add3A_17 : vector<256x512xf32>
    %max3A = arith.constant 0.000000e+00 : f32
    %max3A_19 = vector.broadcast %max3A : f32 to vector<256x512xf32>
    %max3A_20 = arith.maximumf %add3A_18, %max3A_19 : vector<256x512xf32>
    %get3A_21 = arith.constant 0 : index
    %get3A_22 = arith.constant 0 : index
    %get3A_23 = vector.load %arg6[%get3A_21, %get3A_22] : memref<512x512xf32, #tpu.memory_space<vmem>>, vector<512x512xf32>
    %dot_general3A_24 = arith.constant dense<0.000000e+00> : vector<256x512xf32>
    %dot_general3A_25 = tpu.matmul %max3A_20, %get3A_23, %dot_general3A_24 {dimension_numbers = #tpu.dot_dimension_numbers<[1], [0], [0], [1], [0, 0, 1, 1], [], []>, precision = #tpu.contract_precision<fp32>, transpose_lhs_hint = false} : vector<256x512xf32>, vector<512x512xf32>, vector<256x512xf32> -> vector<256x512xf32>
    %get3A_26 = arith.constant 0 : index
    %get3A_27 = arith.constant 0 : index
    %get3A_28 = vector.load %arg7[%get3A_26, %get3A_27] : memref<1x512xf32, #tpu.memory_space<vmem>>, vector<1x512xf32>
    %get3A_29 = vector.shape_cast %get3A_28 : vector<1x512xf32> to vector<512xf32>
    %broadcast_in_dim3A_30 = vector.shape_cast %get3A_29 : vector<512xf32> to vector<1x512xf32>
    %add3A_31 = vector.broadcast %broadcast_in_dim3A_30 : vector<1x512xf32> to vector<256x512xf32>
    %add3A_32 = arith.addf %dot_general3A_25, %add3A_31 : vector<256x512xf32>
    %max3A_33 = arith.constant 0.000000e+00 : f32
    %max3A_34 = vector.broadcast %max3A_33 : f32 to vector<256x512xf32>
    %max3A_35 = arith.maximumf %add3A_32, %max3A_34 : vector<256x512xf32>
    %get3A_36 = arith.constant 0 : index
    %get3A_37 = arith.constant 0 : index
    %get3A_38 = vector.load %arg8[%get3A_36, %get3A_37] : memref<1x512xf32, #tpu.memory_space<vmem>>, vector<1x512xf32>
    %get3A_39 = vector.shape_cast %get3A_38 : vector<1x512xf32> to vector<512xf32>
    %broadcast_in_dim3A_40 = vector.shape_cast %get3A_39 : vector<512xf32> to vector<1x512xf32>
    %mul3A_41 = vector.broadcast %broadcast_in_dim3A_40 : vector<1x512xf32> to vector<256x512xf32>
    %mul3A_42 = arith.mulf %max3A_35, %mul3A_41 : vector<256x512xf32>
    %get3A_43 = arith.constant 0 : index
    %get3A_44 = arith.constant 0 : index
    %get3A_45 = vector.load %arg9[%get3A_43, %get3A_44] : memref<1x512xf32, #tpu.memory_space<vmem>>, vector<1x512xf32>
    %get3A_46 = vector.shape_cast %get3A_45 : vector<1x512xf32> to vector<512xf32>
    %broadcast_in_dim3A_47 = vector.shape_cast %get3A_46 : vector<512xf32> to vector<1x512xf32>
    %add3A_48 = vector.broadcast %broadcast_in_dim3A_47 : vector<1x512xf32> to vector<256x512xf32>
    %add3A_49 = arith.addf %mul3A_42, %add3A_48 : vector<256x512xf32>
    %swap3A = arith.constant 0 : index
    %swap3A_50 = arith.constant 0 : index
    %swap3A_51 = vector.load %arg10[%swap3A, %swap3A_50] : memref<256x512xf32, #tpu.memory_space<vmem>>, vector<256x512xf32>
    tpu.vector_store %arg10[%swap3A, %swap3A_50], %add3A_49 {strides = array<i32>} : memref<256x512xf32, #tpu.memory_space<vmem>>, vector<256x512xf32>,
    return
  }
  func.func @transform_0(%arg0: i32) -> (i32, i32) {
    %c0_i32 = arith.constant 0 : i32
    %c0_i32_0 = arith.constant 0 : i32
    return %arg0, %c0_i32 : i32, i32
  }
  func.func @transform_1(%arg0: i32) -> (i32, i32) {
    %c0_i32 = arith.constant 0 : i32
    %c0_i32_0 = arith.constant 0 : i32
    return %arg0, %c0_i32 : i32, i32
  }
  func.func @transform_2(%arg0: i32) -> (i32, i32) {
    %c0_i32 = arith.constant 0 : i32
    %c0_i32_0 = arith.constant 0 : i32
    return %arg0, %c0_i32 : i32, i32
  }
  func.func @transform_3(%arg0: i32) -> (i32, i32) {
    %c0_i32 = arith.constant 0 : i32
    %c0_i32_0 = arith.constant 0 : i32
    %c0_i32_1 = arith.constant 0 : i32
    return %c0_i32, %c0_i32_0 : i32, i32
  }
  func.func @transform_4(%arg0: i32) -> (i32, i32) {
    %c0_i32 = arith.constant 0 : i32
    %c0_i32_0 = arith.constant 0 : i32
    %c0_i32_1 = arith.constant 0 : i32
    return %c0_i32, %c0_i32_0 : i32, i32
  }
  func.func @transform_5(%arg0: i32) -> (i32, i32) {
    %c0_i32 = arith.constant 0 : i32
    %c0_i32_0 = arith.constant 0 : i32
    %c0_i32_1 = arith.constant 0 : i32
    return %c0_i32, %c0_i32_0 : i32, i32
  }
  func.func @transform_6(%arg0: i32) -> (i32, i32) {
    %c0_i32 = arith.constant 0 : i32
    %c0_i32_0 = arith.constant 0 : i32
    %c0_i32_1 = arith.constant 0 : i32
    return %c0_i32, %c0_i32_0 : i32, i32
  }
  func.func @transform_7(%arg0: i32) -> (i32, i32) {
    %c0_i32 = arith.constant 0 : i32
    %c0_i32_0 = arith.constant 0 : i32
    %c0_i32_1 = arith.constant 0 : i32
    return %c0_i32, %c0_i32_0 : i32, i32
  }
  func.func @transform_8(%arg0: i32) -> (i32, i32) {
    %c0_i32 = arith.constant 0 : i32
    %c0_i32_0 = arith.constant 0 : i32
    %c0_i32_1 = arith.constant 0 : i32
    return %c0_i32, %c0_i32_0 : i32, i32
  }
  func.func @transform_9(%arg0: i32) -> (i32, i32) {
    %c0_i32 = arith.constant 0 : i32
    %c0_i32_0 = arith.constant 0 : i32
    return %arg0, %c0_i32 : i32, i32
  }
}

module attributes {stable_mosaic.version = 14 : i64} {
  func.func @_pool_body(%arg0: i32, %arg1: memref<256x512xf32, #tpu.memory_space<vmem>>, %arg2: memref<1x1x256xi32, #tpu.memory_space<vmem>>, %arg3: memref<512x512xf32, #tpu.memory_space<vmem>>, %arg4: memref<1x512xf32, #tpu.memory_space<vmem>>, %arg5: memref<512x1xf32, #tpu.memory_space<vmem>>, %arg6: memref<1x1xf32, #tpu.memory_space<vmem>>, %arg7: memref<64x1xf32, #tpu.memory_space<vmem>>, %arg8: memref<64x512xf32, #tpu.memory_space<vmem>>) attributes {dimension_semantics = [#tpu.dimension_semantics<arbitrary>], iteration_bounds = array<i64: 40>, scalar_prefetch = 0 : i64, scratch_operands = 1 : i64, tpu.core_type = #tpu.core_type<tc>, window_params = [{transform_indices = @transform_0, window_bounds = array<i64: 256, 512>}, {transform_indices = @transform_1, window_bounds = array<i64: 1, 1, 256>}, {pipeline_mode = #tpu.pipeline_mode<synchronous>, transform_indices = @transform_2, window_bounds = array<i64: 512, 512>}, {pipeline_mode = #tpu.pipeline_mode<synchronous>, transform_indices = @transform_3, window_bounds = array<i64: 1, 512>}, {pipeline_mode = #tpu.pipeline_mode<synchronous>, transform_indices = @transform_4, window_bounds = array<i64: 512, 1>}, {pipeline_mode = #tpu.pipeline_mode<synchronous>, transform_indices = @transform_5, window_bounds = array<i64: 1, 1>}, {pipeline_mode = #tpu.pipeline_mode<synchronous>, transform_indices = @transform_6, window_bounds = array<i64: 64, 1>}]} {
    %eq3A = arith.constant 0 : i32
    %eq3A_0 = arith.cmpi eq, %arg0, %eq3A : i32
    %convert_element_type3A = arith.extui %eq3A_0 : i1 to i32
    %cond3A = arith.constant 0 : i32
    %cond3A_1 = arith.cmpi ne, %convert_element_type3A, %cond3A : i32
    scf.if %cond3A_1 {
      %broadcast_in_dim3A = arith.constant 0.000000e+00 : f32
      %broadcast_in_dim3A_24 = vector.broadcast %broadcast_in_dim3A : f32 to vector<64x512xf32>
      %swap3A_25 = arith.constant 0 : index
      %swap3A_26 = arith.constant 0 : index
      %swap3A_27 = vector.load %arg8[%swap3A_25, %swap3A_26] : memref<64x512xf32, #tpu.memory_space<vmem>>, vector<64x512xf32>
      tpu.vector_store %arg8[%swap3A_25, %swap3A_26], %broadcast_in_dim3A_24 {strides = array<i32>} : memref<64x512xf32, #tpu.memory_space<vmem>>, vector<64x512xf32>,
    } else {
    }
    %iota3A = tpu.iota {dimensions = array<i32: 0>} : vector<64x256xi32>
    %get3A = arith.constant 0 : index
    %get3A_2 = arith.constant 0 : index
    %get3A_3 = arith.constant 0 : index
    %get3A_4 = vector.load %arg2[%get3A, %get3A_2, %get3A_3] : memref<1x1x256xi32, #tpu.memory_space<vmem>>, vector<1x1x256xi32>
    %get3A_5 = vector.shape_cast %get3A_4 : vector<1x1x256xi32> to vector<1x256xi32>
    %eq3A_6 = vector.broadcast %get3A_5 : vector<1x256xi32> to vector<64x256xi32>
    %eq3A_7 = arith.cmpi eq, %eq3A_6, %iota3A : vector<64x256xi32>
    %convert_element_type3A_8 = arith.extui %eq3A_7 : vector<64x256xi1> to vector<64x256xi32>
    %convert_element_type3A_9 = arith.sitofp %convert_element_type3A_8 : vector<64x256xi32> to vector<64x256xf32>
    %get3A_10 = arith.constant 0 : index
    %get3A_11 = arith.constant 0 : index
    %get3A_12 = vector.load %arg8[%get3A_10, %get3A_11] : memref<64x512xf32, #tpu.memory_space<vmem>>, vector<64x512xf32>
    %get3A_13 = arith.constant 0 : index
    %get3A_14 = arith.constant 0 : index
    %get3A_15 = vector.load %arg1[%get3A_13, %get3A_14] : memref<256x512xf32, #tpu.memory_space<vmem>>, vector<256x512xf32>
    %dot_general3A = arith.constant dense<0.000000e+00> : vector<64x512xf32>
    %dot_general3A_16 = tpu.matmul %convert_element_type3A_9, %get3A_15, %dot_general3A {dimension_numbers = #tpu.dot_dimension_numbers<[1], [0], [0], [1], [0, 0, 1, 1], [], []>, precision = #tpu.contract_precision<fp32>, transpose_lhs_hint = false} : vector<64x256xf32>, vector<256x512xf32>, vector<64x512xf32> -> vector<64x512xf32>
    %add3A = arith.addf %get3A_12, %dot_general3A_16 : vector<64x512xf32>
    %swap3A = arith.constant 0 : index
    %swap3A_17 = arith.constant 0 : index
    %swap3A_18 = vector.load %arg8[%swap3A, %swap3A_17] : memref<64x512xf32, #tpu.memory_space<vmem>>, vector<64x512xf32>
    tpu.vector_store %arg8[%swap3A, %swap3A_17], %add3A {strides = array<i32>} : memref<64x512xf32, #tpu.memory_space<vmem>>, vector<64x512xf32>,
    %eq3A_19 = arith.constant 39 : i32
    %eq3A_20 = arith.cmpi eq, %arg0, %eq3A_19 : i32
    %convert_element_type3A_21 = arith.extui %eq3A_20 : i1 to i32
    %cond3A_22 = arith.constant 0 : i32
    %cond3A_23 = arith.cmpi ne, %convert_element_type3A_21, %cond3A_22 : i32
    scf.if %cond3A_23 {
      %get3A_24 = arith.constant 0 : index
      %get3A_25 = arith.constant 0 : index
      %get3A_26 = vector.load %arg8[%get3A_24, %get3A_25] : memref<64x512xf32, #tpu.memory_space<vmem>>, vector<64x512xf32>
      %get3A_27 = arith.constant 0 : index
      %get3A_28 = arith.constant 0 : index
      %get3A_29 = vector.load %arg3[%get3A_27, %get3A_28] : memref<512x512xf32, #tpu.memory_space<vmem>>, vector<512x512xf32>
      %dot_general3A_30 = arith.constant dense<0.000000e+00> : vector<64x512xf32>
      %dot_general3A_31 = tpu.matmul %get3A_26, %get3A_29, %dot_general3A_30 {dimension_numbers = #tpu.dot_dimension_numbers<[1], [0], [0], [1], [0, 0, 1, 1], [], []>, precision = #tpu.contract_precision<fp32>, transpose_lhs_hint = false} : vector<64x512xf32>, vector<512x512xf32>, vector<64x512xf32> -> vector<64x512xf32>
      %get3A_32 = arith.constant 0 : index
      %get3A_33 = arith.constant 0 : index
      %get3A_34 = vector.load %arg4[%get3A_32, %get3A_33] : memref<1x512xf32, #tpu.memory_space<vmem>>, vector<1x512xf32>
      %get3A_35 = vector.shape_cast %get3A_34 : vector<1x512xf32> to vector<512xf32>
      %broadcast_in_dim3A = vector.shape_cast %get3A_35 : vector<512xf32> to vector<1x512xf32>
      %add3A_36 = vector.broadcast %broadcast_in_dim3A : vector<1x512xf32> to vector<64x512xf32>
      %add3A_37 = arith.addf %dot_general3A_31, %add3A_36 : vector<64x512xf32>
      %max3A = arith.constant 0.000000e+00 : f32
      %max3A_38 = vector.broadcast %max3A : f32 to vector<64x512xf32>
      %max3A_39 = arith.maximumf %add3A_37, %max3A_38 : vector<64x512xf32>
      %get3A_40 = arith.constant 0 : index
      %get3A_41 = arith.constant 0 : index
      %get3A_42 = vector.load %arg5[%get3A_40, %get3A_41] : memref<512x1xf32, #tpu.memory_space<vmem>>, vector<512x1xf32>
      %dot_general3A_43 = arith.constant dense<0.000000e+00> : vector<64x1xf32>
      %dot_general3A_44 = tpu.matmul %max3A_39, %get3A_42, %dot_general3A_43 {dimension_numbers = #tpu.dot_dimension_numbers<[1], [0], [0], [1], [0, 0, 1, 1], [], []>, precision = #tpu.contract_precision<fp32>, transpose_lhs_hint = false} : vector<64x512xf32>, vector<512x1xf32>, vector<64x1xf32> -> vector<64x1xf32>
      %get3A_45 = arith.constant 0 : index
      %get3A_46 = arith.constant 0 : index
      %get3A_47 = vector.load %arg6[%get3A_45, %get3A_46] : memref<1x1xf32, #tpu.memory_space<vmem>>, vector<1x1xf32>
      %get3A_48 = vector.shape_cast %get3A_47 : vector<1x1xf32> to vector<1xf32>
      %broadcast_in_dim3A_49 = vector.shape_cast %get3A_48 : vector<1xf32> to vector<1x1xf32>
      %add3A_50 = vector.broadcast %broadcast_in_dim3A_49 : vector<1x1xf32> to vector<64x1xf32>
      %add3A_51 = arith.addf %dot_general3A_44, %add3A_50 : vector<64x1xf32>
      %swap3A_52 = arith.constant 0 : index
      %swap3A_53 = arith.constant 0 : index
      %swap3A_54 = vector.load %arg7[%swap3A_52, %swap3A_53] : memref<64x1xf32, #tpu.memory_space<vmem>>, vector<64x1xf32>
      tpu.vector_store %arg7[%swap3A_52, %swap3A_53], %add3A_51 {strides = array<i32>} : memref<64x1xf32, #tpu.memory_space<vmem>>, vector<64x1xf32>,
    } else {
    }
    return
  }
  func.func @transform_0(%arg0: i32) -> (i32, i32) {
    %c0_i32 = arith.constant 0 : i32
    %c0_i32_0 = arith.constant 0 : i32
    return %arg0, %c0_i32 : i32, i32
  }
  func.func @transform_1(%arg0: i32) -> (i32, i32, i32) {
    %c0_i32 = arith.constant 0 : i32
    %c0_i32_0 = arith.constant 0 : i32
    %c0_i32_1 = arith.constant 0 : i32
    return %arg0, %c0_i32, %c0_i32_0 : i32, i32, i32
  }
  func.func @transform_2(%arg0: i32) -> (i32, i32) {
    %c0_i32 = arith.constant 0 : i32
    %c0_i32_0 = arith.constant 0 : i32
    %c0_i32_1 = arith.constant 0 : i32
    return %c0_i32, %c0_i32_0 : i32, i32
  }
  func.func @transform_3(%arg0: i32) -> (i32, i32) {
    %c0_i32 = arith.constant 0 : i32
    %c0_i32_0 = arith.constant 0 : i32
    %c0_i32_1 = arith.constant 0 : i32
    return %c0_i32, %c0_i32_0 : i32, i32
  }
  func.func @transform_4(%arg0: i32) -> (i32, i32) {
    %c0_i32 = arith.constant 0 : i32
    %c0_i32_0 = arith.constant 0 : i32
    %c0_i32_1 = arith.constant 0 : i32
    return %c0_i32, %c0_i32_0 : i32, i32
  }
  func.func @transform_5(%arg0: i32) -> (i32, i32) {
    %c0_i32 = arith.constant 0 : i32
    %c0_i32_0 = arith.constant 0 : i32
    %c0_i32_1 = arith.constant 0 : i32
    return %c0_i32, %c0_i32_0 : i32, i32
  }
  func.func @transform_6(%arg0: i32) -> (i32, i32) {
    %c0_i32 = arith.constant 0 : i32
    %c0_i32_0 = arith.constant 0 : i32
    %c0_i32_1 = arith.constant 0 : i32
    return %c0_i32, %c0_i32_0 : i32, i32
  }
}

</mosaic_0001>

<sc_bundles>
// kernel: kernel.12.cloned.1.call-start
scs
__scs_entry_jumppad:
0x0: {  	(pc) =	sbr.rel $0x88, $3  }
0x1: {  	(tag) =	ssettag $0x0;
	lr =	simm.s32 $0x1  }
0x2: {  	[smem:$0x3F88] =	sst lr;
	_ =	strace $0xD0000000  }
0x3: {  	_ = 	snop  }
0x4: {  	_ = 	snop  }
0x5: {  	_ = 	snop  }
0x6: {  	_ = 	snop  }
0x7: {  	_ = 	snop  }
__scs_overlays_trampoline_lowered:
0x8: {  	[smem:$0x3F97] =	sst s0  }
0x9: {  	[smem:$0x3F98] =	sst s1  }
0xa: {  	[smem:$0x3F99] =	sst s2  }
0xb: {  	[smem:$0x3F9A] =	sst s3  }
0xc: {  	[smem:$0x3F9B] =	sst s4  }
0xd: {  	[smem:$0x3F9C] =	sst s5  }
0xe: {  	[smem:$0x3F9D] =	sst s6  }
0xf: {  	[smem:$0x3F9E] =	sst s7  }
0x10: {  	[smem:$0x3F9F] =	sst s8  }
0x11: {  	[smem:$0x3FA0] =	sst s9;
	s0 =	simm.s32 @!p0 $0x0  }
0x12: {  	s1 =	sld [smem:$0x3F86];
	s0 =	simm.s32 @p0 $0x1  }
0x13: {  	[smem:$0x3FA1] =	sst s0;
	s0 =	simm.s32 @!p1 $0x0  }
0x14: {  	s2 =	sld [smem:$0x3F85];
	s0 =	simm.s32 @p1 $0x1  }
0x15: {  	[smem:$0x3FA2] =	sst s0;
	s0 =	simm.s32 @!p2 $0x0  }
0x16: {  	s3 =	sld [smem:$0x3FDB];
	s0 =	simm.s32 @p2 $0x1  }
0x17: {  	s4 =	simm.s32 $0x1BF5;
	[smem:$0x3FA4] =	sst s0  }
0x18: {  	s0 =	sld [smem:$0x3F87];
	_ =	swait.ge [sflag:s4], $0x0  }
0x19: {  	s7 =	sld [smem:$0x3F88]  }
0x1a: {  	s8 =	sadd.s32 $0xFFFFE003, lr  }
0x1b: {  	s9 =	sadd.s32 $0xFFFFFEF7, lr;
	s5 =	simm.s32 $0xFFFFFFFF;
	p2 =	slt.u32 s8, $0xFFFFF086  }
0x1c: {  	p1 =	slt.u32 s9, $0xF7A;
	s5 =	simm.s32 @!p2 $0x0  }
0x1d: {  	s5 =	simm.s32 @p1 $0x1;
	p0 =	seq.s32 s7, s2  }
0x1e: {  	s7 =	smul.u32 @!p0 $0xF7A, s2;
	p2 =	seq.s32 @!p0 s5, $0x0  }
0x1f: {  	s9 =	smul.u32 $0xF7A, s1;
	s8 =	simm.s32 @!p0 $0x1BF5;
	p2 =	por !p2, p0  }
0x20: {  	[sflag:s8] =	ssyncset.s32 @!p0 $0xFFFFF086;
	s6 =	sadd.s32 @!p0 s3, s7;
	s7 =	simm.s32 @!p0 $0x108  }
0x21: {  	s3 =	sadd.s32 s3, s9;
	s6 =	sadd.s32 @!p0 $0x88, s6;
	s7 =	simm.s32 @p2 $0x1082  }
0x22: {  	[simem:s7], [sflag:s8] =	dma.local @!p0 [hbm:s6], $0xF7A  }
0x23: {  	s9 =	sor.u32 $0xD0000000, s2;
	s6 =	simm.s32 $0x108;
	_ =	swait.ge @!p0 [sflag:s8], $0x0  }
0x24: {  	s3 =	sadd.s32 $0x88, s3;
	s6 =	simm.s32 @!p1 $0x1082;
	[sflag:s4] =	ssyncset.s32 $0xFFFFF086  }
0x25: {  	[simem:s6], [sflag:s4] =	dma.local [hbm:s3], $0xF7A  }
0x26: {  	[smem:$0x3F88] =	sst s1;
	(tag) =	ssettag s2;
	_ =	strace s9  }
0x27: {  	s1 =	sld [smem:$0x3F98]  }
0x28: {  	s2 =	sld [smem:$0x3F99]  }
0x29: {  	s4 =	sld [smem:$0x3F9B]  }
0x2a: {  	p0 =	seq.s32 s5, $0x0;
	s5 =	sld [smem:$0x3F9C]  }
0x2b: {  	s6 =	sld [smem:$0x3F9D]  }
0x2c: {  	s7 =	sld [smem:$0x3F9E]  }
0x2d: {  	s3 =	simm.s32 $0x108;
	s8 =	sld [smem:$0x3F9F]  }
0x2e: {  	s3 =	simm.s32 @!p0 $0x1082;
	s9 =	sld [smem:$0x3FA0]  }
0x2f: {  	lr =	sadd.s32 s0, s3;
	s0 =	sld [smem:$0x3F97]  }
0x30: {  	s3 =	sld [smem:$0x3F9A]  }
0x31: {  	[smem:$0x3FA3] =	sst s10  }
0x32: {  	s10 =	sld [smem:$0x3FA1];
	_ =	sdelay $0x3  }
0x33: {  	p0 =	seq.s32 s10, $0x1;
	s10 =	sld [smem:$0x3FA3];
	_ =	sdelay $0x3  }
0x34: {  	[smem:$0x3FA3] =	sst s10  }
0x35: {  	s10 =	sld [smem:$0x3FA2];
	_ =	sdelay $0x3  }
0x36: {  	p1 =	seq.s32 s10, $0x1;
	s10 =	sld [smem:$0x3FA3];
	_ =	sdelay $0x3  }
0x37: {  	[smem:$0x3FA3] =	sst s10  }
0x38: {  	s10 =	sld [smem:$0x3FA4]  }
0x39: {  	_ = 	snop;
	(pc) =	sbr.ind lr, $3  }
0x3a: {  	_ = 	snop  }
0x3b: {  	_ = 	snop  }
0x3c: {  	p2 =	seq.s32 s10, $0x1;
	s10 =	sld [smem:$0x3FA3]  }
0x3d: {  	_ =	shalt  }
0x3e: {  	_ =	shalt  }
0x3f: {  	_ =	shalt  }
0x40: {  	_ =	shalt  }
0x41: {  	_ =	shalt  }
0x42: {  	_ =	shalt  }
0x43: {  	_ =	shalt  }
0x44: {  	_ =	shalt  }
0x45: {  	_ =	shalt  }
0x46: {  	_ =	shalt  }
0x47: {  	_ =	shalt  }
0x48: {  	_ =	shalt  }
0x49: {  	_ =	shalt  }
0x4a: {  	_ =	shalt  }
0x4b: {  	_ =	shalt  }
0x4c: {  	_ =	shalt  }
0x4d: {  	_ =	shalt  }
0x4e: {  	_ =	shalt  }
0x4f: {  	_ =	shalt  }
0x50: {  	_ =	shalt  }
0x51: {  	_ =	shalt  }
0x52: {  	_ =	shalt  }
0x53: {  	_ =	shalt  }
0x54: {  	_ =	shalt  }
0x55: {  	_ =	shalt  }
0x56: {  	_ =	shalt  }
0x57: {  	_ =	shalt  }
0x58: {  	_ =	shalt  }
0x59: {  	_ =	shalt  }
0x5a: {  	_ =	shalt  }
0x5b: {  	_ =	shalt  }
0x5c: {  	_ =	shalt  }
0x5d: {  	_ =	shalt  }
0x5e: {  	_ =	shalt  }
0x5f: {  	_ =	shalt  }
0x60: {  	_ =	shalt  }
0x61: {  	_ =	shalt  }
0x62: {  	_ =	shalt  }
0x63: {  	_ =	shalt  }
0x64: {  	_ =	shalt  }
0x65: {  	_ =	shalt  }
0x66: {  	_ =	shalt  }
0x67: {  	_ =	shalt  }
0x68: {  	_ =	shalt  }
0x69: {  	_ =	shalt  }
0x6a: {  	_ =	shalt  }
0x6b: {  	_ =	shalt  }
0x6c: {  	_ =	shalt  }
0x6d: {  	_ =	shalt  }
0x6e: {  	_ =	shalt  }
0x6f: {  	_ =	shalt  }
0x70: {  	_ =	shalt  }
0x71: {  	_ =	shalt  }
0x72: {  	_ =	shalt  }
0x73: {  	_ =	shalt  }
0x74: {  	_ =	shalt  }
0x75: {  	_ =	shalt  }
0x76: {  	_ =	shalt  }
0x77: {  	_ =	shalt  }
0x78: {  	_ =	shalt  }
0x79: {  	_ =	shalt  }
0x7a: {  	_ =	shalt  }
0x7b: {  	_ =	shalt  }
0x7c: {  	_ =	shalt  }
0x7d: {  	_ =	shalt  }
0x7e: {  	_ =	shalt  }
0x7f: {  	_ =	shalt  }
0x80: {  	_ =	shalt  }
0x81: {  	_ =	shalt  }
0x82: {  	_ =	shalt  }
0x83: {  	_ =	shalt  }
0x84: {  	_ =	shalt  }
0x85: {  	_ =	shalt  }
0x86: {  	_ =	shalt  }
0x87: {  	_ =	shalt  }
.Lfunc_end0:
.L_simem_size_0:
called_computation.5_lowered:
.L_overlay_start_0:
0x88: {  	s2 =	sld [smem:$0x3FD9]  }
0x89: {  	s3 =	sld [smem:$0x3FFE];
	_ =	sdelay $0x1  }
0x8a: {  	s1 =	srdreg.scid  }
0x8b: {  	s0 =	sand.u32 $0x1, s1  }
0x8c: {  	s16 =	sshll.u32 s0, $0xA;
	s2 =	sadd.s32 s3, s2  }
0x8d: {  	s2 =	sadd.s32 s2, s16  }
0x8e: {  	[smem:$0x3FAF] =	sst s2  }
0x8f: {  	_ = 	snop  }
0x90: {  	(tm) =	ssettm $0x1  }
0x91: {  	s17 =	sld [smem:$0x3FFB];
	_ =	sdelay $0x3  }
0x92: {  	_ =	strace s17  }
0x93: {  	s2 =	sld [smem:$0x3FFC];
	_ =	sdelay $0x3  }
0x94: {  	_ =	strace s2  }
0x95: {  	s2 =	sld [smem:$0x3FFD];
	_ =	sdelay $0x3  }
0x96: {  	_ =	strace s2  }
0x97: {  	_ =	strace $0x8FFFFFFF  }
0x98: {  	s18 =	sld [smem:$0x3FDB];
	_ =	sdelay $0x1  }
0x99: {  	s19 =	simm.s32 $_scs_section_size  }
0x9a: {  	s4 =	simm.s32 $_size__tile_overlayer_lowered;
	s5 =	simm.s32 $_tile_overlayer_lowered  }
0x9b: {  	s22 =	simm.s32 $0x1BFF;
	s21 =	sshll.u32 s5, $0x1;
	s2 =	sadd.s32 s19, s18  }
0x9c: {  	s6 =	simm.s32 $0x0;
	s20 =	sshll.u32 s4, $0x1;
	s4 =	sadd.s32 s21, s2  }
0x9d: {  	[timem:s6], [sflag:s22] =	dma.local [hbm:s4], s20  }
0x9e: {  	_ =	swait.ge [sflag:s22], s20  }
0x9f: {  	s3 =	ssub.s32 $0x0, s20;
	[sflag:s22] =	ssyncset.done $0x0  }
0xa0: {  	[sflag:s22] =	ssyncadd.s32 s3;
	_ =	sdelay $0x1  }
0xa1: {  	s23 =	simm.s32 $0x1B8B  }
0xa2: {  	_ =	swait.ge [sflag:s23], $0x1  }
0xa3: {  	[sflag:s23] =	ssyncset.done $0x0  }
0xa4: {  	s25 =	simm.s32 $0x1B8E;
	s24 =	sld [smem:$0x3FFE];
	[sflag:s23] =	ssyncadd.s32 $0xFFFFFFFF  }
0xa5: {  	s26 =	simm.s32 $execute0_lowered;
	[smem:$0x3FD2] =	sst s25  }
0xa6: {  	s4 =	sshll.u32 s26, $0x1;
	_ =	strace $0x8000004F;
	[dreg:$0x1] =	wrdreg $0xFFFFFFFF  }
0xa7: {  	s28 =	simm.s32 $_size_execute0_lowered;
	s2 =	sadd.s32 s2, s4;
	[dreg:$0x0] =	wrdreg $0x0  }
0xa8: {  	s4 =	sshll.u32 s28, $0x1;
	[dreg:$0x2] =	wrdreg s2  }
0xa9: {  	[dreg:$0x3] =	wrdreg s4  }
0xaa: {  	[dreg:$0x4] =	wrdreg $0xC0  }
0xab: {  	_ =	task [dreg:s6], $0x5FFFF  }
0xac: {  	[dreg:$0x1] =	wrdreg $0xFFFFFFFF  }
0xad: {  	[dreg:$0x0] =	wrdreg $0x60  }
0xae: {  	[dreg:$0x2] =	wrdreg s24  }
0xaf: {  	[dreg:$0x3] =	wrdreg $0x9  }
0xb0: {  	_ =	task.clear_ibuf [dreg:s6], $0x4FFFF;
	_ =	strace $0x9000004F  }
0xb1: {  	s29 =	simm.s32 $0x9;
	_ =	strace $0x80000051  }
0xb2: {  	_ =	swait.ge [sflag:s29], $0x1  }
0xb3: {  	[sflag:s29] =	ssyncadd.s32 $0xFFFFFFFF  }
0xb4: {  	_ =	strace $0x90000051  }
0xb5: {  	_ =	sfence  }
0xb6: {  	s30 =	sld [smem:$0x0];
	_ =	sdelay $0x2  }
0xb7: {  	s31 =	sshll.u32 s1, $0xD;
	s1 =	sshrl.u32 s1, $0x2  }
0xb8: {  	s3 =	sand.u32 $0x4000, s31;
	s1 =	sadd.s32 s1, s30  }
0xb9: {  	s0 =	sor.u32 s3, s0;
	s1 =	sshll.u32 s1, $0x11  }
0xba: {  	s0 =	sor.u32 s1, s0  }
0xbb: {  	s0 =	sadd.s32 $0x8F2B, s0  }
0xbc: {  	[sflag:s0] =	ssyncadd.remote.s32 $0x1  }
0xbd: {  	_ =	sfence.sel $0xFFFF  }
0xbe: {  	[dreg:$0x0] =	wrdreg $0xFFFFFFFF;
	(pc) =	sbr.abs _section_cstart, $3  }
0xbf: {  	[dreg:$0x1] =	wrdreg $0xFFFFFFFF  }
0xc0: {  	_ =	task.clear_ibuf [dreg:s6], $0x2FFFF;
	_ =	strace $0x9FFFFFFF  }
0xc1: {  	(tm) =	ssettm $0x7FFFFFFF  }
tec
execute0_lowered:
.L_overlay_start_1:
0x0: {  	(tag) =	ssettag $0x1  }
0x1: {  	s5 =	stileid.u32  }
0x2: {  	s0 =	srdreg.scid;
	s4 =	rddreg [dreg:$0x0]  }
0x3: {  	s2 =	simm.s32 $0x0;
	s15 =	simm.s32 $0x880;
	s16 =	simm.s32 $0x1080  }
0x4: {  	s18 =	simm.s32 $0x1880;
	s19 =	simm.s32 $0x2080;
	s20 =	simm.s32 $0x2880  }
0x5: {  	s21 =	simm.s32 $0x3080;
	s22 =	simm.s32 $0x3880;
	[smem:$0x7FF] =	sst s2  }
0x6: {  	s23 =	simm.s32 $0x4080;
	_ =	strace $0x80000050;
	[dreg:$0x3] =	wrdreg s15  }
0x7: {  	s24 =	simm.s32 $0x4880;
	s25 =	simm.s32 $0x5080;
	[dreg:$0x4] =	wrdreg s16  }
0x8: {  	s26 =	simm.s32 $0x5880;
	s8 =	simm.s32 $0x80;
	[dreg:$0x5] =	wrdreg s18  }
0x9: {  	s9 =	simm.s32 $0x6080;
	s10 =	simm.s32 $0x6880;
	[dreg:$0x6] =	wrdreg s19  }
0xa: {  	s11 =	simm.s32 $0x7080;
	s12 =	simm.s32 $0x7880;
	[dreg:$0x7] =	wrdreg s20  }
0xb: {  	s13 =	simm.s32 $0x8080;
	s14 =	simm.s32 $0x8880;
	[dreg:$0x8] =	wrdreg s21  }
0xc: {  	s28 =	simm.s32 $0xF080;
	s29 =	simm.s32 $0xF880;
	[dreg:$0x9] =	wrdreg s22  }
0xd: {  	s30 =	simm.s32 $0x1;
	s1 =	smul.u32 $0xA00, s5;
	[dreg:$0xa] =	wrdreg s23  }
0xe: {  	s0 =	sand.u32 $0x1, s0;
	s5 =	smul.u32 $0x140000, s5;
	[dreg:$0xb] =	wrdreg s24  }
0xf: {  	s31 =	simm.s32 $0x0;
	s3 =	smul.u32 $0x500, s0;
	[dreg:$0xc] =	wrdreg s25  }
0x10: {  	s17 =	ssub.s32 $0x2, s0;
	s0 =	smul.u32 $0xA0000, s0;
	[dreg:$0xd] =	wrdreg s26  }
0x11: {  	s15 =	simm.s32 $0x9080;
	s16 =	simm.s32 $0x9880;
	s18 =	simm.s32 $0xA880  }
0x12: {  	s19 =	simm.s32 $0xB080;
	s20 =	simm.s32 $0xB880;
	s21 =	simm.s32 $0xC080  }
0x13: {  	s22 =	simm.s32 $0xC880;
	s23 =	simm.s32 $0xD080;
	s24 =	simm.s32 $0xD880  }
0x14: {  	s25 =	simm.s32 $0xE080;
	s26 =	simm.s32 $0xE880;
	s1 =	sadd.s32 s1, s4  }
0x15: {  	s6 =	sadd.s32 s5, s4;
	s7 =	sshrl.u32 s17, $0x1;
	s1 =	sadd.s32 s3, s1  }
0x16: {  	s3 =	sadd.s32 $0x67000, s4;
	s5 =	ssub.s32 s17, s7;
	s1 =	sadd.s32 $0xD000, s1  }
0x17: {  	v2 =	vlaneseq.u32;
	s0 =	sadd.s32 s0, s6;
	s5 =	smax.u32 s5, $0x1;
	[dreg:$0x2] =	wrdreg s1  }
0x18: {  	vm0 =	vmmov $0xffff;
	v1 =	vshrl.u32 v2, $0x3;
	s4 =	sadd.s32 $0x67100, s4;
	s0 =	sadd.s32 $0x548E00, s0;
	[dreg:$0xe] =	wrdreg s5  }
0x19: {  	v0 =	vand.u32 $0x7, v2;
	v2 =	vor.u32 $0x8, v2;
	v1 =	vmul.u32 $0x8, v1;
	s7 =	simm.s32 $0x2;
	s17 =	simm.s32 $0xA080;
	[dreg:$0xf] =	wrdreg s0  }
.LBB2_1:
0x1a: {  	s6 =	rddreg [dreg:$0xf];
	s0 =	simm.s32 $0x0  }
.LBB2_2:
0x1b: {  	s5 =	rddreg [dreg:$0x2]  }
0x1c: {  	s5 =	sadd.s32 s0, s5  }
0x1d: {  	[tilespmem:s2], [sflag:$0x2] =	stream.linear.gather [hbm4b:s5+s2], $0x80, $0x38;
	[tilespmem:$0x10080] =	vst v63  }
0x1e: {  	_ =	swait.ge [sflag:s7], $0x80  }
0x1f: {  	[sflag:s7] =	ssyncset.done $0x0  }
0x20: {  	[sflag:s7] =	ssyncadd.s32 $0xFFFFFF80  }
0x21: {  	v3 =	vld [tilespmem:$0x0];
	_ =	sdelay $0x4  }
0x22: {  	v4 =	vshll.u32 v3, $0x2  }
0x23: {  	v3 =	vand.u32 $0x7, v3;
	v4 =	vand.u32 $0xFFFFFFE0, v4  }
0x24: {  	v3 =	vor.u32 v3, v4  }
0x25: {  	v4 =	vperm.xlane v3, v0;
	_ =	sdelay $0x1  }
0x26: {  	v4 =	vadd.s32 v1, v4;
	_ =	sdelay $0x1  }
0x27: {  	v3 =	vperm.xlane v3, v2;
	_ =	sdelay $0x1  }
0x28: {  	v3 =	vadd.s32 v1, v3  }
0x29: {  	[tilespmem:s8], [sflag:$0x1] =	stream.indirect_vreg.gather [hbm4b:s3+s2], $0x80, v4, vm0, $0xb8;
	[tilespmem:$0x10080] =	vst v63  }
0x2a: {  	s5 =	rddreg [dreg:$0x3]  }
0x2b: {  	[tilespmem:s5], [sflag:$0x1] =	stream.indirect_vreg.gather [hbm4b:s4+s2], $0x80, v4, vm0, $0xb8;
	[tilespmem:$0x10080] =	vst v63  }
0x2c: {  	s1 =	rddreg [dreg:$0x4]  }
0x2d: {  	[tilespmem:s1], [sflag:$0x1] =	stream.indirect_vreg.gather [hbm4b:s3+s2], $0x80, v3, vm0, $0xb8;
	[tilespmem:$0x10080] =	vst v63  }
0x2e: {  	s5 =	rddreg [dreg:$0x5]  }
0x2f: {  	[tilespmem:s5], [sflag:$0x1] =	stream.indirect_vreg.gather [hbm4b:s4+s2], $0x80, v3, vm0, $0xb8;
	[tilespmem:$0x10080] =	vst v63  }
0x30: {  	v3 =	vld [tilespmem:$0x10];
	_ =	sdelay $0x4  }
0x31: {  	v57 =	vshll.u32 v3, $0x2  }
0x32: {  	v3 =	vand.u32 $0x7, v3;
	v4 =	vand.u32 $0xFFFFFFE0, v57  }
0x33: {  	v3 =	vor.u32 v3, v4  }
0x34: {  	v4 =	vperm.xlane v3, v0;
	_ =	sdelay $0x1  }
0x35: {  	v4 =	vadd.s32 v1, v4;
	_ =	sdelay $0x1  }
0x36: {  	v3 =	vperm.xlane v3, v2;
	_ =	sdelay $0x1  }
0x37: {  	s1 =	rddreg [dreg:$0x6];
	v3 =	vadd.s32 v1, v3  }
0x38: {  	[tilespmem:s1], [sflag:$0x1] =	stream.indirect_vreg.gather [hbm4b:s3+s2], $0x80, v4, vm0, $0xb8;
	[tilespmem:$0x10080] =	vst v63  }
0x39: {  	s5 =	rddreg [dreg:$0x7]  }
0x3a: {  	[tilespmem:s5], [sflag:$0x1] =	stream.indirect_vreg.gather [hbm4b:s4+s2], $0x80, v4, vm0, $0xb8;
	[tilespmem:$0x10080] =	vst v63  }
0x3b: {  	s1 =	rddreg [dreg:$0x8]  }
0x3c: {  	[tilespmem:s1], [sflag:$0x1] =	stream.indirect_vreg.gather [hbm4b:s3+s2], $0x80, v3, vm0, $0xb8;
	[tilespmem:$0x10080] =	vst v63  }
0x3d: {  	s5 =	rddreg [dreg:$0x9]  }
0x3e: {  	[tilespmem:s5], [sflag:$0x1] =	stream.indirect_vreg.gather [hbm4b:s4+s2], $0x80, v3, vm0, $0xb8;
	[tilespmem:$0x10080] =	vst v63  }
0x3f: {  	v3 =	vld [tilespmem:$0x20];
	_ =	sdelay $0x4  }
0x40: {  	v58 =	vshll.u32 v3, $0x2  }
0x41: {  	v3 =	vand.u32 $0x7, v3;
	v4 =	vand.u32 $0xFFFFFFE0, v58  }
0x42: {  	v3 =	vor.u32 v3, v4  }
0x43: {  	v4 =	vperm.xlane v3, v0;
	_ =	sdelay $0x1  }
0x44: {  	v4 =	vadd.s32 v1, v4;
	_ =	sdelay $0x1  }
0x45: {  	v3 =	vperm.xlane v3, v2;
	_ =	sdelay $0x1  }
0x46: {  	s1 =	rddreg [dreg:$0xa];
	v3 =	vadd.s32 v1, v3  }
0x47: {  	[tilespmem:s1], [sflag:$0x1] =	stream.indirect_vreg.gather [hbm4b:s3+s2], $0x80, v4, vm0, $0xb8;
	[tilespmem:$0x10080] =	vst v63  }
0x48: {  	s5 =	rddreg [dreg:$0xb]  }
0x49: {  	[tilespmem:s5], [sflag:$0x1] =	stream.indirect_vreg.gather [hbm4b:s4+s2], $0x80, v4, vm0, $0xb8;
	[tilespmem:$0x10080] =	vst v63  }
0x4a: {  	s1 =	rddreg [dreg:$0xc]  }
0x4b: {  	[tilespmem:s1], [sflag:$0x1] =	stream.indirect_vreg.gather [hbm4b:s3+s2], $0x80, v3, vm0, $0xb8;
	[tilespmem:$0x10080] =	vst v63  }
0x4c: {  	s5 =	rddreg [dreg:$0xd]  }
0x4d: {  	[tilespmem:s5], [sflag:$0x1] =	stream.indirect_vreg.gather [hbm4b:s4+s2], $0x80, v3, vm0, $0xb8;
	[tilespmem:$0x10080] =	vst v63  }
0x4e: {  	v3 =	vld [tilespmem:$0x30];
	_ =	sdelay $0x4  }
0x4f: {  	v59 =	vshll.u32 v3, $0x2  }
0x50: {  	v3 =	vand.u32 $0x7, v3;
	v4 =	vand.u32 $0xFFFFFFE0, v59  }
0x51: {  	v3 =	vor.u32 v3, v4  }
0x52: {  	v4 =	vperm.xlane v3, v0;
	_ =	sdelay $0x1  }
0x53: {  	v4 =	vadd.s32 v1, v4;
	_ =	sdelay $0x1  }
0x54: {  	v3 =	vperm.xlane v3, v2;
	_ =	sdelay $0x1  }
0x55: {  	v3 =	vadd.s32 v1, v3  }
0x56: {  	[tilespmem:s9], [sflag:$0x1] =	stream.indirect_vreg.gather [hbm4b:s3+s2], $0x80, v4, vm0, $0xb8;
	[tilespmem:$0x10080] =	vst v63  }
0x57: {  	_ = 	snop  }
0x58: {  	[tilespmem:s10], [sflag:$0x1] =	stream.indirect_vreg.gather [hbm4b:s4+s2], $0x80, v4, vm0, $0xb8;
	[tilespmem:$0x10080] =	vst v63  }
0x59: {  	_ = 	snop  }
0x5a: {  	[tilespmem:s11], [sflag:$0x1] =	stream.indirect_vreg.gather [hbm4b:s3+s2], $0x80, v3, vm0, $0xb8;
	[tilespmem:$0x10080] =	vst v63  }
0x5b: {  	_ = 	snop  }
0x5c: {  	[tilespmem:s12], [sflag:$0x1] =	stream.indirect_vreg.gather [hbm4b:s4+s2], $0x80, v3, vm0, $0xb8;
	[tilespmem:$0x10080] =	vst v63  }
0x5d: {  	v3 =	vld [tilespmem:$0x40];
	_ =	sdelay $0x4  }
0x5e: {  	v60 =	vshll.u32 v3, $0x2  }
0x5f: {  	v3 =	vand.u32 $0x7, v3;
	v4 =	vand.u32 $0xFFFFFFE0, v60  }
0x60: {  	v3 =	vor.u32 v3, v4  }
0x61: {  	v4 =	vperm.xlane v3, v0;
	_ =	sdelay $0x1  }
0x62: {  	v4 =	vadd.s32 v1, v4;
	_ =	sdelay $0x1  }
0x63: {  	v3 =	vperm.xlane v3, v2;
	_ =	sdelay $0x1  }
0x64: {  	v3 =	vadd.s32 v1, v3  }
0x65: {  	[tilespmem:s13], [sflag:$0x1] =	stream.indirect_vreg.gather [hbm4b:s3+s2], $0x80, v4, vm0, $0xb8;
	[tilespmem:$0x10080] =	vst v63  }
0x66: {  	_ = 	snop  }
0x67: {  	[tilespmem:s14], [sflag:$0x1] =	stream.indirect_vreg.gather [hbm4b:s4+s2], $0x80, v4, vm0, $0xb8;
	[tilespmem:$0x10080] =	vst v63  }
0x68: {  	_ = 	snop  }
0x69: {  	[tilespmem:s15], [sflag:$0x1] =	stream.indirect_vreg.gather [hbm4b:s3+s2], $0x80, v3, vm0, $0xb8;
	[tilespmem:$0x10080] =	vst v63  }
0x6a: {  	_ = 	snop  }
0x6b: {  	[tilespmem:s16], [sflag:$0x1] =	stream.indirect_vreg.gather [hbm4b:s4+s2], $0x80, v3, vm0, $0xb8;
	[tilespmem:$0x10080] =	vst v63  }
0x6c: {  	v3 =	vld [tilespmem:$0x50];
	_ =	sdelay $0x4  }
0x6d: {  	v61 =	vshll.u32 v3, $0x2  }
0x6e: {  	v3 =	vand.u32 $0x7, v3;
	v4 =	vand.u32 $0xFFFFFFE0, v61  }
0x6f: {  	v3 =	vor.u32 v3, v4  }
0x70: {  	v4 =	vperm.xlane v3, v0;
	_ =	sdelay $0x1  }
0x71: {  	v4 =	vadd.s32 v1, v4;
	_ =	sdelay $0x1  }
0x72: {  	v3 =	vperm.xlane v3, v2;
	_ =	sdelay $0x1  }
0x73: {  	v3 =	vadd.s32 v1, v3  }
0x74: {  	[tilespmem:s17], [sflag:$0x1] =	stream.indirect_vreg.gather [hbm4b:s3+s2], $0x80, v4, vm0, $0xb8;
	[tilespmem:$0x10080] =	vst v63  }
0x75: {  	_ = 	snop  }
0x76: {  	[tilespmem:s18], [sflag:$0x1] =	stream.indirect_vreg.gather [hbm4b:s4+s2], $0x80, v4, vm0, $0xb8;
	[tilespmem:$0x10080] =	vst v63  }
0x77: {  	_ = 	snop  }
0x78: {  	[tilespmem:s19], [sflag:$0x1] =	stream.indirect_vreg.gather [hbm4b:s3+s2], $0x80, v3, vm0, $0xb8;
	[tilespmem:$0x10080] =	vst v63  }
0x79: {  	_ = 	snop  }
0x7a: {  	[tilespmem:s20], [sflag:$0x1] =	stream.indirect_vreg.gather [hbm4b:s4+s2], $0x80, v3, vm0, $0xb8;
	[tilespmem:$0x10080] =	vst v63  }
0x7b: {  	v3 =	vld [tilespmem:$0x60];
	_ =	sdelay $0x4  }
0x7c: {  	v62 =	vshll.u32 v3, $0x2  }
0x7d: {  	v3 =	vand.u32 $0x7, v3;
	v4 =	vand.u32 $0xFFFFFFE0, v62  }
0x7e: {  	v3 =	vor.u32 v3, v4  }
0x7f: {  	v4 =	vperm.xlane v3, v0;
	_ =	sdelay $0x1  }
0x80: {  	v4 =	vadd.s32 v1, v4;
	_ =	sdelay $0x1  }
0x81: {  	v3 =	vperm.xlane v3, v2;
	_ =	sdelay $0x1  }
0x82: {  	v3 =	vadd.s32 v1, v3  }
0x83: {  	[tilespmem:s21], [sflag:$0x1] =	stream.indirect_vreg.gather [hbm4b:s3+s2], $0x80, v4, vm0, $0xb8;
	[tilespmem:$0x10080] =	vst v63  }
0x84: {  	_ = 	snop  }
0x85: {  	[tilespmem:s22], [sflag:$0x1] =	stream.indirect_vreg.gather [hbm4b:s4+s2], $0x80, v4, vm0, $0xb8;
	[tilespmem:$0x10080] =	vst v63  }
0x86: {  	_ = 	snop  }
0x87: {  	[tilespmem:s23], [sflag:$0x1] =	stream.indirect_vreg.gather [hbm4b:s3+s2], $0x80, v3, vm0, $0xb8;
	[tilespmem:$0x10080] =	vst v63  }
0x88: {  	_ = 	snop  }
0x89: {  	[tilespmem:s24], [sflag:$0x1] =	stream.indirect_vreg.gather [hbm4b:s4+s2], $0x80, v3, vm0, $0xb8;
	[tilespmem:$0x10080] =	vst v63  }
0x8a: {  	v3 =	vld [tilespmem:$0x70];
	_ =	sdelay $0x4  }
0x8b: {  	v63 =	vshll.u32 v3, $0x2  }
0x8c: {  	v3 =	vand.u32 $0x7, v3;
	v4 =	vand.u32 $0xFFFFFFE0, v63  }
0x8d: {  	v3 =	vor.u32 v3, v4  }
0x8e: {  	v4 =	vperm.xlane v3, v0;
	_ =	sdelay $0x1  }
0x8f: {  	v4 =	vadd.s32 v1, v4;
	_ =	sdelay $0x1  }
0x90: {  	v3 =	vperm.xlane v3, v2;
	_ =	sdelay $0x1  }
0x91: {  	v3 =	vadd.s32 v1, v3  }
0x92: {  	[tilespmem:s25], [sflag:$0x1] =	stream.indirect_vreg.gather [hbm4b:s3+s2], $0x80, v4, vm0, $0xb8;
	[tilespmem:$0x10080] =	vst v63  }
0x93: {  	_ = 	snop  }
0x94: {  	[tilespmem:s26], [sflag:$0x1] =	stream.indirect_vreg.gather [hbm4b:s4+s2], $0x80, v4, vm0, $0xb8;
	[tilespmem:$0x10080] =	vst v63  }
0x95: {  	_ = 	snop  }
0x96: {  	[tilespmem:s28], [sflag:$0x1] =	stream.indirect_vreg.gather [hbm4b:s3+s2], $0x80, v3, vm0, $0xb8;
	[tilespmem:$0x10080] =	vst v63  }
0x97: {  	_ = 	snop  }
0x98: {  	[tilespmem:s29], [sflag:$0x1] =	stream.indirect_vreg.gather [hbm4b:s4+s2], $0x80, v3, vm0, $0xb8;
	[tilespmem:$0x10080] =	vst v63  }
0x99: {  	_ =	swait.ge [sflag:s30], $0x10000  }
0x9a: {  	p0 =	sne.s32 s0, $0x4F0;
	[sflag:s30] =	ssyncset.done $0x0  }
.Ltmp0:
0x9b: {  	[sflag:s30] =	ssyncadd.s32 $0xFFFF0000;
	(pc) =	sbr.rel @p0 .LBB2_2-.Ltmp0, $4  }
0x9c: {  	[hbm4b:s6+s2] =	stream.linear.scatter [tilespmem:s8], [sflag:$0x2], $0x10000, $0x38;
	[tilespmem:$0x10080] =	vst v63  }
0x9d: {  	_ =	swait.ge [sflag:s7], $0x10000  }
0x9e: {  	[sflag:s7] =	ssyncset.done $0x0  }
0x9f: {  	s0 =	sadd.s32 $0x10, s0;
	s6 =	sadd.s32 $0x2000, s6;
	[sflag:s7] =	ssyncadd.s32 $0xFFFF0000  }
0xa0: {  	s31 =	sadd.s32 $0x1, s31;
	s0 =	rddreg [dreg:$0xe]  }
0xa1: {  	p0 =	sne.s32 s31, s0  }
.Ltmp1:
0xa2: {  	_ = 	snop;
	(pc) =	sbr.rel @p0 .LBB2_1-.Ltmp1, $1  }
0xa3: {  	_ =	sdelay $0x3  }
0xa4: {  	_ =	sfence.sel $0x180000  }
0xa5: {  	[bflag:$0x0] =	sbarrier.arrive $0xFFFF  }
0xa6: {  	_ =	strace $0x90000050  }
0xa7: {  	s0 =	stileid.u32;
	[bflag:$0x2] =	sbarrier.arrive $0xFFFF  }
0xa8: {  	p0 =	sne.s32 s0, $0x0;
	s0 =	rddreg [dreg:$0x1]  }
0xa9: {  	s0 =	sadd.s32 @!p0 $0x100000, s0  }
0xaa: {  	[sflag:s0] =	ssyncadd.tile.s32 @!p0 $0x1;
	_ =	shalt  }
.Lfunc_end2:
_tile_overlayer_lowered:
.L_overlay_start_2:
0xab: {  	(tag) =	ssettag $0x2  }
0xac: {  	s0 =	rddreg [dreg:$0x0];
	s2 =	stileid.u32  }
0xad: {  	s1 =	rddreg [dreg:$0x1];
	p0 =	sne.s32 s2, $0x0  }
0xae: {  	s3 =	rddreg [dreg:$0x2];
	[bflag:$0x3] =	sbarrier.arrive $0xFFFF;
	s2 =	simm.s32 @!p0 $0x1C02  }
0xaf: {  	[timem:s3], [sflag:s2] =	dma.local @!p0 [hbm:s0], s1  }
0xb0: {  	s0 =	simm.s32 @!p0 $0x2  }
0xb1: {  	_ =	swait.ge @!p0 [sflag:s0], s1  }
0xb2: {  	s1 =	ssub.s32 @!p0 $0x0, s1;
	[sflag:s0] =	ssyncset.done @!p0 $0x0  }
0xb3: {  	[sflag:s0] =	ssyncadd.s32 @!p0 s1  }
0xb4: {  	[bflag:$0x3] =	sbarrier.arrive $0xFFFF  }
0xb5: {  	_ =	shalt  }

// kernel: kernel.15.cloned.1.call-start
scs
__scs_entry_jumppad:
0x0: {  	(pc) =	sbr.rel $0x88, $3  }
0x1: {  	(tag) =	ssettag $0x0;
	lr =	simm.s32 $0x1  }
0x2: {  	[smem:$0x3F88] =	sst lr;
	_ =	strace $0xD0000000  }
0x3: {  	_ = 	snop  }
0x4: {  	_ = 	snop  }
0x5: {  	_ = 	snop  }
0x6: {  	_ = 	snop  }
0x7: {  	_ = 	snop  }
__scs_overlays_trampoline_lowered:
0x8: {  	[smem:$0x3F97] =	sst s0  }
0x9: {  	[smem:$0x3F98] =	sst s1  }
0xa: {  	[smem:$0x3F99] =	sst s2  }
0xb: {  	[smem:$0x3F9A] =	sst s3  }
0xc: {  	[smem:$0x3F9B] =	sst s4  }
0xd: {  	[smem:$0x3F9C] =	sst s5  }
0xe: {  	[smem:$0x3F9D] =	sst s6  }
0xf: {  	[smem:$0x3F9E] =	sst s7  }
0x10: {  	[smem:$0x3F9F] =	sst s8  }
0x11: {  	[smem:$0x3FA0] =	sst s9;
	s0 =	simm.s32 @!p0 $0x0  }
0x12: {  	s1 =	sld [smem:$0x3F86];
	s0 =	simm.s32 @p0 $0x1  }
0x13: {  	[smem:$0x3FA1] =	sst s0;
	s0 =	simm.s32 @!p1 $0x0  }
0x14: {  	s2 =	sld [smem:$0x3F85];
	s0 =	simm.s32 @p1 $0x1  }
0x15: {  	[smem:$0x3FA2] =	sst s0;
	s0 =	simm.s32 @!p2 $0x0  }
0x16: {  	s3 =	sld [smem:$0x3FDB];
	s0 =	simm.s32 @p2 $0x1  }
0x17: {  	s4 =	simm.s32 $0x1BF5;
	[smem:$0x3FA4] =	sst s0  }
0x18: {  	s0 =	sld [smem:$0x3F87];
	_ =	swait.ge [sflag:s4], $0x0  }
0x19: {  	s7 =	sld [smem:$0x3F88]  }
0x1a: {  	s8 =	sadd.s32 $0xFFFFE003, lr  }
0x1b: {  	s9 =	sadd.s32 $0xFFFFFEF7, lr;
	s5 =	simm.s32 $0xFFFFFFFF;
	p2 =	slt.u32 s8, $0xFFFFF086  }
0x1c: {  	p1 =	slt.u32 s9, $0xF7A;
	s5 =	simm.s32 @!p2 $0x0  }
0x1d: {  	s5 =	simm.s32 @p1 $0x1;
	p0 =	seq.s32 s7, s2  }
0x1e: {  	s7 =	smul.u32 @!p0 $0xF7A, s2;
	p2 =	seq.s32 @!p0 s5, $0x0  }
0x1f: {  	s9 =	smul.u32 $0xF7A, s1;
	s8 =	simm.s32 @!p0 $0x1BF5;
	p2 =	por !p2, p0  }
0x20: {  	[sflag:s8] =	ssyncset.s32 @!p0 $0xFFFFF086;
	s6 =	sadd.s32 @!p0 s3, s7;
	s7 =	simm.s32 @!p0 $0x108  }
0x21: {  	s3 =	sadd.s32 s3, s9;
	s6 =	sadd.s32 @!p0 $0x88, s6;
	s7 =	simm.s32 @p2 $0x1082  }
0x22: {  	[simem:s7], [sflag:s8] =	dma.local @!p0 [hbm:s6], $0xF7A  }
0x23: {  	s9 =	sor.u32 $0xD0000000, s2;
	s6 =	simm.s32 $0x108;
	_ =	swait.ge @!p0 [sflag:s8], $0x0  }
0x24: {  	s3 =	sadd.s32 $0x88, s3;
	s6 =	simm.s32 @!p1 $0x1082;
	[sflag:s4] =	ssyncset.s32 $0xFFFFF086  }
0x25: {  	[simem:s6], [sflag:s4] =	dma.local [hbm:s3], $0xF7A  }
0x26: {  	[smem:$0x3F88] =	sst s1;
	(tag) =	ssettag s2;
	_ =	strace s9  }
0x27: {  	s1 =	sld [smem:$0x3F98]  }
0x28: {  	s2 =	sld [smem:$0x3F99]  }
0x29: {  	s4 =	sld [smem:$0x3F9B]  }
0x2a: {  	p0 =	seq.s32 s5, $0x0;
	s5 =	sld [smem:$0x3F9C]  }
0x2b: {  	s6 =	sld [smem:$0x3F9D]  }
0x2c: {  	s7 =	sld [smem:$0x3F9E]  }
0x2d: {  	s3 =	simm.s32 $0x108;
	s8 =	sld [smem:$0x3F9F]  }
0x2e: {  	s3 =	simm.s32 @!p0 $0x1082;
	s9 =	sld [smem:$0x3FA0]  }
0x2f: {  	lr =	sadd.s32 s0, s3;
	s0 =	sld [smem:$0x3F97]  }
0x30: {  	s3 =	sld [smem:$0x3F9A]  }
0x31: {  	[smem:$0x3FA3] =	sst s10  }
0x32: {  	s10 =	sld [smem:$0x3FA1];
	_ =	sdelay $0x3  }
0x33: {  	p0 =	seq.s32 s10, $0x1;
	s10 =	sld [smem:$0x3FA3];
	_ =	sdelay $0x3  }
0x34: {  	[smem:$0x3FA3] =	sst s10  }
0x35: {  	s10 =	sld [smem:$0x3FA2];
	_ =	sdelay $0x3  }
0x36: {  	p1 =	seq.s32 s10, $0x1;
	s10 =	sld [smem:$0x3FA3];
	_ =	sdelay $0x3  }
0x37: {  	[smem:$0x3FA3] =	sst s10  }
0x38: {  	s10 =	sld [smem:$0x3FA4]  }
0x39: {  	_ = 	snop;
	(pc) =	sbr.ind lr, $3  }
0x3a: {  	_ = 	snop  }
0x3b: {  	_ = 	snop  }
0x3c: {  	p2 =	seq.s32 s10, $0x1;
	s10 =	sld [smem:$0x3FA3]  }
0x3d: {  	_ =	shalt  }
0x3e: {  	_ =	shalt  }
0x3f: {  	_ =	shalt  }
0x40: {  	_ =	shalt  }
0x41: {  	_ =	shalt  }
0x42: {  	_ =	shalt  }
0x43: {  	_ =	shalt  }
0x44: {  	_ =	shalt  }
0x45: {  	_ =	shalt  }
0x46: {  	_ =	shalt  }
0x47: {  	_ =	shalt  }
0x48: {  	_ =	shalt  }
0x49: {  	_ =	shalt  }
0x4a: {  	_ =	shalt  }
0x4b: {  	_ =	shalt  }
0x4c: {  	_ =	shalt  }
0x4d: {  	_ =	shalt  }
0x4e: {  	_ =	shalt  }
0x4f: {  	_ =	shalt  }
0x50: {  	_ =	shalt  }
0x51: {  	_ =	shalt  }
0x52: {  	_ =	shalt  }
0x53: {  	_ =	shalt  }
0x54: {  	_ =	shalt  }
0x55: {  	_ =	shalt  }
0x56: {  	_ =	shalt  }
0x57: {  	_ =	shalt  }
0x58: {  	_ =	shalt  }
0x59: {  	_ =	shalt  }
0x5a: {  	_ =	shalt  }
0x5b: {  	_ =	shalt  }
0x5c: {  	_ =	shalt  }
0x5d: {  	_ =	shalt  }
0x5e: {  	_ =	shalt  }
0x5f: {  	_ =	shalt  }
0x60: {  	_ =	shalt  }
0x61: {  	_ =	shalt  }
0x62: {  	_ =	shalt  }
0x63: {  	_ =	shalt  }
0x64: {  	_ =	shalt  }
0x65: {  	_ =	shalt  }
0x66: {  	_ =	shalt  }
0x67: {  	_ =	shalt  }
0x68: {  	_ =	shalt  }
0x69: {  	_ =	shalt  }
0x6a: {  	_ =	shalt  }
0x6b: {  	_ =	shalt  }
0x6c: {  	_ =	shalt  }
0x6d: {  	_ =	shalt  }
0x6e: {  	_ =	shalt  }
0x6f: {  	_ =	shalt  }
0x70: {  	_ =	shalt  }
0x71: {  	_ =	shalt  }
0x72: {  	_ =	shalt  }
0x73: {  	_ =	shalt  }
0x74: {  	_ =	shalt  }
0x75: {  	_ =	shalt  }
0x76: {  	_ =	shalt  }
0x77: {  	_ =	shalt  }
0x78: {  	_ =	shalt  }
0x79: {  	_ =	shalt  }
0x7a: {  	_ =	shalt  }
0x7b: {  	_ =	shalt  }
0x7c: {  	_ =	shalt  }
0x7d: {  	_ =	shalt  }
0x7e: {  	_ =	shalt  }
0x7f: {  	_ =	shalt  }
0x80: {  	_ =	shalt  }
0x81: {  	_ =	shalt  }
0x82: {  	_ =	shalt  }
0x83: {  	_ =	shalt  }
0x84: {  	_ =	shalt  }
0x85: {  	_ =	shalt  }
0x86: {  	_ =	shalt  }
0x87: {  	_ =	shalt  }
.Lfunc_end0:
.L_simem_size_0:
called_computation.6_lowered:
.L_overlay_start_0:
0x88: {  	s2 =	sld [smem:$0x3FD9]  }
0x89: {  	s3 =	sld [smem:$0x3FFE];
	_ =	sdelay $0x1  }
0x8a: {  	s1 =	srdreg.scid  }
0x8b: {  	s0 =	sand.u32 $0x1, s1  }
0x8c: {  	s16 =	sshll.u32 s0, $0xA;
	s2 =	sadd.s32 s3, s2  }
0x8d: {  	s2 =	sadd.s32 s2, s16  }
0x8e: {  	[smem:$0x3FAF] =	sst s2  }
0x8f: {  	_ = 	snop  }
0x90: {  	(tm) =	ssettm $0x1  }
0x91: {  	s17 =	sld [smem:$0x3FFB];
	_ =	sdelay $0x3  }
0x92: {  	_ =	strace s17  }
0x93: {  	s2 =	sld [smem:$0x3FFC];
	_ =	sdelay $0x3  }
0x94: {  	_ =	strace s2  }
0x95: {  	s2 =	sld [smem:$0x3FFD];
	_ =	sdelay $0x3  }
0x96: {  	_ =	strace s2  }
0x97: {  	_ =	strace $0x8FFFFFFF  }
0x98: {  	s18 =	sld [smem:$0x3FDB];
	_ =	sdelay $0x1  }
0x99: {  	s19 =	simm.s32 $_scs_section_size  }
0x9a: {  	s4 =	simm.s32 $_size__tile_overlayer_lowered;
	s5 =	simm.s32 $_tile_overlayer_lowered  }
0x9b: {  	s22 =	simm.s32 $0x1BFF;
	s21 =	sshll.u32 s5, $0x1;
	s2 =	sadd.s32 s19, s18  }
0x9c: {  	s6 =	simm.s32 $0x0;
	s20 =	sshll.u32 s4, $0x1;
	s4 =	sadd.s32 s21, s2  }
0x9d: {  	[timem:s6], [sflag:s22] =	dma.local [hbm:s4], s20  }
0x9e: {  	_ =	swait.ge [sflag:s22], s20  }
0x9f: {  	s3 =	ssub.s32 $0x0, s20;
	[sflag:s22] =	ssyncset.done $0x0  }
0xa0: {  	[sflag:s22] =	ssyncadd.s32 s3;
	_ =	sdelay $0x1  }
0xa1: {  	s23 =	simm.s32 $0x1B8B  }
0xa2: {  	_ =	swait.ge [sflag:s23], $0x1  }
0xa3: {  	[sflag:s23] =	ssyncset.done $0x0  }
0xa4: {  	s25 =	simm.s32 $0x1B8E;
	s24 =	sld [smem:$0x3FFE];
	[sflag:s23] =	ssyncadd.s32 $0xFFFFFFFF  }
0xa5: {  	s26 =	simm.s32 $execute0_lowered;
	[smem:$0x3FD2] =	sst s25  }
0xa6: {  	s4 =	sshll.u32 s26, $0x1;
	_ =	strace $0x80000058;
	[dreg:$0x1] =	wrdreg $0xFFFFFFFF  }
0xa7: {  	s28 =	simm.s32 $_size_execute0_lowered;
	s2 =	sadd.s32 s2, s4;
	[dreg:$0x0] =	wrdreg $0x0  }
0xa8: {  	s4 =	sshll.u32 s28, $0x1;
	[dreg:$0x2] =	wrdreg s2  }
0xa9: {  	[dreg:$0x3] =	wrdreg s4  }
0xaa: {  	[dreg:$0x4] =	wrdreg $0xC0  }
0xab: {  	_ =	task [dreg:s6], $0x5FFFF  }
0xac: {  	[dreg:$0x1] =	wrdreg $0xFFFFFFFF  }
0xad: {  	[dreg:$0x0] =	wrdreg $0x60  }
0xae: {  	[dreg:$0x2] =	wrdreg s24  }
0xaf: {  	[dreg:$0x3] =	wrdreg $0x9  }
0xb0: {  	_ =	task.clear_ibuf [dreg:s6], $0x4FFFF;
	_ =	strace $0x90000058  }
0xb1: {  	s29 =	simm.s32 $0x9;
	_ =	strace $0x8000005A  }
0xb2: {  	_ =	swait.ge [sflag:s29], $0x1  }
0xb3: {  	[sflag:s29] =	ssyncadd.s32 $0xFFFFFFFF  }
0xb4: {  	_ =	strace $0x9000005A  }
0xb5: {  	_ =	sfence  }
0xb6: {  	s30 =	sld [smem:$0x0];
	_ =	sdelay $0x2  }
0xb7: {  	s31 =	sshll.u32 s1, $0xD;
	s1 =	sshrl.u32 s1, $0x2  }
0xb8: {  	s3 =	sand.u32 $0x4000, s31;
	s1 =	sadd.s32 s1, s30  }
0xb9: {  	s0 =	sor.u32 s3, s0;
	s1 =	sshll.u32 s1, $0x11  }
0xba: {  	s0 =	sor.u32 s1, s0  }
0xbb: {  	s0 =	sadd.s32 $0x8F2B, s0  }
0xbc: {  	[sflag:s0] =	ssyncadd.remote.s32 $0x1  }
0xbd: {  	_ =	sfence.sel $0xFFFF  }
0xbe: {  	[dreg:$0x0] =	wrdreg $0xFFFFFFFF;
	(pc) =	sbr.abs _section_cstart, $3  }
0xbf: {  	[dreg:$0x1] =	wrdreg $0xFFFFFFFF  }
0xc0: {  	_ =	task.clear_ibuf [dreg:s6], $0x2FFFF;
	_ =	strace $0x9FFFFFFF  }
0xc1: {  	(tm) =	ssettm $0x7FFFFFFF  }
tec
execute0_lowered:
.L_overlay_start_1:
0x0: {  	(tag) =	ssettag $0x1  }
0x1: {  	s5 =	stileid.u32  }
0x2: {  	s0 =	srdreg.scid;
	s4 =	rddreg [dreg:$0x0]  }
0x3: {  	s2 =	simm.s32 $0x0;
	s15 =	simm.s32 $0x880;
	s16 =	simm.s32 $0x1080  }
0x4: {  	s18 =	simm.s32 $0x1880;
	s19 =	simm.s32 $0x2080;
	s20 =	simm.s32 $0x2880  }
0x5: {  	s21 =	simm.s32 $0x3080;
	s22 =	simm.s32 $0x3880;
	[smem:$0x7FF] =	sst s2  }
0x6: {  	s23 =	simm.s32 $0x4080;
	_ =	strace $0x80000059;
	[dreg:$0x3] =	wrdreg s15  }
0x7: {  	s24 =	simm.s32 $0x4880;
	s25 =	simm.s32 $0x5080;
	[dreg:$0x4] =	wrdreg s16  }
0x8: {  	s26 =	simm.s32 $0x5880;
	s8 =	simm.s32 $0x80;
	[dreg:$0x5] =	wrdreg s18  }
0x9: {  	s9 =	simm.s32 $0x6080;
	s10 =	simm.s32 $0x6880;
	[dreg:$0x6] =	wrdreg s19  }
0xa: {  	s11 =	simm.s32 $0x7080;
	s12 =	simm.s32 $0x7880;
	[dreg:$0x7] =	wrdreg s20  }
0xb: {  	s13 =	simm.s32 $0x8080;
	s14 =	simm.s32 $0x8880;
	[dreg:$0x8] =	wrdreg s21  }
0xc: {  	s28 =	simm.s32 $0xF080;
	s29 =	simm.s32 $0xF880;
	[dreg:$0x9] =	wrdreg s22  }
0xd: {  	s30 =	simm.s32 $0x1;
	s1 =	smul.u32 $0xA00, s5;
	[dreg:$0xa] =	wrdreg s23  }
0xe: {  	s0 =	sand.u32 $0x1, s0;
	s5 =	smul.u32 $0x140000, s5;
	[dreg:$0xb] =	wrdreg s24  }
0xf: {  	s31 =	simm.s32 $0x0;
	s3 =	smul.u32 $0x500, s0;
	[dreg:$0xc] =	wrdreg s25  }
0x10: {  	s17 =	ssub.s32 $0x2, s0;
	s0 =	smul.u32 $0xA0000, s0;
	[dreg:$0xd] =	wrdreg s26  }
0x11: {  	s15 =	simm.s32 $0x9080;
	s16 =	simm.s32 $0x9880;
	s18 =	simm.s32 $0xA880  }
0x12: {  	s19 =	simm.s32 $0xB080;
	s20 =	simm.s32 $0xB880;
	s21 =	simm.s32 $0xC080  }
0x13: {  	s22 =	simm.s32 $0xC880;
	s23 =	simm.s32 $0xD080;
	s24 =	simm.s32 $0xD880  }
0x14: {  	s25 =	simm.s32 $0xE080;
	s26 =	simm.s32 $0xE880;
	s1 =	sadd.s32 s1, s4  }
0x15: {  	s6 =	sadd.s32 s5, s4;
	s7 =	sshrl.u32 s17, $0x1;
	s1 =	sadd.s32 s3, s1  }
0x16: {  	s3 =	sadd.s32 $0x2DF800, s4;
	s5 =	ssub.s32 s17, s7;
	s1 =	sadd.s32 $0xD000, s1  }
0x17: {  	v2 =	vlaneseq.u32;
	s0 =	sadd.s32 s0, s6;
	s5 =	smax.u32 s5, $0x1;
	[dreg:$0x2] =	wrdreg s1  }
0x18: {  	vm0 =	vmmov $0xffff;
	v1 =	vshrl.u32 v2, $0x3;
	s4 =	sadd.s32 $0x2DF900, s4;
	s0 =	sadd.s32 $0x548E00, s0;
	[dreg:$0xe] =	wrdreg s5  }
0x19: {  	v0 =	vand.u32 $0x7, v2;
	v2 =	vor.u32 $0x8, v2;
	v1 =	vmul.u32 $0x8, v1;
	s7 =	simm.s32 $0x2;
	s17 =	simm.s32 $0xA080;
	[dreg:$0xf] =	wrdreg s0  }
.LBB2_1:
0x1a: {  	s6 =	rddreg [dreg:$0xf];
	s0 =	simm.s32 $0x0  }
.LBB2_2:
0x1b: {  	s5 =	rddreg [dreg:$0x2]  }
0x1c: {  	s5 =	sadd.s32 s0, s5  }
0x1d: {  	[tilespmem:s2], [sflag:$0x2] =	stream.linear.gather [hbm4b:s5+s2], $0x80, $0x38;
	[tilespmem:$0x10080] =	vst v63  }
0x1e: {  	_ =	swait.ge [sflag:s7], $0x80  }
0x1f: {  	[sflag:s7] =	ssyncset.done $0x0  }
0x20: {  	[sflag:s7] =	ssyncadd.s32 $0xFFFFFF80  }
0x21: {  	v3 =	vld [tilespmem:$0x0];
	_ =	sdelay $0x4  }
0x22: {  	v4 =	vshll.u32 v3, $0x2  }
0x23: {  	v3 =	vand.u32 $0x7, v3;
	v4 =	vand.u32 $0xFFFFFFE0, v4  }
0x24: {  	v3 =	vor.u32 v3, v4  }
0x25: {  	v4 =	vperm.xlane v3, v0;
	_ =	sdelay $0x1  }
0x26: {  	v4 =	vadd.s32 v1, v4;
	_ =	sdelay $0x1  }
0x27: {  	v3 =	vperm.xlane v3, v2;
	_ =	sdelay $0x1  }
0x28: {  	v3 =	vadd.s32 v1, v3  }
0x29: {  	[tilespmem:s8], [sflag:$0x1] =	stream.indirect_vreg.gather [hbm4b:s3+s2], $0x80, v4, vm0, $0xb8;
	[tilespmem:$0x10080] =	vst v63  }
0x2a: {  	s5 =	rddreg [dreg:$0x3]  }
0x2b: {  	[tilespmem:s5], [sflag:$0x1] =	stream.indirect_vreg.gather [hbm4b:s4+s2], $0x80, v4, vm0, $0xb8;
	[tilespmem:$0x10080] =	vst v63  }
0x2c: {  	s1 =	rddreg [dreg:$0x4]  }
0x2d: {  	[tilespmem:s1], [sflag:$0x1] =	stream.indirect_vreg.gather [hbm4b:s3+s2], $0x80, v3, vm0, $0xb8;
	[tilespmem:$0x10080] =	vst v63  }
0x2e: {  	s5 =	rddreg [dreg:$0x5]  }
0x2f: {  	[tilespmem:s5], [sflag:$0x1] =	stream.indirect_vreg.gather [hbm4b:s4+s2], $0x80, v3, vm0, $0xb8;
	[tilespmem:$0x10080] =	vst v63  }
0x30: {  	v3 =	vld [tilespmem:$0x10];
	_ =	sdelay $0x4  }
0x31: {  	v57 =	vshll.u32 v3, $0x2  }
0x32: {  	v3 =	vand.u32 $0x7, v3;
	v4 =	vand.u32 $0xFFFFFFE0, v57  }
0x33: {  	v3 =	vor.u32 v3, v4  }
0x34: {  	v4 =	vperm.xlane v3, v0;
	_ =	sdelay $0x1  }
0x35: {  	v4 =	vadd.s32 v1, v4;
	_ =	sdelay $0x1  }
0x36: {  	v3 =	vperm.xlane v3, v2;
	_ =	sdelay $0x1  }
0x37: {  	s1 =	rddreg [dreg:$0x6];
	v3 =	vadd.s32 v1, v3  }
0x38: {  	[tilespmem:s1], [sflag:$0x1] =	stream.indirect_vreg.gather [hbm4b:s3+s2], $0x80, v4, vm0, $0xb8;
	[tilespmem:$0x10080] =	vst v63  }
0x39: {  	s5 =	rddreg [dreg:$0x7]  }
0x3a: {  	[tilespmem:s5], [sflag:$0x1] =	stream.indirect_vreg.gather [hbm4b:s4+s2], $0x80, v4, vm0, $0xb8;
	[tilespmem:$0x10080] =	vst v63  }
0x3b: {  	s1 =	rddreg [dreg:$0x8]  }
0x3c: {  	[tilespmem:s1], [sflag:$0x1] =	stream.indirect_vreg.gather [hbm4b:s3+s2], $0x80, v3, vm0, $0xb8;
	[tilespmem:$0x10080] =	vst v63  }
0x3d: {  	s5 =	rddreg [dreg:$0x9]  }
0x3e: {  	[tilespmem:s5], [sflag:$0x1] =	stream.indirect_vreg.gather [hbm4b:s4+s2], $0x80, v3, vm0, $0xb8;
	[tilespmem:$0x10080] =	vst v63  }
0x3f: {  	v3 =	vld [tilespmem:$0x20];
	_ =	sdelay $0x4  }
0x40: {  	v58 =	vshll.u32 v3, $0x2  }
0x41: {  	v3 =	vand.u32 $0x7, v3;
	v4 =	vand.u32 $0xFFFFFFE0, v58  }
0x42: {  	v3 =	vor.u32 v3, v4  }
0x43: {  	v4 =	vperm.xlane v3, v0;
	_ =	sdelay $0x1  }
0x44: {  	v4 =	vadd.s32 v1, v4;
	_ =	sdelay $0x1  }
0x45: {  	v3 =	vperm.xlane v3, v2;
	_ =	sdelay $0x1  }
0x46: {  	s1 =	rddreg [dreg:$0xa];
	v3 =	vadd.s32 v1, v3  }
0x47: {  	[tilespmem:s1], [sflag:$0x1] =	stream.indirect_vreg.gather [hbm4b:s3+s2], $0x80, v4, vm0, $0xb8;
	[tilespmem:$0x10080] =	vst v63  }
0x48: {  	s5 =	rddreg [dreg:$0xb]  }
0x49: {  	[tilespmem:s5], [sflag:$0x1] =	stream.indirect_vreg.gather [hbm4b:s4+s2], $0x80, v4, vm0, $0xb8;
	[tilespmem:$0x10080] =	vst v63  }
0x4a: {  	s1 =	rddreg [dreg:$0xc]  }
0x4b: {  	[tilespmem:s1], [sflag:$0x1] =	stream.indirect_vreg.gather [hbm4b:s3+s2], $0x80, v3, vm0, $0xb8;
	[tilespmem:$0x10080] =	vst v63  }
0x4c: {  	s5 =	rddreg [dreg:$0xd]  }
0x4d: {  	[tilespmem:s5], [sflag:$0x1] =	stream.indirect_vreg.gather [hbm4b:s4+s2], $0x80, v3, vm0, $0xb8;
	[tilespmem:$0x10080] =	vst v63  }
0x4e: {  	v3 =	vld [tilespmem:$0x30];
	_ =	sdelay $0x4  }
0x4f: {  	v59 =	vshll.u32 v3, $0x2  }
0x50: {  	v3 =	vand.u32 $0x7, v3;
	v4 =	vand.u32 $0xFFFFFFE0, v59  }
0x51: {  	v3 =	vor.u32 v3, v4  }
0x52: {  	v4 =	vperm.xlane v3, v0;
	_ =	sdelay $0x1  }
0x53: {  	v4 =	vadd.s32 v1, v4;
	_ =	sdelay $0x1  }
0x54: {  	v3 =	vperm.xlane v3, v2;
	_ =	sdelay $0x1  }
0x55: {  	v3 =	vadd.s32 v1, v3  }
0x56: {  	[tilespmem:s9], [sflag:$0x1] =	stream.indirect_vreg.gather [hbm4b:s3+s2], $0x80, v4, vm0, $0xb8;
	[tilespmem:$0x10080] =	vst v63  }
0x57: {  	_ = 	snop  }
0x58: {  	[tilespmem:s10], [sflag:$0x1] =	stream.indirect_vreg.gather [hbm4b:s4+s2], $0x80, v4, vm0, $0xb8;
	[tilespmem:$0x10080] =	vst v63  }
0x59: {  	_ = 	snop  }
0x5a: {  	[tilespmem:s11], [sflag:$0x1] =	stream.indirect_vreg.gather [hbm4b:s3+s2], $0x80, v3, vm0, $0xb8;
	[tilespmem:$0x10080] =	vst v63  }
0x5b: {  	_ = 	snop  }
0x5c: {  	[tilespmem:s12], [sflag:$0x1] =	stream.indirect_vreg.gather [hbm4b:s4+s2], $0x80, v3, vm0, $0xb8;
	[tilespmem:$0x10080] =	vst v63  }
0x5d: {  	v3 =	vld [tilespmem:$0x40];
	_ =	sdelay $0x4  }
0x5e: {  	v60 =	vshll.u32 v3, $0x2  }
0x5f: {  	v3 =	vand.u32 $0x7, v3;
	v4 =	vand.u32 $0xFFFFFFE0, v60  }
0x60: {  	v3 =	vor.u32 v3, v4  }
0x61: {  	v4 =	vperm.xlane v3, v0;
	_ =	sdelay $0x1  }
0x62: {  	v4 =	vadd.s32 v1, v4;
	_ =	sdelay $0x1  }
0x63: {  	v3 =	vperm.xlane v3, v2;
	_ =	sdelay $0x1  }
0x64: {  	v3 =	vadd.s32 v1, v3  }
0x65: {  	[tilespmem:s13], [sflag:$0x1] =	stream.indirect_vreg.gather [hbm4b:s3+s2], $0x80, v4, vm0, $0xb8;
	[tilespmem:$0x10080] =	vst v63  }
0x66: {  	_ = 	snop  }
0x67: {  	[tilespmem:s14], [sflag:$0x1] =	stream.indirect_vreg.gather [hbm4b:s4+s2], $0x80, v4, vm0, $0xb8;
	[tilespmem:$0x10080] =	vst v63  }
0x68: {  	_ = 	snop  }
0x69: {  	[tilespmem:s15], [sflag:$0x1] =	stream.indirect_vreg.gather [hbm4b:s3+s2], $0x80, v3, vm0, $0xb8;
	[tilespmem:$0x10080] =	vst v63  }
0x6a: {  	_ = 	snop  }
0x6b: {  	[tilespmem:s16], [sflag:$0x1] =	stream.indirect_vreg.gather [hbm4b:s4+s2], $0x80, v3, vm0, $0xb8;
	[tilespmem:$0x10080] =	vst v63  }
0x6c: {  	v3 =	vld [tilespmem:$0x50];
	_ =	sdelay $0x4  }
0x6d: {  	v61 =	vshll.u32 v3, $0x2  }
0x6e: {  	v3 =	vand.u32 $0x7, v3;
	v4 =	vand.u32 $0xFFFFFFE0, v61  }
0x6f: {  	v3 =	vor.u32 v3, v4  }
0x70: {  	v4 =	vperm.xlane v3, v0;
	_ =	sdelay $0x1  }
0x71: {  	v4 =	vadd.s32 v1, v4;
	_ =	sdelay $0x1  }
0x72: {  	v3 =	vperm.xlane v3, v2;
	_ =	sdelay $0x1  }
0x73: {  	v3 =	vadd.s32 v1, v3  }
0x74: {  	[tilespmem:s17], [sflag:$0x1] =	stream.indirect_vreg.gather [hbm4b:s3+s2], $0x80, v4, vm0, $0xb8;
	[tilespmem:$0x10080] =	vst v63  }
0x75: {  	_ = 	snop  }
0x76: {  	[tilespmem:s18], [sflag:$0x1] =	stream.indirect_vreg.gather [hbm4b:s4+s2], $0x80, v4, vm0, $0xb8;
	[tilespmem:$0x10080] =	vst v63  }
0x77: {  	_ = 	snop  }
0x78: {  	[tilespmem:s19], [sflag:$0x1] =	stream.indirect_vreg.gather [hbm4b:s3+s2], $0x80, v3, vm0, $0xb8;
	[tilespmem:$0x10080] =	vst v63  }
0x79: {  	_ = 	snop  }
0x7a: {  	[tilespmem:s20], [sflag:$0x1] =	stream.indirect_vreg.gather [hbm4b:s4+s2], $0x80, v3, vm0, $0xb8;
	[tilespmem:$0x10080] =	vst v63  }
0x7b: {  	v3 =	vld [tilespmem:$0x60];
	_ =	sdelay $0x4  }
0x7c: {  	v62 =	vshll.u32 v3, $0x2  }
0x7d: {  	v3 =	vand.u32 $0x7, v3;
	v4 =	vand.u32 $0xFFFFFFE0, v62  }
0x7e: {  	v3 =	vor.u32 v3, v4  }
0x7f: {  	v4 =	vperm.xlane v3, v0;
	_ =	sdelay $0x1  }
0x80: {  	v4 =	vadd.s32 v1, v4;
	_ =	sdelay $0x1  }
0x81: {  	v3 =	vperm.xlane v3, v2;
	_ =	sdelay $0x1  }
0x82: {  	v3 =	vadd.s32 v1, v3  }
0x83: {  	[tilespmem:s21], [sflag:$0x1] =	stream.indirect_vreg.gather [hbm4b:s3+s2], $0x80, v4, vm0, $0xb8;
	[tilespmem:$0x10080] =	vst v63  }
0x84: {  	_ = 	snop  }
0x85: {  	[tilespmem:s22], [sflag:$0x1] =	stream.indirect_vreg.gather [hbm4b:s4+s2], $0x80, v4, vm0, $0xb8;
	[tilespmem:$0x10080] =	vst v63  }
0x86: {  	_ = 	snop  }
0x87: {  	[tilespmem:s23], [sflag:$0x1] =	stream.indirect_vreg.gather [hbm4b:s3+s2], $0x80, v3, vm0, $0xb8;
	[tilespmem:$0x10080] =	vst v63  }
0x88: {  	_ = 	snop  }
0x89: {  	[tilespmem:s24], [sflag:$0x1] =	stream.indirect_vreg.gather [hbm4b:s4+s2], $0x80, v3, vm0, $0xb8;
	[tilespmem:$0x10080] =	vst v63  }
0x8a: {  	v3 =	vld [tilespmem:$0x70];
	_ =	sdelay $0x4  }
0x8b: {  	v63 =	vshll.u32 v3, $0x2  }
0x8c: {  	v3 =	vand.u32 $0x7, v3;
	v4 =	vand.u32 $0xFFFFFFE0, v63  }
0x8d: {  	v3 =	vor.u32 v3, v4  }
0x8e: {  	v4 =	vperm.xlane v3, v0;
	_ =	sdelay $0x1  }
0x8f: {  	v4 =	vadd.s32 v1, v4;
	_ =	sdelay $0x1  }
0x90: {  	v3 =	vperm.xlane v3, v2;
	_ =	sdelay $0x1  }
0x91: {  	v3 =	vadd.s32 v1, v3  }
0x92: {  	[tilespmem:s25], [sflag:$0x1] =	stream.indirect_vreg.gather [hbm4b:s3+s2], $0x80, v4, vm0, $0xb8;
	[tilespmem:$0x10080] =	vst v63  }
0x93: {  	_ = 	snop  }
0x94: {  	[tilespmem:s26], [sflag:$0x1] =	stream.indirect_vreg.gather [hbm4b:s4+s2], $0x80, v4, vm0, $0xb8;
	[tilespmem:$0x10080] =	vst v63  }
0x95: {  	_ = 	snop  }
0x96: {  	[tilespmem:s28], [sflag:$0x1] =	stream.indirect_vreg.gather [hbm4b:s3+s2], $0x80, v3, vm0, $0xb8;
	[tilespmem:$0x10080] =	vst v63  }
0x97: {  	_ = 	snop  }
0x98: {  	[tilespmem:s29], [sflag:$0x1] =	stream.indirect_vreg.gather [hbm4b:s4+s2], $0x80, v3, vm0, $0xb8;
	[tilespmem:$0x10080] =	vst v63  }
0x99: {  	_ =	swait.ge [sflag:s30], $0x10000  }
0x9a: {  	p0 =	sne.s32 s0, $0x4F0;
	[sflag:s30] =	ssyncset.done $0x0  }
.Ltmp0:
0x9b: {  	[sflag:s30] =	ssyncadd.s32 $0xFFFF0000;
	(pc) =	sbr.rel @p0 .LBB2_2-.Ltmp0, $4  }
0x9c: {  	[hbm4b:s6+s2] =	stream.linear.scatter [tilespmem:s8], [sflag:$0x2], $0x10000, $0x38;
	[tilespmem:$0x10080] =	vst v63  }
0x9d: {  	_ =	swait.ge [sflag:s7], $0x10000  }
0x9e: {  	[sflag:s7] =	ssyncset.done $0x0  }
0x9f: {  	s0 =	sadd.s32 $0x10, s0;
	s6 =	sadd.s32 $0x2000, s6;
	[sflag:s7] =	ssyncadd.s32 $0xFFFF0000  }
0xa0: {  	s31 =	sadd.s32 $0x1, s31;
	s0 =	rddreg [dreg:$0xe]  }
0xa1: {  	p0 =	sne.s32 s31, s0  }
.Ltmp1:
0xa2: {  	_ = 	snop;
	(pc) =	sbr.rel @p0 .LBB2_1-.Ltmp1, $1  }
0xa3: {  	_ =	sdelay $0x3  }
0xa4: {  	_ =	sfence.sel $0x180000  }
0xa5: {  	[bflag:$0x0] =	sbarrier.arrive $0xFFFF  }
0xa6: {  	_ =	strace $0x90000059  }
0xa7: {  	s0 =	stileid.u32;
	[bflag:$0x2] =	sbarrier.arrive $0xFFFF  }
0xa8: {  	p0 =	sne.s32 s0, $0x0;
	s0 =	rddreg [dreg:$0x1]  }
0xa9: {  	s0 =	sadd.s32 @!p0 $0x100000, s0  }
0xaa: {  	[sflag:s0] =	ssyncadd.tile.s32 @!p0 $0x1;
	_ =	shalt  }
.Lfunc_end2:
_tile_overlayer_lowered:
.L_overlay_start_2:
0xab: {  	(tag) =	ssettag $0x2  }
0xac: {  	s0 =	rddreg [dreg:$0x0];
	s2 =	stileid.u32  }
0xad: {  	s1 =	rddreg [dreg:$0x1];
	p0 =	sne.s32 s2, $0x0  }
0xae: {  	s3 =	rddreg [dreg:$0x2];
	[bflag:$0x3] =	sbarrier.arrive $0xFFFF;
	s2 =	simm.s32 @!p0 $0x1C02  }
0xaf: {  	[timem:s3], [sflag:s2] =	dma.local @!p0 [hbm:s0], s1  }
0xb0: {  	s0 =	simm.s32 @!p0 $0x2  }
0xb1: {  	_ =	swait.ge @!p0 [sflag:s0], s1  }
0xb2: {  	s1 =	ssub.s32 @!p0 $0x0, s1;
	[sflag:s0] =	ssyncset.done @!p0 $0x0  }
0xb3: {  	[sflag:s0] =	ssyncadd.s32 @!p0 s1  }
0xb4: {  	[bflag:$0x3] =	sbarrier.arrive $0xFFFF  }
0xb5: {  	_ =	shalt  }

// kernel: kernel.9.cloned.1.call-start
scs
__scs_entry_jumppad:
0x0: {  	(pc) =	sbr.rel $0x88, $3  }
0x1: {  	(tag) =	ssettag $0x0;
	lr =	simm.s32 $0x1  }
0x2: {  	[smem:$0x3F88] =	sst lr;
	_ =	strace $0xD0000000  }
0x3: {  	_ = 	snop  }
0x4: {  	_ = 	snop  }
0x5: {  	_ = 	snop  }
0x6: {  	_ = 	snop  }
0x7: {  	_ = 	snop  }
__scs_overlays_trampoline_lowered:
0x8: {  	[smem:$0x3F97] =	sst s0  }
0x9: {  	[smem:$0x3F98] =	sst s1  }
0xa: {  	[smem:$0x3F99] =	sst s2  }
0xb: {  	[smem:$0x3F9A] =	sst s3  }
0xc: {  	[smem:$0x3F9B] =	sst s4  }
0xd: {  	[smem:$0x3F9C] =	sst s5  }
0xe: {  	[smem:$0x3F9D] =	sst s6  }
0xf: {  	[smem:$0x3F9E] =	sst s7  }
0x10: {  	[smem:$0x3F9F] =	sst s8  }
0x11: {  	[smem:$0x3FA0] =	sst s9;
	s0 =	simm.s32 @!p0 $0x0  }
0x12: {  	s1 =	sld [smem:$0x3F86];
	s0 =	simm.s32 @p0 $0x1  }
0x13: {  	[smem:$0x3FA1] =	sst s0;
	s0 =	simm.s32 @!p1 $0x0  }
0x14: {  	s2 =	sld [smem:$0x3F85];
	s0 =	simm.s32 @p1 $0x1  }
0x15: {  	[smem:$0x3FA2] =	sst s0;
	s0 =	simm.s32 @!p2 $0x0  }
0x16: {  	s3 =	sld [smem:$0x3FDB];
	s0 =	simm.s32 @p2 $0x1  }
0x17: {  	s4 =	simm.s32 $0x1BF5;
	[smem:$0x3FA4] =	sst s0  }
0x18: {  	s0 =	sld [smem:$0x3F87];
	_ =	swait.ge [sflag:s4], $0x0  }
0x19: {  	s7 =	sld [smem:$0x3F88]  }
0x1a: {  	s8 =	sadd.s32 $0xFFFFE003, lr  }
0x1b: {  	s9 =	sadd.s32 $0xFFFFFEF7, lr;
	s5 =	simm.s32 $0xFFFFFFFF;
	p2 =	slt.u32 s8, $0xFFFFF086  }
0x1c: {  	p1 =	slt.u32 s9, $0xF7A;
	s5 =	simm.s32 @!p2 $0x0  }
0x1d: {  	s5 =	simm.s32 @p1 $0x1;
	p0 =	seq.s32 s7, s2  }
0x1e: {  	s7 =	smul.u32 @!p0 $0xF7A, s2;
	p2 =	seq.s32 @!p0 s5, $0x0  }
0x1f: {  	s9 =	smul.u32 $0xF7A, s1;
	s8 =	simm.s32 @!p0 $0x1BF5;
	p2 =	por !p2, p0  }
0x20: {  	[sflag:s8] =	ssyncset.s32 @!p0 $0xFFFFF086;
	s6 =	sadd.s32 @!p0 s3, s7;
	s7 =	simm.s32 @!p0 $0x108  }
0x21: {  	s3 =	sadd.s32 s3, s9;
	s6 =	sadd.s32 @!p0 $0x88, s6;
	s7 =	simm.s32 @p2 $0x1082  }
0x22: {  	[simem:s7], [sflag:s8] =	dma.local @!p0 [hbm:s6], $0xF7A  }
0x23: {  	s9 =	sor.u32 $0xD0000000, s2;
	s6 =	simm.s32 $0x108;
	_ =	swait.ge @!p0 [sflag:s8], $0x0  }
0x24: {  	s3 =	sadd.s32 $0x88, s3;
	s6 =	simm.s32 @!p1 $0x1082;
	[sflag:s4] =	ssyncset.s32 $0xFFFFF086  }
0x25: {  	[simem:s6], [sflag:s4] =	dma.local [hbm:s3], $0xF7A  }
0x26: {  	[smem:$0x3F88] =	sst s1;
	(tag) =	ssettag s2;
	_ =	strace s9  }
0x27: {  	s1 =	sld [smem:$0x3F98]  }
0x28: {  	s2 =	sld [smem:$0x3F99]  }
0x29: {  	s4 =	sld [smem:$0x3F9B]  }
0x2a: {  	p0 =	seq.s32 s5, $0x0;
	s5 =	sld [smem:$0x3F9C]  }
0x2b: {  	s6 =	sld [smem:$0x3F9D]  }
0x2c: {  	s7 =	sld [smem:$0x3F9E]  }
0x2d: {  	s3 =	simm.s32 $0x108;
	s8 =	sld [smem:$0x3F9F]  }
0x2e: {  	s3 =	simm.s32 @!p0 $0x1082;
	s9 =	sld [smem:$0x3FA0]  }
0x2f: {  	lr =	sadd.s32 s0, s3;
	s0 =	sld [smem:$0x3F97]  }
0x30: {  	s3 =	sld [smem:$0x3F9A]  }
0x31: {  	[smem:$0x3FA3] =	sst s10  }
0x32: {  	s10 =	sld [smem:$0x3FA1];
	_ =	sdelay $0x3  }
0x33: {  	p0 =	seq.s32 s10, $0x1;
	s10 =	sld [smem:$0x3FA3];
	_ =	sdelay $0x3  }
0x34: {  	[smem:$0x3FA3] =	sst s10  }
0x35: {  	s10 =	sld [smem:$0x3FA2];
	_ =	sdelay $0x3  }
0x36: {  	p1 =	seq.s32 s10, $0x1;
	s10 =	sld [smem:$0x3FA3];
	_ =	sdelay $0x3  }
0x37: {  	[smem:$0x3FA3] =	sst s10  }
0x38: {  	s10 =	sld [smem:$0x3FA4]  }
0x39: {  	_ = 	snop;
	(pc) =	sbr.ind lr, $3  }
0x3a: {  	_ = 	snop  }
0x3b: {  	_ = 	snop  }
0x3c: {  	p2 =	seq.s32 s10, $0x1;
	s10 =	sld [smem:$0x3FA3]  }
0x3d: {  	_ =	shalt  }
0x3e: {  	_ =	shalt  }
0x3f: {  	_ =	shalt  }
0x40: {  	_ =	shalt  }
0x41: {  	_ =	shalt  }
0x42: {  	_ =	shalt  }
0x43: {  	_ =	shalt  }
0x44: {  	_ =	shalt  }
0x45: {  	_ =	shalt  }
0x46: {  	_ =	shalt  }
0x47: {  	_ =	shalt  }
0x48: {  	_ =	shalt  }
0x49: {  	_ =	shalt  }
0x4a: {  	_ =	shalt  }
0x4b: {  	_ =	shalt  }
0x4c: {  	_ =	shalt  }
0x4d: {  	_ =	shalt  }
0x4e: {  	_ =	shalt  }
0x4f: {  	_ =	shalt  }
0x50: {  	_ =	shalt  }
0x51: {  	_ =	shalt  }
0x52: {  	_ =	shalt  }
0x53: {  	_ =	shalt  }
0x54: {  	_ =	shalt  }
0x55: {  	_ =	shalt  }
0x56: {  	_ =	shalt  }
0x57: {  	_ =	shalt  }
0x58: {  	_ =	shalt  }
0x59: {  	_ =	shalt  }
0x5a: {  	_ =	shalt  }
0x5b: {  	_ =	shalt  }
0x5c: {  	_ =	shalt  }
0x5d: {  	_ =	shalt  }
0x5e: {  	_ =	shalt  }
0x5f: {  	_ =	shalt  }
0x60: {  	_ =	shalt  }
0x61: {  	_ =	shalt  }
0x62: {  	_ =	shalt  }
0x63: {  	_ =	shalt  }
0x64: {  	_ =	shalt  }
0x65: {  	_ =	shalt  }
0x66: {  	_ =	shalt  }
0x67: {  	_ =	shalt  }
0x68: {  	_ =	shalt  }
0x69: {  	_ =	shalt  }
0x6a: {  	_ =	shalt  }
0x6b: {  	_ =	shalt  }
0x6c: {  	_ =	shalt  }
0x6d: {  	_ =	shalt  }
0x6e: {  	_ =	shalt  }
0x6f: {  	_ =	shalt  }
0x70: {  	_ =	shalt  }
0x71: {  	_ =	shalt  }
0x72: {  	_ =	shalt  }
0x73: {  	_ =	shalt  }
0x74: {  	_ =	shalt  }
0x75: {  	_ =	shalt  }
0x76: {  	_ =	shalt  }
0x77: {  	_ =	shalt  }
0x78: {  	_ =	shalt  }
0x79: {  	_ =	shalt  }
0x7a: {  	_ =	shalt  }
0x7b: {  	_ =	shalt  }
0x7c: {  	_ =	shalt  }
0x7d: {  	_ =	shalt  }
0x7e: {  	_ =	shalt  }
0x7f: {  	_ =	shalt  }
0x80: {  	_ =	shalt  }
0x81: {  	_ =	shalt  }
0x82: {  	_ =	shalt  }
0x83: {  	_ =	shalt  }
0x84: {  	_ =	shalt  }
0x85: {  	_ =	shalt  }
0x86: {  	_ =	shalt  }
0x87: {  	_ =	shalt  }
.Lfunc_end0:
.L_simem_size_0:
called_computation.4_lowered:
.L_overlay_start_0:
0x88: {  	s2 =	sld [smem:$0x3FD9]  }
0x89: {  	s3 =	sld [smem:$0x3FFE];
	_ =	sdelay $0x1  }
0x8a: {  	s1 =	srdreg.scid  }
0x8b: {  	s0 =	sand.u32 $0x1, s1  }
0x8c: {  	s16 =	sshll.u32 s0, $0xA;
	s2 =	sadd.s32 s3, s2  }
0x8d: {  	s2 =	sadd.s32 s2, s16  }
0x8e: {  	[smem:$0x3FAF] =	sst s2  }
0x8f: {  	_ = 	snop  }
0x90: {  	(tm) =	ssettm $0x1  }
0x91: {  	s17 =	sld [smem:$0x3FFB];
	_ =	sdelay $0x3  }
0x92: {  	_ =	strace s17  }
0x93: {  	s2 =	sld [smem:$0x3FFC];
	_ =	sdelay $0x3  }
0x94: {  	_ =	strace s2  }
0x95: {  	s2 =	sld [smem:$0x3FFD];
	_ =	sdelay $0x3  }
0x96: {  	_ =	strace s2  }
0x97: {  	_ =	strace $0x8FFFFFFF  }
0x98: {  	s18 =	sld [smem:$0x3FDB];
	_ =	sdelay $0x1  }
0x99: {  	s19 =	simm.s32 $_scs_section_size  }
0x9a: {  	s4 =	simm.s32 $_size__tile_overlayer_lowered;
	s5 =	simm.s32 $_tile_overlayer_lowered  }
0x9b: {  	s22 =	simm.s32 $0x1BFF;
	s21 =	sshll.u32 s5, $0x1;
	s2 =	sadd.s32 s19, s18  }
0x9c: {  	s6 =	simm.s32 $0x0;
	s20 =	sshll.u32 s4, $0x1;
	s4 =	sadd.s32 s21, s2  }
0x9d: {  	[timem:s6], [sflag:s22] =	dma.local [hbm:s4], s20  }
0x9e: {  	_ =	swait.ge [sflag:s22], s20  }
0x9f: {  	s3 =	ssub.s32 $0x0, s20;
	[sflag:s22] =	ssyncset.done $0x0  }
0xa0: {  	[sflag:s22] =	ssyncadd.s32 s3;
	_ =	sdelay $0x1  }
0xa1: {  	s23 =	simm.s32 $0x1B8B  }
0xa2: {  	_ =	swait.ge [sflag:s23], $0x1  }
0xa3: {  	[sflag:s23] =	ssyncset.done $0x0  }
0xa4: {  	s25 =	simm.s32 $0x1B8E;
	s24 =	sld [smem:$0x3FFE];
	[sflag:s23] =	ssyncadd.s32 $0xFFFFFFFF  }
0xa5: {  	s26 =	simm.s32 $execute0_lowered;
	[smem:$0x3FD2] =	sst s25  }
0xa6: {  	s4 =	sshll.u32 s26, $0x1;
	_ =	strace $0x80000046;
	[dreg:$0x1] =	wrdreg $0xFFFFFFFF  }
0xa7: {  	s28 =	simm.s32 $_size_execute0_lowered;
	s2 =	sadd.s32 s2, s4;
	[dreg:$0x0] =	wrdreg $0x0  }
0xa8: {  	s4 =	sshll.u32 s28, $0x1;
	[dreg:$0x2] =	wrdreg s2  }
0xa9: {  	[dreg:$0x3] =	wrdreg s4  }
0xaa: {  	[dreg:$0x4] =	wrdreg $0xC0  }
0xab: {  	_ =	task [dreg:s6], $0x5FFFF  }
0xac: {  	[dreg:$0x1] =	wrdreg $0xFFFFFFFF  }
0xad: {  	[dreg:$0x0] =	wrdreg $0x60  }
0xae: {  	[dreg:$0x2] =	wrdreg s24  }
0xaf: {  	[dreg:$0x3] =	wrdreg $0x9  }
0xb0: {  	_ =	task.clear_ibuf [dreg:s6], $0x4FFFF;
	_ =	strace $0x90000046  }
0xb1: {  	s29 =	simm.s32 $0x9;
	_ =	strace $0x80000048  }
0xb2: {  	_ =	swait.ge [sflag:s29], $0x1  }
0xb3: {  	[sflag:s29] =	ssyncadd.s32 $0xFFFFFFFF  }
0xb4: {  	_ =	strace $0x90000048  }
0xb5: {  	_ =	sfence  }
0xb6: {  	s30 =	sld [smem:$0x0];
	_ =	sdelay $0x2  }
0xb7: {  	s31 =	sshll.u32 s1, $0xD;
	s1 =	sshrl.u32 s1, $0x2  }
0xb8: {  	s3 =	sand.u32 $0x4000, s31;
	s1 =	sadd.s32 s1, s30  }
0xb9: {  	s0 =	sor.u32 s3, s0;
	s1 =	sshll.u32 s1, $0x11  }
0xba: {  	s0 =	sor.u32 s1, s0  }
0xbb: {  	s0 =	sadd.s32 $0x8F2B, s0  }
0xbc: {  	[sflag:s0] =	ssyncadd.remote.s32 $0x1  }
0xbd: {  	_ =	sfence.sel $0xFFFF  }
0xbe: {  	[dreg:$0x0] =	wrdreg $0xFFFFFFFF;
	(pc) =	sbr.abs _section_cstart, $3  }
0xbf: {  	[dreg:$0x1] =	wrdreg $0xFFFFFFFF  }
0xc0: {  	_ =	task.clear_ibuf [dreg:s6], $0x2FFFF;
	_ =	strace $0x9FFFFFFF  }
0xc1: {  	(tm) =	ssettm $0x7FFFFFFF  }
tec
execute0_lowered:
.L_overlay_start_1:
0x0: {  	(tag) =	ssettag $0x1  }
0x1: {  	s4 =	rddreg [dreg:$0x0]  }
0x2: {  	s0 =	rddreg [dreg:$0x1];
	s1 =	stileid.u32  }
0x3: {  	s2 =	simm.s32 $0x0;
	s3 =	srdreg.scid;
	s5 =	smul.u32 $0xA00, s1  }
0x4: {  	[smem:$0x7FF] =	sst s2;
	s6 =	smul.u32 $0x50000, s1;
	s7 =	sand.u32 $0x1, s3  }
0x5: {  	s3 =	sadd.s32 $0x17000, s4;
	s8 =	ssub.s32 $0x2, s7;
	s9 =	smul.u32 $0x28000, s7  }
0x6: {  	_ =	strace $0x80000047;
	s7 =	smul.u32 $0x500, s7;
	s10 =	sshrl.u32 s8, $0x1  }
0x7: {  	s5 =	sadd.s32 s5, s4;
	s6 =	sadd.s32 s6, s4;
	s31 =	ssub.s32 s8, s10  }
0x8: {  	s6 =	sadd.s32 s9, s6;
	s7 =	sadd.s32 s7, s5;
	s8 =	simm.s32 $0x80  }
0x9: {  	s9 =	simm.s32 $0x1;
	s10 =	simm.s32 $0x0;
	s4 =	smax.u32 s31, $0x1  }
0xa: {  	s5 =	sadd.s32 $0x3F000, s6;
	s6 =	sadd.s32 $0xD000, s7;
	s7 =	simm.s32 $0x2  }
.LBB2_1:
0xb: {  	s11 =	sadd.s32 $0x0, s6  }
0xc: {  	[tilespmem:s2], [sflag:$0x2] =	stream.linear.gather [hbm4b:s11+s2], $0x80, $0x38;
	[tilespmem:$0x4080] =	vst v63  }
0xd: {  	_ =	swait.ge [sflag:s7], $0x80  }
0xe: {  	[sflag:s7] =	ssyncset.done $0x0  }
0xf: {  	[sflag:s7] =	ssyncadd.s32 $0xFFFFFF80  }
0x10: {  	[tilespmem:s8], [sflag:$0x1] =	stream.indirect.gather [hbm4b:s3+s8], $0x80, s2, s8, $0xb8;
	[tilespmem:$0x4080] =	vst v63  }
0x11: {  	_ =	swait.ge [sflag:s9], $0x4000  }
0x12: {  	[sflag:s9] =	ssyncset.done $0x0  }
0x13: {  	[sflag:s9] =	ssyncadd.s32 $0xFFFFC000  }
0x14: {  	[hbm4b:s5+s2] =	stream.linear.scatter [tilespmem:s8], [sflag:$0x2], $0x4000, $0x38;
	[tilespmem:$0x4080] =	vst v63  }
0x15: {  	s12 =	simm.s32 $0x10;
	_ =	swait.ge [sflag:s7], $0x4000  }
0x16: {  	s13 =	simm.s32 $0x20;
	s11 =	sadd.s32 $0x800, s5;
	[sflag:s7] =	ssyncset.done $0x0  }
.LBB2_2:
0x17: {  	s14 =	sadd.s32 s12, s6  }
0x18: {  	[sflag:s7] =	ssyncadd.s32 $0xFFFFC000;
	s12 =	smov.u32 s13;
	s15 =	sadd.s32 $0x10, s13  }
0x19: {  	[tilespmem:s2], [sflag:$0x2] =	stream.linear.gather [hbm4b:s14+s2], $0x80, $0x38;
	[tilespmem:$0x4080] =	vst v63  }
0x1a: {  	p0 =	sne.s32 s13, $0x4F0;
	_ =	swait.ge [sflag:s7], $0x80  }
0x1b: {  	[sflag:s7] =	ssyncset.done $0x0  }
0x1c: {  	[sflag:s7] =	ssyncadd.s32 $0xFFFFFF80  }
0x1d: {  	[tilespmem:s8], [sflag:$0x1] =	stream.indirect.gather [hbm4b:s3+s8], $0x80, s2, s8, $0xb8;
	[tilespmem:$0x4080] =	vst v63  }
0x1e: {  	_ =	swait.ge [sflag:s9], $0x4000  }
.Ltmp0:
0x1f: {  	[sflag:s9] =	ssyncset.done $0x0;
	(pc) =	sbr.rel @p0 .LBB2_2-.Ltmp0, $4  }
0x20: {  	[sflag:s9] =	ssyncadd.s32 $0xFFFFC000  }
0x21: {  	[hbm4b:s11+s2] =	stream.linear.scatter [tilespmem:s8], [sflag:$0x2], $0x4000, $0x38;
	[tilespmem:$0x4080] =	vst v63  }
0x22: {  	_ =	swait.ge [sflag:s7], $0x4000  }
0x23: {  	s13 =	smov.u32 s15;
	s11 =	sadd.s32 $0x800, s11;
	[sflag:s7] =	ssyncset.done $0x0  }
0x24: {  	s12 =	sadd.s32 s12, s6;
	[sflag:s7] =	ssyncadd.s32 $0xFFFFC000  }
0x25: {  	[tilespmem:s2], [sflag:$0x2] =	stream.linear.gather [hbm4b:s12+s2], $0x80, $0x38;
	[tilespmem:$0x4080] =	vst v63  }
0x26: {  	_ =	swait.ge [sflag:s7], $0x80  }
0x27: {  	[sflag:s7] =	ssyncset.done $0x0  }
0x28: {  	[sflag:s7] =	ssyncadd.s32 $0xFFFFFF80  }
0x29: {  	[tilespmem:s8], [sflag:$0x1] =	stream.indirect.gather [hbm4b:s3+s8], $0x80, s2, s8, $0xb8;
	[tilespmem:$0x4080] =	vst v63  }
0x2a: {  	s10 =	sadd.s32 $0x1, s10;
	_ =	swait.ge [sflag:s9], $0x4000  }
0x2b: {  	p0 =	sne.s32 s10, s4;
	[sflag:s9] =	ssyncset.done $0x0  }
.Ltmp1:
0x2c: {  	[sflag:s9] =	ssyncadd.s32 $0xFFFFC000;
	(pc) =	sbr.rel @p0 .LBB2_1-.Ltmp1, $4  }
0x2d: {  	[hbm4b:s11+s2] =	stream.linear.scatter [tilespmem:s8], [sflag:$0x2], $0x4000, $0x38;
	[tilespmem:$0x4080] =	vst v63  }
0x2e: {  	_ =	swait.ge [sflag:s7], $0x4000  }
0x2f: {  	[sflag:s7] =	ssyncset.done $0x0  }
0x30: {  	[sflag:s7] =	ssyncadd.s32 $0xFFFFC000  }
0x31: {  	_ =	sfence.sel $0x180000  }
0x32: {  	[bflag:$0x0] =	sbarrier.arrive $0xFFFF  }
0x33: {  	p0 =	sne.s32 s1, $0x0;
	_ =	strace $0x90000047  }
0x34: {  	s0 =	sadd.s32 @!p0 $0x100000, s0;
	[bflag:$0x2] =	sbarrier.arrive $0xFFFF  }
0x35: {  	[sflag:s0] =	ssyncadd.tile.s32 @!p0 $0x1;
	_ =	shalt  }
.Lfunc_end2:
_tile_overlayer_lowered:
.L_overlay_start_2:
0x36: {  	(tag) =	ssettag $0x2  }
0x37: {  	s0 =	rddreg [dreg:$0x0];
	s2 =	stileid.u32  }
0x38: {  	s1 =	rddreg [dreg:$0x1];
	p0 =	sne.s32 s2, $0x0  }
0x39: {  	s3 =	rddreg [dreg:$0x2];
	[bflag:$0x3] =	sbarrier.arrive $0xFFFF;
	s2 =	simm.s32 @!p0 $0x1C02  }
0x3a: {  	[timem:s3], [sflag:s2] =	dma.local @!p0 [hbm:s0], s1  }
0x3b: {  	s0 =	simm.s32 @!p0 $0x2  }
0x3c: {  	_ =	swait.ge @!p0 [sflag:s0], s1  }
0x3d: {  	s1 =	ssub.s32 @!p0 $0x0, s1;
	[sflag:s0] =	ssyncset.done @!p0 $0x0  }
0x3e: {  	[sflag:s0] =	ssyncadd.s32 @!p0 s1  }
0x3f: {  	[bflag:$0x3] =	sbarrier.arrive $0xFFFF  }
0x40: {  	_ =	shalt  }

// kernel: scatter_offload_async_start.1
scs
__scs_entry_jumppad:
0x0: {  	(pc) =	sbr.rel $0x88, $3  }
0x1: {  	(tag) =	ssettag $0x0;
	lr =	simm.s32 $0x1  }
0x2: {  	[smem:$0x3F88] =	sst lr;
	_ =	strace $0xD0000000  }
0x3: {  	_ = 	snop  }
0x4: {  	_ = 	snop  }
0x5: {  	_ = 	snop  }
0x6: {  	_ = 	snop  }
0x7: {  	_ = 	snop  }
__scs_overlays_trampoline_lowered:
0x8: {  	[smem:$0x3F97] =	sst s0  }
0x9: {  	[smem:$0x3F98] =	sst s1  }
0xa: {  	[smem:$0x3F99] =	sst s2  }
0xb: {  	[smem:$0x3F9A] =	sst s3  }
0xc: {  	[smem:$0x3F9B] =	sst s4  }
0xd: {  	[smem:$0x3F9C] =	sst s5  }
0xe: {  	[smem:$0x3F9D] =	sst s6  }
0xf: {  	[smem:$0x3F9E] =	sst s7  }
0x10: {  	[smem:$0x3F9F] =	sst s8  }
0x11: {  	[smem:$0x3FA0] =	sst s9;
	s0 =	simm.s32 @!p0 $0x0  }
0x12: {  	s1 =	sld [smem:$0x3F86];
	s0 =	simm.s32 @p0 $0x1  }
0x13: {  	[smem:$0x3FA1] =	sst s0;
	s0 =	simm.s32 @!p1 $0x0  }
0x14: {  	s2 =	sld [smem:$0x3F85];
	s0 =	simm.s32 @p1 $0x1  }
0x15: {  	[smem:$0x3FA2] =	sst s0;
	s0 =	simm.s32 @!p2 $0x0  }
0x16: {  	s3 =	sld [smem:$0x3FDB];
	s0 =	simm.s32 @p2 $0x1  }
0x17: {  	s4 =	simm.s32 $0x1BF5;
	[smem:$0x3FA4] =	sst s0  }
0x18: {  	s0 =	sld [smem:$0x3F87];
	_ =	swait.ge [sflag:s4], $0x0  }
0x19: {  	s7 =	sld [smem:$0x3F88]  }
0x1a: {  	s8 =	sadd.s32 $0xFFFFE003, lr  }
0x1b: {  	s9 =	sadd.s32 $0xFFFFFEF7, lr;
	s5 =	simm.s32 $0xFFFFFFFF;
	p2 =	slt.u32 s8, $0xFFFFF086  }
0x1c: {  	p1 =	slt.u32 s9, $0xF7A;
	s5 =	simm.s32 @!p2 $0x0  }
0x1d: {  	s5 =	simm.s32 @p1 $0x1;
	p0 =	seq.s32 s7, s2  }
0x1e: {  	s7 =	smul.u32 @!p0 $0xF7A, s2;
	p2 =	seq.s32 @!p0 s5, $0x0  }
0x1f: {  	s9 =	smul.u32 $0xF7A, s1;
	s8 =	simm.s32 @!p0 $0x1BF5;
	p2 =	por !p2, p0  }
0x20: {  	[sflag:s8] =	ssyncset.s32 @!p0 $0xFFFFF086;
	s6 =	sadd.s32 @!p0 s3, s7;
	s7 =	simm.s32 @!p0 $0x108  }
0x21: {  	s3 =	sadd.s32 s3, s9;
	s6 =	sadd.s32 @!p0 $0x88, s6;
	s7 =	simm.s32 @p2 $0x1082  }
0x22: {  	[simem:s7], [sflag:s8] =	dma.local @!p0 [hbm:s6], $0xF7A  }
0x23: {  	s9 =	sor.u32 $0xD0000000, s2;
	s6 =	simm.s32 $0x108;
	_ =	swait.ge @!p0 [sflag:s8], $0x0  }
0x24: {  	s3 =	sadd.s32 $0x88, s3;
	s6 =	simm.s32 @!p1 $0x1082;
	[sflag:s4] =	ssyncset.s32 $0xFFFFF086  }
0x25: {  	[simem:s6], [sflag:s4] =	dma.local [hbm:s3], $0xF7A  }
0x26: {  	[smem:$0x3F88] =	sst s1;
	(tag) =	ssettag s2;
	_ =	strace s9  }
0x27: {  	s1 =	sld [smem:$0x3F98]  }
0x28: {  	s2 =	sld [smem:$0x3F99]  }
0x29: {  	s4 =	sld [smem:$0x3F9B]  }
0x2a: {  	p0 =	seq.s32 s5, $0x0;
	s5 =	sld [smem:$0x3F9C]  }
0x2b: {  	s6 =	sld [smem:$0x3F9D]  }
0x2c: {  	s7 =	sld [smem:$0x3F9E]  }
0x2d: {  	s3 =	simm.s32 $0x108;
	s8 =	sld [smem:$0x3F9F]  }
0x2e: {  	s3 =	simm.s32 @!p0 $0x1082;
	s9 =	sld [smem:$0x3FA0]  }
0x2f: {  	lr =	sadd.s32 s0, s3;
	s0 =	sld [smem:$0x3F97]  }
0x30: {  	s3 =	sld [smem:$0x3F9A]  }
0x31: {  	[smem:$0x3FA3] =	sst s10  }
0x32: {  	s10 =	sld [smem:$0x3FA1];
	_ =	sdelay $0x3  }
0x33: {  	p0 =	seq.s32 s10, $0x1;
	s10 =	sld [smem:$0x3FA3];
	_ =	sdelay $0x3  }
0x34: {  	[smem:$0x3FA3] =	sst s10  }
0x35: {  	s10 =	sld [smem:$0x3FA2];
	_ =	sdelay $0x3  }
0x36: {  	p1 =	seq.s32 s10, $0x1;
	s10 =	sld [smem:$0x3FA3];
	_ =	sdelay $0x3  }
0x37: {  	[smem:$0x3FA3] =	sst s10  }
0x38: {  	s10 =	sld [smem:$0x3FA4]  }
0x39: {  	_ = 	snop;
	(pc) =	sbr.ind lr, $3  }
0x3a: {  	_ = 	snop  }
0x3b: {  	_ = 	snop  }
0x3c: {  	p2 =	seq.s32 s10, $0x1;
	s10 =	sld [smem:$0x3FA3]  }
0x3d: {  	_ =	shalt  }
0x3e: {  	_ =	shalt  }
0x3f: {  	_ =	shalt  }
0x40: {  	_ =	shalt  }
0x41: {  	_ =	shalt  }
0x42: {  	_ =	shalt  }
0x43: {  	_ =	shalt  }
0x44: {  	_ =	shalt  }
0x45: {  	_ =	shalt  }
0x46: {  	_ =	shalt  }
0x47: {  	_ =	shalt  }
0x48: {  	_ =	shalt  }
0x49: {  	_ =	shalt  }
0x4a: {  	_ =	shalt  }
0x4b: {  	_ =	shalt  }
0x4c: {  	_ =	shalt  }
0x4d: {  	_ =	shalt  }
0x4e: {  	_ =	shalt  }
0x4f: {  	_ =	shalt  }
0x50: {  	_ =	shalt  }
0x51: {  	_ =	shalt  }
0x52: {  	_ =	shalt  }
0x53: {  	_ =	shalt  }
0x54: {  	_ =	shalt  }
0x55: {  	_ =	shalt  }
0x56: {  	_ =	shalt  }
0x57: {  	_ =	shalt  }
0x58: {  	_ =	shalt  }
0x59: {  	_ =	shalt  }
0x5a: {  	_ =	shalt  }
0x5b: {  	_ =	shalt  }
0x5c: {  	_ =	shalt  }
0x5d: {  	_ =	shalt  }
0x5e: {  	_ =	shalt  }
0x5f: {  	_ =	shalt  }
0x60: {  	_ =	shalt  }
0x61: {  	_ =	shalt  }
0x62: {  	_ =	shalt  }
0x63: {  	_ =	shalt  }
0x64: {  	_ =	shalt  }
0x65: {  	_ =	shalt  }
0x66: {  	_ =	shalt  }
0x67: {  	_ =	shalt  }
0x68: {  	_ =	shalt  }
0x69: {  	_ =	shalt  }
0x6a: {  	_ =	shalt  }
0x6b: {  	_ =	shalt  }
0x6c: {  	_ =	shalt  }
0x6d: {  	_ =	shalt  }
0x6e: {  	_ =	shalt  }
0x6f: {  	_ =	shalt  }
0x70: {  	_ =	shalt  }
0x71: {  	_ =	shalt  }
0x72: {  	_ =	shalt  }
0x73: {  	_ =	shalt  }
0x74: {  	_ =	shalt  }
0x75: {  	_ =	shalt  }
0x76: {  	_ =	shalt  }
0x77: {  	_ =	shalt  }
0x78: {  	_ =	shalt  }
0x79: {  	_ =	shalt  }
0x7a: {  	_ =	shalt  }
0x7b: {  	_ =	shalt  }
0x7c: {  	_ =	shalt  }
0x7d: {  	_ =	shalt  }
0x7e: {  	_ =	shalt  }
0x7f: {  	_ =	shalt  }
0x80: {  	_ =	shalt  }
0x81: {  	_ =	shalt  }
0x82: {  	_ =	shalt  }
0x83: {  	_ =	shalt  }
0x84: {  	_ =	shalt  }
0x85: {  	_ =	shalt  }
0x86: {  	_ =	shalt  }
0x87: {  	_ =	shalt  }
.Lfunc_end0:
.L_simem_size_0:
called_computation.1_lowered:
.L_overlay_start_0:
0x88: {  	s2 =	sld [smem:$0x3FD9]  }
0x89: {  	s3 =	sld [smem:$0x3FFE];
	_ =	sdelay $0x1  }
0x8a: {  	s1 =	srdreg.scid  }
0x8b: {  	s0 =	sand.u32 $0x1, s1  }
0x8c: {  	s17 =	sshll.u32 s0, $0xA;
	s2 =	sadd.s32 s3, s2  }
0x8d: {  	s2 =	sadd.s32 s2, s17  }
0x8e: {  	[smem:$0x3FAF] =	sst s2  }
0x8f: {  	_ = 	snop  }
0x90: {  	(tm) =	ssettm $0x1  }
0x91: {  	s18 =	sld [smem:$0x3FFB];
	_ =	sdelay $0x3  }
0x92: {  	_ =	strace s18  }
0x93: {  	s2 =	sld [smem:$0x3FFC];
	_ =	sdelay $0x3  }
0x94: {  	_ =	strace s2  }
0x95: {  	s2 =	sld [smem:$0x3FFD];
	_ =	sdelay $0x3  }
0x96: {  	_ =	strace s2  }
0x97: {  	_ =	strace $0x8FFFFFFF  }
0x98: {  	s19 =	sld [smem:$0x3FDB];
	_ =	sdelay $0x1  }
0x99: {  	s20 =	simm.s32 $_scs_section_size  }
0x9a: {  	s4 =	simm.s32 $_size__tile_overlayer_lowered;
	s5 =	simm.s32 $_tile_overlayer_lowered  }
0x9b: {  	s6 =	simm.s32 $0x1BFF;
	s21 =	sshll.u32 s5, $0x1;
	s3 =	sadd.s32 s20, s19  }
0x9c: {  	s22 =	simm.s32 $0x0;
	s4 =	sshll.u32 s4, $0x1;
	s5 =	sadd.s32 s21, s3  }
0x9d: {  	[timem:s22], [sflag:s6] =	dma.local [hbm:s5], s4  }
0x9e: {  	_ =	swait.ge [sflag:s6], s4  }
0x9f: {  	s4 =	ssub.s32 $0x0, s4;
	[sflag:s6] =	ssyncset.done $0x0  }
0xa0: {  	[sflag:s6] =	ssyncadd.s32 s4;
	_ =	sdelay $0x1  }
0xa1: {  	s23 =	simm.s32 $0x1B8B  }
0xa2: {  	_ =	swait.ge [sflag:s23], $0x1  }
0xa3: {  	[sflag:s23] =	ssyncset.done $0x0  }
0xa4: {  	[sflag:s23] =	ssyncadd.s32 $0xFFFFFFFF  }
0xa5: {  	s4 =	sld [smem:$0x0]  }
0xa6: {  	s5 =	sand.u32 $0xFFFFFFFE, s1  }
0xa7: {  	p0 =	sne.s32 s1, s5  }
0xa8: {  	s5 =	sshll.u32 @p0 s5, $0xE  }
0xa9: {  	s5 =	sadd.s32 @p0 $0x11B8D, s5;
	s6 =	sshll.u32 @p0 s4, $0x11  }
0xaa: {  	s5 =	sor.u32 @p0 s6, s5  }
0xab: {  	[sflag:s5] =	ssyncadd.remote.s32 @p0 $0x1;
	_ =	sdelay $0x1  }
0xac: {  	s5 =	simm.s32 @p0 $0x1B8D  }
0xad: {  	_ =	swait.eq @p0 [sflag:s5], $0x1  }
0xae: {  	[sflag:s5] =	ssyncadd.s32 @p0 $0xFFFFFFFF  }
0xaf: {  	s6 =	sshll.u32 @!p0 s1, $0xE  }
0xb0: {  	s6 =	sor.u32 @!p0 $0x4000, s6;
	s5 =	simm.s32 @!p0 $0x1B8D  }
0xb1: {  	s7 =	sshll.u32 @!p0 s4, $0x11;
	s6 =	sadd.s32 @!p0 $0x11B8D, s6;
	_ =	swait.eq @!p0 [sflag:s5], $0x1  }
0xb2: {  	[sflag:s5] =	ssyncadd.s32 @!p0 $0xFFFFFFFF;
	s5 =	sor.u32 @!p0 s7, s6  }
0xb3: {  	s25 =	simm.s32 $0x1B8E;
	s24 =	sld [smem:$0x3FFE];
	[sflag:s5] =	ssyncadd.remote.s32 @!p0 $0x1  }
0xb4: {  	s26 =	simm.s32 $execute0_lowered;
	[smem:$0x3FD2] =	sst s25  }
0xb5: {  	s6 =	sshll.u32 s26, $0x1;
	_ =	strace $0x8000004C;
	[dreg:$0x1] =	wrdreg $0xFFFFFFFF  }
0xb6: {  	s28 =	simm.s32 $_size_execute0_lowered;
	s3 =	sadd.s32 s3, s6;
	[dreg:$0x0] =	wrdreg $0x0  }
0xb7: {  	s6 =	sshll.u32 s28, $0x1;
	[dreg:$0x2] =	wrdreg s3  }
0xb8: {  	[dreg:$0x3] =	wrdreg s6  }
0xb9: {  	[dreg:$0x4] =	wrdreg $0xC0  }
0xba: {  	_ =	task [dreg:s22], $0x5FFFF  }
0xbb: {  	[dreg:$0x1] =	wrdreg $0xFFFFFFFF  }
0xbc: {  	[dreg:$0x0] =	wrdreg $0x60  }
0xbd: {  	[dreg:$0x2] =	wrdreg s24  }
0xbe: {  	[dreg:$0x3] =	wrdreg s1  }
0xbf: {  	[dreg:$0x4] =	wrdreg s4  }
0xc0: {  	[dreg:$0x5] =	wrdreg $0xA  }
0xc1: {  	_ =	task.clear_ibuf [dreg:s22], $0x6FFFF;
	_ =	strace $0x9000004C  }
0xc2: {  	s29 =	simm.s32 $0xA;
	_ =	strace $0x8000004E  }
0xc3: {  	_ =	swait.ge [sflag:s29], $0x1  }
0xc4: {  	[sflag:s29] =	ssyncadd.s32 $0xFFFFFFFF  }
0xc5: {  	_ =	strace $0x9000004E  }
0xc6: {  	_ =	sfence  }
0xc7: {  	s30 =	sld [smem:$0x0];
	_ =	sdelay $0x2  }
0xc8: {  	s31 =	sshll.u32 s1, $0xD;
	s1 =	sshrl.u32 s1, $0x2  }
0xc9: {  	s4 =	sand.u32 $0x4000, s31;
	s1 =	sadd.s32 s1, s30  }
0xca: {  	s0 =	sor.u32 s4, s0;
	s1 =	sshll.u32 s1, $0x11  }
0xcb: {  	s0 =	sor.u32 s1, s0  }
0xcc: {  	s0 =	sadd.s32 $0x8F2B, s0  }
0xcd: {  	[sflag:s0] =	ssyncadd.remote.s32 $0x1  }
0xce: {  	_ =	sfence.sel $0xFFFF  }
0xcf: {  	[dreg:$0x0] =	wrdreg $0xFFFFFFFF;
	(pc) =	sbr.abs _section_cstart, $3  }
0xd0: {  	[dreg:$0x1] =	wrdreg $0xFFFFFFFF  }
0xd1: {  	_ =	task.clear_ibuf [dreg:s22], $0x2FFFF;
	_ =	strace $0x9FFFFFFF  }
0xd2: {  	(tm) =	ssettm $0x7FFFFFFF  }
0xd3: {  	_ =	shalt  }
tec
execute0_lowered:
.L_overlay_start_1:
0x0: {  	(tag) =	ssettag $0x1  }
0x1: {  	s2 =	rddreg [dreg:$0x0]  }
0x2: {  	s3 =	rddreg [dreg:$0x1];
	_ =	strace $0x8000004D;
	s0 =	simm.s32 $0x1  }
0x3: {  	v0 =	vimm.s32 $0x0;
	[sflag:s0] =	ssyncpa.u1 $0x0;
	s0 =	simm.s32 $0x108  }
0x4: {  	[tilespmem:s0+$0x70] =	vst v0  }
0x5: {  	[tilespmem:s0+$0x60] =	vst v0  }
0x6: {  	[tilespmem:s0+$0x50] =	vst v0  }
0x7: {  	[tilespmem:s0+$0x40] =	vst v0  }
0x8: {  	[tilespmem:s0+$0x30] =	vst v0  }
0x9: {  	s1 =	sadd.s32 $0x3F600, s2;
	s15 =	sadd.s32 $0x3200, s2;
	s6 =	sadd.s32 $0x55CA00, s2;
	[tilespmem:s0+$0x20] =	vst v0  }
0xa: {  	s14 =	sadd.s32 $0x53F000, s2;
	s5 =	sand.u32 $0x1, s3;
	s3 =	simm.s32 $0x40;
	[tilespmem:s0+$0x10] =	vst v0  }
.LBB2_1:
0xb: {  	s3 =	sadd.s32 $0x40, s3;
	[tilespmem:s0+$0x0] =	vst v0;
	s0 =	sadd.s32 $0x80, s0  }
0xc: {  	p0 =	slt.u32 s3, $0x3C40;
	[tilespmem:s0+$0x70] =	vst v0  }
0xd: {  	[tilespmem:s0+$0x60] =	vst v0  }
.Ltmp0:
0xe: {  	[tilespmem:s0+$0x50] =	vst v0;
	(pc) =	sbr.rel @p0 .LBB2_1-.Ltmp0, $4  }
0xf: {  	[tilespmem:s0+$0x40] =	vst v0  }
0x10: {  	[tilespmem:s0+$0x30] =	vst v0  }
0x11: {  	[tilespmem:s0+$0x20] =	vst v0  }
0x12: {  	[tilespmem:s0+$0x10] =	vst v0  }
0x13: {  	s9 =	stileid.u32  }
0x14: {  	s2 =	smul.u32 $0x29, s9  }
0x15: {  	s3 =	smin.u32 s9, $0xB  }
0x16: {  	s2 =	sadd.s32 s3, s2  }
0x17: {  	p0 =	slt.u32 s9, $0xB;
	s7 =	smul.u32 $0xF0, s2;
	s2 =	simm.s32 $0x2760  }
0x18: {  	s2 =	simm.s32 @!p0 $0x2670  }
0x19: {  	s2 =	sadd.s32 s2, s7  }
0x1a: {  	s8 =	smin.u32 s2, $0x27100  }
0x1b: {  	s2 =	ssub.s32 s8, s7  }
0x1c: {  	p0 =	sgt.s32 s2, $0x0  }
0x1d: {  	s29 =	simm.s32 $0x2;
	s10 =	simm.s32 $0x9;
	s2 =	simm.s32 @!p0 $0x0  }
0x1e: {  	s4 =	simm.s32 $0xA;
	s11 =	simm.s32 $0xB;
	s28 =	smulhi.u32 $0x88888889, s2  }
0x1f: {  	[dreg:$0x4] =	wrdreg s5;
	s31 =	smul.u32 $0x4E20, s5;
	s12 =	simm.s32 $0x1  }
0x20: {  	s22 =	simm.s32 $0x0;
	s18 =	simm.s32 $0xC;
	s30 =	sshrl.u32 s28, $0x7  }
0x21: {  	s20 =	simm.s32 $0x0;
	s21 =	simm.s32 $0x0;
	s3 =	smul.u32 $0xF0, s30  }
.Ltmp1:
0x22: {  	[tilespmem:s0+$0x0] =	vst v0;
	v0 =	vimm.s32 $0xFFFFFFFF;
	[sflag:s29] =	ssyncpa.u1 $0x0;
	s16 =	sshll.u32 s9, $0x8;
	(pc) =	sbr.rel .LBB2_3-.Ltmp1, $4  }
0x23: {  	[tilespmem:$0xF208] =	vst v0;
	[sflag:s10] =	ssyncpa.u1 $0x0;
	p0 =	sne.s32 s2, s3;
	s2 =	simm.s32 $0x1  }
0x24: {  	s14 =	sadd.s32 s31, s14;
	[sflag:s4] =	ssyncpa.u1 $0x0;
	s2 =	simm.s32 @!p0 $0x0  }
0x25: {  	s15 =	sadd.s32 s31, s15;
	[sflag:s11] =	ssyncpa.u1 $0x0;
	s13 =	sadd.s32 s2, s30  }
0x26: {  	v0 =	vlaneseq.u32;
	s19 =	smov.u32 s7;
	p0 =	por $0x0, $0x0;
	s17 =	sadd.s32 $0x1, s13  }
.LBB2_18:
0x27: {  	s0 =	sshrl.u32 s31, $0x2  }
.LBB2_20:
0x28: {  	_ =	swait.ge [sflag:s18], s0  }
0x29: {  	s31 =	ssub.s32 $0x0, s0;
	v1 =	vmov s24;
	vm0 =	veq.s32 v0, $0x0;
	[sflag:s18] =	ssyncset.done $0x0  }
0x2a: {  	vm15 =	veq.s32 v0, $0x2;
	v1 =	vsel vm0, s30, v1;
	[sflag:s18] =	ssyncadd.s32 s31  }
0x2b: {  	v1 =	vsel vm15, s22, v1;
	[sflag:s18] =	ssyncpa.u1 $0x1  }
0x2c: {  	[tilespmem:$0xF208] =	vst v1  }
.LBB2_21:
0x2d: {  	s0 =	sadd.s32 $0xF0, s19  }
0x2e: {  	s2 =	smov.u32 s7;
	p1 =	slt.s32 s0, s8  }
0x2f: {  	s2 =	smov.u32 @p1 s0;
	p1 =	sne.s32 s21, s17  }
.Ltmp2:
0x30: {  	_ = 	snop;
	(pc) =	sbr.rel @!p1 .LBB2_22-.Ltmp2, $3  }
0x31: {  	_ =	sdelay $0x1  }
0x32: {  	s22 =	smov.u32 s20;
	s31 =	sadd.s32 $0x1, s21;
	s20 =	smov.u32 s19  }
0x33: {  	p0 =	por !p0, !p0;
	s21 =	smov.u32 s31;
	s19 =	smov.u32 s2  }
.LBB2_3:
0x34: {  	p1 =	sge.u32 s21, s13  }
0x35: {  	s0 =	smulhi.u32 @!p1 $0xAAAAAAAB, s21  }
0x36: {  	s2 =	smov.u32 s19;
	p2 =	sgt.s32 @!p1 s19, $0x27010  }
0x37: {  	s3 =	sshra.s32 @!p1 s19, $0x1F;
	p2 =	por !p2, p1;
	s0 =	sshrl.u32 @!p1 s0, $0x1  }
0x38: {  	s3 =	sand.u32 @!p1 s3, s19;
	s2 =	simm.s32 @p2 $0x27010;
	s0 =	smul.u32 @!p1 $0x3, s0  }
0x39: {  	s2 =	ssub.s32 @!p1 s2, s3  }
0x3a: {  	s2 =	sadd.s32 @!p1 $0xFFFD8FF0, s2;
	s0 =	ssub.s32 @!p1 s21, s0  }
0x3b: {  	s3 =	sshll.u32 @!p1 s2, $0x2;
	p2 =	sgt.s32 @!p1 s2, $0xEF;
	s0 =	smul.u32 @!p1 $0x3C0, s0  }
0x3c: {  	s4 =	sand.u32 @!p1 $0x7, s19;
	s2 =	ssub.s32 @!p1 $0x3C0, s3;
	p2 =	por !p2, p1  }
0x3d: {  	s3 =	sshrl.u32 @!p1 s19, $0x3;
	s2 =	sshrl.u32 @!p1 s2, $0x2;
	s0 =	sshrl.u32 @!p1 s0, $0x2  }
0x3e: {  	s3 =	sadd.s32 @!p1 s3, s14;
	s2 =	simm.s32 @!p2 $0x0;
	s0 =	sadd.s32 @!p1 $0x10248, s0  }
0x3f: {  	[tilespmem:s0], [sflag:$0xA] =	stream.linear.gather @!p1 [hbm4b:s3+s4], s2, $0x38;
	[tilespmem:$0x1F6F8] =	vst v63  }
0x40: {  	s0 =	sadd.s32 $0xFFFFFFFF, s21  }
0x41: {  	p1 =	sge.u32 s0, s13  }
0x42: {  	p2 =	sgt.s32 @!p1 s20, $0x27010  }
0x43: {  	s2 =	smov.u32 s20;
	s3 =	sshra.s32 @!p1 s20, $0x1F;
	p2 =	por !p2, p1  }
0x44: {  	s3 =	sand.u32 @!p1 s3, s20;
	s2 =	simm.s32 @p2 $0x27010  }
0x45: {  	s2 =	ssub.s32 @!p1 s2, s3  }
0x46: {  	s2 =	sadd.s32 @!p1 $0xFFFD8FF0, s2  }
0x47: {  	s4 =	sand.u32 @!p1 $0x1, s0;
	s3 =	sshll.u32 @!p1 s2, $0x2  }
0x48: {  	p2 =	sgt.s32 @!p1 s2, $0xEF;
	s2 =	ssub.s32 @!p1 $0x3C0, s3;
	s3 =	smulhi.u32 @!p1 $0xAAAAAAAB, s0  }
0x49: {  	s23 =	smul.u32 @!p1 $0x3C0, s4;
	p2 =	por !p2, p1;
	s2 =	sshrl.u32 @!p1 s2, $0x2  }
0x4a: {  	s5 =	simm.s32 @!p1 $0xA;
	s2 =	simm.s32 @!p2 $0x0;
	s3 =	sshrl.u32 @!p1 s3, $0x1  }
0x4b: {  	s23 =	sshrl.u32 @!p1 s23, $0x2;
	_ =	swait.ge @!p1 [sflag:s5], s2;
	s3 =	smul.u32 @!p1 $0x3, s3  }
0x4c: {  	s23 =	sadd.s32 @!p1 $0x10518, s23;
	s24 =	ssub.s32 @!p1 $0x0, s2;
	[sflag:s5] =	ssyncset.done @!p1 $0x0  }
0x4d: {  	[sflag:s5] =	ssyncadd.s32 @!p1 s24;
	s5 =	sshrl.u32 @!p1 s20, $0x3;
	s0 =	ssub.s32 @!p1 s0, s3  }
0x4e: {  	s24 =	sand.u32 @!p1 $0x7, s20;
	s5 =	sadd.s32 @!p1 s5, s15;
	s0 =	smul.u32 @!p1 $0x3C0, s0  }
0x4f: {  	[tilespmem:s23], [sflag:$0xB] =	stream.linear.gather @!p1 [hbm4b:s5+s24], s2, $0x38;
	[tilespmem:$0x1F6F8] =	vst v63  }
0x50: {  	s3 =	ssub.s32 @!p1 $0x27100, s20;
	s2 =	smul.u32 @!p1 $0x1E000, s4  }
0x51: {  	p2 =	slt.s32 @!p1 s3, $0xF0  }
0x52: {  	p2 =	por !p2, p1;
	s0 =	sshrl.u32 @!p1 s0, $0x2;
	s2 =	sshrl.u32 @!p1 s2, $0x2  }
0x53: {  	s3 =	simm.s32 @p2 $0xF0;
	s0 =	sadd.s32 @!p1 $0x10248, s0;
	s2 =	sor.u32 @!p1 $0x106F8, s2  }
0x54: {  	[tilespmem:s2], [sflag:$0x9] =	stream.indirect.gather @!p1 [hbm4b:s6+s3], $0x80, s0, s3, $0xb8;
	[tilespmem:$0x1F6F8] =	vst v63  }
0x55: {  	p1 =	slt.u32 s21, $0x2  }
.Ltmp3:
0x56: {  	_ = 	snop;
	(pc) =	sbr.rel @p1 .LBB2_21-.Ltmp3, $1  }
0x57: {  	_ =	sdelay $0x3  }
0x58: {  	p1 =	sgt.s32 s22, $0x27010  }
0x59: {  	s0 =	smov.u32 s22;
	s2 =	sshra.s32 s22, $0x1F;
	s3 =	ssub.s32 $0x27100, s22  }
0x5a: {  	s0 =	simm.s32 @!p1 $0x27010;
	s2 =	sand.u32 s2, s22;
	p1 =	slt.s32 s3, $0xF0  }
0x5b: {  	s0 =	ssub.s32 s0, s2;
	s3 =	simm.s32 @!p1 $0xF0  }
0x5c: {  	s0 =	sadd.s32 $0xFFFD8FF0, s0;
	s25 =	sshll.u32 s3, $0x7  }
0x5d: {  	s26 =	sshll.u32 s0, $0x2;
	s2 =	sand.u32 $0x3FFFFF80, s25  }
0x5e: {  	p1 =	sgt.s32 s0, $0xEF;
	s29 =	ssub.s32 $0x3C0, s26;
	_ =	swait.ge [sflag:s10], s2  }
0x5f: {  	s2 =	ssub.s32 $0x0, s2;
	[sflag:s10] =	ssyncset.done $0x0;
	s0 =	sshrl.u32 s29, $0x2  }
0x60: {  	[sflag:s10] =	ssyncadd.s32 s2;
	s0 =	simm.s32 @p1 $0x0  }
0x61: {  	_ =	swait.ge [sflag:s11], s0  }
0x62: {  	s0 =	ssub.s32 $0x0, s0;
	[sflag:s11] =	ssyncset.done $0x0  }
0x63: {  	[sflag:s11] =	ssyncadd.s32 s0  }
0x64: {  	v1 =	vld [tilespmem:$0xF208];
	_ =	sdelay $0x4  }
0x65: {  	(v2sf) =	vpush v1, $0x0  }
0x66: {  	(v2sf) =	vpush v1, $0x1  }
0x67: {  	(v2sf) =	vpush v1, $0x2;
	_ =	sdelay $0x3  }
0x68: {  	s0 =	sadd.s32 $0xF0, s22  }
0x69: {  	s2 =	ssub.s32 $0x4E200, s22;
	p1 =	slt.s32 s8, s0  }
0x6a: {  	s0 =	smov.u32 @p1 s8;
	p1 =	sgt.s32 s2, $0x0  }
0x6b: {  	s26 =	ssub.s32 s0, s22;
	s2 =	simm.s32 @!p1 $0x0  }
0x6c: {  	p1 =	slt.s32 s2, s26  }
0x6d: {  	s26 =	smov.u32 @p1 s2  }
0x6e: {  	s25 =	simm.s32 $0x1;
	p1 =	slt.s32 s26, $0x1  }
.Ltmp4:
0x6f: {  	s25 =	simm.s32 @!p0 $0x0;
	(pc) =	sbr.rel @p1 .LBB2_8-.Ltmp4, $4  }
0x70: {  	s31 =	smul.u32 $0x3C0, s25  }
0x71: {  	s28 =	spop (v2sf)  }
0x72: {  	s0 =	sshrl.u32 s31, $0x2;
	s30 =	spop (v2sf)  }
0x73: {  	s23 =	sadd.s32 $0x10518, s0;
	s22 =	spop (v2sf)  }
0x74: {  	s0 =	smin.u32 s26, $0x10  }
0x75: {  	v1 =	vmov s0  }
0x76: {  	p2 =	sgt.s32 s26, $0x10;
	vm1 =	vgt.u32 v1, v0  }
.Ltmp5:
0x77: {  	_ = 	snop;
	(pc) =	sbr.rel @!p2 .LBB2_7-.Ltmp5, $2  }
0x78: {  	_ =	sdelay $0x2  }
0x79: {  	s4 =	simm.s32 $0x10;
	s24 =	sadd.s32 $0xFFFFFFF0, s26;
	s0 =	smov.u32 s23;
	vm0 =	vmmov vm1  }
.LBB2_6:
0x7a: {  	s2 =	smin.u32 s24, $0x10;
	s4 =	sadd.s32 $0x10, s4;
	v1 =	vld.msk [tilespmem:s0+$0x0 ss:$0x1], vm1  }
0x7b: {  	v2 =	vmov s2;
	p2 =	slt.s32 s4, s26  }
0x7c: {  	vm1 =	vgt.u32 v2, v0  }
.Ltmp6:
0x7d: {  	(pc) =	sbr.rel @p2 .LBB2_6-.Ltmp6, $3  }
0x7e: {  	_ =	sdelay $0x1  }
0x7f: {  	v1 =	vshll.u32 v1, $0x4  }
0x80: {  	s24 =	sadd.s32 $0xFFFFFFF0, s24;
	[tilespmem:s0+$0x0] =	vst.msk vm0, v1;
	s0 =	sadd.s32 $0x10, s0;
	vm0 =	vmmov vm1  }
.LBB2_7:
0x81: {  	_ =	sdelay $0x4  }
0x82: {  	v1 =	vld.msk [tilespmem:s0+$0x0 ss:$0x1], vm1;
	_ =	sdelay $0x4  }
0x83: {  	v1 =	vshll.u32 v1, $0x4  }
0x84: {  	[tilespmem:s0+$0x0] =	vst.msk vm0, v1  }
.LBB2_8:
0x85: {  	s0 =	sand.u32 $0x1, s21  }
0x86: {  	s0 =	smul.u32 $0xF0, s0  }
0x87: {  	p2 =	sne.s32 s30, $0xFFFFFFFF  }
0x88: {  	v1 =	vld.msk @!p2 [tilespmem:s0+$0x10518], $0x1;
	_ =	sdelay $0x4  }
0x89: {  	(v2sf) =	vpush @!p2 v1, $0x0;
	_ =	sdelay $0xc  }
.Ltmp7:
0x8a: {  	_ = 	snop;
	(pc) =	sbr.rel @p1 .LBB2_19-.Ltmp7, $4  }
0x8b: {  	_ = 	snop  }
0x8c: {  	s29 =	spop @!p2 (v2sf)  }
0x8d: {  	s22 =	simm.s32 @!p2 $0x0;
	s24 =	smov.u32 s29  }
0x8e: {  	[sflag:s18] =	ssyncpa.u1 $0x0;
	s29 =	smov.u32 @p2 s28;
	s24 =	smov.u32 @p2 s30  }
0x8f: {  	v1 =	vld.msk [tilespmem:s23+$0x0], $0x1;
	_ =	sdelay $0x4  }
0x90: {  	(v2sf) =	vpush v1, $0x0;
	_ =	sdelay $0xe  }
0x91: {  	s2 =	smul.u32 $0x1E000, s25;
	s0 =	spop (v2sf)  }
0x92: {  	s26 =	ssub.s32 $0x0, s26;
	p1 =	seq.s32 s29, s0  }
0x93: {  	s30 =	sadd.s32 $0x1, s26;
	s2 =	sshrl.u32 s2, $0x2;
	p2 =	sgt.s32 @!p1 s29, $0x0  }
0x94: {  	s25 =	sor.u32 $0x10738, s2;
	s2 =	smov.u32 s29;
	p2 =	por !p2, p1  }
0x95: {  	s2 =	simm.s32 @p2 $0x0;
	p2 =	seq.s32 s30, $0x0  }
.Ltmp8:
0x96: {  	_ = 	snop;
	(pc) =	sbr.rel @p2 .LBB2_11-.Ltmp8, $4  }
0x97: {  	_ = 	snop  }
0x98: {  	s28 =	simm.s32 $0x0;
	s31 =	sadd.s32 $0x1, s23;
	s2 =	smin.u32 @!p1 s2, $0x270F0  }
0x99: {  	s4 =	simm.s32 @!p1 $0x1;
	s5 =	simm.s32 @!p1 $0x7988;
	s3 =	sand.u32 @!p1 $0x3FFF8, s2  }
0x9a: {  	s4 =	smov.u32 @p1 s28;
	s2 =	sand.u32 @!p1 $0x7, s2;
	s3 =	sadd.s32 @!p1 s1, s3  }
.LBB2_10:
0x9b: {  	s9 =	smov.u32 s4  }
0x9c: {  	[tilespmem:s5], [sflag:$0x2] =	stream.linear.gather @!p1 [hbm4b:s3+s2], $0x80, $0x38;
	[tilespmem:$0x1F6F8] =	vst v63  }
0x9d: {  	s30 =	sadd.s32 $0x1, s30;
	s2 =	smov.u32 s0;
	v1 =	vld.msk [tilespmem:s31+$0x0], $0x1  }
0x9e: {  	p2 =	seq.s32 s30, $0x0;
	_ =	sdelay $0x3  }
0x9f: {  	(v2sf) =	vpush v1, $0x0;
	_ =	sdelay $0xe  }
0xa0: {  	s0 =	spop (v2sf)  }
0xa1: {  	p1 =	seq.s32 s2, s0  }
0xa2: {  	p3 =	sgt.s32 @!p1 s2, $0x0;
	s3 =	sshll.u32 @!p1 s4, $0x9;
	s4 =	sadd.s32 @!p1 $0x1, s4  }
.Ltmp9:
0xa3: {  	p3 =	por !p3, p1;
	s3 =	sshra.s32 @!p1 s3, $0x2;
	(pc) =	sbr.rel @!p2 .LBB2_10-.Ltmp9, $4  }
0xa4: {  	s4 =	smov.u32 @p1 s9;
	s2 =	simm.s32 @p3 $0x0;
	s5 =	sadd.s32 @!p1 $0x7988, s3  }
0xa5: {  	s2 =	smin.u32 @!p1 s2, $0x270F0  }
0xa6: {  	s3 =	sand.u32 @!p1 $0x3FFF8, s2;
	s2 =	sand.u32 @!p1 $0x7, s2  }
0xa7: {  	s31 =	sadd.s32 $0x1, s31;
	s3 =	sadd.s32 @!p1 s1, s3  }
.LBB2_11:
0xa8: {  	[tilespmem:s5], [sflag:$0x2] =	stream.linear.gather @!p1 [hbm4b:s3+s2], $0x80, $0x38;
	[tilespmem:$0x1F6F8] =	vst v63  }
.Ltmp10:
0xa9: {  	s0 =	sshll.u32 s4, $0x7;
	(pc) =	sbr.rel .LBB2_12-.Ltmp10, $4  }
0xaa: {  	s30 =	simm.s32 $0x2;
	s0 =	sand.u32 $0x3FFFFF80, s0  }
0xab: {  	_ =	swait.ge [sflag:s30], s0  }
0xac: {  	s0 =	ssub.s32 $0x0, s0;
	[sflag:s30] =	ssyncset.done $0x0  }
0xad: {  	s31 =	simm.s32 $0x0;
	[sflag:s30] =	ssyncadd.s32 s0  }
.LBB2_13:
0xae: {  	v1 =	vld [tilespmem:s25+$0xFFFFFFC0];
	_ =	sdelay $0x3  }
0xaf: {  	s0 =	sshra.s32 s0, $0x2  }
0xb0: {  	[tilespmem:s0+$0x108] =	vst.add.f32.msk $0xffff, v1  }
0xb1: {  	v1 =	vld [tilespmem:s25+$0xFFFFFFD0];
	_ =	sdelay $0x4  }
0xb2: {  	[tilespmem:s0+$0x118] =	vst.add.f32.msk $0xffff, v1  }
0xb3: {  	v1 =	vld [tilespmem:s25+$0xFFFFFFE0];
	_ =	sdelay $0x4  }
0xb4: {  	[tilespmem:s0+$0x128] =	vst.add.f32.msk $0xffff, v1  }
0xb5: {  	v1 =	vld [tilespmem:s25+$0xFFFFFFF0];
	_ =	sdelay $0x4  }
0xb6: {  	[tilespmem:s0+$0x138] =	vst.add.f32.msk $0xffff, v1  }
0xb7: {  	v1 =	vld [tilespmem:s25+$0x0];
	_ =	sdelay $0x4  }
0xb8: {  	[tilespmem:s0+$0x148] =	vst.add.f32.msk $0xffff, v1  }
0xb9: {  	v1 =	vld [tilespmem:s25+$0x10];
	_ =	sdelay $0x4  }
0xba: {  	[tilespmem:s0+$0x158] =	vst.add.f32.msk $0xffff, v1  }
0xbb: {  	v1 =	vld [tilespmem:s25+$0x20];
	_ =	sdelay $0x4  }
0xbc: {  	[tilespmem:s0+$0x168] =	vst.add.f32.msk $0xffff, v1  }
0xbd: {  	v1 =	vld [tilespmem:s25+$0x30];
	_ =	sdelay $0x4  }
0xbe: {  	[tilespmem:s0+$0x178] =	vst.add.f32.msk $0xffff, v1  }
.LBB2_17:
0xbf: {  	s26 =	sadd.s32 $0x1, s26  }
0xc0: {  	p1 =	seq.s32 s26, $0x0  }
.Ltmp11:
0xc1: {  	_ = 	snop;
	(pc) =	sbr.rel @p1 .LBB2_18-.Ltmp11, $2  }
0xc2: {  	_ =	sdelay $0x2  }
0xc3: {  	s23 =	sadd.s32 $0x1, s23;
	s25 =	sadd.s32 $0x80, s25;
	s29 =	smov.u32 s30  }
.LBB2_12:
0xc4: {  	v1 =	vld.msk [tilespmem:s23+$0x0], $0x1;
	_ =	sdelay $0x4  }
0xc5: {  	(v2sf) =	vpush v1, $0x0;
	_ =	sdelay $0xe  }
0xc6: {  	s30 =	spop (v2sf)  }
0xc7: {  	p1 =	sne.s32 s29, s30  }
.Ltmp12:
0xc8: {  	_ = 	snop;
	(pc) =	sbr.rel @!p1 .LBB2_13-.Ltmp12, $2  }
0xc9: {  	_ =	sdelay $0x2  }
0xca: {  	s0 =	sshll.u32 s22, $0x9  }
0xcb: {  	p1 =	seq.s32 s29, s24  }
.Ltmp13:
0xcc: {  	_ = 	snop;
	(pc) =	sbr.rel @!p1 .LBB2_15-.Ltmp13, $1  }
0xcd: {  	_ =	sdelay $0x3  }
0xce: {  	s0 =	sshra.s32 s0, $0x2  }
.Ltmp14:
0xcf: {  	s0 =	sadd.s32 $0x108, s0;
	(pc) =	sbr.rel .LBB2_16-.Ltmp14, $4  }
0xd0: {  	[spmem:s16] =	stream.linear.scatter [tilespmem:s0], [sflag:$0x1], $0x80, $0x38;
	[tilespmem:$0x1F6F8] =	vst v63  }
0xd1: {  	_ =	swait.ge [sflag:s12], $0x80  }
0xd2: {  	[sflag:s12] =	ssyncset.done $0x0  }
0xd3: {  	[sflag:s12] =	ssyncadd.s32 $0xFFFFFF80  }
.LBB2_15:
0xd4: {  	s2 =	sshll.u32 s28, $0x9  }
0xd5: {  	s2 =	sshra.s32 s2, $0x2  }
0xd6: {  	v1 =	vld [tilespmem:s2+$0x7988];
	_ =	sdelay $0x3  }
0xd7: {  	s0 =	sshra.s32 s0, $0x2  }
0xd8: {  	[tilespmem:s0+$0x108] =	vst.add.f32.msk $0xffff, v1  }
0xd9: {  	v1 =	vld [tilespmem:s2+$0x7998];
	_ =	sdelay $0x4  }
0xda: {  	[tilespmem:s0+$0x118] =	vst.add.f32.msk $0xffff, v1  }
0xdb: {  	v1 =	vld [tilespmem:s2+$0x79A8];
	_ =	sdelay $0x4  }
0xdc: {  	[tilespmem:s0+$0x128] =	vst.add.f32.msk $0xffff, v1  }
0xdd: {  	v1 =	vld [tilespmem:s2+$0x79B8];
	_ =	sdelay $0x4  }
0xde: {  	[tilespmem:s0+$0x138] =	vst.add.f32.msk $0xffff, v1  }
0xdf: {  	v1 =	vld [tilespmem:s2+$0x79C8];
	_ =	sdelay $0x4  }
0xe0: {  	[tilespmem:s0+$0x148] =	vst.add.f32.msk $0xffff, v1  }
0xe1: {  	v1 =	vld [tilespmem:s2+$0x79D8];
	_ =	sdelay $0x4  }
0xe2: {  	[tilespmem:s0+$0x158] =	vst.add.f32.msk $0xffff, v1  }
0xe3: {  	v1 =	vld [tilespmem:s2+$0x79E8];
	_ =	sdelay $0x4  }
0xe4: {  	[tilespmem:s0+$0x168] =	vst.add.f32.msk $0xffff, v1  }
0xe5: {  	v1 =	vld [tilespmem:s2+$0x79F8];
	_ =	sdelay $0x2  }
0xe6: {  	p1 =	sgt.u32 s29, $0x270F0  }
0xe7: {  	s2 =	sand.u32 @!p1 $0x3FFF8, s29  }
0xe8: {  	s3 =	sadd.s32 $0x108, s0;
	[tilespmem:s0+$0x178] =	vst.add.f32.msk $0xffff, v1;
	s0 =	sadd.s32 @!p1 s1, s2;
	s2 =	sand.u32 @!p1 $0x7, s29  }
0xe9: {  	[hbm4b:s0+s2] =	stream.linear.scatter @!p1 [tilespmem:s3], [sflag:$0xC], $0x80, $0x38;
	[tilespmem:$0x1F6F8] =	vst v63  }
0xea: {  	s0 =	simm.s32 $0x0  }
0xeb: {  	s0 =	simm.s32 @!p1 $0x200  }
0xec: {  	s31 =	sadd.s32 s0, s31  }
.LBB2_16:
0xed: {  	s0 =	sadd.s32 $0x1, s22  }
0xee: {  	s2 =	smulhi.u32 $0x88888889, s0;
	_ =	sdelay $0x1  }
0xef: {  	v1 =	vld [tilespmem:s25+$0xFFFFFFC0];
	s2 =	sshrl.u32 s2, $0x7  }
0xf0: {  	s2 =	smul.u32 $0xF0, s2;
	_ =	sdelay $0x1  }
0xf1: {  	s22 =	ssub.s32 s0, s2  }
0xf2: {  	s0 =	sshll.u32 s22, $0x7  }
0xf3: {  	[tilespmem:s0+$0x108] =	vst v1  }
0xf4: {  	v1 =	vld [tilespmem:s25+$0xFFFFFFD0];
	_ =	sdelay $0x4  }
0xf5: {  	[tilespmem:s0+$0x118] =	vst v1  }
0xf6: {  	v1 =	vld [tilespmem:s25+$0xFFFFFFE0];
	_ =	sdelay $0x4  }
0xf7: {  	[tilespmem:s0+$0x128] =	vst v1  }
0xf8: {  	v1 =	vld [tilespmem:s25+$0xFFFFFFF0];
	_ =	sdelay $0x4  }
0xf9: {  	[tilespmem:s0+$0x138] =	vst v1  }
0xfa: {  	v1 =	vld [tilespmem:s25+$0x0];
	_ =	sdelay $0x4  }
0xfb: {  	[tilespmem:s0+$0x148] =	vst v1  }
0xfc: {  	v1 =	vld [tilespmem:s25+$0x10];
	_ =	sdelay $0x4  }
0xfd: {  	[tilespmem:s0+$0x158] =	vst v1  }
0xfe: {  	v1 =	vld [tilespmem:s25+$0x20];
	_ =	sdelay $0x4  }
0xff: {  	[tilespmem:s0+$0x168] =	vst v1  }
0x100: {  	v1 =	vld [tilespmem:s25+$0x30]  }
.Ltmp15:
0x101: {  	_ = 	snop;
	(pc) =	sbr.rel .LBB2_17-.Ltmp15, $2  }
0x102: {  	_ =	sdelay $0x2  }
0x103: {  	s28 =	sadd.s32 $0x1, s28;
	[tilespmem:s0+$0x178] =	vst v1  }
.LBB2_19:
.Ltmp16:
0x104: {  	(pc) =	sbr.rel .LBB2_20-.Ltmp16, $4  }
0x105: {  	_ = 	snop  }
0x106: {  	s0 =	simm.s32 $0x2  }
0x107: {  	_ =	swait.ge [sflag:s0], $0x0  }
0x108: {  	s30 =	smov.u32 s29;
	[sflag:s0] =	ssyncset.done $0x0;
	s0 =	simm.s32 $0x0  }
.LBB2_22:
0x109: {  	_ =	sfence.sel $0x180000  }
0x10a: {  	s0 =	simm.s32 $0x9;
	[bflag:$0x0] =	sbarrier.arrive $0xFFFF  }
0x10b: {  	s24 =	simm.s32 $0xA;
	[sflag:s0] =	ssyncpa.u1 $0x1  }
0x10c: {  	s25 =	simm.s32 $0xB;
	[sflag:s24] =	ssyncpa.u1 $0x1  }
0x10d: {  	s26 =	simm.s32 $0x2;
	[sflag:s25] =	ssyncpa.u1 $0x1  }
0x10e: {  	[sflag:s26] =	ssyncpa.u1 $0x1  }
0x10f: {  	v0 =	vld [tilespmem:$0xF208];
	_ =	sdelay $0x4  }
0x110: {  	(v2sf) =	vpush v0, $0x0  }
0x111: {  	(v2sf) =	vpush v0, $0x1;
	_ =	sdelay $0x1  }
0x112: {  	(v2sf) =	vpush v0, $0x2;
	_ =	sdelay $0xb  }
0x113: {  	s0 =	spop (v2sf)  }
0x114: {  	s2 =	spop (v2sf)  }
0x115: {  	s3 =	smov.u32 s0;
	p0 =	sne.s32 s0, s2  }
0x116: {  	s4 =	spop (v2sf);
	s3 =	simm.s32 @!p0 $0xFFFFFFFF  }
0x117: {  	v2 =	vimm.s32 $0x1;
	v3 =	vlaneseq.u32;
	p0 =	seq.s32 s4, $0xFFFFFFFF;
	v1 =	vmov s3  }
0x118: {  	s16 =	stileid.u32;
	v0 =	vperm.xlane v0, v2;
	p1 =	sne.s32 @!p0 s0, s2;
	v1 =	vperm.xlane v1, v3  }
0x119: {  	vm0 =	vcmask $0x3F04;
	s6 =	simm.s32 $0xF208;
	s0 =	simm.s32 @!p0 $0x1;
	p1 =	por !p1, p0  }
0x11a: {  	s3 =	sshll.u32 s16, $0x1;
	s2 =	sshll.u32 @!p0 s4, $0x9;
	s0 =	simm.s32 @p1 $0x0;
	v0 =	vsel vm0, v1, v0  }
0x11b: {  	s5 =	sor.u32 $0x1000, s3;
	s2 =	sshra.s32 @!p0 s2, $0x2;
	s0 =	sor.u32 @!p0 s0, s3;
	[tilespmem:$0xF208] =	vst v0  }
0x11c: {  	[spmem:s5] =	stream.linear.scatter [tilespmem:s6], [sflag:$0x1], $0x2, $0x38;
	[tilespmem:$0x1F6F8] =	vst v63  }
0x11d: {  	s2 =	sadd.s32 @!p0 $0x108, s2;
	s0 =	sshll.u32 @!p0 s0, $0x7  }
0x11e: {  	[spmem:s0] =	stream.linear.scatter @!p0 [tilespmem:s2], [sflag:$0x1], $0x80, $0x38;
	[tilespmem:$0x1F6F8] =	vst v63  }
0x11f: {  	s0 =	simm.s32 @!p0 $0x82  }
0x120: {  	s28 =	simm.s32 $0x1;
	s0 =	simm.s32 @p0 $0x2  }
0x121: {  	_ =	swait.ge [sflag:s28], s0  }
0x122: {  	s0 =	ssub.s32 $0x0, s0;
	[sflag:s28] =	ssyncset.done $0x0  }
0x123: {  	p0 =	sne.s32 s16, $0x0;
	[sflag:s28] =	ssyncadd.s32 s0  }
.Ltmp17:
0x124: {  	_ =	sfence.stream.spmem;
	(pc) =	sbr.rel @p0 .LBB2_39-.Ltmp17, $4  }
0x125: {  	s29 =	simm.s32 $0x3;
	[bflag:$0x0] =	sbarrier.arrive $0xFFFF  }
0x126: {  	s30 =	simm.s32 $0x4;
	[sflag:s29] =	ssyncpa.u1 $0x1  }
0x127: {  	s31 =	simm.s32 $0x3C;
	[sflag:s30] =	ssyncpa.u1 $0x1  }
0x128: {  	s15 =	rddreg [dreg:$0x4];
	[sflag:s31] =	ssyncpa.u1 $0x1  }
0x129: {  	_ =	sfence.stream.spmem;
	s0 =	simm.s32 $0x5  }
0x12a: {  	s2 =	simm.s32 $0x1000;
	s3 =	simm.s32 $0xF218;
	[sflag:s0] =	ssyncpa.u1 $0x0  }
0x12b: {  	[tilespmem:s3], [sflag:$0x5] =	stream.linear.gather [spmem:s2], $0x20, $0x38;
	[tilespmem:$0x1F6F8] =	vst v63  }
0x12c: {  	s26 =	simm.s32 $0x0;
	s28 =	simm.s32 $0xF238  }
0x12d: {  	[tilespmem:s28], [sflag:$0x5] =	stream.linear.gather [spmem:s26], $0x1000, $0x38;
	[tilespmem:$0x1F6F8] =	vst v63  }
0x12e: {  	_ =	swait.ge [sflag:s0], $0x1020  }
0x12f: {  	[sflag:s0] =	ssyncset.done $0x0  }
0x130: {  	s29 =	simm.s32 $0x0;
	[sflag:s0] =	ssyncadd.s32 $0xFFFFEFE0  }
0x131: {  	v0 =	vld.msk [tilespmem:s29+$0xF218], $0x1;
	_ =	sdelay $0x1  }
0x132: {  	s30 =	simm.s32 $0x1  }
0x133: {  	v1 =	vld.msk [tilespmem:s30+$0xF218], $0x1;
	_ =	sdelay $0x1  }
0x134: {  	(v2sf) =	vpush v0, $0x0;
	_ =	sdelay $0x2  }
0x135: {  	(v2sf) =	vpush v1, $0x0;
	_ =	sdelay $0x2  }
0x136: {  	s31 =	simm.s32 $0x2  }
0x137: {  	v0 =	vld.msk [tilespmem:s31+$0xF218], $0x1;
	_ =	sdelay $0x2  }
0x138: {  	s4 =	simm.s32 $0xFFFFFFFF;
	s5 =	simm.s32 $0xFFFFFFFF;
	s0 =	simm.s32 $0xC  }
.LBB2_24:
0x139: {  	s2 =	smov.u32 s5;
	s3 =	smov.u32 s4  }
0x13a: {  	s4 =	sshra.s32 s0, $0x2;
	p1 =	sne.s32 s0, $0x7C;
	s0 =	sadd.s32 $0x4, s0;
	(v2sf) =	vpush v0, $0x0  }
0x13b: {  	v0 =	vld.msk [tilespmem:s4+$0xF218], $0x1  }
.Ltmp18:
0x13c: {  	(pc) =	sbr.rel @p1 .LBB2_24-.Ltmp18, $4  }
0x13d: {  	s5 =	spop (v2sf)  }
0x13e: {  	p2 =	sne.s32 s3, $0xFFFFFFFF;
	s4 =	smov.u32 s5  }
0x13f: {  	p3 =	seq.s32 s5, $0xFFFFFFFF;
	s4 =	smov.u32 @p2 s3  }
0x140: {  	s5 =	smov.u32 @p3 s2;
	s4 =	smov.u32 @p3 s3  }
0x141: {  	(v2sf) =	vpush v0, $0x0;
	_ =	sdelay $0x8  }
0x142: {  	s0 =	spop (v2sf)  }
0x143: {  	p1 =	sne.s32 s4, $0xFFFFFFFF;
	s2 =	smov.u32 s0  }
0x144: {  	s9 =	simm.s32 $0x6;
	p2 =	seq.s32 s0, $0xFFFFFFFF;
	s2 =	smov.u32 @p1 s4  }
0x145: {  	s6 =	simm.s32 $0x0;
	s2 =	smov.u32 @p2 s4;
	s3 =	spop (v2sf)  }
0x146: {  	s0 =	smov.u32 @p2 s5;
	p1 =	sne.s32 s2, $0xFFFFFFFF;
	s4 =	smov.u32 s3  }
.Ltmp19:
0x147: {  	p2 =	seq.s32 s3, $0xFFFFFFFF;
	s4 =	smov.u32 @p1 s2;
	(pc) =	sbr.rel .LBB2_26-.Ltmp19, $4  }
0x148: {  	s10 =	simm.s32 $0xF188;
	s4 =	smov.u32 @p2 s2;
	s7 =	spop (v2sf)  }
0x149: {  	s11 =	simm.s32 $0x0;
	p1 =	sne.s32 s4, $0xFFFFFFFF;
	s8 =	smov.u32 s7  }
0x14a: {  	s3 =	smov.u32 @p2 s0;
	p2 =	seq.s32 s7, $0xFFFFFFFF;
	s8 =	smov.u32 @p1 s4  }
0x14b: {  	[sflag:s9] =	ssyncpa.u1 $0x0;
	s7 =	smov.u32 @p2 s3;
	s8 =	smov.u32 @p2 s4  }
.LBB2_32:
0x14c: {  	p1 =	sgt.u32 s12, $0x270F0  }
0x14d: {  	p2 =	seq.s32 @!p1 s12, s8  }
0x14e: {  	p1 =	por p1, p2  }
0x14f: {  	p2 =	sne.s32 @!p1 s12, s7  }
0x150: {  	p1 =	por p1, !p2  }
0x151: {  	s0 =	sshll.u32 @p1 s11, $0x9  }
0x152: {  	s0 =	sand.u32 @!p1 $0x3FFF8, s12  }
0x153: {  	s2 =	sand.u32 @!p1 $0x7, s12;
	s0 =	sadd.s32 @!p1 s1, s0  }
0x154: {  	[tilespmem:s10], [sflag:$0x6] =	stream.linear.gather @!p1 [hbm4b:s0+s2], $0x80, $0x38;
	[tilespmem:$0x1F6F8] =	vst v63  }
0x155: {  	_ =	swait.ge @!p1 [sflag:s9], $0x80  }
0x156: {  	[sflag:s9] =	ssyncset.done @!p1 $0x0  }
0x157: {  	[sflag:s9] =	ssyncadd.s32 @!p1 $0xFFFFFF80  }
0x158: {  	v1 =	vld @!p1 [tilespmem:$0xF188];
	_ =	sdelay $0x2  }
0x159: {  	s0 =	sshll.u32 @!p1 s11, $0x9  }
0x15a: {  	s2 =	sshrl.u32 @!p1 s0, $0x2  }
0x15b: {  	[tilespmem:s2+$0xF238] =	vst.add.f32.msk @!p1 $0xffff, v1  }
0x15c: {  	v1 =	vld @!p1 [tilespmem:$0xF198];
	_ =	sdelay $0x4  }
0x15d: {  	[tilespmem:s2+$0xF248] =	vst.add.f32.msk @!p1 $0xffff, v1  }
0x15e: {  	v1 =	vld @!p1 [tilespmem:$0xF1A8];
	_ =	sdelay $0x4  }
0x15f: {  	[tilespmem:s2+$0xF258] =	vst.add.f32.msk @!p1 $0xffff, v1  }
0x160: {  	v1 =	vld @!p1 [tilespmem:$0xF1B8];
	_ =	sdelay $0x4  }
0x161: {  	[tilespmem:s2+$0xF268] =	vst.add.f32.msk @!p1 $0xffff, v1  }
0x162: {  	v1 =	vld @!p1 [tilespmem:$0xF1C8];
	_ =	sdelay $0x4  }
0x163: {  	[tilespmem:s2+$0xF278] =	vst.add.f32.msk @!p1 $0xffff, v1  }
0x164: {  	v1 =	vld @!p1 [tilespmem:$0xF1D8];
	_ =	sdelay $0x4  }
0x165: {  	[tilespmem:s2+$0xF288] =	vst.add.f32.msk @!p1 $0xffff, v1  }
0x166: {  	v1 =	vld @!p1 [tilespmem:$0xF1E8];
	_ =	sdelay $0x4  }
0x167: {  	[tilespmem:s2+$0xF298] =	vst.add.f32.msk @!p1 $0xffff, v1  }
0x168: {  	v1 =	vld @!p1 [tilespmem:$0xF1F8];
	_ =	sdelay $0x4  }
0x169: {  	[tilespmem:s2+$0xF2A8] =	vst.add.f32.msk @!p1 $0xffff, v1  }
0x16a: {  	s0 =	sshrl.u32 s0, $0x2;
	[tilespmem:s6+$0xF218] =	vst.msk $0x1, v0  }
0x16b: {  	v0 =	vld [tilespmem:s0+$0xF238];
	_ =	sdelay $0x2  }
0x16c: {  	s31 =	sshll.u32 s6, $0x9  }
0x16d: {  	s2 =	sshra.s32 s31, $0x2  }
0x16e: {  	[tilespmem:s2+$0xF238] =	vst v0  }
0x16f: {  	v0 =	vld [tilespmem:s0+$0xF248];
	_ =	sdelay $0x4  }
0x170: {  	[tilespmem:s2+$0xF248] =	vst v0  }
0x171: {  	v0 =	vld [tilespmem:s0+$0xF258];
	_ =	sdelay $0x4  }
0x172: {  	[tilespmem:s2+$0xF258] =	vst v0  }
0x173: {  	v0 =	vld [tilespmem:s0+$0xF268];
	_ =	sdelay $0x4  }
0x174: {  	[tilespmem:s2+$0xF268] =	vst v0  }
0x175: {  	v0 =	vld [tilespmem:s0+$0xF278];
	_ =	sdelay $0x4  }
0x176: {  	[tilespmem:s2+$0xF278] =	vst v0  }
0x177: {  	v0 =	vld [tilespmem:s0+$0xF288];
	_ =	sdelay $0x4  }
0x178: {  	[tilespmem:s2+$0xF288] =	vst v0  }
0x179: {  	v0 =	vld [tilespmem:s0+$0xF298];
	_ =	sdelay $0x4  }
0x17a: {  	[tilespmem:s2+$0xF298] =	vst v0  }
0x17b: {  	v0 =	vld [tilespmem:s0+$0xF2A8];
	_ =	sdelay $0x4  }
0x17c: {  	s6 =	sadd.s32 $0x1, s6;
	[tilespmem:s2+$0xF2A8] =	vst v0  }
.LBB2_33:
0x17d: {  	s11 =	sadd.s32 $0x1, s11  }
0x17e: {  	p1 =	sne.s32 s11, $0x20  }
.Ltmp20:
0x17f: {  	_ = 	snop;
	(pc) =	sbr.rel @!p1 .LBB2_34-.Ltmp20, $1  }
0x180: {  	_ =	sdelay $0x3  }
.LBB2_26:
0x181: {  	v0 =	vld.msk [tilespmem:s11+$0xF218], $0x1;
	_ =	sdelay $0x4  }
0x182: {  	(v2sf) =	vpush v0, $0x0;
	_ =	sdelay $0xe  }
0x183: {  	s12 =	spop (v2sf)  }
0x184: {  	p1 =	seq.s32 s12, $0xFFFFFFFF  }
.Ltmp21:
0x185: {  	_ = 	snop;
	(pc) =	sbr.rel @p1 .LBB2_33-.Ltmp21, $1  }
0x186: {  	_ =	sdelay $0x3  }
0x187: {  	p1 =	slt.s32 s6, $0x1  }
.Ltmp22:
0x188: {  	_ = 	snop;
	(pc) =	sbr.rel @p1 .LBB2_32-.Ltmp22, $1  }
0x189: {  	_ =	sdelay $0x3  }
0x18a: {  	s13 =	simm.s32 $0xF218;
	p1 =	por $0x0, $0x0  }
0x18b: {  	v1 =	vld.msk @!p1 [tilespmem:s13+$0x0], $0x1;
	_ =	sdelay $0x4  }
0x18c: {  	(v2sf) =	vpush @!p1 v1, $0x0;
	_ =	sdelay $0xd  }
0x18d: {  	p3 =	sne.s32 s6, $0x1  }
.Ltmp23:
0x18e: {  	s0 =	spop @!p1 (v2sf);
	(pc) =	sbr.rel @!p3 .LBB2_30-.Ltmp23, $4  }
0x18f: {  	p2 =	seq.s32 @!p1 s12, s0  }
0x190: {  	s14 =	simm.s32 $0x0;
	p2 =	por !p2, p1  }
0x191: {  	s2 =	simm.s32 $0xFFFFFFFF;
	s14 =	simm.s32 @p2 $0xFFFFFFFF  }
0x192: {  	s0 =	simm.s32 $0x1;
	s14 =	smov.u32 @p1 s2  }
.LBB2_29:
0x193: {  	s2 =	smov.u32 s14;
	p1 =	sne.s32 s14, $0xFFFFFFFF  }
0x194: {  	s13 =	sadd.s32 $0x1, s13;
	s14 =	smov.u32 s0;
	s0 =	sadd.s32 $0x1, s0  }
0x195: {  	p2 =	sne.s32 s6, s0;
	v1 =	vld.msk @!p1 [tilespmem:s13+$0x0], $0x1;
	_ =	sdelay $0x4  }
0x196: {  	(v2sf) =	vpush @!p1 v1, $0x0;
	_ =	sdelay $0xe  }
.Ltmp24:
0x197: {  	s3 =	spop @!p1 (v2sf);
	(pc) =	sbr.rel @p2 .LBB2_29-.Ltmp24, $4  }
0x198: {  	p3 =	seq.s32 @!p1 s12, s3  }
0x199: {  	p3 =	por !p3, p1  }
0x19a: {  	s14 =	simm.s32 @p3 $0xFFFFFFFF  }
0x19b: {  	s14 =	smov.u32 @p1 s2  }
.LBB2_30:
0x19c: {  	p1 =	seq.s32 s14, $0xFFFFFFFF  }
.Ltmp25:
0x19d: {  	_ = 	snop;
	(pc) =	sbr.rel @p1 .LBB2_32-.Ltmp25, $1  }
0x19e: {  	_ =	sdelay $0x3  }
0x19f: {  	s0 =	sshll.u32 s11, $0x7  }
0x1a0: {  	s0 =	sand.u32 $0x3FFFFF80, s0  }
0x1a1: {  	v0 =	vld [tilespmem:s0+$0xF238];
	_ =	sdelay $0x2  }
0x1a2: {  	s2 =	sshll.u32 s14, $0x9  }
0x1a3: {  	s2 =	sshra.s32 s2, $0x2  }
0x1a4: {  	[tilespmem:s2+$0xF238] =	vst.add.f32.msk $0xffff, v0  }
0x1a5: {  	v0 =	vld [tilespmem:s0+$0xF248];
	_ =	sdelay $0x4  }
0x1a6: {  	[tilespmem:s2+$0xF248] =	vst.add.f32.msk $0xffff, v0  }
0x1a7: {  	v0 =	vld [tilespmem:s0+$0xF258];
	_ =	sdelay $0x4  }
0x1a8: {  	[tilespmem:s2+$0xF258] =	vst.add.f32.msk $0xffff, v0  }
0x1a9: {  	v0 =	vld [tilespmem:s0+$0xF268];
	_ =	sdelay $0x4  }
0x1aa: {  	[tilespmem:s2+$0xF268] =	vst.add.f32.msk $0xffff, v0  }
0x1ab: {  	v0 =	vld [tilespmem:s0+$0xF278];
	_ =	sdelay $0x4  }
0x1ac: {  	[tilespmem:s2+$0xF278] =	vst.add.f32.msk $0xffff, v0  }
0x1ad: {  	v0 =	vld [tilespmem:s0+$0xF288];
	_ =	sdelay $0x4  }
0x1ae: {  	[tilespmem:s2+$0xF288] =	vst.add.f32.msk $0xffff, v0  }
0x1af: {  	v0 =	vld [tilespmem:s0+$0xF298];
	_ =	sdelay $0x4  }
0x1b0: {  	[tilespmem:s2+$0xF298] =	vst.add.f32.msk $0xffff, v0  }
0x1b1: {  	v0 =	vld [tilespmem:s0+$0xF2A8]  }
.Ltmp26:
0x1b2: {  	_ = 	snop;
	(pc) =	sbr.rel .LBB2_33-.Ltmp26, $2  }
0x1b3: {  	_ =	sdelay $0x2  }
0x1b4: {  	[tilespmem:s2+$0xF2A8] =	vst.add.f32.msk $0xffff, v0  }
.LBB2_34:
0x1b5: {  	s0 =	simm.s32 $0x6;
	p1 =	seq.s32 s6, $0x0  }
0x1b6: {  	[sflag:s0] =	ssyncpa.u1 $0x1;
	v0 =	vimm.s32 @p1 $0xFFFFFFFF  }
0x1b7: {  	s9 =	sadd.s32 $0xFFFFFFFF, s6;
	[tilespmem:$0x10238] =	vst @p1 v0  }
0x1b8: {  	v0 =	vld.msk @!p1 [tilespmem:s9+$0xF218], $0x1;
	_ =	sdelay $0x1  }
0x1b9: {  	v1 =	vld.msk @!p1 [tilespmem:$0xF218], $0x1;
	_ =	sdelay $0x2  }
0x1ba: {  	p2 =	seq.s32 @!p1 s9, $0x0;
	v0 =	vbroadcast @!p1 v0, $0x0  }
0x1bb: {  	vm0 =	vmmov @!p1 $0x1;
	p2 =	por !p2, p1  }
0x1bc: {  	v1 =	vnsel @!p1 vm0, $0xFFFFFFFF, v1;
	vm0 =	vcmask @!p1 $0x308;
	v0 =	vpsel !p2, $0xFFFFFFFF, v0  }
0x1bd: {  	p2 =	sne.s32 @!p1 s8, s7;
	v0 =	vsel @!p1 vm0, v1, v0  }
0x1be: {  	s0 =	simm.s32 @!p1 $0xF238;
	s2 =	simm.s32 @!p1 $0x0;
	p3 =	por !p2, p1;
	[tilespmem:$0x10238] =	vst @!p1 v0  }
0x1bf: {  	[spmem:s2] =	stream.linear.scatter @!p1 [tilespmem:s0], [sflag:$0x1], $0x80, $0x38;
	[tilespmem:$0x1F6F8] =	vst v63  }
0x1c0: {  	s0 =	sshll.u32 @!p3 s9, $0x9  }
0x1c1: {  	s0 =	sshra.s32 @!p3 s0, $0x2  }
0x1c2: {  	s2 =	simm.s32 @!p3 $0x80;
	s0 =	sadd.s32 @!p3 $0xF238, s0  }
0x1c3: {  	[spmem:s2] =	stream.linear.scatter @!p3 [tilespmem:s0], [sflag:$0x1], $0x80, $0x38;
	[tilespmem:$0x1F6F8] =	vst v63  }
0x1c4: {  	s0 =	simm.s32 @!p3 $0x1  }
0x1c5: {  	_ =	swait.ge @!p3 [sflag:s0], $0x100  }
0x1c6: {  	p1 =	por p2, p1;
	[sflag:s0] =	ssyncset.done @!p3 $0x0  }
0x1c7: {  	[sflag:s0] =	ssyncadd.s32 @!p3 $0xFFFFFF00;
	s0 =	simm.s32 @!p1 $0x1  }
0x1c8: {  	_ =	swait.ge @!p1 [sflag:s0], $0x80  }
0x1c9: {  	s29 =	simm.s32 $0x10238;
	[sflag:s0] =	ssyncset.done @!p1 $0x0  }
0x1ca: {  	s30 =	simm.s32 $0x1000;
	s31 =	simm.s32 $0x1;
	[sflag:s0] =	ssyncadd.s32 @!p1 $0xFFFFFF80  }
0x1cb: {  	[spmem:s30] =	stream.linear.scatter [tilespmem:s29], [sflag:$0x1], $0x10, $0x38;
	[tilespmem:$0x1F6F8] =	vst v63  }
0x1cc: {  	_ =	swait.ge [sflag:s31], $0x10  }
0x1cd: {  	[sflag:s31] =	ssyncset.done $0x0  }
0x1ce: {  	p1 =	seq.s32 s15, $0x0;
	s8 =	rddreg [dreg:$0x1];
	[sflag:s31] =	ssyncadd.s32 $0xFFFFFFF0  }
0x1cf: {  	s2 =	sshll.u32 @p1 s8, $0xE;
	s7 =	rddreg [dreg:$0x2]  }
0x1d0: {  	s0 =	sadd.s32 @p1 $0x15C3C, s2;
	s2 =	sshll.u32 @p1 s7, $0x11  }
0x1d1: {  	_ =	sfence.stream.spmem;
	s0 =	sor.u32 @p1 s2, s0  }
0x1d2: {  	[sflag:s0] =	ssyncadd.remote.s32 @p1 $0x1;
	s0 =	simm.s32 @p1 $0x4  }
0x1d3: {  	s3 =	simm.s32 @!p1 $0x3C;
	s2 =	sand.u32 $0xFFFFFFFE, s8;
	_ =	swait.ge @p1 [sflag:s0], $0x22  }
0x1d4: {  	s4 =	simm.s32 @!p1 $0x0;
	s2 =	sadd.s32 @!p1 $0x4, s2;
	[sflag:s0] =	ssyncset.done @p1 $0x0  }
0x1d5: {  	s5 =	simm.s32 @!p1 $0x100;
	[sflag:s0] =	ssyncadd.s32 @p1 $0xFFFFFFDE;
	s0 =	sshll.u32 @!p1 s2, $0x1A  }
0x1d6: {  	s2 =	sshll.u32 @!p1 s2, $0xD;
	s0 =	sor.u32 @!p1 s0, s7;
	_ =	swait.eq @!p1 [sflag:s3], $0x1  }
0x1d7: {  	s2 =	sor.u32 @!p1 $0x1C04, s2;
	s3 =	simm.s32 @!p1 $0x1C03;
	s0 =	sor.u32 @!p1 $0x80004000, s0  }
0x1d8: {  	[spmem:s5], [sflag:s2] =	dma.general @!p1 [spmem:s4], [sflag:s3], length:$0x20, [dreg:$0x0], stride_count:$0x0, ici_dest:s0, dma_misc:DstOpCode:WRITE  }
0x1d9: {  	p2 =	slt.s32 s9, $0x2;
	s4 =	simm.s32 @!p1 $0x200;
	s5 =	simm.s32 @!p1 $0x202  }
0x1da: {  	[spmem:s5], [sflag:s2] =	dma.general @!p1 [spmem:s4], [sflag:s3], length:$0x2, [dreg:$0x0], stride_count:$0x0, ici_dest:s0, dma_misc:DstOpCode:WRITE  }
.Ltmp27:
0x1db: {  	s0 =	simm.s32 @!p1 $0x3;
	(pc) =	sbr.rel @p2 .LBB2_38-.Ltmp27, $4  }
0x1dc: {  	s2 =	sshll.u32 @!p1 s8, $0xE;
	_ =	swait.ge @!p1 [sflag:s0], $0x22  }
0x1dd: {  	s3 =	sshll.u32 @!p1 s7, $0x11;
	s2 =	sadd.s32 @!p1 $0x11C3C, s2;
	[sflag:s0] =	ssyncset.done @!p1 $0x0  }
0x1de: {  	[sflag:s0] =	ssyncadd.s32 @!p1 $0xFFFFFFDE;
	s0 =	sor.u32 @!p1 s3, s2  }
0x1df: {  	[sflag:s0] =	ssyncadd.remote.s32 @!p1 $0xFFFFFFFF;
	s0 =	simm.s32 $0x0  }
0x1e0: {  	s0 =	simm.s32 $0xF219  }
0x1e1: {  	v0 =	vld.msk [tilespmem:s0+$0x0], $0x1;
	_ =	sdelay $0x4  }
0x1e2: {  	(v2sf) =	vpush v0, $0x0;
	_ =	sdelay $0xb  }
0x1e3: {  	s31 =	sadd.s32 $0xFFFFFFFE, s6  }
0x1e4: {  	s0 =	sadd.s32 $0xFFFFFFFF, s31  }
0x1e5: {  	p2 =	sne.s32 s0, $0x0  }
.Ltmp28:
0x1e6: {  	s2 =	spop (v2sf);
	(pc) =	sbr.rel @!p2 .LBB2_37-.Ltmp28, $4  }
0x1e7: {  	s4 =	simm.s32 $0xF2B8;
	s7 =	simm.s32 $0x0;
	p1 =	sgt.u32 s2, $0x270F0  }
0x1e8: {  	s5 =	simm.s32 $0x0;
	s6 =	simm.s32 $0xF21A;
	s3 =	sand.u32 @!p1 $0x3FFF8, s2  }
0x1e9: {  	s2 =	sand.u32 @!p1 $0x7, s2;
	s7 =	simm.s32 @!p1 $0x200;
	s3 =	sadd.s32 @!p1 s1, s3  }
0x1ea: {  	[hbm4b:s3+s2] =	stream.linear.scatter @!p1 [tilespmem:s4], [sflag:$0x5], $0x80, $0x38;
	[tilespmem:$0x1F6F8] =	vst v63  }
.LBB2_36:
0x1eb: {  	v0 =	vld.msk [tilespmem:s6+$0x0], $0x1;
	s0 =	sadd.s32 $0xFFFFFFFF, s0;
	s5 =	sadd.s32 s5, s7  }
0x1ec: {  	p1 =	sne.s32 s0, $0x0;
	_ =	sdelay $0x3  }
0x1ed: {  	(v2sf) =	vpush v0, $0x0;
	_ =	sdelay $0xe  }
.Ltmp29:
0x1ee: {  	s2 =	spop (v2sf);
	(pc) =	sbr.rel @p1 .LBB2_36-.Ltmp29, $4  }
0x1ef: {  	s7 =	simm.s32 $0x0;
	p2 =	sgt.u32 s2, $0x270F0  }
0x1f0: {  	s4 =	sadd.s32 $0x80, s4;
	s7 =	simm.s32 @!p2 $0x200;
	s3 =	sand.u32 @!p2 $0x3FFF8, s2  }
0x1f1: {  	s6 =	sadd.s32 $0x1, s6;
	s2 =	sand.u32 @!p2 $0x7, s2;
	s3 =	sadd.s32 @!p2 s1, s3  }
0x1f2: {  	[hbm4b:s3+s2] =	stream.linear.scatter @!p2 [tilespmem:s4], [sflag:$0x5], $0x80, $0x38;
	[tilespmem:$0x1F6F8] =	vst v63  }
.LBB2_37:
0x1f3: {  	s0 =	sadd.s32 s5, s7  }
0x1f4: {  	s0 =	sshrl.u32 s0, $0x2  }
.LBB2_38:
0x1f5: {  	s2 =	simm.s32 $0x5  }
0x1f6: {  	_ =	swait.ge [sflag:s2], s0  }
0x1f7: {  	s31 =	ssub.s32 $0x0, s0;
	[sflag:s2] =	ssyncset.done $0x0  }
0x1f8: {  	[sflag:s2] =	ssyncadd.s32 s31  }
0x1f9: {  	[sflag:s2] =	ssyncpa.u1 $0x1  }
.LBB2_39:
0x1fa: {  	s0 =	sor.u32 s15, s16  }
0x1fb: {  	p1 =	sne.s32 s0, $0x0  }
.Ltmp30:
0x1fc: {  	_ = 	snop;
	(pc) =	sbr.rel @p1 .LBB2_54-.Ltmp30, $3  }
0x1fd: {  	_ =	sdelay $0x1  }
0x1fe: {  	[bflag:$0x0] =	sbarrier.arrive $0xFFFF  }
0x1ff: {  	_ =	sfence  }
0x200: {  	s0 =	simm.s32 $0x7  }
0x201: {  	s2 =	simm.s32 $0x1000;
	s3 =	simm.s32 $0xF218;
	[sflag:s0] =	ssyncpa.u1 $0x0  }
0x202: {  	[tilespmem:s3], [sflag:$0x7] =	stream.linear.gather [spmem:s2], $0x20, $0x38;
	[tilespmem:$0x1F6F8] =	vst v63  }
0x203: {  	s30 =	simm.s32 $0xF238;
	s2 =	simm.s32 $0x0  }
0x204: {  	[tilespmem:s30], [sflag:$0x7] =	stream.linear.gather [spmem:s2], $0x1000, $0x38;
	[tilespmem:$0x1F6F8] =	vst v63  }
.Ltmp31:
0x205: {  	_ = 	snop;
	(pc) =	sbr.rel .LBB2_41-.Ltmp31, $4  }
0x206: {  	_ =	swait.ge [sflag:s0], $0x1020  }
0x207: {  	[sflag:s0] =	ssyncset.done $0x0  }
0x208: {  	s31 =	simm.s32 $0x8;
	[sflag:s0] =	ssyncadd.s32 $0xFFFFEFE0  }
0x209: {  	s3 =	simm.s32 $0x0;
	[sflag:s31] =	ssyncpa.u1 $0x0  }
.LBB2_47:
0x20a: {  	p1 =	slt.u32 s4, $0x270F1  }
0x20b: {  	s0 =	sand.u32 @p1 $0x3FFF8, s4  }
0x20c: {  	s4 =	sand.u32 @p1 $0x7, s4;
	s5 =	simm.s32 @p1 $0xF188;
	s0 =	sadd.s32 @p1 s1, s0  }
0x20d: {  	[tilespmem:s5], [sflag:$0x8] =	stream.linear.gather @p1 [hbm4b:s0+s4], $0x80, $0x38;
	[tilespmem:$0x1F6F8] =	vst v63  }
0x20e: {  	s0 =	simm.s32 @p1 $0x8  }
0x20f: {  	_ =	swait.ge @p1 [sflag:s0], $0x80  }
0x210: {  	[sflag:s0] =	ssyncset.done @p1 $0x0  }
0x211: {  	[sflag:s0] =	ssyncadd.s32 @p1 $0xFFFFFF80  }
0x212: {  	v1 =	vld @p1 [tilespmem:$0xF188];
	_ =	sdelay $0x2  }
0x213: {  	s0 =	sshll.u32 @p1 s3, $0x9  }
0x214: {  	s4 =	sshrl.u32 @p1 s0, $0x2  }
0x215: {  	[tilespmem:s4+$0xF238] =	vst.add.f32.msk @p1 $0xffff, v1  }
0x216: {  	v1 =	vld @p1 [tilespmem:$0xF198];
	_ =	sdelay $0x4  }
0x217: {  	[tilespmem:s4+$0xF248] =	vst.add.f32.msk @p1 $0xffff, v1  }
0x218: {  	v1 =	vld @p1 [tilespmem:$0xF1A8];
	_ =	sdelay $0x4  }
0x219: {  	[tilespmem:s4+$0xF258] =	vst.add.f32.msk @p1 $0xffff, v1  }
0x21a: {  	v1 =	vld @p1 [tilespmem:$0xF1B8];
	_ =	sdelay $0x4  }
0x21b: {  	[tilespmem:s4+$0xF268] =	vst.add.f32.msk @p1 $0xffff, v1  }
0x21c: {  	v1 =	vld @p1 [tilespmem:$0xF1C8];
	_ =	sdelay $0x4  }
0x21d: {  	[tilespmem:s4+$0xF278] =	vst.add.f32.msk @p1 $0xffff, v1  }
0x21e: {  	v1 =	vld @p1 [tilespmem:$0xF1D8];
	_ =	sdelay $0x4  }
0x21f: {  	[tilespmem:s4+$0xF288] =	vst.add.f32.msk @p1 $0xffff, v1  }
0x220: {  	v1 =	vld @p1 [tilespmem:$0xF1E8];
	_ =	sdelay $0x4  }
0x221: {  	[tilespmem:s4+$0xF298] =	vst.add.f32.msk @p1 $0xffff, v1  }
0x222: {  	v1 =	vld @p1 [tilespmem:$0xF1F8];
	_ =	sdelay $0x3  }
0x223: {  	s5 =	sshll.u32 @!p1 s3, $0x9  }
0x224: {  	s5 =	smov.u32 @p1 s0;
	[tilespmem:s4+$0xF2A8] =	vst.add.f32.msk @p1 $0xffff, v1  }
0x225: {  	s0 =	sshrl.u32 s5, $0x2;
	[tilespmem:s2+$0xF218] =	vst.msk $0x1, v0  }
0x226: {  	v0 =	vld [tilespmem:s0+$0xF238];
	_ =	sdelay $0x2  }
0x227: {  	s31 =	sshll.u32 s2, $0x9  }
0x228: {  	s4 =	sshra.s32 s31, $0x2  }
0x229: {  	[tilespmem:s4+$0xF238] =	vst v0  }
0x22a: {  	v0 =	vld [tilespmem:s0+$0xF248];
	_ =	sdelay $0x4  }
0x22b: {  	[tilespmem:s4+$0xF248] =	vst v0  }
0x22c: {  	v0 =	vld [tilespmem:s0+$0xF258];
	_ =	sdelay $0x4  }
0x22d: {  	[tilespmem:s4+$0xF258] =	vst v0  }
0x22e: {  	v0 =	vld [tilespmem:s0+$0xF268];
	_ =	sdelay $0x4  }
0x22f: {  	[tilespmem:s4+$0xF268] =	vst v0  }
0x230: {  	v0 =	vld [tilespmem:s0+$0xF278];
	_ =	sdelay $0x4  }
0x231: {  	[tilespmem:s4+$0xF278] =	vst v0  }
0x232: {  	v0 =	vld [tilespmem:s0+$0xF288];
	_ =	sdelay $0x4  }
0x233: {  	[tilespmem:s4+$0xF288] =	vst v0  }
0x234: {  	v0 =	vld [tilespmem:s0+$0xF298];
	_ =	sdelay $0x4  }
0x235: {  	[tilespmem:s4+$0xF298] =	vst v0  }
0x236: {  	v0 =	vld [tilespmem:s0+$0xF2A8];
	_ =	sdelay $0x4  }
0x237: {  	s2 =	sadd.s32 $0x1, s2;
	[tilespmem:s4+$0xF2A8] =	vst v0  }
.LBB2_48:
0x238: {  	s3 =	sadd.s32 $0x1, s3  }
0x239: {  	p1 =	sne.s32 s3, $0x20  }
.Ltmp32:
0x23a: {  	_ = 	snop;
	(pc) =	sbr.rel @!p1 .LBB2_49-.Ltmp32, $1  }
0x23b: {  	_ =	sdelay $0x3  }
.LBB2_41:
0x23c: {  	v0 =	vld.msk [tilespmem:s3+$0xF218], $0x1;
	_ =	sdelay $0x4  }
0x23d: {  	(v2sf) =	vpush v0, $0x0;
	_ =	sdelay $0xe  }
0x23e: {  	s4 =	spop (v2sf)  }
0x23f: {  	p1 =	seq.s32 s4, $0xFFFFFFFF  }
.Ltmp33:
0x240: {  	_ = 	snop;
	(pc) =	sbr.rel @p1 .LBB2_48-.Ltmp33, $1  }
0x241: {  	_ =	sdelay $0x3  }
0x242: {  	p1 =	slt.s32 s2, $0x1  }
.Ltmp34:
0x243: {  	_ = 	snop;
	(pc) =	sbr.rel @p1 .LBB2_47-.Ltmp34, $1  }
0x244: {  	_ =	sdelay $0x3  }
0x245: {  	s5 =	simm.s32 $0xF218;
	p1 =	por $0x0, $0x0  }
0x246: {  	v1 =	vld.msk @!p1 [tilespmem:s5+$0x0], $0x1;
	_ =	sdelay $0x4  }
0x247: {  	(v2sf) =	vpush @!p1 v1, $0x0;
	_ =	sdelay $0xd  }
0x248: {  	p3 =	sne.s32 s2, $0x1  }
.Ltmp35:
0x249: {  	s0 =	spop @!p1 (v2sf);
	(pc) =	sbr.rel @!p3 .LBB2_45-.Ltmp35, $4  }
0x24a: {  	p2 =	seq.s32 @!p1 s4, s0  }
0x24b: {  	s6 =	simm.s32 $0x0;
	p2 =	por !p2, p1  }
0x24c: {  	s7 =	simm.s32 $0xFFFFFFFF;
	s6 =	simm.s32 @p2 $0xFFFFFFFF  }
0x24d: {  	s0 =	simm.s32 $0x1;
	s6 =	smov.u32 @p1 s7  }
.LBB2_44:
0x24e: {  	s7 =	smov.u32 s6;
	p1 =	sne.s32 s6, $0xFFFFFFFF  }
0x24f: {  	s5 =	sadd.s32 $0x1, s5;
	s6 =	smov.u32 s0;
	s0 =	sadd.s32 $0x1, s0  }
0x250: {  	p2 =	sne.s32 s2, s0;
	v1 =	vld.msk @!p1 [tilespmem:s5+$0x0], $0x1;
	_ =	sdelay $0x4  }
0x251: {  	(v2sf) =	vpush @!p1 v1, $0x0;
	_ =	sdelay $0xe  }
.Ltmp36:
0x252: {  	s8 =	spop @!p1 (v2sf);
	(pc) =	sbr.rel @p2 .LBB2_44-.Ltmp36, $4  }
0x253: {  	p3 =	seq.s32 @!p1 s4, s8  }
0x254: {  	p3 =	por !p3, p1  }
0x255: {  	s6 =	simm.s32 @p3 $0xFFFFFFFF  }
0x256: {  	s6 =	smov.u32 @p1 s7  }
.LBB2_45:
0x257: {  	p1 =	seq.s32 s6, $0xFFFFFFFF  }
.Ltmp37:
0x258: {  	_ = 	snop;
	(pc) =	sbr.rel @p1 .LBB2_47-.Ltmp37, $1  }
0x259: {  	_ =	sdelay $0x3  }
0x25a: {  	s0 =	sshll.u32 s3, $0x7  }
0x25b: {  	s0 =	sand.u32 $0x3FFFFF80, s0  }
0x25c: {  	v0 =	vld [tilespmem:s0+$0xF238];
	_ =	sdelay $0x2  }
0x25d: {  	s4 =	sshll.u32 s6, $0x9  }
0x25e: {  	s4 =	sshra.s32 s4, $0x2  }
0x25f: {  	[tilespmem:s4+$0xF238] =	vst.add.f32.msk $0xffff, v0  }
0x260: {  	v0 =	vld [tilespmem:s0+$0xF248];
	_ =	sdelay $0x4  }
0x261: {  	[tilespmem:s4+$0xF248] =	vst.add.f32.msk $0xffff, v0  }
0x262: {  	v0 =	vld [tilespmem:s0+$0xF258];
	_ =	sdelay $0x4  }
0x263: {  	[tilespmem:s4+$0xF258] =	vst.add.f32.msk $0xffff, v0  }
0x264: {  	v0 =	vld [tilespmem:s0+$0xF268];
	_ =	sdelay $0x4  }
0x265: {  	[tilespmem:s4+$0xF268] =	vst.add.f32.msk $0xffff, v0  }
0x266: {  	v0 =	vld [tilespmem:s0+$0xF278];
	_ =	sdelay $0x4  }
0x267: {  	[tilespmem:s4+$0xF278] =	vst.add.f32.msk $0xffff, v0  }
0x268: {  	v0 =	vld [tilespmem:s0+$0xF288];
	_ =	sdelay $0x4  }
0x269: {  	[tilespmem:s4+$0xF288] =	vst.add.f32.msk $0xffff, v0  }
0x26a: {  	v0 =	vld [tilespmem:s0+$0xF298];
	_ =	sdelay $0x4  }
0x26b: {  	[tilespmem:s4+$0xF298] =	vst.add.f32.msk $0xffff, v0  }
0x26c: {  	v0 =	vld [tilespmem:s0+$0xF2A8]  }
.Ltmp38:
0x26d: {  	_ = 	snop;
	(pc) =	sbr.rel .LBB2_48-.Ltmp38, $2  }
0x26e: {  	_ =	sdelay $0x2  }
0x26f: {  	[tilespmem:s4+$0xF2A8] =	vst.add.f32.msk $0xffff, v0  }
.LBB2_49:
0x270: {  	p1 =	slt.s32 s2, $0x1  }
.Ltmp39:
0x271: {  	_ = 	snop;
	(pc) =	sbr.rel @p1 .LBB2_53-.Ltmp39, $3  }
0x272: {  	_ =	sdelay $0x1  }
0x273: {  	s0 =	simm.s32 $0x8  }
0x274: {  	s3 =	simm.s32 $0x0;
	[sflag:s0] =	ssyncpa.u1 $0x1  }
0x275: {  	s0 =	simm.s32 $0xF218  }
0x276: {  	v0 =	vld.msk [tilespmem:s0+$0x0], $0x1;
	_ =	sdelay $0x4  }
0x277: {  	(v2sf) =	vpush v0, $0x0;
	_ =	sdelay $0xe  }
0x278: {  	s0 =	sadd.s32 $0xFFFFFFFF, s2;
	s5 =	spop (v2sf)  }
0x279: {  	p2 =	sne.s32 s0, $0x0;
	p1 =	sgt.u32 s5, $0x270F0  }
.Ltmp40:
0x27a: {  	s6 =	sand.u32 @!p1 $0x3FFF8, s5;
	(pc) =	sbr.rel @!p2 .LBB2_52-.Ltmp40, $4  }
0x27b: {  	s4 =	simm.s32 $0xF238;
	s5 =	sand.u32 @!p1 $0x7, s5;
	s2 =	sadd.s32 @!p1 s1, s6  }
0x27c: {  	[hbm4b:s2+s5] =	stream.linear.scatter @!p1 [tilespmem:s4], [sflag:$0x7], $0x80, $0x38;
	[tilespmem:$0x1F6F8] =	vst v63  }
0x27d: {  	s5 =	simm.s32 $0x0  }
0x27e: {  	s2 =	simm.s32 $0xF219;
	s5 =	simm.s32 @!p1 $0x200  }
.LBB2_51:
0x27f: {  	v0 =	vld.msk [tilespmem:s2+$0x0], $0x1;
	s0 =	sadd.s32 $0xFFFFFFFF, s0;
	s3 =	sadd.s32 s3, s5  }
0x280: {  	p1 =	sne.s32 s0, $0x0;
	_ =	sdelay $0x3  }
0x281: {  	(v2sf) =	vpush v0, $0x0;
	_ =	sdelay $0xe  }
.Ltmp41:
0x282: {  	s6 =	spop (v2sf);
	(pc) =	sbr.rel @p1 .LBB2_51-.Ltmp41, $4  }
0x283: {  	s5 =	simm.s32 $0x0;
	p2 =	sgt.u32 s6, $0x270F0  }
0x284: {  	s4 =	sadd.s32 $0x80, s4;
	s5 =	simm.s32 @!p2 $0x200;
	s7 =	sand.u32 @!p2 $0x3FFF8, s6  }
0x285: {  	s2 =	sadd.s32 $0x1, s2;
	s6 =	sand.u32 @!p2 $0x7, s6;
	s7 =	sadd.s32 @!p2 s1, s7  }
0x286: {  	[hbm4b:s7+s6] =	stream.linear.scatter @!p2 [tilespmem:s4], [sflag:$0x7], $0x80, $0x38;
	[tilespmem:$0x1F6F8] =	vst v63  }
.LBB2_52:
0x287: {  	s0 =	sadd.s32 s3, s5  }
0x288: {  	s3 =	sshrl.u32 s0, $0x2  }
.LBB2_53:
0x289: {  	s0 =	simm.s32 $0x7  }
0x28a: {  	_ =	swait.ge [sflag:s0], s3  }
0x28b: {  	s1 =	ssub.s32 $0x0, s3;
	[sflag:s0] =	ssyncset.done $0x0  }
0x28c: {  	[sflag:s0] =	ssyncadd.s32 s1  }
0x28d: {  	[sflag:s0] =	ssyncpa.u1 $0x1  }
.LBB2_54:
0x28e: {  	_ =	sfence;
	s0 =	simm.s32 $0x1  }
0x28f: {  	[sflag:s0] =	ssyncpa.u1 $0x1  }
0x290: {  	_ =	strace $0x9000004D  }
0x291: {  	[bflag:$0x2] =	sbarrier.arrive $0xFFFF  }
0x292: {  	s0 =	rddreg [dreg:$0x3]  }
0x293: {  	s0 =	sadd.s32 @!p0 $0x100000, s0  }
0x294: {  	[sflag:s0] =	ssyncadd.tile.s32 @!p0 $0x1;
	_ =	shalt  }
.Lfunc_end2:
_tile_overlayer_lowered:
.L_overlay_start_2:
0x295: {  	(tag) =	ssettag $0x2  }
0x296: {  	s0 =	rddreg [dreg:$0x0];
	s2 =	stileid.u32  }
0x297: {  	s1 =	rddreg [dreg:$0x1];
	p0 =	sne.s32 s2, $0x0  }
0x298: {  	s3 =	rddreg [dreg:$0x2];
	[bflag:$0x3] =	sbarrier.arrive $0xFFFF;
	s2 =	simm.s32 @!p0 $0x1C01  }
0x299: {  	[timem:s3], [sflag:s2] =	dma.local @!p0 [hbm:s0], s1  }
0x29a: {  	s0 =	simm.s32 @!p0 $0x1  }
0x29b: {  	_ =	swait.ge @!p0 [sflag:s0], s1  }
0x29c: {  	s1 =	ssub.s32 @!p0 $0x0, s1;
	[sflag:s0] =	ssyncset.done @!p0 $0x0  }
0x29d: {  	[sflag:s0] =	ssyncadd.s32 @!p0 s1  }
0x29e: {  	[bflag:$0x3] =	sbarrier.arrive $0xFFFF  }
0x29f: {  	_ =	shalt  }

// kernel: scatter_offload_async_start.2
scs
__scs_entry_jumppad:
0x0: {  	(pc) =	sbr.rel $0x88, $3  }
0x1: {  	(tag) =	ssettag $0x0;
	lr =	simm.s32 $0x1  }
0x2: {  	[smem:$0x3F88] =	sst lr;
	_ =	strace $0xD0000000  }
0x3: {  	_ = 	snop  }
0x4: {  	_ = 	snop  }
0x5: {  	_ = 	snop  }
0x6: {  	_ = 	snop  }
0x7: {  	_ = 	snop  }
__scs_overlays_trampoline_lowered:
0x8: {  	[smem:$0x3F97] =	sst s0  }
0x9: {  	[smem:$0x3F98] =	sst s1  }
0xa: {  	[smem:$0x3F99] =	sst s2  }
0xb: {  	[smem:$0x3F9A] =	sst s3  }
0xc: {  	[smem:$0x3F9B] =	sst s4  }
0xd: {  	[smem:$0x3F9C] =	sst s5  }
0xe: {  	[smem:$0x3F9D] =	sst s6  }
0xf: {  	[smem:$0x3F9E] =	sst s7  }
0x10: {  	[smem:$0x3F9F] =	sst s8  }
0x11: {  	[smem:$0x3FA0] =	sst s9;
	s0 =	simm.s32 @!p0 $0x0  }
0x12: {  	s1 =	sld [smem:$0x3F86];
	s0 =	simm.s32 @p0 $0x1  }
0x13: {  	[smem:$0x3FA1] =	sst s0;
	s0 =	simm.s32 @!p1 $0x0  }
0x14: {  	s2 =	sld [smem:$0x3F85];
	s0 =	simm.s32 @p1 $0x1  }
0x15: {  	[smem:$0x3FA2] =	sst s0;
	s0 =	simm.s32 @!p2 $0x0  }
0x16: {  	s3 =	sld [smem:$0x3FDB];
	s0 =	simm.s32 @p2 $0x1  }
0x17: {  	s4 =	simm.s32 $0x1BF5;
	[smem:$0x3FA4] =	sst s0  }
0x18: {  	s0 =	sld [smem:$0x3F87];
	_ =	swait.ge [sflag:s4], $0x0  }
0x19: {  	s7 =	sld [smem:$0x3F88]  }
0x1a: {  	s8 =	sadd.s32 $0xFFFFE003, lr  }
0x1b: {  	s9 =	sadd.s32 $0xFFFFFEF7, lr;
	s5 =	simm.s32 $0xFFFFFFFF;
	p2 =	slt.u32 s8, $0xFFFFF086  }
0x1c: {  	p1 =	slt.u32 s9, $0xF7A;
	s5 =	simm.s32 @!p2 $0x0  }
0x1d: {  	s5 =	simm.s32 @p1 $0x1;
	p0 =	seq.s32 s7, s2  }
0x1e: {  	s7 =	smul.u32 @!p0 $0xF7A, s2;
	p2 =	seq.s32 @!p0 s5, $0x0  }
0x1f: {  	s9 =	smul.u32 $0xF7A, s1;
	s8 =	simm.s32 @!p0 $0x1BF5;
	p2 =	por !p2, p0  }
0x20: {  	[sflag:s8] =	ssyncset.s32 @!p0 $0xFFFFF086;
	s6 =	sadd.s32 @!p0 s3, s7;
	s7 =	simm.s32 @!p0 $0x108  }
0x21: {  	s3 =	sadd.s32 s3, s9;
	s6 =	sadd.s32 @!p0 $0x88, s6;
	s7 =	simm.s32 @p2 $0x1082  }
0x22: {  	[simem:s7], [sflag:s8] =	dma.local @!p0 [hbm:s6], $0xF7A  }
0x23: {  	s9 =	sor.u32 $0xD0000000, s2;
	s6 =	simm.s32 $0x108;
	_ =	swait.ge @!p0 [sflag:s8], $0x0  }
0x24: {  	s3 =	sadd.s32 $0x88, s3;
	s6 =	simm.s32 @!p1 $0x1082;
	[sflag:s4] =	ssyncset.s32 $0xFFFFF086  }
0x25: {  	[simem:s6], [sflag:s4] =	dma.local [hbm:s3], $0xF7A  }
0x26: {  	[smem:$0x3F88] =	sst s1;
	(tag) =	ssettag s2;
	_ =	strace s9  }
0x27: {  	s1 =	sld [smem:$0x3F98]  }
0x28: {  	s2 =	sld [smem:$0x3F99]  }
0x29: {  	s4 =	sld [smem:$0x3F9B]  }
0x2a: {  	p0 =	seq.s32 s5, $0x0;
	s5 =	sld [smem:$0x3F9C]  }
0x2b: {  	s6 =	sld [smem:$0x3F9D]  }
0x2c: {  	s7 =	sld [smem:$0x3F9E]  }
0x2d: {  	s3 =	simm.s32 $0x108;
	s8 =	sld [smem:$0x3F9F]  }
0x2e: {  	s3 =	simm.s32 @!p0 $0x1082;
	s9 =	sld [smem:$0x3FA0]  }
0x2f: {  	lr =	sadd.s32 s0, s3;
	s0 =	sld [smem:$0x3F97]  }
0x30: {  	s3 =	sld [smem:$0x3F9A]  }
0x31: {  	[smem:$0x3FA3] =	sst s10  }
0x32: {  	s10 =	sld [smem:$0x3FA1];
	_ =	sdelay $0x3  }
0x33: {  	p0 =	seq.s32 s10, $0x1;
	s10 =	sld [smem:$0x3FA3];
	_ =	sdelay $0x3  }
0x34: {  	[smem:$0x3FA3] =	sst s10  }
0x35: {  	s10 =	sld [smem:$0x3FA2];
	_ =	sdelay $0x3  }
0x36: {  	p1 =	seq.s32 s10, $0x1;
	s10 =	sld [smem:$0x3FA3];
	_ =	sdelay $0x3  }
0x37: {  	[smem:$0x3FA3] =	sst s10  }
0x38: {  	s10 =	sld [smem:$0x3FA4]  }
0x39: {  	_ = 	snop;
	(pc) =	sbr.ind lr, $3  }
0x3a: {  	_ = 	snop  }
0x3b: {  	_ = 	snop  }
0x3c: {  	p2 =	seq.s32 s10, $0x1;
	s10 =	sld [smem:$0x3FA3]  }
0x3d: {  	_ =	shalt  }
0x3e: {  	_ =	shalt  }
0x3f: {  	_ =	shalt  }
0x40: {  	_ =	shalt  }
0x41: {  	_ =	shalt  }
0x42: {  	_ =	shalt  }
0x43: {  	_ =	shalt  }
0x44: {  	_ =	shalt  }
0x45: {  	_ =	shalt  }
0x46: {  	_ =	shalt  }
0x47: {  	_ =	shalt  }
0x48: {  	_ =	shalt  }
0x49: {  	_ =	shalt  }
0x4a: {  	_ =	shalt  }
0x4b: {  	_ =	shalt  }
0x4c: {  	_ =	shalt  }
0x4d: {  	_ =	shalt  }
0x4e: {  	_ =	shalt  }
0x4f: {  	_ =	shalt  }
0x50: {  	_ =	shalt  }
0x51: {  	_ =	shalt  }
0x52: {  	_ =	shalt  }
0x53: {  	_ =	shalt  }
0x54: {  	_ =	shalt  }
0x55: {  	_ =	shalt  }
0x56: {  	_ =	shalt  }
0x57: {  	_ =	shalt  }
0x58: {  	_ =	shalt  }
0x59: {  	_ =	shalt  }
0x5a: {  	_ =	shalt  }
0x5b: {  	_ =	shalt  }
0x5c: {  	_ =	shalt  }
0x5d: {  	_ =	shalt  }
0x5e: {  	_ =	shalt  }
0x5f: {  	_ =	shalt  }
0x60: {  	_ =	shalt  }
0x61: {  	_ =	shalt  }
0x62: {  	_ =	shalt  }
0x63: {  	_ =	shalt  }
0x64: {  	_ =	shalt  }
0x65: {  	_ =	shalt  }
0x66: {  	_ =	shalt  }
0x67: {  	_ =	shalt  }
0x68: {  	_ =	shalt  }
0x69: {  	_ =	shalt  }
0x6a: {  	_ =	shalt  }
0x6b: {  	_ =	shalt  }
0x6c: {  	_ =	shalt  }
0x6d: {  	_ =	shalt  }
0x6e: {  	_ =	shalt  }
0x6f: {  	_ =	shalt  }
0x70: {  	_ =	shalt  }
0x71: {  	_ =	shalt  }
0x72: {  	_ =	shalt  }
0x73: {  	_ =	shalt  }
0x74: {  	_ =	shalt  }
0x75: {  	_ =	shalt  }
0x76: {  	_ =	shalt  }
0x77: {  	_ =	shalt  }
0x78: {  	_ =	shalt  }
0x79: {  	_ =	shalt  }
0x7a: {  	_ =	shalt  }
0x7b: {  	_ =	shalt  }
0x7c: {  	_ =	shalt  }
0x7d: {  	_ =	shalt  }
0x7e: {  	_ =	shalt  }
0x7f: {  	_ =	shalt  }
0x80: {  	_ =	shalt  }
0x81: {  	_ =	shalt  }
0x82: {  	_ =	shalt  }
0x83: {  	_ =	shalt  }
0x84: {  	_ =	shalt  }
0x85: {  	_ =	shalt  }
0x86: {  	_ =	shalt  }
0x87: {  	_ =	shalt  }
.Lfunc_end0:
.L_simem_size_0:
called_computation.2_lowered:
.L_overlay_start_0:
0x88: {  	s2 =	sld [smem:$0x3FD9]  }
0x89: {  	s3 =	sld [smem:$0x3FFE];
	_ =	sdelay $0x1  }
0x8a: {  	s1 =	srdreg.scid  }
0x8b: {  	s0 =	sand.u32 $0x1, s1  }
0x8c: {  	s15 =	sshll.u32 s0, $0xA;
	s2 =	sadd.s32 s3, s2  }
0x8d: {  	s2 =	sadd.s32 s2, s15  }
0x8e: {  	[smem:$0x3FAF] =	sst s2  }
0x8f: {  	_ = 	snop  }
0x90: {  	(tm) =	ssettm $0x1  }
0x91: {  	s16 =	sld [smem:$0x3FFB];
	_ =	sdelay $0x3  }
0x92: {  	_ =	strace s16  }
0x93: {  	s2 =	sld [smem:$0x3FFC];
	_ =	sdelay $0x3  }
0x94: {  	_ =	strace s2  }
0x95: {  	s2 =	sld [smem:$0x3FFD];
	_ =	sdelay $0x3  }
0x96: {  	_ =	strace s2  }
0x97: {  	_ =	strace $0x8FFFFFFF  }
0x98: {  	s17 =	sld [smem:$0x3FDB];
	_ =	sdelay $0x1  }
0x99: {  	s18 =	simm.s32 $_scs_section_size  }
0x9a: {  	s4 =	simm.s32 $_size__tile_overlayer_lowered;
	s5 =	simm.s32 $_tile_overlayer_lowered  }
0x9b: {  	s6 =	simm.s32 $0x1BFF;
	s19 =	sshll.u32 s5, $0x1;
	s3 =	sadd.s32 s18, s17  }
0x9c: {  	s20 =	simm.s32 $0x0;
	s4 =	sshll.u32 s4, $0x1;
	s5 =	sadd.s32 s19, s3  }
0x9d: {  	[timem:s20], [sflag:s6] =	dma.local [hbm:s5], s4  }
0x9e: {  	_ =	swait.ge [sflag:s6], s4  }
0x9f: {  	s4 =	ssub.s32 $0x0, s4;
	[sflag:s6] =	ssyncset.done $0x0  }
0xa0: {  	[sflag:s6] =	ssyncadd.s32 s4;
	_ =	sdelay $0x1  }
0xa1: {  	s21 =	simm.s32 $0x1B8B  }
0xa2: {  	_ =	swait.ge [sflag:s21], $0x1  }
0xa3: {  	[sflag:s21] =	ssyncset.done $0x0  }
0xa4: {  	s22 =	sld [smem:$0x3FFE];
	[sflag:s21] =	ssyncadd.s32 $0xFFFFFFFF  }
0xa5: {  	s24 =	simm.s32 $0x1B8E;
	s23 =	sld [smem:$0x0]  }
0xa6: {  	s25 =	simm.s32 $execute0_lowered;
	[smem:$0x3FD2] =	sst s24  }
0xa7: {  	s6 =	sshll.u32 s25, $0x1;
	_ =	strace $0x80000052;
	[dreg:$0x1] =	wrdreg $0xFFFFFFFF  }
0xa8: {  	s7 =	simm.s32 $_size_execute0_lowered;
	s6 =	sadd.s32 s3, s6;
	[dreg:$0x0] =	wrdreg $0x0  }
0xa9: {  	s7 =	sshll.u32 s7, $0x1;
	[dreg:$0x2] =	wrdreg s6  }
0xaa: {  	[dreg:$0x3] =	wrdreg s7  }
0xab: {  	[dreg:$0x4] =	wrdreg $0xC0  }
0xac: {  	s26 =	simm.s32 $execute1_lowered;
	_ =	task [dreg:s20], $0x5FFFF  }
0xad: {  	s6 =	sshll.u32 s26, $0x1;
	[dreg:$0x1] =	wrdreg $0xFFFFFFFF  }
0xae: {  	s3 =	sadd.s32 s3, s6;
	[dreg:$0x0] =	wrdreg $0x60  }
0xaf: {  	[dreg:$0x2] =	wrdreg s3  }
0xb0: {  	[dreg:$0x3] =	wrdreg s22  }
0xb1: {  	[dreg:$0x4] =	wrdreg $0x9  }
0xb2: {  	_ =	task.clear_ibuf [dreg:s20], $0x5FFFF;
	_ =	strace $0x90000052  }
0xb3: {  	s28 =	simm.s32 $0x9;
	_ =	strace $0x80000054  }
0xb4: {  	_ =	swait.ge [sflag:s28], $0x1  }
0xb5: {  	[sflag:s28] =	ssyncadd.s32 $0xFFFFFFFF  }
0xb6: {  	_ =	strace $0x90000054  }
0xb7: {  	s3 =	sld [smem:$0x0]  }
0xb8: {  	s6 =	sand.u32 $0xFFFFFFFE, s1  }
0xb9: {  	p0 =	sne.s32 s1, s6  }
0xba: {  	s6 =	sshll.u32 @p0 s6, $0xE  }
0xbb: {  	s6 =	sadd.s32 @p0 $0x11BF3, s6;
	s7 =	sshll.u32 @p0 s3, $0x11  }
0xbc: {  	s6 =	sor.u32 @p0 s7, s6  }
0xbd: {  	[sflag:s6] =	ssyncadd.remote.s32 @p0 $0x1;
	_ =	sdelay $0x1  }
0xbe: {  	s6 =	simm.s32 @p0 $0x1BF3  }
0xbf: {  	_ =	swait.eq @p0 [sflag:s6], $0x1  }
0xc0: {  	[sflag:s6] =	ssyncadd.s32 @p0 $0xFFFFFFFF  }
0xc1: {  	s7 =	sshll.u32 @!p0 s1, $0xE  }
0xc2: {  	s7 =	sor.u32 @!p0 $0x4000, s7;
	s6 =	simm.s32 @!p0 $0x1BF3  }
0xc3: {  	s3 =	sshll.u32 @!p0 s3, $0x11;
	s7 =	sadd.s32 @!p0 $0x11BF3, s7;
	_ =	swait.eq @!p0 [sflag:s6], $0x1  }
0xc4: {  	s3 =	sor.u32 @!p0 s3, s7;
	[sflag:s6] =	ssyncadd.s32 @!p0 $0xFFFFFFFF  }
0xc5: {  	[sflag:s3] =	ssyncadd.remote.s32 @!p0 $0x1  }
0xc6: {  	_ =	strace $0x80000055;
	[dreg:$0x1] =	wrdreg $0xFFFFFFFF  }
0xc7: {  	[dreg:$0x0] =	wrdreg $0x2030  }
0xc8: {  	[dreg:$0x2] =	wrdreg s22  }
0xc9: {  	[dreg:$0x3] =	wrdreg s1  }
0xca: {  	[dreg:$0x4] =	wrdreg s23  }
0xcb: {  	[dreg:$0x5] =	wrdreg $0xA  }
0xcc: {  	_ =	task.clear_ibuf [dreg:s20], $0x6FFFF;
	_ =	strace $0x90000055  }
0xcd: {  	s29 =	simm.s32 $0xA;
	_ =	strace $0x80000057  }
0xce: {  	_ =	swait.ge [sflag:s29], $0x1  }
0xcf: {  	[sflag:s29] =	ssyncadd.s32 $0xFFFFFFFF  }
0xd0: {  	_ =	strace $0x90000057  }
0xd1: {  	_ =	sfence  }
0xd2: {  	s30 =	sld [smem:$0x0];
	_ =	sdelay $0x2  }
0xd3: {  	s31 =	sshll.u32 s1, $0xD;
	s1 =	sshrl.u32 s1, $0x2  }
0xd4: {  	s4 =	sand.u32 $0x4000, s31;
	s1 =	sadd.s32 s1, s30  }
0xd5: {  	s0 =	sor.u32 s4, s0;
	s1 =	sshll.u32 s1, $0x11  }
0xd6: {  	s0 =	sor.u32 s1, s0  }
0xd7: {  	s0 =	sadd.s32 $0x8F2B, s0  }
0xd8: {  	[sflag:s0] =	ssyncadd.remote.s32 $0x1  }
0xd9: {  	_ =	sfence.sel $0xFFFF  }
0xda: {  	[dreg:$0x0] =	wrdreg $0xFFFFFFFF;
	(pc) =	sbr.abs _section_cstart, $3  }
0xdb: {  	[dreg:$0x1] =	wrdreg $0xFFFFFFFF  }
0xdc: {  	_ =	task.clear_ibuf [dreg:s20], $0x2FFFF;
	_ =	strace $0x9FFFFFFF  }
0xdd: {  	(tm) =	ssettm $0x7FFFFFFF  }
tec
execute0_lowered:
.L_overlay_start_1:
0x0: {  	(tag) =	ssettag $0x1  }
0x1: {  	s0 =	rddreg [dreg:$0x0]  }
0x2: {  	s1 =	rddreg [dreg:$0x1]  }
0x3: {  	s2 =	stileid.u32;
	[bflag:$0x3] =	sbarrier.arrive $0xFFFF;
	s3 =	simm.s32 $_size_execute1_lowered  }
0x4: {  	s26 =	srdreg.scid;
	s29 =	simm.s32 $0x1;
	s31 =	simm.s32 $0x2  }
0x5: {  	s14 =	simm.s32 $0x0;
	p0 =	sne.s32 s2, $0x0;
	s5 =	sshll.u32 s3, $0x1  }
0x6: {  	s3 =	simm.s32 @!p0 $0x1C3F;
	s4 =	simm.s32 @!p0 $0x4060;
	[dreg:$0x4] =	wrdreg s5  }
0x7: {  	[timem:s4], [sflag:s3] =	dma.local @!p0 [hbm:s0], s5  }
0x8: {  	s2 =	sshll.u32 s2, $0x6;
	s7 =	sadd.s32 $0x107000, s1;
	s0 =	sshll.u32 s26, $0x5  }
0x9: {  	s28 =	sadd.s32 $0x1A3400, s1;
	s0 =	sand.u32 $0x20, s0;
	_ =	strace $0x80000053  }
.Ltmp0:
0xa: {  	[dreg:$0x7] =	wrdreg s28;
	s8 =	sor.u32 s2, s0;
	(pc) =	sbr.rel .LBB2_1-.Ltmp0, $4  }
0xb: {  	s12 =	simm.s32 $0x0;
	[dreg:$0x5] =	wrdreg s7;
	s30 =	ssub.s32 $0x2700, s8  }
0xc: {  	s13 =	simm.s32 $0x0;
	[dreg:$0x6] =	wrdreg s8;
	s9 =	sshrl.u32 s30, $0xA  }
0xd: {  	[sflag:s29] =	ssyncpa.u1 $0x0;
	s10 =	sor.u32 $0x2, s9;
	[dreg:$0x8] =	wrdreg s9  }
0xe: {  	[sflag:s31] =	ssyncpa.u1 $0x0;
	s11 =	smov.u32 s8;
	[dreg:$0x9] =	wrdreg s10  }
.LBB2_4:
0xf: {  	_ = 	snop  }
.LBB2_9:
0x10: {  	_ =	sdelay $0x3  }
0x11: {  	[tilespmem:v0+s24+$0x0 ss:$0x1] =	vst.idx.msk @p1 $0xffff, v2  }
0x12: {  	s0 =	sor.u32 s1, s0;
	v2 =	vld.idx.msk @p1 [tilespmem:v1+s30+$0x0 ss:$0x1], $0xffff;
	[tilespmem:v0+s25+$0x0 ss:$0x1] =	vst.idx.msk @p1 $0xffff, v3  }
0x13: {  	s15 =	sand.u32 $0x180, s15;
	v3 =	vld.idx.msk @p1 [tilespmem:v1+s4+$0x0 ss:$0x1], $0xffff;
	[tilespmem:v0+s20+$0x0 ss:$0x1] =	vst.idx.msk @p1 $0xffff, v7;
	s2 =	sand.u32 $0x3200, s0  }
0x14: {  	[tilespmem:v0+s26+$0x0 ss:$0x1] =	vst.idx.msk @p1 $0xffff, v4;
	v4 =	vld.idx.msk @p1 [tilespmem:v1+s3+$0x0 ss:$0x1], $0xffff;
	s0 =	sand.u32 $0x3380, s0;
	s1 =	sor.u32 s15, s2  }
0x15: {  	[tilespmem:v0+s23+$0x0 ss:$0x1] =	vst.idx.msk @p1 $0xffff, v5;
	s25 =	sor.u32 $0x410, s0;
	v36 =	vld.idx.msk [tilespmem:v1+s1+$0x0 ss:$0x1], $0xffff  }
0x16: {  	s26 =	sor.u32 $0x420, s0;
	[tilespmem:v0+s22+$0x0 ss:$0x1] =	vst.idx.msk @p1 $0xffff, v6;
	v43 =	vld.idx.msk [tilespmem:v1+s25+$0x0 ss:$0x1], $0xffff  }
0x17: {  	s15 =	smov.u32 s4;
	s28 =	sor.u32 $0x430, s0;
	v44 =	vld.idx.msk [tilespmem:v1+s26+$0x0 ss:$0x1], $0xffff;
	[tilespmem:v0+s30+$0x0 ss:$0x1] =	vst.idx.msk @p1 $0xffff, v2  }
0x18: {  	s6 =	smov.u32 s3;
	s29 =	sor.u32 $0x440, s0;
	v45 =	vld.idx.msk [tilespmem:v1+s28+$0x0 ss:$0x1], $0xffff;
	[tilespmem:v0+s15+$0x0 ss:$0x1] =	vst.idx.msk @p1 $0xffff, v3  }
0x19: {  	s31 =	sor.u32 $0x460, s0;
	v46 =	vld.idx.msk [tilespmem:v1+s29+$0x0 ss:$0x1], $0xffff;
	[tilespmem:v0+s6+$0x0 ss:$0x1] =	vst.idx.msk @p1 $0xffff, v4  }
0x1a: {  	s2 =	sor.u32 $0xC00, s1;
	v48 =	vld.idx.msk [tilespmem:v1+s31+$0x0 ss:$0x1], $0xffff;
	[tilespmem:v0+s1+$0x0 ss:$0x1] =	vst.idx.msk $0xffff, v36  }
0x1b: {  	s18 =	sor.u32 $0x10, s1;
	v32 =	vld.idx.msk [tilespmem:v1+s2+$0x0 ss:$0x1], $0xffff;
	[tilespmem:v0+s25+$0x0 ss:$0x1] =	vst.idx.msk $0xffff, v43  }
0x1c: {  	s19 =	sor.u32 $0x20, s1;
	v33 =	vld.idx.msk [tilespmem:v1+s18+$0x0 ss:$0x1], $0xffff;
	[tilespmem:v0+s26+$0x0 ss:$0x1] =	vst.idx.msk $0xffff, v44  }
0x1d: {  	s5 =	sor.u32 $0x30, s1;
	v34 =	vld.idx.msk [tilespmem:v1+s19+$0x0 ss:$0x1], $0xffff;
	[tilespmem:v0+s28+$0x0 ss:$0x1] =	vst.idx.msk $0xffff, v45  }
0x1e: {  	s20 =	sor.u32 $0x40, s1;
	v35 =	vld.idx.msk [tilespmem:v1+s5+$0x0 ss:$0x1], $0xffff;
	[tilespmem:v0+s29+$0x0 ss:$0x1] =	vst.idx.msk $0xffff, v46  }
0x1f: {  	s21 =	sor.u32 $0x50, s1;
	v37 =	vld.idx.msk [tilespmem:v1+s20+$0x0 ss:$0x1], $0xffff;
	[tilespmem:v0+s31+$0x0 ss:$0x1] =	vst.idx.msk $0xffff, v48  }
0x20: {  	s22 =	sor.u32 $0x60, s1;
	v38 =	vld.idx.msk [tilespmem:v1+s21+$0x0 ss:$0x1], $0xffff;
	[tilespmem:v0+s2+$0x0 ss:$0x1] =	vst.idx.msk $0xffff, v32  }
0x21: {  	s23 =	sor.u32 $0x70, s1;
	v39 =	vld.idx.msk [tilespmem:v1+s22+$0x0 ss:$0x1], $0xffff;
	[tilespmem:v0+s18+$0x0 ss:$0x1] =	vst.idx.msk $0xffff, v33  }
0x22: {  	s24 =	sor.u32 $0x400, s1;
	v40 =	vld.idx.msk [tilespmem:v1+s23+$0x0 ss:$0x1], $0xffff;
	[tilespmem:v0+s19+$0x0 ss:$0x1] =	vst.idx.msk $0xffff, v34  }
0x23: {  	v41 =	vld.idx.msk [tilespmem:v1+s24+$0x0 ss:$0x1], $0xffff;
	s30 =	sor.u32 $0x450, s0;
	[tilespmem:v0+s5+$0x0 ss:$0x1] =	vst.idx.msk $0xffff, v35  }
0x24: {  	s15 =	sor.u32 $0x470, s0;
	v47 =	vld.idx.msk [tilespmem:v1+s30+$0x0 ss:$0x1], $0xffff;
	[tilespmem:v0+s20+$0x0 ss:$0x1] =	vst.idx.msk $0xffff, v37  }
0x25: {  	v49 =	vld.idx.msk [tilespmem:v1+s15+$0x0 ss:$0x1], $0xffff;
	s1 =	sor.u32 $0x800, s1;
	[tilespmem:v0+s21+$0x0 ss:$0x1] =	vst.idx.msk $0xffff, v38  }
0x26: {  	s25 =	sor.u32 $0xC10, s0;
	v42 =	vld.idx.msk [tilespmem:v1+s1+$0x0 ss:$0x1], $0xffff;
	[tilespmem:v0+s22+$0x0 ss:$0x1] =	vst.idx.msk $0xffff, v39  }
0x27: {  	s26 =	sor.u32 $0xC20, s0;
	[tilespmem:v0+s23+$0x0 ss:$0x1] =	vst.idx.msk $0xffff, v40;
	v57 =	vld.idx.msk [tilespmem:v1+s25+$0x0 ss:$0x1], $0xffff  }
0x28: {  	s28 =	sor.u32 $0xC30, s0;
	[tilespmem:v0+s24+$0x0 ss:$0x1] =	vst.idx.msk $0xffff, v41;
	v58 =	vld.idx.msk [tilespmem:v1+s26+$0x0 ss:$0x1], $0xffff  }
0x29: {  	s29 =	sor.u32 $0xC40, s0;
	v59 =	vld.idx.msk [tilespmem:v1+s28+$0x0 ss:$0x1], $0xffff;
	[tilespmem:v0+s30+$0x0 ss:$0x1] =	vst.idx.msk $0xffff, v47  }
0x2a: {  	s31 =	sor.u32 $0xC60, s0;
	v60 =	vld.idx.msk [tilespmem:v1+s29+$0x0 ss:$0x1], $0xffff;
	[tilespmem:v0+s15+$0x0 ss:$0x1] =	vst.idx.msk $0xffff, v49  }
0x2b: {  	s18 =	sor.u32 $0x810, s0;
	v62 =	vld.idx.msk [tilespmem:v1+s31+$0x0 ss:$0x1], $0xffff;
	[tilespmem:v0+s1+$0x0 ss:$0x1] =	vst.idx.msk $0xffff, v42  }
0x2c: {  	s19 =	sor.u32 $0x820, s0;
	v50 =	vld.idx.msk [tilespmem:v1+s18+$0x0 ss:$0x1], $0xffff;
	[tilespmem:v0+s25+$0x0 ss:$0x1] =	vst.idx.msk $0xffff, v57  }
0x2d: {  	s20 =	sor.u32 $0x830, s0;
	v51 =	vld.idx.msk [tilespmem:v1+s19+$0x0 ss:$0x1], $0xffff;
	[tilespmem:v0+s26+$0x0 ss:$0x1] =	vst.idx.msk $0xffff, v58  }
0x2e: {  	s21 =	sor.u32 $0x840, s0;
	v52 =	vld.idx.msk [tilespmem:v1+s20+$0x0 ss:$0x1], $0xffff;
	[tilespmem:v0+s28+$0x0 ss:$0x1] =	vst.idx.msk $0xffff, v59  }
0x2f: {  	s22 =	sor.u32 $0x850, s0;
	v53 =	vld.idx.msk [tilespmem:v1+s21+$0x0 ss:$0x1], $0xffff;
	[tilespmem:v0+s29+$0x0 ss:$0x1] =	vst.idx.msk $0xffff, v60  }
0x30: {  	s23 =	sor.u32 $0x860, s0;
	v54 =	vld.idx.msk [tilespmem:v1+s22+$0x0 ss:$0x1], $0xffff;
	[tilespmem:v0+s31+$0x0 ss:$0x1] =	vst.idx.msk $0xffff, v62  }
0x31: {  	s24 =	sor.u32 $0x870, s0;
	v55 =	vld.idx.msk [tilespmem:v1+s23+$0x0 ss:$0x1], $0xffff;
	[tilespmem:v0+s18+$0x0 ss:$0x1] =	vst.idx.msk $0xffff, v50  }
0x32: {  	v56 =	vld.idx.msk [tilespmem:v1+s24+$0x0 ss:$0x1], $0xffff;
	s30 =	sor.u32 $0xC50, s0;
	[tilespmem:v0+s19+$0x0 ss:$0x1] =	vst.idx.msk $0xffff, v51  }
0x33: {  	s0 =	sor.u32 $0xC70, s0;
	v61 =	vld.idx.msk [tilespmem:v1+s30+$0x0 ss:$0x1], $0xffff;
	[tilespmem:v0+s20+$0x0 ss:$0x1] =	vst.idx.msk $0xffff, v52  }
0x34: {  	v63 =	vld.idx.msk [tilespmem:v1+s0+$0x0 ss:$0x1], $0xffff;
	[tilespmem:v0+s21+$0x0 ss:$0x1] =	vst.idx.msk $0xffff, v53  }
0x35: {  	[tilespmem:v0+s22+$0x0 ss:$0x1] =	vst.idx.msk $0xffff, v54  }
0x36: {  	[tilespmem:v0+s23+$0x0 ss:$0x1] =	vst.idx.msk $0xffff, v55  }
0x37: {  	[tilespmem:v0+s24+$0x0 ss:$0x1] =	vst.idx.msk $0xffff, v56  }
0x38: {  	[tilespmem:v0+s30+$0x0 ss:$0x1] =	vst.idx.msk $0xffff, v61  }
0x39: {  	[tilespmem:v0+s0+$0x0 ss:$0x1] =	vst.idx.msk $0xffff, v63  }
.LBB2_10:
0x3a: {  	s0 =	sshll.u32 s12, $0x9;
	s1 =	sshll.u32 s12, $0x7  }
0x3b: {  	s0 =	sand.u32 $0xFFFFF000, s0;
	s1 =	sand.u32 $0x200, s1  }
0x3c: {  	s0 =	sor.u32 s1, s0  }
0x3d: {  	s0 =	sshrl.u32 s0, $0x9  }
0x3e: {  	s28 =	smulhi.u32 $0x1A36E3, s0;
	_ =	sdelay $0x1  }
0x3f: {  	s1 =	sshrl.u32 s28, $0x2  }
0x40: {  	s1 =	smul.u32 $0x2710, s1  }
0x41: {  	s2 =	sshll.u32 s12, $0x4  }
0x42: {  	s30 =	rddreg [dreg:$0x7];
	s29 =	sand.u32 $0x30, s2;
	s0 =	ssub.s32 s0, s1  }
0x43: {  	s1 =	sadd.s32 s30, s29;
	s0 =	sshll.u32 s0, $0x6  }
0x44: {  	s31 =	simm.s32 $0x0;
	s0 =	sadd.s32 s0, s1  }
0x45: {  	[hbm4b:s0+s31] =	stream.linear.scatter [tilespmem:s17], [sflag:$0x2], s16, $0x38;
	[tilespmem:$0x10000] =	vst v63  }
.LBB2_11:
0x46: {  	p1 =	slt.u32 s13, $0x2  }
0x47: {  	p2 =	sgt.s32 @!p1 s14, $0x26F0  }
0x48: {  	s0 =	smov.u32 s14;
	s1 =	sshra.s32 @!p1 s14, $0x1F;
	p2 =	por !p2, p1  }
0x49: {  	s1 =	sand.u32 @!p1 s1, s14;
	s0 =	simm.s32 @p2 $0x26F0  }
0x4a: {  	s0 =	ssub.s32 @!p1 s0, s1  }
0x4b: {  	s0 =	sadd.s32 @!p1 $0xFFFFD910, s0  }
0x4c: {  	s1 =	sshll.u32 @!p1 s0, $0xB  }
0x4d: {  	p2 =	sgt.s32 @!p1 s0, $0x1F;
	s0 =	ssub.s32 @!p1 $0x10000, s1  }
0x4e: {  	s2 =	sadd.s32 $0x400, s11;
	p2 =	por !p2, p1;
	s0 =	sshrl.u32 @!p1 s0, $0x2  }
0x4f: {  	s0 =	simm.s32 @!p2 $0x0;
	p2 =	sgt.s32 s2, $0x270F  }
0x50: {  	s2 =	smov.u32 @p2 s8;
	p2 =	sne.s32 s13, s10  }
.Ltmp1:
0x51: {  	_ = 	snop;
	(pc) =	sbr.rel @!p2 .LBB2_12-.Ltmp1, $4  }
0x52: {  	s1 =	simm.s32 @!p1 $0x2  }
0x53: {  	s14 =	smov.u32 s12;
	_ =	swait.ge @!p1 [sflag:s1], s0  }
0x54: {  	s12 =	smov.u32 s11;
	s0 =	ssub.s32 @!p1 $0x0, s0;
	[sflag:s1] =	ssyncset.done @!p1 $0x0  }
0x55: {  	s13 =	sadd.s32 $0x1, s13;
	s11 =	smov.u32 s2;
	[sflag:s1] =	ssyncadd.s32 @!p1 s0  }
.LBB2_1:
0x56: {  	p1 =	sgt.u32 s13, s9  }
0x57: {  	s0 =	sshll.u32 @!p1 s11, $0x9;
	s1 =	sshll.u32 @!p1 s11, $0x7  }
0x58: {  	s0 =	sand.u32 @!p1 $0xFFFFF000, s0;
	s1 =	sand.u32 @!p1 $0x200, s1  }
0x59: {  	s0 =	sor.u32 @!p1 s1, s0  }
0x5a: {  	s2 =	smov.u32 s11;
	p2 =	sgt.s32 @!p1 s11, $0x26F0;
	s0 =	sshrl.u32 @!p1 s0, $0x9  }
0x5b: {  	s3 =	sshra.s32 @!p1 s11, $0x1F;
	p2 =	por !p2, p1;
	s1 =	smulhi.u32 @!p1 $0x1A36E3, s0  }
0x5c: {  	s3 =	sand.u32 @!p1 s3, s11;
	s2 =	simm.s32 @p2 $0x26F0  }
0x5d: {  	s2 =	ssub.s32 @!p1 s2, s3;
	s3 =	sxor.u32 @!p1 $0xFFFFFFFF, s13;
	s1 =	sshrl.u32 @!p1 s1, $0x2  }
0x5e: {  	s2 =	sadd.s32 @!p1 $0xFFFFD910, s2;
	s3 =	sshll.u32 @!p1 s3, $0xE;
	s1 =	smul.u32 @!p1 $0x2710, s1  }
0x5f: {  	p2 =	sgt.s32 @!p1 s2, $0x1F;
	s3 =	sand.u32 @!p1 $0x4000, s3  }
0x60: {  	s0 =	ssub.s32 @!p1 s0, s1;
	s1 =	sshll.u32 @!p1 s2, $0xB;
	s2 =	sshll.u32 @!p1 s11, $0x4  }
0x61: {  	p2 =	por !p2, p1;
	s1 =	ssub.s32 @!p1 $0x10000, s1;
	s2 =	sand.u32 @!p1 $0x30, s2  }
0x62: {  	s0 =	sshll.u32 @!p1 s0, $0x6;
	s1 =	sshrl.u32 @!p1 s1, $0x2;
	s2 =	sadd.s32 @!p1 s7, s2  }
0x63: {  	s1 =	simm.s32 @!p2 $0x0;
	s0 =	sadd.s32 @!p1 s0, s2;
	s2 =	simm.s32 @!p1 $0x0  }
0x64: {  	[tilespmem:s3], [sflag:$0x1] =	stream.linear.gather @!p1 [hbm4b:s0+s2], s1, $0x38;
	[tilespmem:$0x10000] =	vst v63  }
0x65: {  	p1 =	seq.s32 s13, $0x0  }
0x66: {  	p2 =	sge.u32 @!p1 s13, s10  }
0x67: {  	p1 =	por p1, p2  }
.Ltmp2:
0x68: {  	_ = 	snop;
	(pc) =	sbr.rel @p1 .LBB2_11-.Ltmp2, $1  }
0x69: {  	_ =	sdelay $0x3  }
0x6a: {  	p1 =	sgt.s32 s12, $0x26F0;
	s0 =	smov.u32 s12;
	s1 =	sshra.s32 s12, $0x1F  }
0x6b: {  	s0 =	simm.s32 @!p1 $0x26F0;
	s1 =	sand.u32 s1, s12  }
0x6c: {  	s0 =	ssub.s32 s0, s1  }
0x6d: {  	s0 =	sadd.s32 $0xFFFFD910, s0  }
0x6e: {  	s30 =	sshll.u32 s0, $0xB  }
0x6f: {  	s1 =	ssub.s32 $0x10000, s30  }
0x70: {  	p1 =	sgt.s32 s0, $0x1F;
	s0 =	sadd.s32 $0x20, s12;
	s16 =	sshrl.u32 s1, $0x2  }
0x71: {  	s16 =	simm.s32 @p1 $0x0;
	p1 =	slt.s32 s0, $0x2710  }
0x72: {  	s0 =	simm.s32 @!p1 $0x2710  }
0x73: {  	s2 =	ssub.s32 s0, s12  }
0x74: {  	p1 =	slt.s32 s2, $0x1  }
.Ltmp3:
0x75: {  	_ = 	snop;
	(pc) =	sbr.rel @p1 .LBB2_10-.Ltmp3, $4  }
0x76: {  	s4 =	simm.s32 $0x1  }
0x77: {  	s31 =	sshll.u32 s13, $0xE;
	_ =	swait.ge [sflag:s4], s16  }
0x78: {  	s1 =	sand.u32 $0x4000, s31;
	s3 =	ssub.s32 $0x0, s16;
	[sflag:s4] =	ssyncset.done $0x0  }
0x79: {  	s17 =	sor.u32 $0x8000, s1;
	[sflag:s4] =	ssyncadd.s32 s3  }
0x7a: {  	p2 =	sne.s32 s2, $0x1  }
.Ltmp4:
0x7b: {  	_ = 	snop;
	(pc) =	sbr.rel @!p2 .LBB2_4-.Ltmp4, $3  }
0x7c: {  	_ =	sdelay $0x1  }
0x7d: {  	s15 =	simm.s32 $0x0;
	v1 =	vmov s1;
	v0 =	vmov s17;
	s21 =	sadd.s32 $0xFFFFFFFF, s2  }
0x7e: {  	p1 =	por $0x0, $0x0;
	s0 =	sand.u32 $0xFFFFF000, s15;
	s1 =	sand.u32 $0x380, s15  }
0x7f: {  	[dreg:$0xf] =	wrdreg s17  }
0x80: {  	[dreg:$0xe] =	wrdreg s16  }
0x81: {  	[dreg:$0xd] =	wrdreg s14  }
0x82: {  	[dreg:$0xc] =	wrdreg s13;
	s0 =	sor.u32 s1, s0  }
0x83: {  	[dreg:$0xb] =	wrdreg s12;
	s29 =	sand.u32 $0x180, s15;
	s2 =	sand.u32 $0x3200, s0  }
0x84: {  	[dreg:$0xa] =	wrdreg s11;
	s0 =	sand.u32 $0x3380, s0;
	s1 =	sor.u32 s29, s2  }
0x85: {  	s28 =	sor.u32 $0x830, s0;
	v2 =	vld.idx.msk [tilespmem:v1+s1+$0x0 ss:$0x1], $0xffff  }
0x86: {  	s29 =	sor.u32 $0x840, s0;
	v9 =	vld.idx.msk [tilespmem:v1+s28+$0x0 ss:$0x1], $0xffff  }
0x87: {  	s2 =	sor.u32 $0xC00, s1;
	v10 =	vld.idx.msk [tilespmem:v1+s29+$0x0 ss:$0x1], $0xffff  }
0x88: {  	s3 =	sor.u32 $0x10, s1;
	v3 =	vld.idx.msk [tilespmem:v1+s2+$0x0 ss:$0x1], $0xffff  }
0x89: {  	s4 =	sor.u32 $0x20, s1;
	v4 =	vld.idx.msk [tilespmem:v1+s3+$0x0 ss:$0x1], $0xffff  }
0x8a: {  	s5 =	sor.u32 $0x30, s1;
	v5 =	vld.idx.msk [tilespmem:v1+s4+$0x0 ss:$0x1], $0xffff  }
0x8b: {  	s6 =	sor.u32 $0x40, s1;
	v6 =	vld.idx.msk [tilespmem:v1+s5+$0x0 ss:$0x1], $0xffff;
	[tilespmem:v0+s1+$0x0 ss:$0x1] =	vst.idx.msk $0xffff, v2  }
0x8c: {  	s8 =	sor.u32 $0x60, s1;
	v7 =	vld.idx.msk [tilespmem:v1+s6+$0x0 ss:$0x1], $0xffff;
	[tilespmem:v0+s28+$0x0 ss:$0x1] =	vst.idx.msk $0xffff, v9  }
0x8d: {  	s7 =	sor.u32 $0x50, s1;
	v8 =	vld.idx.msk [tilespmem:v1+s8+$0x0 ss:$0x1], $0xffff;
	[tilespmem:v0+s29+$0x0 ss:$0x1] =	vst.idx.msk $0xffff, v10  }
0x8e: {  	s31 =	sor.u32 $0x70, s1;
	v2 =	vld.idx.msk [tilespmem:v1+s7+$0x0 ss:$0x1], $0xffff;
	[tilespmem:v0+s2+$0x0 ss:$0x1] =	vst.idx.msk $0xffff, v3  }
0x8f: {  	s9 =	sor.u32 $0x400, s1;
	[tilespmem:v0+s3+$0x0 ss:$0x1] =	vst.idx.msk $0xffff, v4;
	v3 =	vld.idx.msk [tilespmem:v1+s31+$0x0 ss:$0x1], $0xffff  }
0x90: {  	s1 =	sor.u32 $0x800, s1;
	[tilespmem:v0+s4+$0x0 ss:$0x1] =	vst.idx.msk $0xffff, v5;
	v4 =	vld.idx.msk [tilespmem:v1+s9+$0x0 ss:$0x1], $0xffff  }
0x91: {  	s10 =	sor.u32 $0x410, s0;
	[tilespmem:v0+s5+$0x0 ss:$0x1] =	vst.idx.msk $0xffff, v6;
	v5 =	vld.idx.msk [tilespmem:v1+s1+$0x0 ss:$0x1], $0xffff  }
0x92: {  	s12 =	sor.u32 $0x430, s0;
	[tilespmem:v0+s6+$0x0 ss:$0x1] =	vst.idx.msk $0xffff, v7;
	v6 =	vld.idx.msk [tilespmem:v1+s10+$0x0 ss:$0x1], $0xffff  }
0x93: {  	s16 =	sor.u32 $0x460, s0;
	[tilespmem:v0+s8+$0x0 ss:$0x1] =	vst.idx.msk $0xffff, v8;
	v7 =	vld.idx.msk [tilespmem:v1+s12+$0x0 ss:$0x1], $0xffff  }
0x94: {  	s11 =	sor.u32 $0x420, s0;
	v8 =	vld.idx.msk [tilespmem:v1+s16+$0x0 ss:$0x1], $0xffff;
	[tilespmem:v0+s7+$0x0 ss:$0x1] =	vst.idx.msk $0xffff, v2  }
0x95: {  	s13 =	sor.u32 $0x440, s0;
	v2 =	vld.idx.msk [tilespmem:v1+s11+$0x0 ss:$0x1], $0xffff;
	[tilespmem:v0+s31+$0x0 ss:$0x1] =	vst.idx.msk $0xffff, v3  }
0x96: {  	s14 =	sor.u32 $0x450, s0;
	v3 =	vld.idx.msk [tilespmem:v1+s13+$0x0 ss:$0x1], $0xffff;
	[tilespmem:v0+s9+$0x0 ss:$0x1] =	vst.idx.msk $0xffff, v4  }
0x97: {  	s17 =	sor.u32 $0x470, s0;
	v4 =	vld.idx.msk [tilespmem:v1+s14+$0x0 ss:$0x1], $0xffff;
	[tilespmem:v0+s1+$0x0 ss:$0x1] =	vst.idx.msk $0xffff, v5  }
0x98: {  	s18 =	sor.u32 $0x810, s0;
	[tilespmem:v0+s10+$0x0 ss:$0x1] =	vst.idx.msk $0xffff, v6;
	v5 =	vld.idx.msk [tilespmem:v1+s17+$0x0 ss:$0x1], $0xffff  }
0x99: {  	s19 =	sor.u32 $0x820, s0;
	v6 =	vld.idx.msk [tilespmem:v1+s18+$0x0 ss:$0x1], $0xffff;
	[tilespmem:v0+s12+$0x0 ss:$0x1] =	vst.idx.msk $0xffff, v7  }
0x9a: {  	v7 =	vld.idx.msk [tilespmem:v1+s19+$0x0 ss:$0x1], $0xffff;
	s31 =	sor.u32 $0x850, s0;
	[tilespmem:v0+s16+$0x0 ss:$0x1] =	vst.idx.msk $0xffff, v8  }
0x9b: {  	s24 =	sor.u32 $0x860, s0;
	v8 =	vld.idx.msk [tilespmem:v1+s31+$0x0 ss:$0x1], $0xffff;
	[tilespmem:v0+s11+$0x0 ss:$0x1] =	vst.idx.msk $0xffff, v2  }
0x9c: {  	p2 =	sne.s32 s21, $0x1;
	s25 =	sor.u32 $0x870, s0;
	v2 =	vld.idx.msk [tilespmem:v1+s24+$0x0 ss:$0x1], $0xffff;
	[tilespmem:v0+s13+$0x0 ss:$0x1] =	vst.idx.msk $0xffff, v3  }
.Ltmp5:
0x9d: {  	s26 =	sor.u32 $0xC10, s0;
	[tilespmem:v0+s14+$0x0 ss:$0x1] =	vst.idx.msk $0xffff, v4;
	v3 =	vld.idx.msk [tilespmem:v1+s25+$0x0 ss:$0x1], $0xffff;
	(pc) =	sbr.rel @!p2 .LBB2_6-.Ltmp5, $4  }
0x9e: {  	s15 =	simm.s32 $0x80;
	s21 =	sadd.s32 $0xFFFFFFFF, s21;
	s23 =	sor.u32 $0xC20, s0;
	[tilespmem:v0+s17+$0x0 ss:$0x1] =	vst.idx.msk $0xffff, v5;
	v4 =	vld.idx.msk [tilespmem:v1+s26+$0x0 ss:$0x1], $0xffff  }
0x9f: {  	p1 =	por $0x1, $0x1;
	s22 =	sor.u32 $0xC30, s0;
	s20 =	sor.u32 $0xC40, s0;
	[tilespmem:v0+s18+$0x0 ss:$0x1] =	vst.idx.msk $0xffff, v6;
	v5 =	vld.idx.msk [tilespmem:v1+s23+$0x0 ss:$0x1], $0xffff  }
0xa0: {  	s30 =	sor.u32 $0xC50, s0;
	s1 =	sand.u32 $0x380, s15;
	[tilespmem:v0+s19+$0x0 ss:$0x1] =	vst.idx.msk $0xffff, v7;
	s19 =	simm.s32 $0x200;
	v6 =	vld.idx.msk [tilespmem:v1+s22+$0x0 ss:$0x1], $0xffff  }
0xa1: {  	s14 =	sor.u32 $0xC60, s0;
	s13 =	sor.u32 $0xC70, s0;
	v7 =	vld.idx.msk [tilespmem:v1+s20+$0x0 ss:$0x1], $0xffff;
	s0 =	sand.u32 $0xFFFFF000, s19;
	[tilespmem:v0+s31+$0x0 ss:$0x1] =	vst.idx.msk $0xffff, v8  }
.LBB2_7:
0xa2: {  	s0 =	sor.u32 s1, s0  }
0xa3: {  	s18 =	sand.u32 $0x180, s15;
	s2 =	sand.u32 $0x3200, s0  }
0xa4: {  	s1 =	sor.u32 s18, s2  }
0xa5: {  	v8 =	vld.idx.msk [tilespmem:v1+s1+$0x0 ss:$0x1], $0xffff;
	[tilespmem:v0+s24+$0x0 ss:$0x1] =	vst.idx.msk $0xffff, v2  }
0xa6: {  	v2 =	vld.idx.msk [tilespmem:v1+s30+$0x0 ss:$0x1], $0xffff;
	[tilespmem:v0+s25+$0x0 ss:$0x1] =	vst.idx.msk $0xffff, v3  }
0xa7: {  	v3 =	vld.idx.msk [tilespmem:v1+s14+$0x0 ss:$0x1], $0xffff;
	[tilespmem:v0+s26+$0x0 ss:$0x1] =	vst.idx.msk $0xffff, v4  }
0xa8: {  	v4 =	vld.idx.msk [tilespmem:v1+s13+$0x0 ss:$0x1], $0xffff;
	s26 =	sor.u32 $0xC00, s1;
	[tilespmem:v0+s23+$0x0 ss:$0x1] =	vst.idx.msk $0xffff, v5  }
0xa9: {  	s24 =	smov.u32 s14;
	s14 =	sor.u32 $0x10, s1;
	[tilespmem:v0+s22+$0x0 ss:$0x1] =	vst.idx.msk $0xffff, v6;
	v5 =	vld.idx.msk [tilespmem:v1+s26+$0x0 ss:$0x1], $0xffff  }
0xaa: {  	s25 =	smov.u32 s13;
	s13 =	sor.u32 $0x20, s1;
	[tilespmem:v0+s20+$0x0 ss:$0x1] =	vst.idx.msk $0xffff, v7;
	v6 =	vld.idx.msk [tilespmem:v1+s14+$0x0 ss:$0x1], $0xffff  }
0xab: {  	s9 =	sor.u32 $0x60, s1;
	v7 =	vld.idx.msk [tilespmem:v1+s13+$0x0 ss:$0x1], $0xffff;
	[tilespmem:v0+s1+$0x0 ss:$0x1] =	vst.idx.msk $0xffff, v8  }
0xac: {  	s12 =	sor.u32 $0x30, s1;
	v8 =	vld.idx.msk [tilespmem:v1+s9+$0x0 ss:$0x1], $0xffff;
	[tilespmem:v0+s30+$0x0 ss:$0x1] =	vst.idx.msk $0xffff, v2  }
0xad: {  	s10 =	sor.u32 $0x40, s1;
	v2 =	vld.idx.msk [tilespmem:v1+s12+$0x0 ss:$0x1], $0xffff;
	[tilespmem:v0+s24+$0x0 ss:$0x1] =	vst.idx.msk $0xffff, v3  }
0xae: {  	s11 =	sor.u32 $0x50, s1;
	v3 =	vld.idx.msk [tilespmem:v1+s10+$0x0 ss:$0x1], $0xffff;
	[tilespmem:v0+s25+$0x0 ss:$0x1] =	vst.idx.msk $0xffff, v4  }
0xaf: {  	s16 =	sor.u32 $0x70, s1;
	v4 =	vld.idx.msk [tilespmem:v1+s11+$0x0 ss:$0x1], $0xffff;
	[tilespmem:v0+s26+$0x0 ss:$0x1] =	vst.idx.msk $0xffff, v5  }
0xb0: {  	s6 =	sand.u32 $0x3380, s0;
	s17 =	sor.u32 $0x400, s1;
	[tilespmem:v0+s14+$0x0 ss:$0x1] =	vst.idx.msk $0xffff, v6;
	v5 =	vld.idx.msk [tilespmem:v1+s16+$0x0 ss:$0x1], $0xffff  }
0xb1: {  	s3 =	sor.u32 $0x430, s6;
	[tilespmem:v0+s13+$0x0 ss:$0x1] =	vst.idx.msk $0xffff, v7;
	v6 =	vld.idx.msk [tilespmem:v1+s17+$0x0 ss:$0x1], $0xffff  }
0xb2: {  	s5 =	sor.u32 $0x460, s6;
	v7 =	vld.idx.msk [tilespmem:v1+s3+$0x0 ss:$0x1], $0xffff;
	[tilespmem:v0+s9+$0x0 ss:$0x1] =	vst.idx.msk $0xffff, v8  }
0xb3: {  	s18 =	sor.u32 $0x800, s1;
	v8 =	vld.idx.msk [tilespmem:v1+s5+$0x0 ss:$0x1], $0xffff;
	[tilespmem:v0+s12+$0x0 ss:$0x1] =	vst.idx.msk $0xffff, v2  }
0xb4: {  	s29 =	sor.u32 $0x410, s6;
	v2 =	vld.idx.msk [tilespmem:v1+s18+$0x0 ss:$0x1], $0xffff;
	[tilespmem:v0+s10+$0x0 ss:$0x1] =	vst.idx.msk $0xffff, v3  }
0xb5: {  	s28 =	sor.u32 $0x420, s6;
	v3 =	vld.idx.msk [tilespmem:v1+s29+$0x0 ss:$0x1], $0xffff;
	[tilespmem:v0+s11+$0x0 ss:$0x1] =	vst.idx.msk $0xffff, v4  }
0xb6: {  	s2 =	sor.u32 $0x440, s6;
	v4 =	vld.idx.msk [tilespmem:v1+s28+$0x0 ss:$0x1], $0xffff;
	[tilespmem:v0+s16+$0x0 ss:$0x1] =	vst.idx.msk $0xffff, v5  }
0xb7: {  	s7 =	sor.u32 $0x450, s6;
	v5 =	vld.idx.msk [tilespmem:v1+s2+$0x0 ss:$0x1], $0xffff;
	[tilespmem:v0+s17+$0x0 ss:$0x1] =	vst.idx.msk $0xffff, v6  }
0xb8: {  	s30 =	sor.u32 $0x850, s6;
	v6 =	vld.idx.msk [tilespmem:v1+s7+$0x0 ss:$0x1], $0xffff;
	[tilespmem:v0+s3+$0x0 ss:$0x1] =	vst.idx.msk $0xffff, v7  }
0xb9: {  	s8 =	sor.u32 $0x470, s6;
	v7 =	vld.idx.msk [tilespmem:v1+s30+$0x0 ss:$0x1], $0xffff;
	[tilespmem:v0+s5+$0x0 ss:$0x1] =	vst.idx.msk $0xffff, v8  }
0xba: {  	s4 =	sor.u32 $0x810, s6;
	[tilespmem:v0+s18+$0x0 ss:$0x1] =	vst.idx.msk $0xffff, v2;
	v2 =	vld.idx.msk [tilespmem:v1+s8+$0x0 ss:$0x1], $0xffff  }
0xbb: {  	s0 =	sor.u32 $0x820, s6;
	[tilespmem:v0+s29+$0x0 ss:$0x1] =	vst.idx.msk $0xffff, v3;
	v3 =	vld.idx.msk [tilespmem:v1+s4+$0x0 ss:$0x1], $0xffff  }
0xbc: {  	s31 =	sor.u32 $0x830, s6;
	[tilespmem:v0+s28+$0x0 ss:$0x1] =	vst.idx.msk $0xffff, v4;
	v4 =	vld.idx.msk [tilespmem:v1+s0+$0x0 ss:$0x1], $0xffff  }
0xbd: {  	s1 =	sor.u32 $0x840, s6;
	[tilespmem:v0+s2+$0x0 ss:$0x1] =	vst.idx.msk $0xffff, v5;
	v5 =	vld.idx.msk [tilespmem:v1+s31+$0x0 ss:$0x1], $0xffff  }
0xbe: {  	s20 =	sor.u32 $0xC40, s6;
	[tilespmem:v0+s7+$0x0 ss:$0x1] =	vst.idx.msk $0xffff, v6;
	v6 =	vld.idx.msk [tilespmem:v1+s1+$0x0 ss:$0x1], $0xffff  }
0xbf: {  	p2 =	sne.s32 s21, $0x1;
	s24 =	sor.u32 $0x860, s6;
	[tilespmem:v0+s30+$0x0 ss:$0x1] =	vst.idx.msk $0xffff, v7;
	v7 =	vld.idx.msk [tilespmem:v1+s20+$0x0 ss:$0x1], $0xffff  }
.Ltmp6:
0xc0: {  	s15 =	sadd.s32 $0x80, s15;
	s25 =	sor.u32 $0x870, s6;
	[tilespmem:v0+s8+$0x0 ss:$0x1] =	vst.idx.msk $0xffff, v2;
	v2 =	vld.idx.msk [tilespmem:v1+s24+$0x0 ss:$0x1], $0xffff;
	(pc) =	sbr.rel @p2 .LBB2_7-.Ltmp6, $4  }
0xc1: {  	s19 =	sadd.s32 $0x200, s19;
	s21 =	sadd.s32 $0xFFFFFFFF, s21;
	s26 =	sor.u32 $0xC10, s6;
	[tilespmem:v0+s4+$0x0 ss:$0x1] =	vst.idx.msk $0xffff, v3;
	v3 =	vld.idx.msk [tilespmem:v1+s25+$0x0 ss:$0x1], $0xffff  }
0xc2: {  	s23 =	sor.u32 $0xC20, s6;
	s22 =	sor.u32 $0xC30, s6;
	s14 =	sor.u32 $0xC50, s6;
	[tilespmem:v0+s0+$0x0 ss:$0x1] =	vst.idx.msk $0xffff, v4;
	v4 =	vld.idx.msk [tilespmem:v1+s26+$0x0 ss:$0x1], $0xffff  }
0xc3: {  	s13 =	sor.u32 $0xC70, s6;
	[dreg:$0x3] =	wrdreg s14;
	s14 =	sor.u32 $0xC60, s6;
	[tilespmem:v0+s31+$0x0 ss:$0x1] =	vst.idx.msk $0xffff, v5;
	v5 =	vld.idx.msk [tilespmem:v1+s23+$0x0 ss:$0x1], $0xffff  }
0xc4: {  	s30 =	rddreg [dreg:$0x3];
	s0 =	sand.u32 $0xFFFFF000, s19;
	[tilespmem:v0+s1+$0x0 ss:$0x1] =	vst.idx.msk $0xffff, v6;
	v6 =	vld.idx.msk [tilespmem:v1+s22+$0x0 ss:$0x1], $0xffff;
	s1 =	sand.u32 $0x380, s15  }
0xc5: {  	s7 =	rddreg [dreg:$0x5]  }
0xc6: {  	s8 =	rddreg [dreg:$0x6]  }
0xc7: {  	s9 =	rddreg [dreg:$0x8]  }
0xc8: {  	s10 =	rddreg [dreg:$0x9]  }
0xc9: {  	s11 =	rddreg [dreg:$0xa]  }
.Ltmp7:
0xca: {  	s12 =	rddreg [dreg:$0xb];
	(pc) =	sbr.rel .LBB2_9-.Ltmp7, $4  }
0xcb: {  	s3 =	smov.u32 s13;
	s13 =	rddreg [dreg:$0xc]  }
0xcc: {  	s4 =	smov.u32 s14;
	s14 =	rddreg [dreg:$0xd]  }
0xcd: {  	s16 =	rddreg [dreg:$0xe]  }
0xce: {  	s17 =	rddreg [dreg:$0xf]  }
.LBB2_6:
0xcf: {  	s7 =	rddreg [dreg:$0x5]  }
0xd0: {  	s8 =	rddreg [dreg:$0x6]  }
0xd1: {  	s9 =	rddreg [dreg:$0x8]  }
0xd2: {  	s10 =	rddreg [dreg:$0x9]  }
0xd3: {  	s11 =	rddreg [dreg:$0xa]  }
.Ltmp8:
0xd4: {  	s12 =	rddreg [dreg:$0xb];
	(pc) =	sbr.rel .LBB2_9-.Ltmp8, $4  }
0xd5: {  	s3 =	smov.u32 s13;
	s13 =	rddreg [dreg:$0xc]  }
0xd6: {  	s4 =	smov.u32 s14;
	s14 =	rddreg [dreg:$0xd]  }
0xd7: {  	s16 =	rddreg [dreg:$0xe]  }
0xd8: {  	s17 =	rddreg [dreg:$0xf]  }
.LBB2_12:
0xd9: {  	_ =	sfence.sel $0x180000  }
0xda: {  	s0 =	simm.s32 $0x1;
	[bflag:$0x0] =	sbarrier.arrive $0xFFFF  }
0xdb: {  	s31 =	simm.s32 $0x2;
	[sflag:s0] =	ssyncpa.u1 $0x1  }
0xdc: {  	[sflag:s31] =	ssyncpa.u1 $0x1  }
0xdd: {  	_ =	strace $0x90000053  }
0xde: {  	[bflag:$0x2] =	sbarrier.arrive $0xFFFF  }
0xdf: {  	s0 =	rddreg [dreg:$0x2]  }
0xe0: {  	s0 =	sadd.s32 @!p0 $0x100000, s0  }
0xe1: {  	s1 =	rddreg [dreg:$0x4];
	[sflag:s0] =	ssyncadd.tile.s32 @!p0 $0x1;
	s0 =	simm.s32 @!p0 $0x3F  }
0xe2: {  	_ =	swait.ge @!p0 [sflag:s0], s1  }
0xe3: {  	s1 =	ssub.s32 @!p0 $0x0, s1;
	[sflag:s0] =	ssyncset.done @!p0 $0x0  }
0xe4: {  	[sflag:s0] =	ssyncadd.s32 @!p0 s1  }
0xe5: {  	[bflag:$0x3] =	sbarrier.arrive $0xFFFF  }
0xe6: {  	_ =	shalt  }
.Lfunc_end2:
execute1_lowered:
.L_overlay_start_2:
0xe7: {  	(tag) =	ssettag $0x2  }
0xe8: {  	s2 =	rddreg [dreg:$0x0]  }
0xe9: {  	s3 =	rddreg [dreg:$0x1];
	_ =	strace $0x80000056;
	s0 =	simm.s32 $0x1  }
0xea: {  	s4 =	simm.s32 $0x408;
	v0 =	vimm.s32 $0x0;
	[sflag:s0] =	ssyncpa.u1 $0x0  }
0xeb: {  	[tilespmem:s4+$0x70] =	vst v0  }
0xec: {  	[tilespmem:s4+$0x60] =	vst v0  }
0xed: {  	[tilespmem:s4+$0x50] =	vst v0  }
0xee: {  	[tilespmem:s4+$0x40] =	vst v0  }
0xef: {  	s1 =	sadd.s32 $0x1A3400, s2;
	[tilespmem:s4+$0x30] =	vst v0  }
0xf0: {  	s0 =	sadd.s32 $0x3200, s2;
	s6 =	sadd.s32 $0x1948E00, s2;
	[tilespmem:s4+$0x20] =	vst v0  }
0xf1: {  	s2 =	sadd.s32 $0x53F000, s2;
	s7 =	sand.u32 $0x1, s3;
	s3 =	simm.s32 $0x40;
	[tilespmem:s4+$0x10] =	vst v0  }
.LBB3_1:
0xf2: {  	s3 =	sadd.s32 $0x40, s3;
	[tilespmem:s4+$0x0] =	vst v0;
	s4 =	sadd.s32 $0x80, s4  }
0xf3: {  	p0 =	slt.u32 s3, $0x3100;
	[tilespmem:s4+$0x70] =	vst v0  }
0xf4: {  	[tilespmem:s4+$0x60] =	vst v0  }
.Ltmp9:
0xf5: {  	[tilespmem:s4+$0x50] =	vst v0;
	(pc) =	sbr.rel @p0 .LBB3_1-.Ltmp9, $4  }
0xf6: {  	[tilespmem:s4+$0x40] =	vst v0  }
0xf7: {  	[tilespmem:s4+$0x30] =	vst v0  }
0xf8: {  	[tilespmem:s4+$0x20] =	vst v0  }
0xf9: {  	[tilespmem:s4+$0x10] =	vst v0  }
0xfa: {  	s10 =	stileid.u32  }
0xfb: {  	s3 =	smul.u32 $0xD0, s10  }
0xfc: {  	s5 =	smin.u32 s10, $0x6  }
0xfd: {  	s3 =	sor.u32 s5, s3  }
0xfe: {  	p0 =	slt.u32 s10, $0x6;
	s11 =	smul.u32 $0x30, s3;
	s3 =	simm.s32 $0x2730  }
0xff: {  	s3 =	simm.s32 @!p0 $0x2700  }
0x100: {  	s3 =	sadd.s32 s3, s11  }
0x101: {  	s8 =	smin.u32 s3, $0x27100  }
0x102: {  	s26 =	simm.s32 $0x2;
	s9 =	simm.s32 $0x9;
	s3 =	ssub.s32 s8, s11  }
0x103: {  	s29 =	simm.s32 $0xA;
	s30 =	simm.s32 $0xB;
	p0 =	sgt.s32 s3, $0x0  }
0x104: {  	[dreg:$0x4] =	wrdreg s7;
	s31 =	smul.u32 $0x4E20, s7;
	s3 =	simm.s32 @!p0 $0x0  }
0x105: {  	s12 =	simm.s32 $0x1;
	s24 =	simm.s32 $0x0;
	s25 =	smulhi.u32 $0x2AAAAAAB, s3  }
0x106: {  	p1 =	por $0x0, $0x0;
	s18 =	simm.s32 $0x80;
	s19 =	simm.s32 $0x400  }
0x107: {  	s20 =	simm.s32 $0xC;
	s21 =	simm.s32 $0x0;
	s28 =	sshrl.u32 s25, $0x3  }
0x108: {  	[tilespmem:s4+$0x0] =	vst v0;
	v0 =	vimm.s32 $0xFFFFFFFF;
	s23 =	simm.s32 $0x0;
	[sflag:s26] =	ssyncpa.u1 $0x0;
	s5 =	smul.u32 $0x30, s28  }
0x109: {  	s16 =	sshll.u32 s10, $0xA;
	[tilespmem:$0xC808] =	vst v0;
	[sflag:s9] =	ssyncpa.u1 $0x0;
	s14 =	sadd.s32 s31, s2  }
.Ltmp10:
0x10a: {  	p0 =	sne.s32 s3, s5;
	s3 =	simm.s32 $0x1;
	(pc) =	sbr.rel .LBB3_3-.Ltmp10, $4  }
0x10b: {  	s15 =	sadd.s32 s31, s0;
	[dreg:$0x6] =	wrdreg s14;
	s3 =	simm.s32 @!p0 $0x0  }
0x10c: {  	[sflag:s29] =	ssyncpa.u1 $0x0;
	[dreg:$0x7] =	wrdreg s15;
	s13 =	sadd.s32 s3, s28  }
0x10d: {  	[sflag:s30] =	ssyncpa.u1 $0x0;
	s17 =	sadd.s32 $0x1, s13;
	[dreg:$0x5] =	wrdreg s13  }
0x10e: {  	v0 =	vlaneseq.u32;
	s22 =	smov.u32 s11;
	p0 =	por $0x1, $0x1;
	[dreg:$0x8] =	wrdreg s17  }
.LBB3_30:
0x10f: {  	s0 =	sshrl.u32 s0, $0x2  }
.LBB3_32:
0x110: {  	_ =	swait.ge [sflag:s20], s0  }
0x111: {  	s30 =	ssub.s32 $0x0, s0;
	v1 =	vmov s26;
	vm0 =	veq.s32 v0, $0x0;
	[sflag:s20] =	ssyncset.done $0x0  }
0x112: {  	vm15 =	veq.s32 v0, $0x2;
	v1 =	vsel vm0, s31, v1;
	[sflag:s20] =	ssyncadd.s32 s30  }
0x113: {  	v1 =	vsel vm15, s24, v1;
	[sflag:s20] =	ssyncpa.u1 $0x1  }
0x114: {  	[tilespmem:$0xC808] =	vst v1  }
.LBB3_33:
0x115: {  	s0 =	sadd.s32 $0x30, s22  }
0x116: {  	s2 =	smov.u32 s11;
	p2 =	slt.s32 s0, s8  }
0x117: {  	s2 =	smov.u32 @p2 s0;
	p2 =	sne.s32 s23, s17  }
.Ltmp11:
0x118: {  	_ = 	snop;
	(pc) =	sbr.rel @!p2 .LBB3_34-.Ltmp11, $4  }
0x119: {  	_ = 	snop  }
0x11a: {  	s24 =	smov.u32 s21  }
0x11b: {  	s31 =	sadd.s32 $0x1, s23;
	s21 =	smov.u32 s22;
	p0 =	por !p0, !p0  }
0x11c: {  	p1 =	por !p1, !p1;
	s23 =	smov.u32 s31;
	s22 =	smov.u32 s2  }
.LBB3_3:
0x11d: {  	p2 =	sge.u32 s23, s13  }
0x11e: {  	s0 =	smulhi.u32 @!p2 $0xAAAAAAAB, s23  }
0x11f: {  	s2 =	smov.u32 s22;
	p3 =	sgt.s32 @!p2 s22, $0x270D0  }
0x120: {  	s3 =	sshra.s32 @!p2 s22, $0x1F;
	p3 =	por !p3, p2;
	s0 =	sshrl.u32 @!p2 s0, $0x1  }
0x121: {  	s3 =	sand.u32 @!p2 s3, s22;
	s2 =	simm.s32 @p3 $0x270D0;
	s0 =	smul.u32 @!p2 $0x3, s0  }
0x122: {  	s2 =	ssub.s32 @!p2 s2, s3  }
0x123: {  	s2 =	sadd.s32 @!p2 $0xFFFD8F30, s2;
	s0 =	ssub.s32 @!p2 s23, s0  }
0x124: {  	s3 =	sshll.u32 @!p2 s2, $0x2;
	p3 =	sgt.s32 @!p2 s2, $0x2F;
	s0 =	smul.u32 @!p2 $0xC0, s0  }
0x125: {  	s4 =	sand.u32 @!p2 $0x7, s22;
	s2 =	ssub.s32 @!p2 $0xC0, s3;
	p3 =	por !p3, p2  }
0x126: {  	s3 =	sshrl.u32 @!p2 s22, $0x3;
	s2 =	sshrl.u32 @!p2 s2, $0x2;
	s0 =	sshrl.u32 @!p2 s0, $0x2  }
0x127: {  	s3 =	sadd.s32 @!p2 s3, s14;
	s2 =	simm.s32 @!p3 $0x0;
	s0 =	sadd.s32 @!p2 $0x10848, s0  }
0x128: {  	[tilespmem:s0], [sflag:$0xA] =	stream.linear.gather @!p2 [hbm4b:s3+s4], s2, $0x38;
	[tilespmem:$0x1C938] =	vst v63  }
0x129: {  	s2 =	sadd.s32 $0xFFFFFFFF, s23  }
0x12a: {  	p2 =	sge.u32 s2, s13  }
0x12b: {  	p3 =	sgt.s32 @!p2 s21, $0x270D0  }
0x12c: {  	s0 =	smov.u32 s21;
	s3 =	sshra.s32 @!p2 s21, $0x1F;
	p3 =	por !p3, p2  }
0x12d: {  	s3 =	sand.u32 @!p2 s3, s21;
	s0 =	simm.s32 @p3 $0x270D0  }
0x12e: {  	s0 =	ssub.s32 @!p2 s0, s3  }
0x12f: {  	s0 =	sadd.s32 @!p2 $0xFFFD8F30, s0  }
0x130: {  	s3 =	sshll.u32 @!p2 s0, $0x2  }
0x131: {  	p3 =	sgt.s32 @!p2 s0, $0x2F;
	s0 =	ssub.s32 @!p2 $0xC0, s3  }
0x132: {  	p3 =	por !p3, p2;
	s0 =	sshrl.u32 @!p2 s0, $0x2  }
0x133: {  	s4 =	simm.s32 @!p2 $0xA;
	s3 =	sand.u32 @!p2 $0x1, s2;
	s0 =	simm.s32 @!p3 $0x0  }
0x134: {  	s3 =	smul.u32 @!p2 $0xC0, s3;
	_ =	swait.ge @!p2 [sflag:s4], s0  }
0x135: {  	s5 =	ssub.s32 @!p2 $0x0, s0;
	[sflag:s4] =	ssyncset.done @!p2 $0x0  }
0x136: {  	s3 =	sshrl.u32 @!p2 s3, $0x2;
	[sflag:s4] =	ssyncadd.s32 @!p2 s5;
	s4 =	sshrl.u32 @!p2 s21, $0x3  }
0x137: {  	s3 =	sadd.s32 @!p2 $0x108D8, s3;
	s5 =	sand.u32 @!p2 $0x7, s21;
	s4 =	sadd.s32 @!p2 s4, s15  }
0x138: {  	[tilespmem:s3], [sflag:$0xB] =	stream.linear.gather @!p2 [hbm4b:s4+s5], s0, $0x38;
	[tilespmem:$0x1C938] =	vst v63  }
0x139: {  	s0 =	ssub.s32 @!p2 $0x27100, s21  }
0x13a: {  	p3 =	slt.s32 @!p2 s0, $0x1  }
0x13b: {  	p3 =	por p2, p3  }
.Ltmp12:
0x13c: {  	_ = 	snop;
	(pc) =	sbr.rel @p3 .LBB3_9-.Ltmp12, $1  }
0x13d: {  	_ =	sdelay $0x3  }
0x13e: {  	s3 =	smulhi.u32 $0xAAAAAAAB, s2;
	_ =	sdelay $0x1  }
0x13f: {  	s3 =	sshrl.u32 s3, $0x1  }
0x140: {  	s3 =	smul.u32 $0x3, s3;
	_ =	sdelay $0x1  }
0x141: {  	s29 =	ssub.s32 s2, s3  }
0x142: {  	s4 =	simm.s32 $0x1;
	s2 =	smul.u32 $0xC0, s29  }
.Ltmp13:
0x143: {  	s4 =	simm.s32 @!p0 $0x0;
	(pc) =	sbr.rel .LBB3_6-.Ltmp13, $4  }
0x144: {  	s30 =	smul.u32 $0x18000, s4  }
0x145: {  	p3 =	slt.s32 @!p2 s0, $0x30;
	s2 =	sshrl.u32 s2, $0x2  }
0x146: {  	p2 =	por !p3, p2;
	s3 =	sshrl.u32 s30, $0x2;
	s31 =	sadd.s32 $0x10848, s2  }
0x147: {  	s0 =	simm.s32 @p2 $0x30;
	s2 =	sor.u32 $0x10938, s3;
	s3 =	simm.s32 $0x0;
	v1 =	vmov s31  }
.LBB3_5:
0x148: {  	p2 =	sge.s32 s3, s0  }
.Ltmp14:
0x149: {  	_ = 	snop;
	(pc) =	sbr.rel @p2 .LBB3_9-.Ltmp14, $2  }
0x14a: {  	_ =	sdelay $0x2  }
0x14b: {  	s2 =	sadd.s32 $0x2000, s2  }
.LBB3_6:
0x14c: {  	p2 =	sle.s32 s0, s3  }
.Ltmp15:
0x14d: {  	_ = 	snop;
	(pc) =	sbr.rel @p2 .LBB3_5-.Ltmp15, $2  }
0x14e: {  	_ =	sdelay $0x2  }
0x14f: {  	s4 =	smov.u32 s3;
	s3 =	sadd.s32 $0x10, s3  }
0x150: {  	s5 =	ssub.s32 s0, s4  }
0x151: {  	p2 =	slt.s32 s5, $0x10  }
0x152: {  	s5 =	simm.s32 @!p2 $0x10  }
0x153: {  	v2 =	vmov s5  }
0x154: {  	vm0 =	vgt.s32 v2, v0;
	_ =	sdelay $0x5  }
0x155: {  	v2 =	vld.idx.msk [tilespmem:v1+s4+$0x0 ss:$0x1], vm0;
	_ =	sdelay $0x2  }
0x156: {  	p2 =	slt.s32 s3, s0;
	s5 =	smov.u32 s0  }
0x157: {  	s9 =	smov.u32 s2;
	s25 =	simm.s32 $0x0;
	s5 =	smov.u32 @p2 s3  }
.LBB3_8:
0x158: {  	(v2sf) =	vpush v2, s25;
	_ =	sdelay $0xe  }
0x159: {  	s25 =	sadd.s32 $0x1, s25;
	s10 =	spop (v2sf)  }
0x15a: {  	s31 =	sadd.s32 s25, s4;
	s26 =	sshll.u32 s10, $0x9;
	s10 =	sshll.u32 s10, $0x7  }
0x15b: {  	p2 =	slt.s32 s31, s5;
	s26 =	sand.u32 $0xFFFFF000, s26;
	s10 =	sand.u32 $0x380, s10  }
.Ltmp16:
0x15c: {  	s10 =	sor.u32 s10, s26;
	(pc) =	sbr.rel @p2 .LBB3_8-.Ltmp16, $4  }
0x15d: {  	s10 =	sshrl.u32 s10, $0x3  }
0x15e: {  	s10 =	sadd.s32 s6, s10  }
0x15f: {  	[tilespmem:s9], [sflag:$0x9] =	stream.strided.gather [hbm4b:s10+s18], $0x200, s19, s18, $0x38;
	[tilespmem:$0x1C938] =	vst v63  }
0x160: {  	s9 =	sadd.s32 $0x200, s9  }
.Ltmp17:
0x161: {  	_ = 	snop;
	(pc) =	sbr.rel .LBB3_5-.Ltmp17, $1  }
0x162: {  	_ =	sdelay $0x3  }
.LBB3_9:
0x163: {  	p2 =	slt.u32 s23, $0x2  }
.Ltmp18:
0x164: {  	_ = 	snop;
	(pc) =	sbr.rel @p2 .LBB3_33-.Ltmp18, $1  }
0x165: {  	_ =	sdelay $0x3  }
0x166: {  	p2 =	sgt.s32 s24, $0x270D0  }
0x167: {  	s0 =	smov.u32 s24;
	s2 =	sshra.s32 s24, $0x1F;
	s3 =	ssub.s32 $0x27100, s24  }
0x168: {  	s0 =	simm.s32 @!p2 $0x270D0;
	s2 =	sand.u32 s2, s24;
	p2 =	slt.s32 s3, $0x30  }
0x169: {  	s0 =	ssub.s32 s0, s2;
	s3 =	simm.s32 @!p2 $0x30  }
0x16a: {  	s0 =	sadd.s32 $0xFFFD8F30, s0;
	s25 =	sshll.u32 s3, $0x9  }
0x16b: {  	s29 =	simm.s32 $0x9;
	s26 =	sshll.u32 s0, $0x2;
	s2 =	sand.u32 $0x3FFFFE00, s25  }
0x16c: {  	p2 =	sgt.s32 s0, $0x2F;
	s28 =	ssub.s32 $0xC0, s26;
	_ =	swait.ge [sflag:s29], s2  }
0x16d: {  	s2 =	ssub.s32 $0x0, s2;
	[sflag:s29] =	ssyncset.done $0x0;
	s0 =	sshrl.u32 s28, $0x2  }
0x16e: {  	s30 =	simm.s32 $0xB;
	[sflag:s29] =	ssyncadd.s32 s2;
	s0 =	simm.s32 @p2 $0x0  }
0x16f: {  	_ =	swait.ge [sflag:s30], s0  }
0x170: {  	s0 =	ssub.s32 $0x0, s0;
	[sflag:s30] =	ssyncset.done $0x0  }
0x171: {  	[sflag:s30] =	ssyncadd.s32 s0  }
0x172: {  	v1 =	vld [tilespmem:$0xC808];
	_ =	sdelay $0x4  }
0x173: {  	(v2sf) =	vpush v1, $0x0  }
0x174: {  	(v2sf) =	vpush v1, $0x1  }
0x175: {  	(v2sf) =	vpush v1, $0x2;
	_ =	sdelay $0x3  }
0x176: {  	s2 =	sadd.s32 $0x30, s24  }
0x177: {  	s3 =	ssub.s32 $0x4E200, s24;
	p2 =	slt.s32 s8, s2  }
0x178: {  	s2 =	smov.u32 @p2 s8;
	p2 =	sgt.s32 s3, $0x0  }
0x179: {  	s25 =	ssub.s32 s2, s24;
	s3 =	simm.s32 @!p2 $0x0  }
0x17a: {  	p2 =	slt.s32 s3, s25  }
0x17b: {  	s25 =	smov.u32 @p2 s3  }
0x17c: {  	s0 =	simm.s32 $0x1;
	p2 =	slt.s32 s25, $0x1  }
.Ltmp19:
0x17d: {  	s0 =	simm.s32 @!p1 $0x0;
	(pc) =	sbr.rel @p2 .LBB3_14-.Ltmp19, $4  }
0x17e: {  	s4 =	smul.u32 $0xC0, s0  }
0x17f: {  	s2 =	spop (v2sf)  }
0x180: {  	s31 =	sshrl.u32 s4, $0x2;
	s5 =	spop (v2sf)  }
0x181: {  	s4 =	sadd.s32 $0x108D8, s31;
	s24 =	spop (v2sf)  }
0x182: {  	s3 =	smin.u32 s25, $0x10  }
0x183: {  	v1 =	vmov s3  }
0x184: {  	vm1 =	vgt.u32 v1, v0  }
0x185: {  	p3 =	sgt.s32 s25, $0x10  }
.Ltmp20:
0x186: {  	_ = 	snop;
	(pc) =	sbr.rel @!p3 .LBB3_13-.Ltmp20, $2  }
0x187: {  	_ =	sdelay $0x2  }
0x188: {  	s9 =	simm.s32 $0x10;
	s26 =	sadd.s32 $0xFFFFFFF0, s25;
	s3 =	smov.u32 s4;
	vm0 =	vmmov vm1;
	v1 =	vld.msk [tilespmem:s4+$0x0 ss:$0x1], vm1  }
.LBB3_12:
0x189: {  	s10 =	smin.u32 s26, $0x10;
	s9 =	sadd.s32 $0x10, s9  }
0x18a: {  	v2 =	vmov s10;
	p3 =	slt.s32 s9, s25  }
0x18b: {  	vm1 =	vgt.u32 v2, v0;
	_ =	sdelay $0x1  }
0x18c: {  	v2 =	vshll.u32 v1, $0x6;
	v1 =	vshll.u32 v1, $0x4  }
.Ltmp21:
0x18d: {  	v2 =	vand.u32 $0xFFFFFE00, v2;
	v1 =	vand.u32 $0x70, v1;
	(pc) =	sbr.rel @p3 .LBB3_12-.Ltmp21, $4  }
0x18e: {  	v1 =	vor.u32 v1, v2  }
0x18f: {  	[tilespmem:s3+$0x0] =	vst.msk vm0, v1;
	s3 =	sadd.s32 $0x10, s3;
	vm0 =	vmmov vm1  }
0x190: {  	v1 =	vld.msk [tilespmem:s3+$0x0 ss:$0x1], vm1  }
0x191: {  	s26 =	sadd.s32 $0xFFFFFFF0, s26  }
.LBB3_13:
0x192: {  	_ =	sdelay $0x3  }
0x193: {  	v2 =	vshll.u32 v1, $0x6;
	v1 =	vshll.u32 v1, $0x4  }
0x194: {  	v2 =	vand.u32 $0xFFFFFE00, v2;
	v1 =	vand.u32 $0x70, v1  }
0x195: {  	v1 =	vor.u32 v1, v2  }
0x196: {  	[tilespmem:s3+$0x0] =	vst.msk vm0, v1  }
.LBB3_14:
0x197: {  	s3 =	sand.u32 $0x1, s23  }
0x198: {  	s3 =	smul.u32 $0x30, s3  }
0x199: {  	p3 =	sne.s32 s5, $0xFFFFFFFF  }
0x19a: {  	v1 =	vld.msk @!p3 [tilespmem:s3+$0x108D8], $0x1;
	_ =	sdelay $0x4  }
0x19b: {  	(v2sf) =	vpush @!p3 v1, $0x0;
	_ =	sdelay $0xc  }
.Ltmp22:
0x19c: {  	_ = 	snop;
	(pc) =	sbr.rel @p2 .LBB3_31-.Ltmp22, $4  }
0x19d: {  	_ = 	snop  }
0x19e: {  	s30 =	spop @!p3 (v2sf)  }
0x19f: {  	s24 =	simm.s32 @!p3 $0x0;
	s26 =	smov.u32 s30  }
0x1a0: {  	[sflag:s20] =	ssyncpa.u1 $0x0;
	s30 =	smov.u32 @p3 s2;
	s26 =	smov.u32 @p3 s5  }
0x1a1: {  	v1 =	vld.msk [tilespmem:s4+$0x0], $0x1;
	_ =	sdelay $0x4  }
0x1a2: {  	(v2sf) =	vpush v1, $0x0;
	_ =	sdelay $0xd  }
0x1a3: {  	s0 =	smul.u32 $0x18000, s0  }
0x1a4: {  	s13 =	smov.u32 s8;
	s8 =	smov.u32 s11;
	s5 =	spop (v2sf)  }
0x1a5: {  	s2 =	ssub.s32 $0x0, s25;
	s0 =	sshrl.u32 s0, $0x2;
	p2 =	seq.s32 s30, s5  }
0x1a6: {  	s29 =	simm.s32 $0x0;
	s28 =	sor.u32 $0x10938, s0;
	p3 =	sgt.s32 @!p2 s30, $0x0  }
0x1a7: {  	s0 =	sadd.s32 $0x108D8, s3;
	s3 =	smov.u32 s30;
	p3 =	por !p3, p2  }
0x1a8: {  	s4 =	sadd.s32 $0x1, s4;
	s31 =	sadd.s32 $0x1, s2;
	s3 =	simm.s32 @p3 $0x0  }
0x1a9: {  	s2 =	simm.s32 @!p2 $0x1;
	s9 =	simm.s32 @!p2 $0x6608;
	s10 =	smin.u32 @!p2 s3, $0x9C270  }
0x1aa: {  	p3 =	seq.s32 s31, $0x0;
	s3 =	sand.u32 @!p2 $0xFFFF8, s10;
	s11 =	sadd.s32 @!p2 $0x80, s10  }
0x1ab: {  	s14 =	sadd.s32 @!p2 $0x100, s10;
	s15 =	sadd.s32 @!p2 s1, s3;
	s3 =	sand.u32 @!p2 $0x7, s10  }
0x1ac: {  	s11 =	sand.u32 @!p2 $0x1FFFF8, s11;
	s14 =	sand.u32 @!p2 $0x1FFFF8, s14;
	s10 =	sadd.s32 @!p2 $0x180, s10  }
0x1ad: {  	[tilespmem:s9], [sflag:$0x2] =	stream.linear.gather @!p2 [hbm4b:s15+s3], $0x80, $0x38;
	[tilespmem:$0x1C938] =	vst v63  }
.Ltmp23:
0x1ae: {  	s9 =	simm.s32 @!p2 $0x6688;
	s11 =	sadd.s32 @!p2 s1, s11;
	(pc) =	sbr.rel @p3 .LBB3_17-.Ltmp23, $4  }
0x1af: {  	[tilespmem:s9], [sflag:$0x2] =	stream.linear.gather @!p2 [hbm4b:s11+s3], $0x80, $0x38;
	[tilespmem:$0x1C938] =	vst v63  }
0x1b0: {  	s10 =	sand.u32 @!p2 $0x1FFFF8, s10;
	s9 =	simm.s32 @!p2 $0x6708;
	s11 =	sadd.s32 @!p2 s1, s14  }
0x1b1: {  	[tilespmem:s9], [sflag:$0x2] =	stream.linear.gather @!p2 [hbm4b:s11+s3], $0x80, $0x38;
	[tilespmem:$0x1C938] =	vst v63  }
0x1b2: {  	s2 =	smov.u32 @p2 s29;
	s10 =	sadd.s32 @!p2 s1, s10;
	s9 =	simm.s32 @!p2 $0x6788  }
.LBB3_16:
0x1b3: {  	s11 =	smov.u32 s2  }
0x1b4: {  	[tilespmem:s9], [sflag:$0x2] =	stream.linear.gather @!p2 [hbm4b:s10+s3], $0x80, $0x38;
	[tilespmem:$0x1C938] =	vst v63  }
0x1b5: {  	s31 =	sadd.s32 $0x1, s31;
	s3 =	smov.u32 s5  }
0x1b6: {  	p3 =	seq.s32 s31, $0x0;
	v1 =	vld.msk [tilespmem:s4+$0x0], $0x1;
	_ =	sdelay $0x4  }
0x1b7: {  	(v2sf) =	vpush v1, $0x0;
	_ =	sdelay $0xe  }
0x1b8: {  	s5 =	spop (v2sf)  }
0x1b9: {  	p2 =	seq.s32 s3, s5  }
0x1ba: {  	p4 =	sgt.s32 @!p2 s3, $0x0  }
0x1bb: {  	s9 =	sshll.u32 @!p2 s2, $0xB;
	s2 =	sadd.s32 @!p2 $0x1, s2;
	p4 =	por !p4, p2  }
0x1bc: {  	s9 =	sshra.s32 @!p2 s9, $0x2;
	s2 =	smov.u32 @p2 s11;
	s3 =	simm.s32 @p4 $0x0  }
0x1bd: {  	s10 =	sadd.s32 @!p2 $0x6608, s9;
	s11 =	sadd.s32 @!p2 $0x6688, s9;
	s14 =	smin.u32 @!p2 s3, $0x9C270  }
0x1be: {  	s15 =	sadd.s32 @!p2 $0x6708, s9;
	s9 =	sadd.s32 @!p2 $0x6788, s9;
	s3 =	sand.u32 @!p2 $0xFFFF8, s14  }
0x1bf: {  	s17 =	sadd.s32 @!p2 $0x80, s14;
	s7 =	sadd.s32 @!p2 $0x100, s14;
	s20 =	sadd.s32 @!p2 s1, s3  }
0x1c0: {  	s3 =	sand.u32 @!p2 $0x7, s14;
	s17 =	sand.u32 @!p2 $0x1FFFF8, s17;
	s7 =	sand.u32 @!p2 $0x1FFFF8, s7  }
0x1c1: {  	[tilespmem:s10], [sflag:$0x2] =	stream.linear.gather @!p2 [hbm4b:s20+s3], $0x80, $0x38;
	[tilespmem:$0x1C938] =	vst v63  }
.Ltmp24:
0x1c2: {  	s14 =	sadd.s32 @!p2 $0x180, s14;
	s10 =	sadd.s32 @!p2 s1, s17;
	(pc) =	sbr.rel @!p3 .LBB3_16-.Ltmp24, $4  }
0x1c3: {  	[tilespmem:s11], [sflag:$0x2] =	stream.linear.gather @!p2 [hbm4b:s10+s3], $0x80, $0x38;
	[tilespmem:$0x1C938] =	vst v63  }
0x1c4: {  	s7 =	sadd.s32 @!p2 s1, s7;
	s10 =	sand.u32 @!p2 $0x1FFFF8, s14  }
0x1c5: {  	[tilespmem:s15], [sflag:$0x2] =	stream.linear.gather @!p2 [hbm4b:s7+s3], $0x80, $0x38;
	[tilespmem:$0x1C938] =	vst v63  }
0x1c6: {  	s4 =	sadd.s32 $0x1, s4;
	s10 =	sadd.s32 @!p2 s1, s10  }
.LBB3_17:
0x1c7: {  	[tilespmem:s9], [sflag:$0x2] =	stream.linear.gather @!p2 [hbm4b:s10+s3], $0x80, $0x38;
	[tilespmem:$0x1C938] =	vst v63  }
0x1c8: {  	s2 =	sshll.u32 s2, $0x9  }
0x1c9: {  	s31 =	simm.s32 $0x2;
	s2 =	sand.u32 $0x3FFFFE00, s2  }
.Ltmp25:
0x1ca: {  	_ =	swait.ge [sflag:s31], s2;
	(pc) =	sbr.rel .LBB3_18-.Ltmp25, $4  }
0x1cb: {  	s11 =	smov.u32 s8;
	s8 =	smov.u32 s13;
	s13 =	rddreg [dreg:$0x5]  }
0x1cc: {  	v1 =	vmov s0;
	s0 =	simm.s32 $0x0;
	s4 =	simm.s32 $0x0;
	s14 =	rddreg [dreg:$0x6]  }
0x1cd: {  	s2 =	ssub.s32 $0x0, s2;
	[sflag:s31] =	ssyncset.done $0x0;
	s15 =	rddreg [dreg:$0x7]  }
0x1ce: {  	s20 =	simm.s32 $0xC;
	s17 =	rddreg [dreg:$0x8];
	[sflag:s31] =	ssyncadd.s32 s2  }
.LBB3_28:
0x1cf: {  	[tilespmem:s2+$0x0] =	vst v2;
	s29 =	sadd.s32 $0x1, s29  }
.LBB3_29:
0x1d0: {  	s4 =	sadd.s32 $0x1, s4  }
0x1d1: {  	p2 =	sne.s32 s4, s25  }
.Ltmp26:
0x1d2: {  	_ = 	snop;
	(pc) =	sbr.rel @!p2 .LBB3_30-.Ltmp26, $2  }
0x1d3: {  	_ =	sdelay $0x2  }
0x1d4: {  	s28 =	sadd.s32 $0x200, s28;
	s30 =	smov.u32 s31  }
.LBB3_18:
0x1d5: {  	_ =	sdelay $0x3  }
0x1d6: {  	v2 =	vld.idx.msk [tilespmem:v1+s4+$0x0 ss:$0x1], $0x1;
	_ =	sdelay $0x4  }
0x1d7: {  	(v2sf) =	vpush v2, $0x0;
	_ =	sdelay $0xe  }
0x1d8: {  	s31 =	spop (v2sf)  }
0x1d9: {  	p2 =	sne.s32 s30, s31  }
.Ltmp27:
0x1da: {  	_ = 	snop;
	(pc) =	sbr.rel @p2 .LBB3_22-.Ltmp27, $3  }
0x1db: {  	_ =	sdelay $0x1  }
0x1dc: {  	s2 =	sshll.u32 s24, $0xB  }
0x1dd: {  	s2 =	sshra.s32 s2, $0x2  }
0x1de: {  	s2 =	sadd.s32 $0x408, s2;
	s3 =	simm.s32 $0x0;
	v2 =	vld [tilespmem:s28+$0x0];
	s5 =	smov.u32 s28  }
.LBB3_20:
0x1df: {  	s3 =	sadd.s32 $0x10, s3  }
0x1e0: {  	p2 =	slt.u32 s3, $0x1F0  }
.Ltmp28:
0x1e1: {  	_ = 	snop;
	(pc) =	sbr.rel @p2 .LBB3_20-.Ltmp28, $3  }
0x1e2: {  	_ =	sdelay $0x1  }
0x1e3: {  	s5 =	sadd.s32 $0x10, s5;
	[tilespmem:s2+$0x0] =	vst.add.f32.msk $0xffff, v2;
	s2 =	sadd.s32 $0x10, s2  }
0x1e4: {  	v2 =	vld [tilespmem:s5+$0x0]  }
.Ltmp29:
0x1e5: {  	_ = 	snop;
	(pc) =	sbr.rel .LBB3_29-.Ltmp29, $2  }
0x1e6: {  	_ =	sdelay $0x2  }
0x1e7: {  	[tilespmem:s2+$0x0] =	vst.add.f32.msk $0xffff, v2  }
.LBB3_22:
0x1e8: {  	p2 =	seq.s32 s30, s26  }
.Ltmp30:
0x1e9: {  	_ = 	snop;
	(pc) =	sbr.rel @!p2 .LBB3_23-.Ltmp30, $1  }
0x1ea: {  	_ =	sdelay $0x3  }
.Ltmp31:
0x1eb: {  	s2 =	sadd.s32 $0x408, s2;
	(pc) =	sbr.rel .LBB3_26-.Ltmp31, $4  }
0x1ec: {  	[spmem:s16] =	stream.linear.scatter [tilespmem:s2], [sflag:$0x1], $0x200, $0x38;
	[tilespmem:$0x1C938] =	vst v63  }
0x1ed: {  	_ =	swait.ge [sflag:s12], $0x200  }
0x1ee: {  	[sflag:s12] =	ssyncset.done $0x0  }
0x1ef: {  	[sflag:s12] =	ssyncadd.s32 $0xFFFFFE00  }
.LBB3_23:
0x1f0: {  	s3 =	sshll.u32 s29, $0xB  }
0x1f1: {  	s3 =	sshra.s32 s3, $0x2  }
0x1f2: {  	s5 =	sadd.s32 $0x6608, s3;
	s3 =	sadd.s32 $0x408, s2  }
0x1f3: {  	s10 =	simm.s32 $0x0;
	v2 =	vld [tilespmem:s5+$0x0];
	s9 =	smov.u32 s3  }
.LBB3_24:
0x1f4: {  	s10 =	sadd.s32 $0x10, s10  }
0x1f5: {  	p2 =	slt.u32 s10, $0x1F0  }
.Ltmp32:
0x1f6: {  	_ = 	snop;
	(pc) =	sbr.rel @p2 .LBB3_24-.Ltmp32, $3  }
0x1f7: {  	_ =	sdelay $0x1  }
0x1f8: {  	s5 =	sadd.s32 $0x10, s5;
	[tilespmem:s9+$0x0] =	vst.add.f32.msk $0xffff, v2;
	s9 =	sadd.s32 $0x10, s9  }
0x1f9: {  	v2 =	vld [tilespmem:s5+$0x0]  }
0x1fa: {  	_ =	sdelay $0x1  }
0x1fb: {  	p2 =	sgt.u32 s30, $0x9C270  }
0x1fc: {  	s5 =	sand.u32 @!p2 $0xFFFF8, s30  }
0x1fd: {  	s7 =	sand.u32 @!p2 $0x7, s30;
	s5 =	sadd.s32 @!p2 s1, s5;
	[tilespmem:s9+$0x0] =	vst.add.f32.msk $0xffff, v2  }
0x1fe: {  	[hbm4b:s5+s7] =	stream.linear.scatter @!p2 [tilespmem:s3], [sflag:$0xC], $0x80, $0x38;
	[tilespmem:$0x1C938] =	vst v63  }
0x1ff: {  	s3 =	sadd.s32 @!p2 $0x80, s30  }
0x200: {  	s3 =	sand.u32 @!p2 $0x1FFFF8, s3  }
0x201: {  	s5 =	sadd.s32 @!p2 $0x488, s2;
	s3 =	sadd.s32 @!p2 s1, s3  }
0x202: {  	[hbm4b:s3+s7] =	stream.linear.scatter @!p2 [tilespmem:s5], [sflag:$0xC], $0x80, $0x38;
	[tilespmem:$0x1C938] =	vst v63  }
0x203: {  	s3 =	sadd.s32 @!p2 $0x100, s30  }
0x204: {  	s3 =	sand.u32 @!p2 $0x1FFFF8, s3  }
0x205: {  	s5 =	sadd.s32 @!p2 $0x508, s2;
	s3 =	sadd.s32 @!p2 s1, s3  }
0x206: {  	[hbm4b:s3+s7] =	stream.linear.scatter @!p2 [tilespmem:s5], [sflag:$0xC], $0x80, $0x38;
	[tilespmem:$0x1C938] =	vst v63  }
0x207: {  	s3 =	sadd.s32 @!p2 $0x180, s30;
	s5 =	simm.s32 $0x0  }
0x208: {  	s3 =	sand.u32 @!p2 $0x1FFFF8, s3;
	s5 =	simm.s32 @!p2 $0x800  }
0x209: {  	s2 =	sadd.s32 @!p2 $0x588, s2;
	s3 =	sadd.s32 @!p2 s1, s3;
	s0 =	sadd.s32 s5, s0  }
0x20a: {  	[hbm4b:s3+s7] =	stream.linear.scatter @!p2 [tilespmem:s2], [sflag:$0xC], $0x80, $0x38;
	[tilespmem:$0x1C938] =	vst v63  }
.LBB3_26:
0x20b: {  	s2 =	sadd.s32 $0x1, s24  }
0x20c: {  	s3 =	smulhi.u32 $0xAAAAAAAB, s2;
	_ =	sdelay $0x1  }
0x20d: {  	s3 =	sshrl.u32 s3, $0x5  }
0x20e: {  	s3 =	smul.u32 $0x30, s3;
	_ =	sdelay $0x1  }
0x20f: {  	s24 =	ssub.s32 s2, s3  }
0x210: {  	s2 =	sshll.u32 s24, $0x9  }
0x211: {  	v2 =	vld [tilespmem:s28+$0x0];
	s5 =	smov.u32 s28;
	s3 =	simm.s32 $0x0;
	s2 =	sadd.s32 $0x408, s2  }
.LBB3_27:
0x212: {  	s3 =	sadd.s32 $0x10, s3  }
0x213: {  	p2 =	slt.u32 s3, $0x1F0  }
.Ltmp33:
0x214: {  	_ = 	snop;
	(pc) =	sbr.rel @p2 .LBB3_27-.Ltmp33, $3  }
0x215: {  	_ =	sdelay $0x1  }
0x216: {  	[tilespmem:s2+$0x0] =	vst v2;
	s2 =	sadd.s32 $0x10, s2;
	s5 =	sadd.s32 $0x10, s5  }
0x217: {  	v2 =	vld [tilespmem:s5+$0x0]  }
.Ltmp34:
0x218: {  	_ = 	snop;
	(pc) =	sbr.rel .LBB3_28-.Ltmp34, $1  }
0x219: {  	_ =	sdelay $0x3  }
.LBB3_31:
.Ltmp35:
0x21a: {  	(pc) =	sbr.rel .LBB3_32-.Ltmp35, $4  }
0x21b: {  	_ = 	snop  }
0x21c: {  	s0 =	simm.s32 $0x2  }
0x21d: {  	_ =	swait.ge [sflag:s0], $0x0  }
0x21e: {  	s31 =	smov.u32 s30;
	[sflag:s0] =	ssyncset.done $0x0;
	s0 =	simm.s32 $0x0  }
.LBB3_34:
0x21f: {  	_ =	sfence.sel $0x180000  }
0x220: {  	s0 =	simm.s32 $0x9;
	[bflag:$0x0] =	sbarrier.arrive $0xFFFF  }
0x221: {  	s24 =	simm.s32 $0xA;
	[sflag:s0] =	ssyncpa.u1 $0x1  }
0x222: {  	s25 =	simm.s32 $0xB;
	[sflag:s24] =	ssyncpa.u1 $0x1  }
0x223: {  	s26 =	simm.s32 $0x2;
	[sflag:s25] =	ssyncpa.u1 $0x1  }
0x224: {  	[sflag:s26] =	ssyncpa.u1 $0x1  }
0x225: {  	v0 =	vld [tilespmem:$0xC808];
	_ =	sdelay $0x4  }
0x226: {  	(v2sf) =	vpush v0, $0x0  }
0x227: {  	(v2sf) =	vpush v0, $0x1;
	_ =	sdelay $0x1  }
0x228: {  	(v2sf) =	vpush v0, $0x2;
	_ =	sdelay $0xb  }
0x229: {  	s0 =	spop (v2sf)  }
0x22a: {  	s2 =	spop (v2sf)  }
0x22b: {  	s3 =	smov.u32 s0;
	p0 =	sne.s32 s0, s2  }
0x22c: {  	s4 =	spop (v2sf);
	s3 =	simm.s32 @!p0 $0xFFFFFFFF  }
0x22d: {  	v2 =	vimm.s32 $0x1;
	v3 =	vlaneseq.u32;
	p0 =	seq.s32 s4, $0xFFFFFFFF;
	v1 =	vmov s3  }
0x22e: {  	s17 =	stileid.u32;
	v0 =	vperm.xlane v0, v2;
	p1 =	sne.s32 @!p0 s0, s2;
	v1 =	vperm.xlane v1, v3  }
0x22f: {  	vm0 =	vcmask $0x3F04;
	s6 =	simm.s32 $0xC808;
	s0 =	simm.s32 @!p0 $0x1;
	p1 =	por !p1, p0  }
0x230: {  	s3 =	sshll.u32 s17, $0x1;
	s2 =	sshll.u32 @!p0 s4, $0xB;
	s0 =	simm.s32 @p1 $0x0;
	v0 =	vsel vm0, v1, v0  }
0x231: {  	s5 =	sor.u32 $0x4000, s3;
	s2 =	sshra.s32 @!p0 s2, $0x2;
	s0 =	sor.u32 @!p0 s0, s3;
	[tilespmem:$0xC808] =	vst v0  }
0x232: {  	[spmem:s5] =	stream.linear.scatter [tilespmem:s6], [sflag:$0x1], $0x2, $0x38;
	[tilespmem:$0x1C938] =	vst v63  }
0x233: {  	s2 =	sadd.s32 @!p0 $0x408, s2;
	s0 =	sshll.u32 @!p0 s0, $0x9  }
0x234: {  	[spmem:s0] =	stream.linear.scatter @!p0 [tilespmem:s2], [sflag:$0x1], $0x200, $0x38;
	[tilespmem:$0x1C938] =	vst v63  }
0x235: {  	s0 =	simm.s32 @!p0 $0x202  }
0x236: {  	s28 =	simm.s32 $0x1;
	s0 =	simm.s32 @p0 $0x2  }
0x237: {  	_ =	swait.ge [sflag:s28], s0  }
0x238: {  	s0 =	ssub.s32 $0x0, s0;
	[sflag:s28] =	ssyncset.done $0x0  }
0x239: {  	p0 =	sne.s32 s17, $0x0;
	[sflag:s28] =	ssyncadd.s32 s0  }
.Ltmp36:
0x23a: {  	_ =	sfence.stream.spmem;
	(pc) =	sbr.rel @p0 .LBB3_59-.Ltmp36, $4  }
0x23b: {  	s29 =	simm.s32 $0x3;
	[bflag:$0x0] =	sbarrier.arrive $0xFFFF  }
0x23c: {  	s30 =	simm.s32 $0x4;
	[sflag:s29] =	ssyncpa.u1 $0x1  }
0x23d: {  	s31 =	simm.s32 $0x3C;
	[sflag:s30] =	ssyncpa.u1 $0x1  }
0x23e: {  	s16 =	rddreg [dreg:$0x4];
	[sflag:s31] =	ssyncpa.u1 $0x1  }
0x23f: {  	_ =	sfence.stream.spmem;
	s0 =	simm.s32 $0x5  }
0x240: {  	s2 =	simm.s32 $0x4000;
	s3 =	simm.s32 $0xC818;
	[sflag:s0] =	ssyncpa.u1 $0x0  }
0x241: {  	[tilespmem:s3], [sflag:$0x5] =	stream.linear.gather [spmem:s2], $0x20, $0x38;
	[tilespmem:$0x1C938] =	vst v63  }
0x242: {  	s26 =	simm.s32 $0x0;
	s28 =	simm.s32 $0xC838  }
0x243: {  	[tilespmem:s28], [sflag:$0x5] =	stream.linear.gather [spmem:s26], $0x4000, $0x38;
	[tilespmem:$0x1C938] =	vst v63  }
0x244: {  	_ =	swait.ge [sflag:s0], $0x4020  }
0x245: {  	[sflag:s0] =	ssyncset.done $0x0  }
0x246: {  	s29 =	simm.s32 $0x0;
	[sflag:s0] =	ssyncadd.s32 $0xFFFFBFE0  }
0x247: {  	v0 =	vld.msk [tilespmem:s29+$0xC818], $0x1;
	_ =	sdelay $0x1  }
0x248: {  	s30 =	simm.s32 $0x1  }
0x249: {  	v1 =	vld.msk [tilespmem:s30+$0xC818], $0x1;
	_ =	sdelay $0x1  }
0x24a: {  	(v2sf) =	vpush v0, $0x0;
	_ =	sdelay $0x2  }
0x24b: {  	(v2sf) =	vpush v1, $0x0;
	_ =	sdelay $0x2  }
0x24c: {  	s31 =	simm.s32 $0x2  }
0x24d: {  	v0 =	vld.msk [tilespmem:s31+$0xC818], $0x1;
	_ =	sdelay $0x2  }
0x24e: {  	s2 =	simm.s32 $0xFFFFFFFF;
	s3 =	simm.s32 $0xFFFFFFFF;
	s0 =	simm.s32 $0xC  }
.LBB3_36:
0x24f: {  	s4 =	smov.u32 s3;
	s5 =	smov.u32 s2  }
0x250: {  	s2 =	sshra.s32 s0, $0x2;
	p1 =	sne.s32 s0, $0x7C;
	s0 =	sadd.s32 $0x4, s0;
	(v2sf) =	vpush v0, $0x0  }
0x251: {  	v0 =	vld.msk [tilespmem:s2+$0xC818], $0x1  }
.Ltmp37:
0x252: {  	(pc) =	sbr.rel @p1 .LBB3_36-.Ltmp37, $4  }
0x253: {  	s3 =	spop (v2sf)  }
0x254: {  	p2 =	sne.s32 s5, $0xFFFFFFFF;
	s2 =	smov.u32 s3  }
0x255: {  	p3 =	seq.s32 s3, $0xFFFFFFFF;
	s2 =	smov.u32 @p2 s5  }
0x256: {  	s3 =	smov.u32 @p3 s4;
	s2 =	smov.u32 @p3 s5  }
0x257: {  	(v2sf) =	vpush v0, $0x0;
	_ =	sdelay $0x8  }
0x258: {  	s0 =	spop (v2sf);
	p1 =	sne.s32 s2, $0xFFFFFFFF;
	s9 =	simm.s32 $0x6  }
0x259: {  	s6 =	simm.s32 $0x0;
	s10 =	simm.s32 $0xC838;
	s4 =	smov.u32 s0  }
0x25a: {  	s11 =	simm.s32 $0xC688;
	p2 =	seq.s32 s0, $0xFFFFFFFF;
	s4 =	smov.u32 @p1 s2  }
0x25b: {  	s12 =	simm.s32 $0xC708;
	s4 =	smov.u32 @p2 s2;
	s2 =	spop (v2sf)  }
0x25c: {  	s0 =	smov.u32 @p2 s3;
	p1 =	sne.s32 s4, $0xFFFFFFFF;
	s5 =	smov.u32 s2  }
.Ltmp38:
0x25d: {  	p2 =	seq.s32 s2, $0xFFFFFFFF;
	s5 =	smov.u32 @p1 s4;
	(pc) =	sbr.rel .LBB3_38-.Ltmp38, $4  }
0x25e: {  	s13 =	simm.s32 $0xC788;
	s5 =	smov.u32 @p2 s4;
	s7 =	spop (v2sf)  }
0x25f: {  	s14 =	simm.s32 $0x0;
	p1 =	sne.s32 s5, $0xFFFFFFFF;
	s8 =	smov.u32 s7  }
0x260: {  	s2 =	smov.u32 @p2 s0;
	p2 =	seq.s32 s7, $0xFFFFFFFF;
	s8 =	smov.u32 @p1 s5  }
0x261: {  	[sflag:s9] =	ssyncpa.u1 $0x0;
	s7 =	smov.u32 @p2 s2;
	s8 =	smov.u32 @p2 s5  }
.LBB3_53:
0x262: {  	s14 =	sadd.s32 $0x1, s14  }
0x263: {  	p1 =	sne.s32 s14, $0x20  }
.Ltmp39:
0x264: {  	_ = 	snop;
	(pc) =	sbr.rel @!p1 .LBB3_54-.Ltmp39, $2  }
0x265: {  	_ =	sdelay $0x2  }
0x266: {  	s10 =	sadd.s32 $0x200, s10  }
.LBB3_38:
0x267: {  	v0 =	vld.msk [tilespmem:s14+$0xC818], $0x1;
	_ =	sdelay $0x4  }
0x268: {  	(v2sf) =	vpush v0, $0x0;
	_ =	sdelay $0xe  }
0x269: {  	s0 =	spop (v2sf)  }
0x26a: {  	p1 =	seq.s32 s0, $0xFFFFFFFF  }
.Ltmp40:
0x26b: {  	_ = 	snop;
	(pc) =	sbr.rel @p1 .LBB3_53-.Ltmp40, $1  }
0x26c: {  	_ =	sdelay $0x3  }
0x26d: {  	p1 =	slt.s32 s6, $0x1  }
.Ltmp41:
0x26e: {  	_ = 	snop;
	(pc) =	sbr.rel @p1 .LBB3_46-.Ltmp41, $1  }
0x26f: {  	_ =	sdelay $0x3  }
0x270: {  	s2 =	simm.s32 $0xC818;
	p1 =	por $0x0, $0x0  }
0x271: {  	v1 =	vld.msk @!p1 [tilespmem:s2+$0x0], $0x1;
	_ =	sdelay $0x4  }
0x272: {  	(v2sf) =	vpush @!p1 v1, $0x0;
	_ =	sdelay $0xd  }
0x273: {  	p3 =	sne.s32 s6, $0x1  }
.Ltmp42:
0x274: {  	s3 =	spop @!p1 (v2sf);
	(pc) =	sbr.rel @!p3 .LBB3_42-.Ltmp42, $4  }
0x275: {  	p2 =	seq.s32 @!p1 s0, s3  }
0x276: {  	s4 =	simm.s32 $0x0;
	p2 =	por !p2, p1  }
0x277: {  	s3 =	simm.s32 $0xFFFFFFFF;
	s4 =	simm.s32 @p2 $0xFFFFFFFF  }
0x278: {  	s5 =	simm.s32 $0x1;
	s4 =	smov.u32 @p1 s3  }
.LBB3_41:
0x279: {  	s3 =	smov.u32 s4;
	p1 =	sne.s32 s4, $0xFFFFFFFF  }
0x27a: {  	s2 =	sadd.s32 $0x1, s2;
	s4 =	smov.u32 s5;
	s5 =	sadd.s32 $0x1, s5  }
0x27b: {  	p2 =	sne.s32 s6, s5;
	v1 =	vld.msk @!p1 [tilespmem:s2+$0x0], $0x1;
	_ =	sdelay $0x4  }
0x27c: {  	(v2sf) =	vpush @!p1 v1, $0x0;
	_ =	sdelay $0xe  }
.Ltmp43:
0x27d: {  	s15 =	spop @!p1 (v2sf);
	(pc) =	sbr.rel @p2 .LBB3_41-.Ltmp43, $4  }
0x27e: {  	p3 =	seq.s32 @!p1 s0, s15  }
0x27f: {  	p3 =	por !p3, p1  }
0x280: {  	s4 =	simm.s32 @p3 $0xFFFFFFFF  }
0x281: {  	s4 =	smov.u32 @p1 s3  }
.LBB3_42:
0x282: {  	p1 =	seq.s32 s4, $0xFFFFFFFF  }
.Ltmp44:
0x283: {  	_ = 	snop;
	(pc) =	sbr.rel @p1 .LBB3_46-.Ltmp44, $1  }
0x284: {  	_ =	sdelay $0x3  }
0x285: {  	s0 =	sshll.u32 s4, $0xB  }
0x286: {  	s0 =	sshra.s32 s0, $0x2  }
0x287: {  	s2 =	simm.s32 $0x0;
	v0 =	vld [tilespmem:s10+$0x0];
	s3 =	smov.u32 s10;
	s0 =	sadd.s32 $0xC838, s0  }
.LBB3_44:
0x288: {  	s2 =	sadd.s32 $0x10, s2  }
0x289: {  	p1 =	slt.u32 s2, $0x1F0  }
.Ltmp45:
0x28a: {  	_ = 	snop;
	(pc) =	sbr.rel @p1 .LBB3_44-.Ltmp45, $3  }
0x28b: {  	_ =	sdelay $0x1  }
0x28c: {  	s3 =	sadd.s32 $0x10, s3;
	[tilespmem:s0+$0x0] =	vst.add.f32.msk $0xffff, v0;
	s0 =	sadd.s32 $0x10, s0  }
0x28d: {  	v0 =	vld [tilespmem:s3+$0x0]  }
.Ltmp46:
0x28e: {  	_ = 	snop;
	(pc) =	sbr.rel .LBB3_53-.Ltmp46, $2  }
0x28f: {  	_ =	sdelay $0x2  }
0x290: {  	[tilespmem:s0+$0x0] =	vst.add.f32.msk $0xffff, v0  }
.LBB3_46:
0x291: {  	p1 =	sgt.u32 s0, $0x9C270  }
0x292: {  	p2 =	seq.s32 @!p1 s0, s8  }
0x293: {  	p1 =	por p1, p2  }
0x294: {  	p2 =	seq.s32 @!p1 s0, s7  }
0x295: {  	p1 =	por p1, p2  }
.Ltmp47:
0x296: {  	_ = 	snop;
	(pc) =	sbr.rel @p1 .LBB3_50-.Ltmp47, $1  }
0x297: {  	_ =	sdelay $0x3  }
0x298: {  	s2 =	sand.u32 $0xFFFF8, s0;
	s4 =	sand.u32 $0x7, s0  }
0x299: {  	s29 =	sadd.s32 $0x80, s0;
	s3 =	sadd.s32 s1, s2;
	s2 =	simm.s32 $0xC608  }
0x29a: {  	[tilespmem:s2], [sflag:$0x6] =	stream.linear.gather [hbm4b:s3+s4], $0x80, $0x38;
	[tilespmem:$0x1C938] =	vst v63  }
0x29b: {  	s3 =	sand.u32 $0x1FFFF8, s29  }
0x29c: {  	s30 =	sadd.s32 $0x100, s0;
	s3 =	sadd.s32 s1, s3  }
0x29d: {  	[tilespmem:s11], [sflag:$0x6] =	stream.linear.gather [hbm4b:s3+s4], $0x80, $0x38;
	[tilespmem:$0x1C938] =	vst v63  }
0x29e: {  	s31 =	sadd.s32 $0x180, s0;
	s3 =	sand.u32 $0x1FFFF8, s30  }
0x29f: {  	s0 =	sand.u32 $0x1FFFF8, s31;
	s3 =	sadd.s32 s1, s3  }
0x2a0: {  	[tilespmem:s12], [sflag:$0x6] =	stream.linear.gather [hbm4b:s3+s4], $0x80, $0x38;
	[tilespmem:$0x1C938] =	vst v63  }
0x2a1: {  	s0 =	sadd.s32 s1, s0  }
0x2a2: {  	[tilespmem:s13], [sflag:$0x6] =	stream.linear.gather [hbm4b:s0+s4], $0x80, $0x38;
	[tilespmem:$0x1C938] =	vst v63  }
0x2a3: {  	_ =	swait.ge [sflag:s9], $0x200  }
0x2a4: {  	[sflag:s9] =	ssyncset.done $0x0  }
0x2a5: {  	[sflag:s9] =	ssyncadd.s32 $0xFFFFFE00  }
0x2a6: {  	s3 =	smov.u32 s10;
	s0 =	simm.s32 $0x0;
	v1 =	vld [tilespmem:s2+$0x0]  }
.LBB3_48:
0x2a7: {  	s0 =	sadd.s32 $0x10, s0  }
0x2a8: {  	p1 =	slt.u32 s0, $0x1F0  }
.Ltmp48:
0x2a9: {  	_ = 	snop;
	(pc) =	sbr.rel @p1 .LBB3_48-.Ltmp48, $3  }
0x2aa: {  	_ =	sdelay $0x1  }
0x2ab: {  	s2 =	sadd.s32 $0x10, s2;
	[tilespmem:s3+$0x0] =	vst.add.f32.msk $0xffff, v1;
	s3 =	sadd.s32 $0x10, s3  }
0x2ac: {  	v1 =	vld [tilespmem:s2+$0x0]  }
0x2ad: {  	_ =	sdelay $0x3  }
0x2ae: {  	[tilespmem:s3+$0x0] =	vst.add.f32.msk $0xffff, v1  }
.LBB3_50:
0x2af: {  	s0 =	sshll.u32 s6, $0xB  }
0x2b0: {  	[tilespmem:s6+$0xC818] =	vst.msk $0x1, v0;
	s0 =	sshra.s32 s0, $0x2  }
0x2b1: {  	s2 =	simm.s32 $0x0;
	s3 =	smov.u32 s10;
	v0 =	vld [tilespmem:s10+$0x0];
	s0 =	sadd.s32 $0xC838, s0  }
.LBB3_51:
0x2b2: {  	s2 =	sadd.s32 $0x10, s2  }
0x2b3: {  	p1 =	slt.u32 s2, $0x1F0  }
.Ltmp49:
0x2b4: {  	_ = 	snop;
	(pc) =	sbr.rel @p1 .LBB3_51-.Ltmp49, $3  }
0x2b5: {  	_ =	sdelay $0x1  }
0x2b6: {  	s3 =	sadd.s32 $0x10, s3;
	[tilespmem:s0+$0x0] =	vst v0;
	s0 =	sadd.s32 $0x10, s0  }
0x2b7: {  	v0 =	vld [tilespmem:s3+$0x0]  }
.Ltmp50:
0x2b8: {  	_ = 	snop;
	(pc) =	sbr.rel .LBB3_53-.Ltmp50, $2  }
0x2b9: {  	_ =	sdelay $0x2  }
0x2ba: {  	s6 =	sadd.s32 $0x1, s6;
	[tilespmem:s0+$0x0] =	vst v0  }
.LBB3_54:
0x2bb: {  	s0 =	simm.s32 $0x6;
	p1 =	seq.s32 s6, $0x0  }
0x2bc: {  	[sflag:s0] =	ssyncpa.u1 $0x1;
	v0 =	vimm.s32 @p1 $0xFFFFFFFF  }
0x2bd: {  	s0 =	sadd.s32 $0xFFFFFFFF, s6;
	[tilespmem:$0x10838] =	vst @p1 v0  }
0x2be: {  	v0 =	vld.msk @!p1 [tilespmem:s0+$0xC818], $0x1;
	_ =	sdelay $0x1  }
0x2bf: {  	v1 =	vld.msk @!p1 [tilespmem:$0xC818], $0x1;
	_ =	sdelay $0x2  }
0x2c0: {  	p2 =	seq.s32 @!p1 s0, $0x0;
	v0 =	vbroadcast @!p1 v0, $0x0  }
0x2c1: {  	vm0 =	vmmov @!p1 $0x1;
	p2 =	por !p2, p1  }
0x2c2: {  	v1 =	vnsel @!p1 vm0, $0xFFFFFFFF, v1;
	vm0 =	vcmask @!p1 $0x308;
	v0 =	vpsel !p2, $0xFFFFFFFF, v0  }
0x2c3: {  	p2 =	sne.s32 @!p1 s8, s7;
	v0 =	vsel @!p1 vm0, v1, v0  }
0x2c4: {  	s2 =	simm.s32 @!p1 $0xC838;
	s3 =	simm.s32 @!p1 $0x0;
	p3 =	por !p2, p1;
	[tilespmem:$0x10838] =	vst @!p1 v0  }
0x2c5: {  	[spmem:s3] =	stream.linear.scatter @!p1 [tilespmem:s2], [sflag:$0x1], $0x200, $0x38;
	[tilespmem:$0x1C938] =	vst v63  }
0x2c6: {  	s2 =	sshll.u32 @!p3 s0, $0xB  }
0x2c7: {  	s2 =	sshra.s32 @!p3 s2, $0x2  }
0x2c8: {  	s3 =	simm.s32 @!p3 $0x200;
	s2 =	sadd.s32 @!p3 $0xC838, s2  }
0x2c9: {  	[spmem:s3] =	stream.linear.scatter @!p3 [tilespmem:s2], [sflag:$0x1], $0x200, $0x38;
	[tilespmem:$0x1C938] =	vst v63  }
0x2ca: {  	s2 =	simm.s32 @!p3 $0x1  }
0x2cb: {  	_ =	swait.ge @!p3 [sflag:s2], $0x400  }
0x2cc: {  	p1 =	por p2, p1;
	[sflag:s2] =	ssyncset.done @!p3 $0x0  }
0x2cd: {  	[sflag:s2] =	ssyncadd.s32 @!p3 $0xFFFFFC00;
	s2 =	simm.s32 @!p1 $0x1  }
0x2ce: {  	_ =	swait.ge @!p1 [sflag:s2], $0x200  }
0x2cf: {  	s29 =	simm.s32 $0x10838;
	[sflag:s2] =	ssyncset.done @!p1 $0x0  }
0x2d0: {  	s30 =	simm.s32 $0x4000;
	s31 =	simm.s32 $0x1;
	[sflag:s2] =	ssyncadd.s32 @!p1 $0xFFFFFE00  }
0x2d1: {  	[spmem:s30] =	stream.linear.scatter [tilespmem:s29], [sflag:$0x1], $0x10, $0x38;
	[tilespmem:$0x1C938] =	vst v63  }
0x2d2: {  	_ =	swait.ge [sflag:s31], $0x10  }
0x2d3: {  	[sflag:s31] =	ssyncset.done $0x0  }
0x2d4: {  	p1 =	seq.s32 s16, $0x0;
	s9 =	rddreg [dreg:$0x1];
	[sflag:s31] =	ssyncadd.s32 $0xFFFFFFF0  }
0x2d5: {  	s3 =	sshll.u32 @p1 s9, $0xE;
	s8 =	rddreg [dreg:$0x2]  }
0x2d6: {  	s2 =	sadd.s32 @p1 $0x15C3C, s3;
	s3 =	sshll.u32 @p1 s8, $0x11  }
0x2d7: {  	_ =	sfence.stream.spmem;
	s2 =	sor.u32 @p1 s3, s2  }
0x2d8: {  	[sflag:s2] =	ssyncadd.remote.s32 @p1 $0x1;
	s2 =	simm.s32 @p1 $0x4  }
0x2d9: {  	s4 =	simm.s32 @!p1 $0x3C;
	s3 =	sand.u32 $0xFFFFFFFE, s9;
	_ =	swait.ge @p1 [sflag:s2], $0x82  }
0x2da: {  	s5 =	simm.s32 @!p1 $0x0;
	s3 =	sadd.s32 @!p1 $0x4, s3;
	[sflag:s2] =	ssyncset.done @p1 $0x0  }
0x2db: {  	s7 =	simm.s32 @!p1 $0x400;
	[sflag:s2] =	ssyncadd.s32 @p1 $0xFFFFFF7E;
	s2 =	sshll.u32 @!p1 s3, $0x1A  }
0x2dc: {  	s3 =	sshll.u32 @!p1 s3, $0xD;
	s2 =	sor.u32 @!p1 s2, s8;
	_ =	swait.eq @!p1 [sflag:s4], $0x1  }
0x2dd: {  	s3 =	sor.u32 @!p1 $0x1C04, s3;
	s4 =	simm.s32 @!p1 $0x1C03;
	s2 =	sor.u32 @!p1 $0x80004000, s2  }
0x2de: {  	[spmem:s7], [sflag:s3] =	dma.general @!p1 [spmem:s5], [sflag:s4], length:$0x80, [dreg:$0x0], stride_count:$0x0, ici_dest:s2, dma_misc:DstOpCode:WRITE  }
0x2df: {  	p2 =	slt.s32 s0, $0x2;
	s5 =	simm.s32 @!p1 $0x800;
	s7 =	simm.s32 @!p1 $0x802  }
0x2e0: {  	[spmem:s7], [sflag:s3] =	dma.general @!p1 [spmem:s5], [sflag:s4], length:$0x2, [dreg:$0x0], stride_count:$0x0, ici_dest:s2, dma_misc:DstOpCode:WRITE  }
.Ltmp51:
0x2e1: {  	s2 =	simm.s32 @!p1 $0x3;
	(pc) =	sbr.rel @p2 .LBB3_58-.Ltmp51, $4  }
0x2e2: {  	s3 =	sshll.u32 @!p1 s9, $0xE;
	_ =	swait.ge @!p1 [sflag:s2], $0x82  }
0x2e3: {  	s4 =	sshll.u32 @!p1 s8, $0x11;
	s3 =	sadd.s32 @!p1 $0x11C3C, s3;
	[sflag:s2] =	ssyncset.done @!p1 $0x0  }
0x2e4: {  	[sflag:s2] =	ssyncadd.s32 @!p1 $0xFFFFFF7E;
	s2 =	sor.u32 @!p1 s4, s3  }
0x2e5: {  	s0 =	simm.s32 $0x0;
	[sflag:s2] =	ssyncadd.remote.s32 @!p1 $0xFFFFFFFF  }
0x2e6: {  	s0 =	simm.s32 $0xC819  }
0x2e7: {  	v0 =	vld.msk [tilespmem:s0+$0x0], $0x1;
	_ =	sdelay $0x4  }
0x2e8: {  	(v2sf) =	vpush v0, $0x0;
	_ =	sdelay $0xe  }
0x2e9: {  	s2 =	sadd.s32 $0xFFFFFFFE, s6;
	s3 =	spop (v2sf)  }
0x2ea: {  	s5 =	simm.s32 $0xCA38;
	s4 =	sadd.s32 $0xFFFFFFFF, s2;
	p1 =	sgt.u32 s3, $0x9C270  }
0x2eb: {  	s0 =	simm.s32 $0x0;
	p2 =	sne.s32 s4, $0x0;
	s2 =	sand.u32 @!p1 $0xFFFF8, s3  }
0x2ec: {  	s6 =	sadd.s32 @!p1 $0x80, s3;
	s7 =	sadd.s32 @!p1 $0x100, s3;
	s8 =	sadd.s32 @!p1 s1, s2  }
0x2ed: {  	s2 =	sand.u32 @!p1 $0x7, s3;
	s6 =	sand.u32 @!p1 $0x1FFFF8, s6;
	s7 =	sand.u32 @!p1 $0x1FFFF8, s7  }
0x2ee: {  	[hbm4b:s8+s2] =	stream.linear.scatter @!p1 [tilespmem:s5], [sflag:$0x5], $0x80, $0x38;
	[tilespmem:$0x1C938] =	vst v63  }
0x2ef: {  	s5 =	simm.s32 @!p1 $0xCAB8;
	s6 =	sadd.s32 @!p1 s1, s6;
	s7 =	sadd.s32 @!p1 s1, s7  }
.Ltmp52:
0x2f0: {  	s8 =	sadd.s32 @!p1 $0x180, s3;
	s3 =	simm.s32 $0x0;
	(pc) =	sbr.rel @!p2 .LBB3_57-.Ltmp52, $4  }
0x2f1: {  	[hbm4b:s6+s2] =	stream.linear.scatter @!p1 [tilespmem:s5], [sflag:$0x5], $0x80, $0x38;
	[tilespmem:$0x1C938] =	vst v63  }
0x2f2: {  	s3 =	simm.s32 @!p1 $0x800;
	s8 =	sand.u32 @!p1 $0x1FFFF8, s8;
	s6 =	simm.s32 @!p1 $0xCB38  }
0x2f3: {  	[hbm4b:s7+s2] =	stream.linear.scatter @!p1 [tilespmem:s6], [sflag:$0x5], $0x80, $0x38;
	[tilespmem:$0x1C938] =	vst v63  }
0x2f4: {  	s5 =	simm.s32 $0xC81A;
	s6 =	simm.s32 $0xCC38;
	s7 =	simm.s32 @!p1 $0xCBB8  }
.LBB3_56:
0x2f5: {  	s4 =	sadd.s32 $0xFFFFFFFF, s4;
	s8 =	sadd.s32 @!p1 s1, s8;
	s0 =	sadd.s32 s0, s3  }
0x2f6: {  	[hbm4b:s8+s2] =	stream.linear.scatter @!p1 [tilespmem:s7], [sflag:$0x5], $0x80, $0x38;
	[tilespmem:$0x1C938] =	vst v63  }
0x2f7: {  	p2 =	sne.s32 s4, $0x0;
	s7 =	smov.u32 s6;
	v0 =	vld.msk [tilespmem:s5+$0x0], $0x1;
	_ =	sdelay $0x4  }
0x2f8: {  	(v2sf) =	vpush v0, $0x0;
	_ =	sdelay $0xe  }
0x2f9: {  	s3 =	spop (v2sf)  }
0x2fa: {  	s6 =	sadd.s32 $0x200, s6;
	s5 =	sadd.s32 $0x1, s5;
	p1 =	sgt.u32 s3, $0x9C270  }
0x2fb: {  	s2 =	sand.u32 @!p1 $0xFFFF8, s3;
	s8 =	sadd.s32 @!p1 $0x80, s3;
	s9 =	sadd.s32 @!p1 $0x100, s3  }
0x2fc: {  	s10 =	sadd.s32 @!p1 s1, s2;
	s2 =	sand.u32 @!p1 $0x7, s3;
	s8 =	sand.u32 @!p1 $0x1FFFF8, s8  }
0x2fd: {  	[hbm4b:s10+s2] =	stream.linear.scatter @!p1 [tilespmem:s7], [sflag:$0x5], $0x80, $0x38;
	[tilespmem:$0x1C938] =	vst v63  }
0x2fe: {  	s9 =	sand.u32 @!p1 $0x1FFFF8, s9;
	s10 =	sadd.s32 @!p1 $0x80, s7  }
.Ltmp53:
0x2ff: {  	s8 =	sadd.s32 @!p1 s1, s8;
	s9 =	sadd.s32 @!p1 s1, s9;
	(pc) =	sbr.rel @p2 .LBB3_56-.Ltmp53, $4  }
0x300: {  	[hbm4b:s8+s2] =	stream.linear.scatter @!p1 [tilespmem:s10], [sflag:$0x5], $0x80, $0x38;
	[tilespmem:$0x1C938] =	vst v63  }
0x301: {  	s8 =	sadd.s32 @!p1 $0x100, s7;
	s10 =	sadd.s32 @!p1 $0x180, s3;
	s3 =	simm.s32 $0x0  }
0x302: {  	[hbm4b:s9+s2] =	stream.linear.scatter @!p1 [tilespmem:s8], [sflag:$0x5], $0x80, $0x38;
	[tilespmem:$0x1C938] =	vst v63  }
0x303: {  	s7 =	sadd.s32 @!p1 $0x180, s7;
	s3 =	simm.s32 @!p1 $0x800;
	s8 =	sand.u32 @!p1 $0x1FFFF8, s10  }
.LBB3_57:
0x304: {  	s4 =	sadd.s32 @!p1 s1, s8;
	s0 =	sadd.s32 s0, s3  }
0x305: {  	[hbm4b:s4+s2] =	stream.linear.scatter @!p1 [tilespmem:s7], [sflag:$0x5], $0x80, $0x38;
	[tilespmem:$0x1C938] =	vst v63  }
0x306: {  	s0 =	sshrl.u32 s0, $0x2  }
.LBB3_58:
0x307: {  	s2 =	simm.s32 $0x5  }
0x308: {  	_ =	swait.ge [sflag:s2], s0  }
0x309: {  	s31 =	ssub.s32 $0x0, s0;
	[sflag:s2] =	ssyncset.done $0x0  }
0x30a: {  	[sflag:s2] =	ssyncadd.s32 s31  }
0x30b: {  	[sflag:s2] =	ssyncpa.u1 $0x1  }
.LBB3_59:
0x30c: {  	s0 =	sor.u32 s16, s17  }
0x30d: {  	p1 =	sne.s32 s0, $0x0  }
.Ltmp54:
0x30e: {  	_ = 	snop;
	(pc) =	sbr.rel @p1 .LBB3_82-.Ltmp54, $3  }
0x30f: {  	_ =	sdelay $0x1  }
0x310: {  	[bflag:$0x0] =	sbarrier.arrive $0xFFFF  }
0x311: {  	_ =	sfence  }
0x312: {  	s0 =	simm.s32 $0x7  }
0x313: {  	s2 =	simm.s32 $0x4000;
	s3 =	simm.s32 $0xC818;
	[sflag:s0] =	ssyncpa.u1 $0x0  }
0x314: {  	[tilespmem:s3], [sflag:$0x7] =	stream.linear.gather [spmem:s2], $0x20, $0x38;
	[tilespmem:$0x1C938] =	vst v63  }
0x315: {  	s2 =	simm.s32 $0x0;
	s3 =	simm.s32 $0xC838  }
0x316: {  	[tilespmem:s3], [sflag:$0x7] =	stream.linear.gather [spmem:s2], $0x4000, $0x38;
	[tilespmem:$0x1C938] =	vst v63  }
.Ltmp55:
0x317: {  	_ = 	snop;
	(pc) =	sbr.rel .LBB3_61-.Ltmp55, $4  }
0x318: {  	_ =	swait.ge [sflag:s0], $0x4020  }
0x319: {  	s4 =	simm.s32 $0x8;
	[sflag:s0] =	ssyncset.done $0x0  }
0x31a: {  	s5 =	simm.s32 $0xC688;
	s6 =	simm.s32 $0xC708;
	[sflag:s0] =	ssyncadd.s32 $0xFFFFBFE0  }
0x31b: {  	s7 =	simm.s32 $0xC788;
	s8 =	simm.s32 $0x0;
	[sflag:s4] =	ssyncpa.u1 $0x0  }
.LBB3_76:
0x31c: {  	s8 =	sadd.s32 $0x1, s8  }
0x31d: {  	p1 =	sne.s32 s8, $0x20  }
.Ltmp56:
0x31e: {  	_ = 	snop;
	(pc) =	sbr.rel @!p1 .LBB3_77-.Ltmp56, $2  }
0x31f: {  	_ =	sdelay $0x2  }
0x320: {  	s3 =	sadd.s32 $0x200, s3  }
.LBB3_61:
0x321: {  	v0 =	vld.msk [tilespmem:s8+$0xC818], $0x1;
	_ =	sdelay $0x4  }
0x322: {  	(v2sf) =	vpush v0, $0x0;
	_ =	sdelay $0xe  }
0x323: {  	s0 =	spop (v2sf)  }
0x324: {  	p1 =	seq.s32 s0, $0xFFFFFFFF  }
.Ltmp57:
0x325: {  	_ = 	snop;
	(pc) =	sbr.rel @p1 .LBB3_76-.Ltmp57, $1  }
0x326: {  	_ =	sdelay $0x3  }
0x327: {  	p1 =	slt.s32 s2, $0x1  }
.Ltmp58:
0x328: {  	_ = 	snop;
	(pc) =	sbr.rel @p1 .LBB3_69-.Ltmp58, $1  }
0x329: {  	_ =	sdelay $0x3  }
0x32a: {  	s9 =	simm.s32 $0xC818;
	p1 =	por $0x0, $0x0  }
0x32b: {  	v1 =	vld.msk @!p1 [tilespmem:s9+$0x0], $0x1;
	_ =	sdelay $0x4  }
0x32c: {  	(v2sf) =	vpush @!p1 v1, $0x0;
	_ =	sdelay $0xd  }
0x32d: {  	p3 =	sne.s32 s2, $0x1  }
.Ltmp59:
0x32e: {  	s10 =	spop @!p1 (v2sf);
	(pc) =	sbr.rel @!p3 .LBB3_65-.Ltmp59, $4  }
0x32f: {  	p2 =	seq.s32 @!p1 s0, s10  }
0x330: {  	s10 =	simm.s32 $0x0;
	p2 =	por !p2, p1  }
0x331: {  	s12 =	simm.s32 $0xFFFFFFFF;
	s10 =	simm.s32 @p2 $0xFFFFFFFF  }
0x332: {  	s11 =	simm.s32 $0x1;
	s10 =	smov.u32 @p1 s12  }
.LBB3_64:
0x333: {  	s12 =	smov.u32 s10;
	p1 =	sne.s32 s10, $0xFFFFFFFF  }
0x334: {  	s9 =	sadd.s32 $0x1, s9;
	s10 =	smov.u32 s11;
	s11 =	sadd.s32 $0x1, s11  }
0x335: {  	p2 =	sne.s32 s2, s11;
	v1 =	vld.msk @!p1 [tilespmem:s9+$0x0], $0x1;
	_ =	sdelay $0x4  }
0x336: {  	(v2sf) =	vpush @!p1 v1, $0x0;
	_ =	sdelay $0xe  }
.Ltmp60:
0x337: {  	s13 =	spop @!p1 (v2sf);
	(pc) =	sbr.rel @p2 .LBB3_64-.Ltmp60, $4  }
0x338: {  	p3 =	seq.s32 @!p1 s0, s13  }
0x339: {  	p3 =	por !p3, p1  }
0x33a: {  	s10 =	simm.s32 @p3 $0xFFFFFFFF  }
0x33b: {  	s10 =	smov.u32 @p1 s12  }
.LBB3_65:
0x33c: {  	p1 =	seq.s32 s10, $0xFFFFFFFF  }
.Ltmp61:
0x33d: {  	_ = 	snop;
	(pc) =	sbr.rel @p1 .LBB3_69-.Ltmp61, $1  }
0x33e: {  	_ =	sdelay $0x3  }
0x33f: {  	s0 =	sshll.u32 s10, $0xB  }
0x340: {  	s0 =	sshra.s32 s0, $0x2  }
0x341: {  	s9 =	simm.s32 $0x0;
	v0 =	vld [tilespmem:s3+$0x0];
	s10 =	smov.u32 s3;
	s0 =	sadd.s32 $0xC838, s0  }
.LBB3_67:
0x342: {  	s9 =	sadd.s32 $0x10, s9  }
0x343: {  	p1 =	slt.u32 s9, $0x1F0  }
.Ltmp62:
0x344: {  	_ = 	snop;
	(pc) =	sbr.rel @p1 .LBB3_67-.Ltmp62, $3  }
0x345: {  	_ =	sdelay $0x1  }
0x346: {  	s10 =	sadd.s32 $0x10, s10;
	[tilespmem:s0+$0x0] =	vst.add.f32.msk $0xffff, v0;
	s0 =	sadd.s32 $0x10, s0  }
0x347: {  	v0 =	vld [tilespmem:s10+$0x0]  }
.Ltmp63:
0x348: {  	_ = 	snop;
	(pc) =	sbr.rel .LBB3_76-.Ltmp63, $2  }
0x349: {  	_ =	sdelay $0x2  }
0x34a: {  	[tilespmem:s0+$0x0] =	vst.add.f32.msk $0xffff, v0  }
.LBB3_69:
0x34b: {  	p1 =	sgt.u32 s0, $0x9C270  }
.Ltmp64:
0x34c: {  	_ = 	snop;
	(pc) =	sbr.rel @p1 .LBB3_73-.Ltmp64, $1  }
0x34d: {  	_ =	sdelay $0x3  }
0x34e: {  	s9 =	sand.u32 $0xFFFF8, s0;
	s11 =	sand.u32 $0x7, s0  }
0x34f: {  	s29 =	sadd.s32 $0x80, s0;
	s10 =	sadd.s32 s1, s9;
	s9 =	simm.s32 $0xC608  }
0x350: {  	[tilespmem:s9], [sflag:$0x8] =	stream.linear.gather [hbm4b:s10+s11], $0x80, $0x38;
	[tilespmem:$0x1C938] =	vst v63  }
0x351: {  	s10 =	sand.u32 $0x1FFFF8, s29  }
0x352: {  	s30 =	sadd.s32 $0x100, s0;
	s10 =	sadd.s32 s1, s10  }
0x353: {  	[tilespmem:s5], [sflag:$0x8] =	stream.linear.gather [hbm4b:s10+s11], $0x80, $0x38;
	[tilespmem:$0x1C938] =	vst v63  }
0x354: {  	s31 =	sadd.s32 $0x180, s0;
	s10 =	sand.u32 $0x1FFFF8, s30  }
0x355: {  	s0 =	sand.u32 $0x1FFFF8, s31;
	s10 =	sadd.s32 s1, s10  }
0x356: {  	[tilespmem:s6], [sflag:$0x8] =	stream.linear.gather [hbm4b:s10+s11], $0x80, $0x38;
	[tilespmem:$0x1C938] =	vst v63  }
0x357: {  	s0 =	sadd.s32 s1, s0  }
0x358: {  	[tilespmem:s7], [sflag:$0x8] =	stream.linear.gather [hbm4b:s0+s11], $0x80, $0x38;
	[tilespmem:$0x1C938] =	vst v63  }
0x359: {  	_ =	swait.ge [sflag:s4], $0x200  }
0x35a: {  	[sflag:s4] =	ssyncset.done $0x0  }
0x35b: {  	[sflag:s4] =	ssyncadd.s32 $0xFFFFFE00  }
0x35c: {  	s10 =	smov.u32 s3;
	s0 =	simm.s32 $0x0;
	v1 =	vld [tilespmem:s9+$0x0]  }
.LBB3_71:
0x35d: {  	s0 =	sadd.s32 $0x10, s0  }
0x35e: {  	p1 =	slt.u32 s0, $0x1F0  }
.Ltmp65:
0x35f: {  	_ = 	snop;
	(pc) =	sbr.rel @p1 .LBB3_71-.Ltmp65, $3  }
0x360: {  	_ =	sdelay $0x1  }
0x361: {  	s9 =	sadd.s32 $0x10, s9;
	[tilespmem:s10+$0x0] =	vst.add.f32.msk $0xffff, v1;
	s10 =	sadd.s32 $0x10, s10  }
0x362: {  	v1 =	vld [tilespmem:s9+$0x0]  }
0x363: {  	_ =	sdelay $0x3  }
0x364: {  	[tilespmem:s10+$0x0] =	vst.add.f32.msk $0xffff, v1  }
.LBB3_73:
0x365: {  	s0 =	sshll.u32 s2, $0xB  }
0x366: {  	[tilespmem:s2+$0xC818] =	vst.msk $0x1, v0;
	s0 =	sshra.s32 s0, $0x2  }
0x367: {  	s9 =	simm.s32 $0x0;
	s10 =	smov.u32 s3;
	v0 =	vld [tilespmem:s3+$0x0];
	s0 =	sadd.s32 $0xC838, s0  }
.LBB3_74:
0x368: {  	s9 =	sadd.s32 $0x10, s9  }
0x369: {  	p1 =	slt.u32 s9, $0x1F0  }
.Ltmp66:
0x36a: {  	_ = 	snop;
	(pc) =	sbr.rel @p1 .LBB3_74-.Ltmp66, $3  }
0x36b: {  	_ =	sdelay $0x1  }
0x36c: {  	s10 =	sadd.s32 $0x10, s10;
	[tilespmem:s0+$0x0] =	vst v0;
	s0 =	sadd.s32 $0x10, s0  }
0x36d: {  	v0 =	vld [tilespmem:s10+$0x0]  }
.Ltmp67:
0x36e: {  	_ = 	snop;
	(pc) =	sbr.rel .LBB3_76-.Ltmp67, $2  }
0x36f: {  	_ =	sdelay $0x2  }
0x370: {  	s2 =	sadd.s32 $0x1, s2;
	[tilespmem:s0+$0x0] =	vst v0  }
.LBB3_77:
0x371: {  	p1 =	slt.s32 s2, $0x1  }
.Ltmp68:
0x372: {  	_ = 	snop;
	(pc) =	sbr.rel @p1 .LBB3_81-.Ltmp68, $3  }
0x373: {  	_ =	sdelay $0x1  }
0x374: {  	s0 =	simm.s32 $0x8  }
0x375: {  	[sflag:s0] =	ssyncpa.u1 $0x1;
	s0 =	simm.s32 $0x0  }
0x376: {  	s3 =	simm.s32 $0xC818  }
0x377: {  	v0 =	vld.msk [tilespmem:s3+$0x0], $0x1;
	_ =	sdelay $0x4  }
0x378: {  	(v2sf) =	vpush v0, $0x0;
	_ =	sdelay $0xe  }
0x379: {  	s7 =	spop (v2sf)  }
0x37a: {  	s2 =	sadd.s32 $0xFFFFFFFF, s2;
	p1 =	sgt.u32 s7, $0x9C270  }
0x37b: {  	s3 =	simm.s32 $0xC838;
	s4 =	sand.u32 @!p1 $0xFFFF8, s7;
	s8 =	sadd.s32 @!p1 $0x80, s7  }
0x37c: {  	s5 =	sand.u32 @!p1 $0x7, s7;
	s4 =	sadd.s32 @!p1 s1, s4;
	s8 =	sand.u32 @!p1 $0x1FFFF8, s8  }
0x37d: {  	[hbm4b:s4+s5] =	stream.linear.scatter @!p1 [tilespmem:s3], [sflag:$0x7], $0x80, $0x38;
	[tilespmem:$0x1C938] =	vst v63  }
0x37e: {  	p2 =	sne.s32 s2, $0x0;
	s3 =	simm.s32 @!p1 $0xC8B8;
	s4 =	sadd.s32 @!p1 s1, s8  }
0x37f: {  	[hbm4b:s4+s5] =	stream.linear.scatter @!p1 [tilespmem:s3], [sflag:$0x7], $0x80, $0x38;
	[tilespmem:$0x1C938] =	vst v63  }
.Ltmp69:
0x380: {  	s6 =	simm.s32 $0x0;
	s9 =	sadd.s32 @!p1 $0x100, s7;
	(pc) =	sbr.rel @!p2 .LBB3_80-.Ltmp69, $4  }
0x381: {  	s6 =	simm.s32 @!p1 $0x800;
	s8 =	sand.u32 @!p1 $0x1FFFF8, s9;
	s3 =	simm.s32 @!p1 $0xC938  }
0x382: {  	s4 =	sadd.s32 @!p1 s1, s8;
	s8 =	sadd.s32 @!p1 $0x180, s7;
	s7 =	simm.s32 @!p1 $0xC9B8  }
0x383: {  	[hbm4b:s4+s5] =	stream.linear.scatter @!p1 [tilespmem:s3], [sflag:$0x7], $0x80, $0x38;
	[tilespmem:$0x1C938] =	vst v63  }
0x384: {  	s8 =	sand.u32 @!p1 $0x1FFFF8, s8;
	s3 =	simm.s32 $0xC819;
	s4 =	simm.s32 $0xCA38  }
.LBB3_79:
0x385: {  	s2 =	sadd.s32 $0xFFFFFFFF, s2;
	s8 =	sadd.s32 @!p1 s1, s8;
	s0 =	sadd.s32 s0, s6  }
0x386: {  	[hbm4b:s8+s5] =	stream.linear.scatter @!p1 [tilespmem:s7], [sflag:$0x7], $0x80, $0x38;
	[tilespmem:$0x1C938] =	vst v63  }
0x387: {  	p2 =	sne.s32 s2, $0x0;
	s7 =	smov.u32 s4;
	v0 =	vld.msk [tilespmem:s3+$0x0], $0x1;
	_ =	sdelay $0x4  }
0x388: {  	(v2sf) =	vpush v0, $0x0;
	_ =	sdelay $0xe  }
0x389: {  	s6 =	spop (v2sf)  }
0x38a: {  	s4 =	sadd.s32 $0x200, s4;
	s3 =	sadd.s32 $0x1, s3;
	p1 =	sgt.u32 s6, $0x9C270  }
0x38b: {  	s5 =	sand.u32 @!p1 $0xFFFF8, s6;
	s8 =	sadd.s32 @!p1 $0x80, s6;
	s9 =	sadd.s32 @!p1 $0x100, s6  }
0x38c: {  	s10 =	sadd.s32 @!p1 s1, s5;
	s5 =	sand.u32 @!p1 $0x7, s6;
	s8 =	sand.u32 @!p1 $0x1FFFF8, s8  }
0x38d: {  	[hbm4b:s10+s5] =	stream.linear.scatter @!p1 [tilespmem:s7], [sflag:$0x7], $0x80, $0x38;
	[tilespmem:$0x1C938] =	vst v63  }
0x38e: {  	s9 =	sand.u32 @!p1 $0x1FFFF8, s9;
	s10 =	sadd.s32 @!p1 $0x80, s7  }
.Ltmp70:
0x38f: {  	s8 =	sadd.s32 @!p1 s1, s8;
	s9 =	sadd.s32 @!p1 s1, s9;
	(pc) =	sbr.rel @p2 .LBB3_79-.Ltmp70, $4  }
0x390: {  	[hbm4b:s8+s5] =	stream.linear.scatter @!p1 [tilespmem:s10], [sflag:$0x7], $0x80, $0x38;
	[tilespmem:$0x1C938] =	vst v63  }
0x391: {  	s8 =	sadd.s32 @!p1 $0x100, s7;
	s10 =	sadd.s32 @!p1 $0x180, s6;
	s6 =	simm.s32 $0x0  }
0x392: {  	[hbm4b:s9+s5] =	stream.linear.scatter @!p1 [tilespmem:s8], [sflag:$0x7], $0x80, $0x38;
	[tilespmem:$0x1C938] =	vst v63  }
0x393: {  	s7 =	sadd.s32 @!p1 $0x180, s7;
	s6 =	simm.s32 @!p1 $0x800;
	s8 =	sand.u32 @!p1 $0x1FFFF8, s10  }
.LBB3_80:
0x394: {  	s1 =	sadd.s32 @!p1 s1, s8;
	s0 =	sadd.s32 s0, s6  }
0x395: {  	[hbm4b:s1+s5] =	stream.linear.scatter @!p1 [tilespmem:s7], [sflag:$0x7], $0x80, $0x38;
	[tilespmem:$0x1C938] =	vst v63  }
0x396: {  	s0 =	sshrl.u32 s0, $0x2  }
.LBB3_81:
0x397: {  	s1 =	simm.s32 $0x7  }
0x398: {  	_ =	swait.ge [sflag:s1], s0  }
0x399: {  	s31 =	ssub.s32 $0x0, s0;
	[sflag:s1] =	ssyncset.done $0x0  }
0x39a: {  	[sflag:s1] =	ssyncadd.s32 s31  }
0x39b: {  	[sflag:s1] =	ssyncpa.u1 $0x1  }
.LBB3_82:
0x39c: {  	_ =	sfence;
	s0 =	simm.s32 $0x1  }
0x39d: {  	[sflag:s0] =	ssyncpa.u1 $0x1  }
0x39e: {  	_ =	strace $0x90000056  }
0x39f: {  	[bflag:$0x2] =	sbarrier.arrive $0xFFFF  }
0x3a0: {  	s0 =	rddreg [dreg:$0x3]  }
0x3a1: {  	s0 =	sadd.s32 @!p0 $0x100000, s0  }
0x3a2: {  	[sflag:s0] =	ssyncadd.tile.s32 @!p0 $0x1;
	_ =	shalt  }
.Lfunc_end3:
_tile_overlayer_lowered:
.L_overlay_start_3:
0x3a3: {  	(tag) =	ssettag $0x3  }
0x3a4: {  	s0 =	rddreg [dreg:$0x0];
	s2 =	stileid.u32  }
0x3a5: {  	s1 =	rddreg [dreg:$0x1];
	p0 =	sne.s32 s2, $0x0  }
0x3a6: {  	s3 =	rddreg [dreg:$0x2];
	[bflag:$0x3] =	sbarrier.arrive $0xFFFF;
	s2 =	simm.s32 @!p0 $0x1C01  }
0x3a7: {  	[timem:s3], [sflag:s2] =	dma.local @!p0 [hbm:s0], s1  }
0x3a8: {  	s0 =	simm.s32 @!p0 $0x1  }
0x3a9: {  	_ =	swait.ge @!p0 [sflag:s0], s1  }
0x3aa: {  	s1 =	ssub.s32 @!p0 $0x0, s1;
	[sflag:s0] =	ssyncset.done @!p0 $0x0  }
0x3ab: {  	[sflag:s0] =	ssyncadd.s32 @!p0 s1  }
0x3ac: {  	[bflag:$0x3] =	sbarrier.arrive $0xFFFF  }
0x3ad: {  	_ =	shalt  }

// kernel: scatter_offload_async_start.3
scs
__scs_entry_jumppad:
0x0: {  	(pc) =	sbr.rel $0x88, $3  }
0x1: {  	(tag) =	ssettag $0x0;
	lr =	simm.s32 $0x1  }
0x2: {  	[smem:$0x3F88] =	sst lr;
	_ =	strace $0xD0000000  }
0x3: {  	_ = 	snop  }
0x4: {  	_ = 	snop  }
0x5: {  	_ = 	snop  }
0x6: {  	_ = 	snop  }
0x7: {  	_ = 	snop  }
__scs_overlays_trampoline_lowered:
0x8: {  	[smem:$0x3F97] =	sst s0  }
0x9: {  	[smem:$0x3F98] =	sst s1  }
0xa: {  	[smem:$0x3F99] =	sst s2  }
0xb: {  	[smem:$0x3F9A] =	sst s3  }
0xc: {  	[smem:$0x3F9B] =	sst s4  }
0xd: {  	[smem:$0x3F9C] =	sst s5  }
0xe: {  	[smem:$0x3F9D] =	sst s6  }
0xf: {  	[smem:$0x3F9E] =	sst s7  }
0x10: {  	[smem:$0x3F9F] =	sst s8  }
0x11: {  	[smem:$0x3FA0] =	sst s9;
	s0 =	simm.s32 @!p0 $0x0  }
0x12: {  	s1 =	sld [smem:$0x3F86];
	s0 =	simm.s32 @p0 $0x1  }
0x13: {  	[smem:$0x3FA1] =	sst s0;
	s0 =	simm.s32 @!p1 $0x0  }
0x14: {  	s2 =	sld [smem:$0x3F85];
	s0 =	simm.s32 @p1 $0x1  }
0x15: {  	[smem:$0x3FA2] =	sst s0;
	s0 =	simm.s32 @!p2 $0x0  }
0x16: {  	s3 =	sld [smem:$0x3FDB];
	s0 =	simm.s32 @p2 $0x1  }
0x17: {  	s4 =	simm.s32 $0x1BF5;
	[smem:$0x3FA4] =	sst s0  }
0x18: {  	s0 =	sld [smem:$0x3F87];
	_ =	swait.ge [sflag:s4], $0x0  }
0x19: {  	s7 =	sld [smem:$0x3F88]  }
0x1a: {  	s8 =	sadd.s32 $0xFFFFE003, lr  }
0x1b: {  	s9 =	sadd.s32 $0xFFFFFEF7, lr;
	s5 =	simm.s32 $0xFFFFFFFF;
	p2 =	slt.u32 s8, $0xFFFFF086  }
0x1c: {  	p1 =	slt.u32 s9, $0xF7A;
	s5 =	simm.s32 @!p2 $0x0  }
0x1d: {  	s5 =	simm.s32 @p1 $0x1;
	p0 =	seq.s32 s7, s2  }
0x1e: {  	s7 =	smul.u32 @!p0 $0xF7A, s2;
	p2 =	seq.s32 @!p0 s5, $0x0  }
0x1f: {  	s9 =	smul.u32 $0xF7A, s1;
	s8 =	simm.s32 @!p0 $0x1BF5;
	p2 =	por !p2, p0  }
0x20: {  	[sflag:s8] =	ssyncset.s32 @!p0 $0xFFFFF086;
	s6 =	sadd.s32 @!p0 s3, s7;
	s7 =	simm.s32 @!p0 $0x108  }
0x21: {  	s3 =	sadd.s32 s3, s9;
	s6 =	sadd.s32 @!p0 $0x88, s6;
	s7 =	simm.s32 @p2 $0x1082  }
0x22: {  	[simem:s7], [sflag:s8] =	dma.local @!p0 [hbm:s6], $0xF7A  }
0x23: {  	s9 =	sor.u32 $0xD0000000, s2;
	s6 =	simm.s32 $0x108;
	_ =	swait.ge @!p0 [sflag:s8], $0x0  }
0x24: {  	s3 =	sadd.s32 $0x88, s3;
	s6 =	simm.s32 @!p1 $0x1082;
	[sflag:s4] =	ssyncset.s32 $0xFFFFF086  }
0x25: {  	[simem:s6], [sflag:s4] =	dma.local [hbm:s3], $0xF7A  }
0x26: {  	[smem:$0x3F88] =	sst s1;
	(tag) =	ssettag s2;
	_ =	strace s9  }
0x27: {  	s1 =	sld [smem:$0x3F98]  }
0x28: {  	s2 =	sld [smem:$0x3F99]  }
0x29: {  	s4 =	sld [smem:$0x3F9B]  }
0x2a: {  	p0 =	seq.s32 s5, $0x0;
	s5 =	sld [smem:$0x3F9C]  }
0x2b: {  	s6 =	sld [smem:$0x3F9D]  }
0x2c: {  	s7 =	sld [smem:$0x3F9E]  }
0x2d: {  	s3 =	simm.s32 $0x108;
	s8 =	sld [smem:$0x3F9F]  }
0x2e: {  	s3 =	simm.s32 @!p0 $0x1082;
	s9 =	sld [smem:$0x3FA0]  }
0x2f: {  	lr =	sadd.s32 s0, s3;
	s0 =	sld [smem:$0x3F97]  }
0x30: {  	s3 =	sld [smem:$0x3F9A]  }
0x31: {  	[smem:$0x3FA3] =	sst s10  }
0x32: {  	s10 =	sld [smem:$0x3FA1];
	_ =	sdelay $0x3  }
0x33: {  	p0 =	seq.s32 s10, $0x1;
	s10 =	sld [smem:$0x3FA3];
	_ =	sdelay $0x3  }
0x34: {  	[smem:$0x3FA3] =	sst s10  }
0x35: {  	s10 =	sld [smem:$0x3FA2];
	_ =	sdelay $0x3  }
0x36: {  	p1 =	seq.s32 s10, $0x1;
	s10 =	sld [smem:$0x3FA3];
	_ =	sdelay $0x3  }
0x37: {  	[smem:$0x3FA3] =	sst s10  }
0x38: {  	s10 =	sld [smem:$0x3FA4]  }
0x39: {  	_ = 	snop;
	(pc) =	sbr.ind lr, $3  }
0x3a: {  	_ = 	snop  }
0x3b: {  	_ = 	snop  }
0x3c: {  	p2 =	seq.s32 s10, $0x1;
	s10 =	sld [smem:$0x3FA3]  }
0x3d: {  	_ =	shalt  }
0x3e: {  	_ =	shalt  }
0x3f: {  	_ =	shalt  }
0x40: {  	_ =	shalt  }
0x41: {  	_ =	shalt  }
0x42: {  	_ =	shalt  }
0x43: {  	_ =	shalt  }
0x44: {  	_ =	shalt  }
0x45: {  	_ =	shalt  }
0x46: {  	_ =	shalt  }
0x47: {  	_ =	shalt  }
0x48: {  	_ =	shalt  }
0x49: {  	_ =	shalt  }
0x4a: {  	_ =	shalt  }
0x4b: {  	_ =	shalt  }
0x4c: {  	_ =	shalt  }
0x4d: {  	_ =	shalt  }
0x4e: {  	_ =	shalt  }
0x4f: {  	_ =	shalt  }
0x50: {  	_ =	shalt  }
0x51: {  	_ =	shalt  }
0x52: {  	_ =	shalt  }
0x53: {  	_ =	shalt  }
0x54: {  	_ =	shalt  }
0x55: {  	_ =	shalt  }
0x56: {  	_ =	shalt  }
0x57: {  	_ =	shalt  }
0x58: {  	_ =	shalt  }
0x59: {  	_ =	shalt  }
0x5a: {  	_ =	shalt  }
0x5b: {  	_ =	shalt  }
0x5c: {  	_ =	shalt  }
0x5d: {  	_ =	shalt  }
0x5e: {  	_ =	shalt  }
0x5f: {  	_ =	shalt  }
0x60: {  	_ =	shalt  }
0x61: {  	_ =	shalt  }
0x62: {  	_ =	shalt  }
0x63: {  	_ =	shalt  }
0x64: {  	_ =	shalt  }
0x65: {  	_ =	shalt  }
0x66: {  	_ =	shalt  }
0x67: {  	_ =	shalt  }
0x68: {  	_ =	shalt  }
0x69: {  	_ =	shalt  }
0x6a: {  	_ =	shalt  }
0x6b: {  	_ =	shalt  }
0x6c: {  	_ =	shalt  }
0x6d: {  	_ =	shalt  }
0x6e: {  	_ =	shalt  }
0x6f: {  	_ =	shalt  }
0x70: {  	_ =	shalt  }
0x71: {  	_ =	shalt  }
0x72: {  	_ =	shalt  }
0x73: {  	_ =	shalt  }
0x74: {  	_ =	shalt  }
0x75: {  	_ =	shalt  }
0x76: {  	_ =	shalt  }
0x77: {  	_ =	shalt  }
0x78: {  	_ =	shalt  }
0x79: {  	_ =	shalt  }
0x7a: {  	_ =	shalt  }
0x7b: {  	_ =	shalt  }
0x7c: {  	_ =	shalt  }
0x7d: {  	_ =	shalt  }
0x7e: {  	_ =	shalt  }
0x7f: {  	_ =	shalt  }
0x80: {  	_ =	shalt  }
0x81: {  	_ =	shalt  }
0x82: {  	_ =	shalt  }
0x83: {  	_ =	shalt  }
0x84: {  	_ =	shalt  }
0x85: {  	_ =	shalt  }
0x86: {  	_ =	shalt  }
0x87: {  	_ =	shalt  }
.Lfunc_end0:
.L_simem_size_0:
called_computation.3_lowered:
.L_overlay_start_0:
0x88: {  	s2 =	sld [smem:$0x3FD9]  }
0x89: {  	s3 =	sld [smem:$0x3FFE];
	_ =	sdelay $0x1  }
0x8a: {  	s1 =	srdreg.scid  }
0x8b: {  	s0 =	sand.u32 $0x1, s1  }
0x8c: {  	s15 =	sshll.u32 s0, $0xA;
	s2 =	sadd.s32 s3, s2  }
0x8d: {  	s2 =	sadd.s32 s2, s15  }
0x8e: {  	[smem:$0x3FAF] =	sst s2  }
0x8f: {  	_ = 	snop  }
0x90: {  	(tm) =	ssettm $0x1  }
0x91: {  	s16 =	sld [smem:$0x3FFB];
	_ =	sdelay $0x3  }
0x92: {  	_ =	strace s16  }
0x93: {  	s2 =	sld [smem:$0x3FFC];
	_ =	sdelay $0x3  }
0x94: {  	_ =	strace s2  }
0x95: {  	s2 =	sld [smem:$0x3FFD];
	_ =	sdelay $0x3  }
0x96: {  	_ =	strace s2  }
0x97: {  	_ =	strace $0x8FFFFFFF  }
0x98: {  	s17 =	sld [smem:$0x3FDB];
	_ =	sdelay $0x1  }
0x99: {  	s18 =	simm.s32 $_scs_section_size  }
0x9a: {  	s4 =	simm.s32 $_size__tile_overlayer_lowered;
	s5 =	simm.s32 $_tile_overlayer_lowered  }
0x9b: {  	s21 =	simm.s32 $0x1BFF;
	s20 =	sshll.u32 s5, $0x1;
	s2 =	sadd.s32 s18, s17  }
0x9c: {  	s6 =	simm.s32 $0x0;
	s19 =	sshll.u32 s4, $0x1;
	s4 =	sadd.s32 s20, s2  }
0x9d: {  	[timem:s6], [sflag:s21] =	dma.local [hbm:s4], s19  }
0x9e: {  	_ =	swait.ge [sflag:s21], s19  }
0x9f: {  	s3 =	ssub.s32 $0x0, s19;
	[sflag:s21] =	ssyncset.done $0x0  }
0xa0: {  	[sflag:s21] =	ssyncadd.s32 s3;
	_ =	sdelay $0x1  }
0xa1: {  	s22 =	simm.s32 $0x1B8B  }
0xa2: {  	_ =	swait.ge [sflag:s22], $0x1  }
0xa3: {  	[sflag:s22] =	ssyncset.done $0x0  }
0xa4: {  	s23 =	sld [smem:$0x3FFE];
	[sflag:s22] =	ssyncadd.s32 $0xFFFFFFFF  }
0xa5: {  	s25 =	simm.s32 $0x1B8E;
	s24 =	sld [smem:$0x0]  }
0xa6: {  	s26 =	simm.s32 $execute0_lowered;
	[smem:$0x3FD2] =	sst s25  }
0xa7: {  	s5 =	sshll.u32 s26, $0x1;
	_ =	strace $0x8000005B;
	[dreg:$0x1] =	wrdreg $0xFFFFFFFF  }
0xa8: {  	s28 =	simm.s32 $_size_execute0_lowered;
	s2 =	sadd.s32 s2, s5;
	[dreg:$0x0] =	wrdreg $0x0  }
0xa9: {  	s5 =	sshll.u32 s28, $0x1;
	[dreg:$0x2] =	wrdreg s2  }
0xaa: {  	[dreg:$0x3] =	wrdreg s5  }
0xab: {  	[dreg:$0x4] =	wrdreg $0xC0  }
0xac: {  	_ =	task [dreg:s6], $0x5FFFF  }
0xad: {  	[dreg:$0x1] =	wrdreg $0xFFFFFFFF  }
0xae: {  	[dreg:$0x0] =	wrdreg $0x60  }
0xaf: {  	[dreg:$0x2] =	wrdreg s23  }
0xb0: {  	[dreg:$0x3] =	wrdreg s1  }
0xb1: {  	[dreg:$0x4] =	wrdreg s24  }
0xb2: {  	[dreg:$0x5] =	wrdreg $0x9  }
0xb3: {  	_ =	task.clear_ibuf [dreg:s6], $0x6FFFF;
	_ =	strace $0x9000005B  }
0xb4: {  	s29 =	simm.s32 $0x9;
	_ =	strace $0x8000005D  }
0xb5: {  	_ =	swait.ge [sflag:s29], $0x1  }
0xb6: {  	[sflag:s29] =	ssyncadd.s32 $0xFFFFFFFF  }
0xb7: {  	_ =	strace $0x9000005D  }
0xb8: {  	_ =	sfence  }
0xb9: {  	s30 =	sld [smem:$0x0];
	_ =	sdelay $0x2  }
0xba: {  	s31 =	sshll.u32 s1, $0xD;
	s1 =	sshrl.u32 s1, $0x2  }
0xbb: {  	s3 =	sand.u32 $0x4000, s31;
	s1 =	sadd.s32 s1, s30  }
0xbc: {  	s0 =	sor.u32 s3, s0;
	s1 =	sshll.u32 s1, $0x11  }
0xbd: {  	s0 =	sor.u32 s1, s0  }
0xbe: {  	s0 =	sadd.s32 $0x8F2B, s0  }
0xbf: {  	[sflag:s0] =	ssyncadd.remote.s32 $0x1  }
0xc0: {  	_ =	sfence.sel $0xFFFF  }
0xc1: {  	[dreg:$0x0] =	wrdreg $0xFFFFFFFF;
	(pc) =	sbr.abs _section_cstart, $3  }
0xc2: {  	[dreg:$0x1] =	wrdreg $0xFFFFFFFF  }
0xc3: {  	_ =	task.clear_ibuf [dreg:s6], $0x2FFFF;
	_ =	strace $0x9FFFFFFF  }
0xc4: {  	(tm) =	ssettm $0x7FFFFFFF  }
0xc5: {  	_ =	shalt  }
tec
execute0_lowered:
.L_overlay_start_1:
0x0: {  	(tag) =	ssettag $0x1  }
0x1: {  	s2 =	rddreg [dreg:$0x0]  }
0x2: {  	s3 =	rddreg [dreg:$0x1];
	_ =	strace $0x8000005C;
	s0 =	simm.s32 $0x1  }
0x3: {  	s4 =	simm.s32 $0x408;
	v0 =	vimm.s32 $0x0;
	[sflag:s0] =	ssyncpa.u1 $0x0  }
0x4: {  	[tilespmem:s4+$0x70] =	vst v0  }
0x5: {  	[tilespmem:s4+$0x60] =	vst v0  }
0x6: {  	[tilespmem:s4+$0x50] =	vst v0  }
0x7: {  	[tilespmem:s4+$0x40] =	vst v0  }
0x8: {  	[tilespmem:s4+$0x30] =	vst v0  }
0x9: {  	s1 =	sadd.s32 $0x107000, s2;
	s0 =	sadd.s32 $0x3200, s2;
	s6 =	sadd.s32 $0x1948E00, s2;
	[tilespmem:s4+$0x20] =	vst v0  }
0xa: {  	s2 =	sadd.s32 $0x53F000, s2;
	s7 =	sand.u32 $0x1, s3;
	s3 =	simm.s32 $0x40;
	[tilespmem:s4+$0x10] =	vst v0  }
.LBB2_1:
0xb: {  	s3 =	sadd.s32 $0x40, s3;
	[tilespmem:s4+$0x0] =	vst v0;
	s4 =	sadd.s32 $0x80, s4  }
0xc: {  	p0 =	slt.u32 s3, $0x3100;
	[tilespmem:s4+$0x70] =	vst v0  }
0xd: {  	[tilespmem:s4+$0x60] =	vst v0  }
.Ltmp0:
0xe: {  	[tilespmem:s4+$0x50] =	vst v0;
	(pc) =	sbr.rel @p0 .LBB2_1-.Ltmp0, $4  }
0xf: {  	[tilespmem:s4+$0x40] =	vst v0  }
0x10: {  	[tilespmem:s4+$0x30] =	vst v0  }
0x11: {  	[tilespmem:s4+$0x20] =	vst v0  }
0x12: {  	[tilespmem:s4+$0x10] =	vst v0  }
0x13: {  	s10 =	stileid.u32  }
0x14: {  	s3 =	smul.u32 $0xD0, s10  }
0x15: {  	s5 =	smin.u32 s10, $0x6  }
0x16: {  	s3 =	sor.u32 s5, s3  }
0x17: {  	p0 =	slt.u32 s10, $0x6;
	s11 =	smul.u32 $0x30, s3;
	s3 =	simm.s32 $0x2730  }
0x18: {  	s3 =	simm.s32 @!p0 $0x2700  }
0x19: {  	s3 =	sadd.s32 s3, s11  }
0x1a: {  	s8 =	smin.u32 s3, $0x27100  }
0x1b: {  	s26 =	simm.s32 $0x2;
	s9 =	simm.s32 $0x9;
	s3 =	ssub.s32 s8, s11  }
0x1c: {  	s29 =	simm.s32 $0xA;
	s30 =	simm.s32 $0xB;
	p0 =	sgt.s32 s3, $0x0  }
0x1d: {  	[dreg:$0x4] =	wrdreg s7;
	s31 =	smul.u32 $0x4E20, s7;
	s3 =	simm.s32 @!p0 $0x0  }
0x1e: {  	s12 =	simm.s32 $0x1;
	s24 =	simm.s32 $0x0;
	s25 =	smulhi.u32 $0x2AAAAAAB, s3  }
0x1f: {  	p1 =	por $0x0, $0x0;
	s18 =	simm.s32 $0x80;
	s19 =	simm.s32 $0x400  }
0x20: {  	s20 =	simm.s32 $0xC;
	s21 =	simm.s32 $0x0;
	s28 =	sshrl.u32 s25, $0x3  }
0x21: {  	[tilespmem:s4+$0x0] =	vst v0;
	v0 =	vimm.s32 $0xFFFFFFFF;
	s23 =	simm.s32 $0x0;
	[sflag:s26] =	ssyncpa.u1 $0x0;
	s5 =	smul.u32 $0x30, s28  }
0x22: {  	s16 =	sshll.u32 s10, $0xA;
	[tilespmem:$0xC808] =	vst v0;
	[sflag:s9] =	ssyncpa.u1 $0x0;
	s14 =	sadd.s32 s31, s2  }
.Ltmp1:
0x23: {  	p0 =	sne.s32 s3, s5;
	s3 =	simm.s32 $0x1;
	(pc) =	sbr.rel .LBB2_3-.Ltmp1, $4  }
0x24: {  	s15 =	sadd.s32 s31, s0;
	[dreg:$0x6] =	wrdreg s14;
	s3 =	simm.s32 @!p0 $0x0  }
0x25: {  	[sflag:s29] =	ssyncpa.u1 $0x0;
	[dreg:$0x7] =	wrdreg s15;
	s13 =	sadd.s32 s3, s28  }
0x26: {  	[sflag:s30] =	ssyncpa.u1 $0x0;
	s17 =	sadd.s32 $0x1, s13;
	[dreg:$0x5] =	wrdreg s13  }
0x27: {  	v0 =	vlaneseq.u32;
	s22 =	smov.u32 s11;
	p0 =	por $0x1, $0x1;
	[dreg:$0x8] =	wrdreg s17  }
.LBB2_30:
0x28: {  	s0 =	sshrl.u32 s0, $0x2  }
.LBB2_32:
0x29: {  	_ =	swait.ge [sflag:s20], s0  }
0x2a: {  	s30 =	ssub.s32 $0x0, s0;
	v1 =	vmov s26;
	vm0 =	veq.s32 v0, $0x0;
	[sflag:s20] =	ssyncset.done $0x0  }
0x2b: {  	vm15 =	veq.s32 v0, $0x2;
	v1 =	vsel vm0, s31, v1;
	[sflag:s20] =	ssyncadd.s32 s30  }
0x2c: {  	v1 =	vsel vm15, s24, v1;
	[sflag:s20] =	ssyncpa.u1 $0x1  }
0x2d: {  	[tilespmem:$0xC808] =	vst v1  }
.LBB2_33:
0x2e: {  	s0 =	sadd.s32 $0x30, s22  }
0x2f: {  	s2 =	smov.u32 s11;
	p2 =	slt.s32 s0, s8  }
0x30: {  	s2 =	smov.u32 @p2 s0;
	p2 =	sne.s32 s23, s17  }
.Ltmp2:
0x31: {  	_ = 	snop;
	(pc) =	sbr.rel @!p2 .LBB2_34-.Ltmp2, $4  }
0x32: {  	_ = 	snop  }
0x33: {  	s24 =	smov.u32 s21  }
0x34: {  	s31 =	sadd.s32 $0x1, s23;
	s21 =	smov.u32 s22;
	p0 =	por !p0, !p0  }
0x35: {  	p1 =	por !p1, !p1;
	s23 =	smov.u32 s31;
	s22 =	smov.u32 s2  }
.LBB2_3:
0x36: {  	p2 =	sge.u32 s23, s13  }
0x37: {  	s0 =	smulhi.u32 @!p2 $0xAAAAAAAB, s23  }
0x38: {  	s2 =	smov.u32 s22;
	p3 =	sgt.s32 @!p2 s22, $0x270D0  }
0x39: {  	s3 =	sshra.s32 @!p2 s22, $0x1F;
	p3 =	por !p3, p2;
	s0 =	sshrl.u32 @!p2 s0, $0x1  }
0x3a: {  	s3 =	sand.u32 @!p2 s3, s22;
	s2 =	simm.s32 @p3 $0x270D0;
	s0 =	smul.u32 @!p2 $0x3, s0  }
0x3b: {  	s2 =	ssub.s32 @!p2 s2, s3  }
0x3c: {  	s2 =	sadd.s32 @!p2 $0xFFFD8F30, s2;
	s0 =	ssub.s32 @!p2 s23, s0  }
0x3d: {  	s3 =	sshll.u32 @!p2 s2, $0x2;
	p3 =	sgt.s32 @!p2 s2, $0x2F;
	s0 =	smul.u32 @!p2 $0xC0, s0  }
0x3e: {  	s4 =	sand.u32 @!p2 $0x7, s22;
	s2 =	ssub.s32 @!p2 $0xC0, s3;
	p3 =	por !p3, p2  }
0x3f: {  	s3 =	sshrl.u32 @!p2 s22, $0x3;
	s2 =	sshrl.u32 @!p2 s2, $0x2;
	s0 =	sshrl.u32 @!p2 s0, $0x2  }
0x40: {  	s3 =	sadd.s32 @!p2 s3, s14;
	s2 =	simm.s32 @!p3 $0x0;
	s0 =	sadd.s32 @!p2 $0x10848, s0  }
0x41: {  	[tilespmem:s0], [sflag:$0xA] =	stream.linear.gather @!p2 [hbm4b:s3+s4], s2, $0x38;
	[tilespmem:$0x1C938] =	vst v63  }
0x42: {  	s2 =	sadd.s32 $0xFFFFFFFF, s23  }
0x43: {  	p2 =	sge.u32 s2, s13  }
0x44: {  	p3 =	sgt.s32 @!p2 s21, $0x270D0  }
0x45: {  	s0 =	smov.u32 s21;
	s3 =	sshra.s32 @!p2 s21, $0x1F;
	p3 =	por !p3, p2  }
0x46: {  	s3 =	sand.u32 @!p2 s3, s21;
	s0 =	simm.s32 @p3 $0x270D0  }
0x47: {  	s0 =	ssub.s32 @!p2 s0, s3  }
0x48: {  	s0 =	sadd.s32 @!p2 $0xFFFD8F30, s0  }
0x49: {  	s3 =	sshll.u32 @!p2 s0, $0x2  }
0x4a: {  	p3 =	sgt.s32 @!p2 s0, $0x2F;
	s0 =	ssub.s32 @!p2 $0xC0, s3  }
0x4b: {  	p3 =	por !p3, p2;
	s0 =	sshrl.u32 @!p2 s0, $0x2  }
0x4c: {  	s4 =	simm.s32 @!p2 $0xA;
	s3 =	sand.u32 @!p2 $0x1, s2;
	s0 =	simm.s32 @!p3 $0x0  }
0x4d: {  	s3 =	smul.u32 @!p2 $0xC0, s3;
	_ =	swait.ge @!p2 [sflag:s4], s0  }
0x4e: {  	s5 =	ssub.s32 @!p2 $0x0, s0;
	[sflag:s4] =	ssyncset.done @!p2 $0x0  }
0x4f: {  	s3 =	sshrl.u32 @!p2 s3, $0x2;
	[sflag:s4] =	ssyncadd.s32 @!p2 s5;
	s4 =	sshrl.u32 @!p2 s21, $0x3  }
0x50: {  	s3 =	sadd.s32 @!p2 $0x108D8, s3;
	s5 =	sand.u32 @!p2 $0x7, s21;
	s4 =	sadd.s32 @!p2 s4, s15  }
0x51: {  	[tilespmem:s3], [sflag:$0xB] =	stream.linear.gather @!p2 [hbm4b:s4+s5], s0, $0x38;
	[tilespmem:$0x1C938] =	vst v63  }
0x52: {  	s0 =	ssub.s32 @!p2 $0x27100, s21  }
0x53: {  	p3 =	slt.s32 @!p2 s0, $0x1  }
0x54: {  	p3 =	por p2, p3  }
.Ltmp3:
0x55: {  	_ = 	snop;
	(pc) =	sbr.rel @p3 .LBB2_9-.Ltmp3, $1  }
0x56: {  	_ =	sdelay $0x3  }
0x57: {  	s3 =	smulhi.u32 $0xAAAAAAAB, s2;
	_ =	sdelay $0x1  }
0x58: {  	s3 =	sshrl.u32 s3, $0x1  }
0x59: {  	s3 =	smul.u32 $0x3, s3;
	_ =	sdelay $0x1  }
0x5a: {  	s29 =	ssub.s32 s2, s3  }
0x5b: {  	s4 =	simm.s32 $0x1;
	s2 =	smul.u32 $0xC0, s29  }
.Ltmp4:
0x5c: {  	s4 =	simm.s32 @!p0 $0x0;
	(pc) =	sbr.rel .LBB2_6-.Ltmp4, $4  }
0x5d: {  	s30 =	smul.u32 $0x18000, s4  }
0x5e: {  	p3 =	slt.s32 @!p2 s0, $0x30;
	s2 =	sshrl.u32 s2, $0x2  }
0x5f: {  	p2 =	por !p3, p2;
	s3 =	sshrl.u32 s30, $0x2;
	s31 =	sadd.s32 $0x10848, s2  }
0x60: {  	s0 =	simm.s32 @p2 $0x30;
	s2 =	sor.u32 $0x10938, s3;
	s3 =	simm.s32 $0x0;
	v1 =	vmov s31  }
.LBB2_5:
0x61: {  	p2 =	sge.s32 s3, s0  }
.Ltmp5:
0x62: {  	_ = 	snop;
	(pc) =	sbr.rel @p2 .LBB2_9-.Ltmp5, $2  }
0x63: {  	_ =	sdelay $0x2  }
0x64: {  	s2 =	sadd.s32 $0x2000, s2  }
.LBB2_6:
0x65: {  	p2 =	sle.s32 s0, s3  }
.Ltmp6:
0x66: {  	_ = 	snop;
	(pc) =	sbr.rel @p2 .LBB2_5-.Ltmp6, $2  }
0x67: {  	_ =	sdelay $0x2  }
0x68: {  	s4 =	smov.u32 s3;
	s3 =	sadd.s32 $0x10, s3  }
0x69: {  	s5 =	ssub.s32 s0, s4  }
0x6a: {  	p2 =	slt.s32 s5, $0x10  }
0x6b: {  	s5 =	simm.s32 @!p2 $0x10  }
0x6c: {  	v2 =	vmov s5  }
0x6d: {  	vm0 =	vgt.s32 v2, v0;
	_ =	sdelay $0x5  }
0x6e: {  	v2 =	vld.idx.msk [tilespmem:v1+s4+$0x0 ss:$0x1], vm0;
	_ =	sdelay $0x2  }
0x6f: {  	p2 =	slt.s32 s3, s0;
	s5 =	smov.u32 s0  }
0x70: {  	s9 =	smov.u32 s2;
	s25 =	simm.s32 $0x0;
	s5 =	smov.u32 @p2 s3  }
.LBB2_8:
0x71: {  	(v2sf) =	vpush v2, s25;
	_ =	sdelay $0xe  }
0x72: {  	s25 =	sadd.s32 $0x1, s25;
	s10 =	spop (v2sf)  }
0x73: {  	s31 =	sadd.s32 s25, s4;
	s26 =	sshll.u32 s10, $0x9;
	s10 =	sshll.u32 s10, $0x7  }
0x74: {  	p2 =	slt.s32 s31, s5;
	s26 =	sand.u32 $0xFFFFF000, s26;
	s10 =	sand.u32 $0x380, s10  }
.Ltmp7:
0x75: {  	s10 =	sor.u32 s10, s26;
	(pc) =	sbr.rel @p2 .LBB2_8-.Ltmp7, $4  }
0x76: {  	s10 =	sshrl.u32 s10, $0x3  }
0x77: {  	s10 =	sadd.s32 s6, s10  }
0x78: {  	[tilespmem:s9], [sflag:$0x9] =	stream.strided.gather [hbm4b:s10+s18], $0x200, s19, s18, $0x38;
	[tilespmem:$0x1C938] =	vst v63  }
0x79: {  	s9 =	sadd.s32 $0x200, s9  }
.Ltmp8:
0x7a: {  	_ = 	snop;
	(pc) =	sbr.rel .LBB2_5-.Ltmp8, $1  }
0x7b: {  	_ =	sdelay $0x3  }
.LBB2_9:
0x7c: {  	p2 =	slt.u32 s23, $0x2  }
.Ltmp9:
0x7d: {  	_ = 	snop;
	(pc) =	sbr.rel @p2 .LBB2_33-.Ltmp9, $1  }
0x7e: {  	_ =	sdelay $0x3  }
0x7f: {  	p2 =	sgt.s32 s24, $0x270D0  }
0x80: {  	s0 =	smov.u32 s24;
	s2 =	sshra.s32 s24, $0x1F;
	s3 =	ssub.s32 $0x27100, s24  }
0x81: {  	s0 =	simm.s32 @!p2 $0x270D0;
	s2 =	sand.u32 s2, s24;
	p2 =	slt.s32 s3, $0x30  }
0x82: {  	s0 =	ssub.s32 s0, s2;
	s3 =	simm.s32 @!p2 $0x30  }
0x83: {  	s0 =	sadd.s32 $0xFFFD8F30, s0;
	s25 =	sshll.u32 s3, $0x9  }
0x84: {  	s29 =	simm.s32 $0x9;
	s26 =	sshll.u32 s0, $0x2;
	s2 =	sand.u32 $0x3FFFFE00, s25  }
0x85: {  	p2 =	sgt.s32 s0, $0x2F;
	s28 =	ssub.s32 $0xC0, s26;
	_ =	swait.ge [sflag:s29], s2  }
0x86: {  	s2 =	ssub.s32 $0x0, s2;
	[sflag:s29] =	ssyncset.done $0x0;
	s0 =	sshrl.u32 s28, $0x2  }
0x87: {  	s30 =	simm.s32 $0xB;
	[sflag:s29] =	ssyncadd.s32 s2;
	s0 =	simm.s32 @p2 $0x0  }
0x88: {  	_ =	swait.ge [sflag:s30], s0  }
0x89: {  	s0 =	ssub.s32 $0x0, s0;
	[sflag:s30] =	ssyncset.done $0x0  }
0x8a: {  	[sflag:s30] =	ssyncadd.s32 s0  }
0x8b: {  	v1 =	vld [tilespmem:$0xC808];
	_ =	sdelay $0x4  }
0x8c: {  	(v2sf) =	vpush v1, $0x0  }
0x8d: {  	(v2sf) =	vpush v1, $0x1  }
0x8e: {  	(v2sf) =	vpush v1, $0x2;
	_ =	sdelay $0x3  }
0x8f: {  	s2 =	sadd.s32 $0x30, s24  }
0x90: {  	s3 =	ssub.s32 $0x4E200, s24;
	p2 =	slt.s32 s8, s2  }
0x91: {  	s2 =	smov.u32 @p2 s8;
	p2 =	sgt.s32 s3, $0x0  }
0x92: {  	s25 =	ssub.s32 s2, s24;
	s3 =	simm.s32 @!p2 $0x0  }
0x93: {  	p2 =	slt.s32 s3, s25  }
0x94: {  	s25 =	smov.u32 @p2 s3  }
0x95: {  	s0 =	simm.s32 $0x1;
	p2 =	slt.s32 s25, $0x1  }
.Ltmp10:
0x96: {  	s0 =	simm.s32 @!p1 $0x0;
	(pc) =	sbr.rel @p2 .LBB2_14-.Ltmp10, $4  }
0x97: {  	s4 =	smul.u32 $0xC0, s0  }
0x98: {  	s2 =	spop (v2sf)  }
0x99: {  	s31 =	sshrl.u32 s4, $0x2;
	s5 =	spop (v2sf)  }
0x9a: {  	s4 =	sadd.s32 $0x108D8, s31;
	s24 =	spop (v2sf)  }
0x9b: {  	s3 =	smin.u32 s25, $0x10  }
0x9c: {  	v1 =	vmov s3  }
0x9d: {  	vm1 =	vgt.u32 v1, v0  }
0x9e: {  	p3 =	sgt.s32 s25, $0x10  }
.Ltmp11:
0x9f: {  	_ = 	snop;
	(pc) =	sbr.rel @!p3 .LBB2_13-.Ltmp11, $2  }
0xa0: {  	_ =	sdelay $0x2  }
0xa1: {  	s9 =	simm.s32 $0x10;
	s26 =	sadd.s32 $0xFFFFFFF0, s25;
	s3 =	smov.u32 s4;
	vm0 =	vmmov vm1;
	v1 =	vld.msk [tilespmem:s4+$0x0 ss:$0x1], vm1  }
.LBB2_12:
0xa2: {  	s10 =	smin.u32 s26, $0x10;
	s9 =	sadd.s32 $0x10, s9  }
0xa3: {  	v2 =	vmov s10;
	p3 =	slt.s32 s9, s25  }
0xa4: {  	vm1 =	vgt.u32 v2, v0;
	_ =	sdelay $0x1  }
0xa5: {  	v2 =	vshll.u32 v1, $0x6;
	v1 =	vshll.u32 v1, $0x4  }
.Ltmp12:
0xa6: {  	v2 =	vand.u32 $0xFFFFFE00, v2;
	v1 =	vand.u32 $0x70, v1;
	(pc) =	sbr.rel @p3 .LBB2_12-.Ltmp12, $4  }
0xa7: {  	v1 =	vor.u32 v1, v2  }
0xa8: {  	[tilespmem:s3+$0x0] =	vst.msk vm0, v1;
	s3 =	sadd.s32 $0x10, s3;
	vm0 =	vmmov vm1  }
0xa9: {  	v1 =	vld.msk [tilespmem:s3+$0x0 ss:$0x1], vm1  }
0xaa: {  	s26 =	sadd.s32 $0xFFFFFFF0, s26  }
.LBB2_13:
0xab: {  	_ =	sdelay $0x3  }
0xac: {  	v2 =	vshll.u32 v1, $0x6;
	v1 =	vshll.u32 v1, $0x4  }
0xad: {  	v2 =	vand.u32 $0xFFFFFE00, v2;
	v1 =	vand.u32 $0x70, v1  }
0xae: {  	v1 =	vor.u32 v1, v2  }
0xaf: {  	[tilespmem:s3+$0x0] =	vst.msk vm0, v1  }
.LBB2_14:
0xb0: {  	s3 =	sand.u32 $0x1, s23  }
0xb1: {  	s3 =	smul.u32 $0x30, s3  }
0xb2: {  	p3 =	sne.s32 s5, $0xFFFFFFFF  }
0xb3: {  	v1 =	vld.msk @!p3 [tilespmem:s3+$0x108D8], $0x1;
	_ =	sdelay $0x4  }
0xb4: {  	(v2sf) =	vpush @!p3 v1, $0x0;
	_ =	sdelay $0xc  }
.Ltmp13:
0xb5: {  	_ = 	snop;
	(pc) =	sbr.rel @p2 .LBB2_31-.Ltmp13, $4  }
0xb6: {  	_ = 	snop  }
0xb7: {  	s30 =	spop @!p3 (v2sf)  }
0xb8: {  	s24 =	simm.s32 @!p3 $0x0;
	s26 =	smov.u32 s30  }
0xb9: {  	[sflag:s20] =	ssyncpa.u1 $0x0;
	s30 =	smov.u32 @p3 s2;
	s26 =	smov.u32 @p3 s5  }
0xba: {  	v1 =	vld.msk [tilespmem:s4+$0x0], $0x1;
	_ =	sdelay $0x4  }
0xbb: {  	(v2sf) =	vpush v1, $0x0;
	_ =	sdelay $0xd  }
0xbc: {  	s0 =	smul.u32 $0x18000, s0  }
0xbd: {  	s13 =	smov.u32 s8;
	s8 =	smov.u32 s11;
	s5 =	spop (v2sf)  }
0xbe: {  	s2 =	ssub.s32 $0x0, s25;
	s0 =	sshrl.u32 s0, $0x2;
	p2 =	seq.s32 s30, s5  }
0xbf: {  	s29 =	simm.s32 $0x0;
	s28 =	sor.u32 $0x10938, s0;
	p3 =	sgt.s32 @!p2 s30, $0x0  }
0xc0: {  	s0 =	sadd.s32 $0x108D8, s3;
	s3 =	smov.u32 s30;
	p3 =	por !p3, p2  }
0xc1: {  	s4 =	sadd.s32 $0x1, s4;
	s31 =	sadd.s32 $0x1, s2;
	s3 =	simm.s32 @p3 $0x0  }
0xc2: {  	s2 =	simm.s32 @!p2 $0x1;
	s9 =	simm.s32 @!p2 $0x6608;
	s10 =	smin.u32 @!p2 s3, $0x9C270  }
0xc3: {  	p3 =	seq.s32 s31, $0x0;
	s3 =	sand.u32 @!p2 $0xFFFF8, s10;
	s11 =	sadd.s32 @!p2 $0x80, s10  }
0xc4: {  	s14 =	sadd.s32 @!p2 $0x100, s10;
	s15 =	sadd.s32 @!p2 s1, s3;
	s3 =	sand.u32 @!p2 $0x7, s10  }
0xc5: {  	s11 =	sand.u32 @!p2 $0x1FFFF8, s11;
	s14 =	sand.u32 @!p2 $0x1FFFF8, s14;
	s10 =	sadd.s32 @!p2 $0x180, s10  }
0xc6: {  	[tilespmem:s9], [sflag:$0x2] =	stream.linear.gather @!p2 [hbm4b:s15+s3], $0x80, $0x38;
	[tilespmem:$0x1C938] =	vst v63  }
.Ltmp14:
0xc7: {  	s9 =	simm.s32 @!p2 $0x6688;
	s11 =	sadd.s32 @!p2 s1, s11;
	(pc) =	sbr.rel @p3 .LBB2_17-.Ltmp14, $4  }
0xc8: {  	[tilespmem:s9], [sflag:$0x2] =	stream.linear.gather @!p2 [hbm4b:s11+s3], $0x80, $0x38;
	[tilespmem:$0x1C938] =	vst v63  }
0xc9: {  	s10 =	sand.u32 @!p2 $0x1FFFF8, s10;
	s9 =	simm.s32 @!p2 $0x6708;
	s11 =	sadd.s32 @!p2 s1, s14  }
0xca: {  	[tilespmem:s9], [sflag:$0x2] =	stream.linear.gather @!p2 [hbm4b:s11+s3], $0x80, $0x38;
	[tilespmem:$0x1C938] =	vst v63  }
0xcb: {  	s2 =	smov.u32 @p2 s29;
	s10 =	sadd.s32 @!p2 s1, s10;
	s9 =	simm.s32 @!p2 $0x6788  }
.LBB2_16:
0xcc: {  	s11 =	smov.u32 s2  }
0xcd: {  	[tilespmem:s9], [sflag:$0x2] =	stream.linear.gather @!p2 [hbm4b:s10+s3], $0x80, $0x38;
	[tilespmem:$0x1C938] =	vst v63  }
0xce: {  	s31 =	sadd.s32 $0x1, s31;
	s3 =	smov.u32 s5  }
0xcf: {  	p3 =	seq.s32 s31, $0x0;
	v1 =	vld.msk [tilespmem:s4+$0x0], $0x1;
	_ =	sdelay $0x4  }
0xd0: {  	(v2sf) =	vpush v1, $0x0;
	_ =	sdelay $0xe  }
0xd1: {  	s5 =	spop (v2sf)  }
0xd2: {  	p2 =	seq.s32 s3, s5  }
0xd3: {  	p4 =	sgt.s32 @!p2 s3, $0x0  }
0xd4: {  	s9 =	sshll.u32 @!p2 s2, $0xB;
	s2 =	sadd.s32 @!p2 $0x1, s2;
	p4 =	por !p4, p2  }
0xd5: {  	s9 =	sshra.s32 @!p2 s9, $0x2;
	s2 =	smov.u32 @p2 s11;
	s3 =	simm.s32 @p4 $0x0  }
0xd6: {  	s10 =	sadd.s32 @!p2 $0x6608, s9;
	s11 =	sadd.s32 @!p2 $0x6688, s9;
	s14 =	smin.u32 @!p2 s3, $0x9C270  }
0xd7: {  	s15 =	sadd.s32 @!p2 $0x6708, s9;
	s9 =	sadd.s32 @!p2 $0x6788, s9;
	s3 =	sand.u32 @!p2 $0xFFFF8, s14  }
0xd8: {  	s17 =	sadd.s32 @!p2 $0x80, s14;
	s7 =	sadd.s32 @!p2 $0x100, s14;
	s20 =	sadd.s32 @!p2 s1, s3  }
0xd9: {  	s3 =	sand.u32 @!p2 $0x7, s14;
	s17 =	sand.u32 @!p2 $0x1FFFF8, s17;
	s7 =	sand.u32 @!p2 $0x1FFFF8, s7  }
0xda: {  	[tilespmem:s10], [sflag:$0x2] =	stream.linear.gather @!p2 [hbm4b:s20+s3], $0x80, $0x38;
	[tilespmem:$0x1C938] =	vst v63  }
.Ltmp15:
0xdb: {  	s14 =	sadd.s32 @!p2 $0x180, s14;
	s10 =	sadd.s32 @!p2 s1, s17;
	(pc) =	sbr.rel @!p3 .LBB2_16-.Ltmp15, $4  }
0xdc: {  	[tilespmem:s11], [sflag:$0x2] =	stream.linear.gather @!p2 [hbm4b:s10+s3], $0x80, $0x38;
	[tilespmem:$0x1C938] =	vst v63  }
0xdd: {  	s7 =	sadd.s32 @!p2 s1, s7;
	s10 =	sand.u32 @!p2 $0x1FFFF8, s14  }
0xde: {  	[tilespmem:s15], [sflag:$0x2] =	stream.linear.gather @!p2 [hbm4b:s7+s3], $0x80, $0x38;
	[tilespmem:$0x1C938] =	vst v63  }
0xdf: {  	s4 =	sadd.s32 $0x1, s4;
	s10 =	sadd.s32 @!p2 s1, s10  }
.LBB2_17:
0xe0: {  	[tilespmem:s9], [sflag:$0x2] =	stream.linear.gather @!p2 [hbm4b:s10+s3], $0x80, $0x38;
	[tilespmem:$0x1C938] =	vst v63  }
0xe1: {  	s2 =	sshll.u32 s2, $0x9  }
0xe2: {  	s31 =	simm.s32 $0x2;
	s2 =	sand.u32 $0x3FFFFE00, s2  }
.Ltmp16:
0xe3: {  	_ =	swait.ge [sflag:s31], s2;
	(pc) =	sbr.rel .LBB2_18-.Ltmp16, $4  }
0xe4: {  	s11 =	smov.u32 s8;
	s8 =	smov.u32 s13;
	s13 =	rddreg [dreg:$0x5]  }
0xe5: {  	v1 =	vmov s0;
	s0 =	simm.s32 $0x0;
	s4 =	simm.s32 $0x0;
	s14 =	rddreg [dreg:$0x6]  }
0xe6: {  	s2 =	ssub.s32 $0x0, s2;
	[sflag:s31] =	ssyncset.done $0x0;
	s15 =	rddreg [dreg:$0x7]  }
0xe7: {  	s20 =	simm.s32 $0xC;
	s17 =	rddreg [dreg:$0x8];
	[sflag:s31] =	ssyncadd.s32 s2  }
.LBB2_28:
0xe8: {  	[tilespmem:s2+$0x0] =	vst v2;
	s29 =	sadd.s32 $0x1, s29  }
.LBB2_29:
0xe9: {  	s4 =	sadd.s32 $0x1, s4  }
0xea: {  	p2 =	sne.s32 s4, s25  }
.Ltmp17:
0xeb: {  	_ = 	snop;
	(pc) =	sbr.rel @!p2 .LBB2_30-.Ltmp17, $2  }
0xec: {  	_ =	sdelay $0x2  }
0xed: {  	s28 =	sadd.s32 $0x200, s28;
	s30 =	smov.u32 s31  }
.LBB2_18:
0xee: {  	_ =	sdelay $0x3  }
0xef: {  	v2 =	vld.idx.msk [tilespmem:v1+s4+$0x0 ss:$0x1], $0x1;
	_ =	sdelay $0x4  }
0xf0: {  	(v2sf) =	vpush v2, $0x0;
	_ =	sdelay $0xe  }
0xf1: {  	s31 =	spop (v2sf)  }
0xf2: {  	p2 =	sne.s32 s30, s31  }
.Ltmp18:
0xf3: {  	_ = 	snop;
	(pc) =	sbr.rel @p2 .LBB2_22-.Ltmp18, $3  }
0xf4: {  	_ =	sdelay $0x1  }
0xf5: {  	s2 =	sshll.u32 s24, $0xB  }
0xf6: {  	s2 =	sshra.s32 s2, $0x2  }
0xf7: {  	s2 =	sadd.s32 $0x408, s2;
	s3 =	simm.s32 $0x0;
	v2 =	vld [tilespmem:s28+$0x0];
	s5 =	smov.u32 s28  }
.LBB2_20:
0xf8: {  	s3 =	sadd.s32 $0x10, s3  }
0xf9: {  	p2 =	slt.u32 s3, $0x1F0  }
.Ltmp19:
0xfa: {  	_ = 	snop;
	(pc) =	sbr.rel @p2 .LBB2_20-.Ltmp19, $3  }
0xfb: {  	_ =	sdelay $0x1  }
0xfc: {  	s5 =	sadd.s32 $0x10, s5;
	[tilespmem:s2+$0x0] =	vst.add.f32.msk $0xffff, v2;
	s2 =	sadd.s32 $0x10, s2  }
0xfd: {  	v2 =	vld [tilespmem:s5+$0x0]  }
.Ltmp20:
0xfe: {  	_ = 	snop;
	(pc) =	sbr.rel .LBB2_29-.Ltmp20, $2  }
0xff: {  	_ =	sdelay $0x2  }
0x100: {  	[tilespmem:s2+$0x0] =	vst.add.f32.msk $0xffff, v2  }
.LBB2_22:
0x101: {  	p2 =	seq.s32 s30, s26  }
.Ltmp21:
0x102: {  	_ = 	snop;
	(pc) =	sbr.rel @!p2 .LBB2_23-.Ltmp21, $1  }
0x103: {  	_ =	sdelay $0x3  }
.Ltmp22:
0x104: {  	s2 =	sadd.s32 $0x408, s2;
	(pc) =	sbr.rel .LBB2_26-.Ltmp22, $4  }
0x105: {  	[spmem:s16] =	stream.linear.scatter [tilespmem:s2], [sflag:$0x1], $0x200, $0x38;
	[tilespmem:$0x1C938] =	vst v63  }
0x106: {  	_ =	swait.ge [sflag:s12], $0x200  }
0x107: {  	[sflag:s12] =	ssyncset.done $0x0  }
0x108: {  	[sflag:s12] =	ssyncadd.s32 $0xFFFFFE00  }
.LBB2_23:
0x109: {  	s3 =	sshll.u32 s29, $0xB  }
0x10a: {  	s3 =	sshra.s32 s3, $0x2  }
0x10b: {  	s5 =	sadd.s32 $0x6608, s3;
	s3 =	sadd.s32 $0x408, s2  }
0x10c: {  	s10 =	simm.s32 $0x0;
	v2 =	vld [tilespmem:s5+$0x0];
	s9 =	smov.u32 s3  }
.LBB2_24:
0x10d: {  	s10 =	sadd.s32 $0x10, s10  }
0x10e: {  	p2 =	slt.u32 s10, $0x1F0  }
.Ltmp23:
0x10f: {  	_ = 	snop;
	(pc) =	sbr.rel @p2 .LBB2_24-.Ltmp23, $3  }
0x110: {  	_ =	sdelay $0x1  }
0x111: {  	s5 =	sadd.s32 $0x10, s5;
	[tilespmem:s9+$0x0] =	vst.add.f32.msk $0xffff, v2;
	s9 =	sadd.s32 $0x10, s9  }
0x112: {  	v2 =	vld [tilespmem:s5+$0x0]  }
0x113: {  	_ =	sdelay $0x1  }
0x114: {  	p2 =	sgt.u32 s30, $0x9C270  }
0x115: {  	s5 =	sand.u32 @!p2 $0xFFFF8, s30  }
0x116: {  	s7 =	sand.u32 @!p2 $0x7, s30;
	s5 =	sadd.s32 @!p2 s1, s5;
	[tilespmem:s9+$0x0] =	vst.add.f32.msk $0xffff, v2  }
0x117: {  	[hbm4b:s5+s7] =	stream.linear.scatter @!p2 [tilespmem:s3], [sflag:$0xC], $0x80, $0x38;
	[tilespmem:$0x1C938] =	vst v63  }
0x118: {  	s3 =	sadd.s32 @!p2 $0x80, s30  }
0x119: {  	s3 =	sand.u32 @!p2 $0x1FFFF8, s3  }
0x11a: {  	s5 =	sadd.s32 @!p2 $0x488, s2;
	s3 =	sadd.s32 @!p2 s1, s3  }
0x11b: {  	[hbm4b:s3+s7] =	stream.linear.scatter @!p2 [tilespmem:s5], [sflag:$0xC], $0x80, $0x38;
	[tilespmem:$0x1C938] =	vst v63  }
0x11c: {  	s3 =	sadd.s32 @!p2 $0x100, s30  }
0x11d: {  	s3 =	sand.u32 @!p2 $0x1FFFF8, s3  }
0x11e: {  	s5 =	sadd.s32 @!p2 $0x508, s2;
	s3 =	sadd.s32 @!p2 s1, s3  }
0x11f: {  	[hbm4b:s3+s7] =	stream.linear.scatter @!p2 [tilespmem:s5], [sflag:$0xC], $0x80, $0x38;
	[tilespmem:$0x1C938] =	vst v63  }
0x120: {  	s3 =	sadd.s32 @!p2 $0x180, s30;
	s5 =	simm.s32 $0x0  }
0x121: {  	s3 =	sand.u32 @!p2 $0x1FFFF8, s3;
	s5 =	simm.s32 @!p2 $0x800  }
0x122: {  	s2 =	sadd.s32 @!p2 $0x588, s2;
	s3 =	sadd.s32 @!p2 s1, s3;
	s0 =	sadd.s32 s5, s0  }
0x123: {  	[hbm4b:s3+s7] =	stream.linear.scatter @!p2 [tilespmem:s2], [sflag:$0xC], $0x80, $0x38;
	[tilespmem:$0x1C938] =	vst v63  }
.LBB2_26:
0x124: {  	s2 =	sadd.s32 $0x1, s24  }
0x125: {  	s3 =	smulhi.u32 $0xAAAAAAAB, s2;
	_ =	sdelay $0x1  }
0x126: {  	s3 =	sshrl.u32 s3, $0x5  }
0x127: {  	s3 =	smul.u32 $0x30, s3;
	_ =	sdelay $0x1  }
0x128: {  	s24 =	ssub.s32 s2, s3  }
0x129: {  	s2 =	sshll.u32 s24, $0x9  }
0x12a: {  	v2 =	vld [tilespmem:s28+$0x0];
	s5 =	smov.u32 s28;
	s3 =	simm.s32 $0x0;
	s2 =	sadd.s32 $0x408, s2  }
.LBB2_27:
0x12b: {  	s3 =	sadd.s32 $0x10, s3  }
0x12c: {  	p2 =	slt.u32 s3, $0x1F0  }
.Ltmp24:
0x12d: {  	_ = 	snop;
	(pc) =	sbr.rel @p2 .LBB2_27-.Ltmp24, $3  }
0x12e: {  	_ =	sdelay $0x1  }
0x12f: {  	[tilespmem:s2+$0x0] =	vst v2;
	s2 =	sadd.s32 $0x10, s2;
	s5 =	sadd.s32 $0x10, s5  }
0x130: {  	v2 =	vld [tilespmem:s5+$0x0]  }
.Ltmp25:
0x131: {  	_ = 	snop;
	(pc) =	sbr.rel .LBB2_28-.Ltmp25, $1  }
0x132: {  	_ =	sdelay $0x3  }
.LBB2_31:
.Ltmp26:
0x133: {  	(pc) =	sbr.rel .LBB2_32-.Ltmp26, $4  }
0x134: {  	_ = 	snop  }
0x135: {  	s0 =	simm.s32 $0x2  }
0x136: {  	_ =	swait.ge [sflag:s0], $0x0  }
0x137: {  	s31 =	smov.u32 s30;
	[sflag:s0] =	ssyncset.done $0x0;
	s0 =	simm.s32 $0x0  }
.LBB2_34:
0x138: {  	_ =	sfence.sel $0x180000  }
0x139: {  	s0 =	simm.s32 $0x9;
	[bflag:$0x0] =	sbarrier.arrive $0xFFFF  }
0x13a: {  	s24 =	simm.s32 $0xA;
	[sflag:s0] =	ssyncpa.u1 $0x1  }
0x13b: {  	s25 =	simm.s32 $0xB;
	[sflag:s24] =	ssyncpa.u1 $0x1  }
0x13c: {  	s26 =	simm.s32 $0x2;
	[sflag:s25] =	ssyncpa.u1 $0x1  }
0x13d: {  	[sflag:s26] =	ssyncpa.u1 $0x1  }
0x13e: {  	v0 =	vld [tilespmem:$0xC808];
	_ =	sdelay $0x4  }
0x13f: {  	(v2sf) =	vpush v0, $0x0  }
0x140: {  	(v2sf) =	vpush v0, $0x1;
	_ =	sdelay $0x1  }
0x141: {  	(v2sf) =	vpush v0, $0x2;
	_ =	sdelay $0xb  }
0x142: {  	s0 =	spop (v2sf)  }
0x143: {  	s2 =	spop (v2sf)  }
0x144: {  	s3 =	smov.u32 s0;
	p0 =	sne.s32 s0, s2  }
0x145: {  	s4 =	spop (v2sf);
	s3 =	simm.s32 @!p0 $0xFFFFFFFF  }
0x146: {  	v2 =	vimm.s32 $0x1;
	v3 =	vlaneseq.u32;
	p0 =	seq.s32 s4, $0xFFFFFFFF;
	v1 =	vmov s3  }
0x147: {  	s17 =	stileid.u32;
	v0 =	vperm.xlane v0, v2;
	p1 =	sne.s32 @!p0 s0, s2;
	v1 =	vperm.xlane v1, v3  }
0x148: {  	vm0 =	vcmask $0x3F04;
	s6 =	simm.s32 $0xC808;
	s0 =	simm.s32 @!p0 $0x1;
	p1 =	por !p1, p0  }
0x149: {  	s3 =	sshll.u32 s17, $0x1;
	s2 =	sshll.u32 @!p0 s4, $0xB;
	s0 =	simm.s32 @p1 $0x0;
	v0 =	vsel vm0, v1, v0  }
0x14a: {  	s5 =	sor.u32 $0x4000, s3;
	s2 =	sshra.s32 @!p0 s2, $0x2;
	s0 =	sor.u32 @!p0 s0, s3;
	[tilespmem:$0xC808] =	vst v0  }
0x14b: {  	[spmem:s5] =	stream.linear.scatter [tilespmem:s6], [sflag:$0x1], $0x2, $0x38;
	[tilespmem:$0x1C938] =	vst v63  }
0x14c: {  	s2 =	sadd.s32 @!p0 $0x408, s2;
	s0 =	sshll.u32 @!p0 s0, $0x9  }
0x14d: {  	[spmem:s0] =	stream.linear.scatter @!p0 [tilespmem:s2], [sflag:$0x1], $0x200, $0x38;
	[tilespmem:$0x1C938] =	vst v63  }
0x14e: {  	s0 =	simm.s32 @!p0 $0x202  }
0x14f: {  	s28 =	simm.s32 $0x1;
	s0 =	simm.s32 @p0 $0x2  }
0x150: {  	_ =	swait.ge [sflag:s28], s0  }
0x151: {  	s0 =	ssub.s32 $0x0, s0;
	[sflag:s28] =	ssyncset.done $0x0  }
0x152: {  	p0 =	sne.s32 s17, $0x0;
	[sflag:s28] =	ssyncadd.s32 s0  }
.Ltmp27:
0x153: {  	_ =	sfence.stream.spmem;
	(pc) =	sbr.rel @p0 .LBB2_59-.Ltmp27, $4  }
0x154: {  	s29 =	simm.s32 $0x3;
	[bflag:$0x0] =	sbarrier.arrive $0xFFFF  }
0x155: {  	s30 =	simm.s32 $0x4;
	[sflag:s29] =	ssyncpa.u1 $0x1  }
0x156: {  	s31 =	simm.s32 $0x3C;
	[sflag:s30] =	ssyncpa.u1 $0x1  }
0x157: {  	s16 =	rddreg [dreg:$0x4];
	[sflag:s31] =	ssyncpa.u1 $0x1  }
0x158: {  	_ =	sfence.stream.spmem;
	s0 =	simm.s32 $0x5  }
0x159: {  	s2 =	simm.s32 $0x4000;
	s3 =	simm.s32 $0xC818;
	[sflag:s0] =	ssyncpa.u1 $0x0  }
0x15a: {  	[tilespmem:s3], [sflag:$0x5] =	stream.linear.gather [spmem:s2], $0x20, $0x38;
	[tilespmem:$0x1C938] =	vst v63  }
0x15b: {  	s26 =	simm.s32 $0x0;
	s28 =	simm.s32 $0xC838  }
0x15c: {  	[tilespmem:s28], [sflag:$0x5] =	stream.linear.gather [spmem:s26], $0x4000, $0x38;
	[tilespmem:$0x1C938] =	vst v63  }
0x15d: {  	_ =	swait.ge [sflag:s0], $0x4020  }
0x15e: {  	[sflag:s0] =	ssyncset.done $0x0  }
0x15f: {  	s29 =	simm.s32 $0x0;
	[sflag:s0] =	ssyncadd.s32 $0xFFFFBFE0  }
0x160: {  	v0 =	vld.msk [tilespmem:s29+$0xC818], $0x1;
	_ =	sdelay $0x1  }
0x161: {  	s30 =	simm.s32 $0x1  }
0x162: {  	v1 =	vld.msk [tilespmem:s30+$0xC818], $0x1;
	_ =	sdelay $0x1  }
0x163: {  	(v2sf) =	vpush v0, $0x0;
	_ =	sdelay $0x2  }
0x164: {  	(v2sf) =	vpush v1, $0x0;
	_ =	sdelay $0x2  }
0x165: {  	s31 =	simm.s32 $0x2  }
0x166: {  	v0 =	vld.msk [tilespmem:s31+$0xC818], $0x1;
	_ =	sdelay $0x2  }
0x167: {  	s2 =	simm.s32 $0xFFFFFFFF;
	s3 =	simm.s32 $0xFFFFFFFF;
	s0 =	simm.s32 $0xC  }
.LBB2_36:
0x168: {  	s4 =	smov.u32 s3;
	s5 =	smov.u32 s2  }
0x169: {  	s2 =	sshra.s32 s0, $0x2;
	p1 =	sne.s32 s0, $0x7C;
	s0 =	sadd.s32 $0x4, s0;
	(v2sf) =	vpush v0, $0x0  }
0x16a: {  	v0 =	vld.msk [tilespmem:s2+$0xC818], $0x1  }
.Ltmp28:
0x16b: {  	(pc) =	sbr.rel @p1 .LBB2_36-.Ltmp28, $4  }
0x16c: {  	s3 =	spop (v2sf)  }
0x16d: {  	p2 =	sne.s32 s5, $0xFFFFFFFF;
	s2 =	smov.u32 s3  }
0x16e: {  	p3 =	seq.s32 s3, $0xFFFFFFFF;
	s2 =	smov.u32 @p2 s5  }
0x16f: {  	s3 =	smov.u32 @p3 s4;
	s2 =	smov.u32 @p3 s5  }
0x170: {  	(v2sf) =	vpush v0, $0x0;
	_ =	sdelay $0x8  }
0x171: {  	s0 =	spop (v2sf);
	p1 =	sne.s32 s2, $0xFFFFFFFF;
	s9 =	simm.s32 $0x6  }
0x172: {  	s6 =	simm.s32 $0x0;
	s10 =	simm.s32 $0xC838;
	s4 =	smov.u32 s0  }
0x173: {  	s11 =	simm.s32 $0xC688;
	p2 =	seq.s32 s0, $0xFFFFFFFF;
	s4 =	smov.u32 @p1 s2  }
0x174: {  	s12 =	simm.s32 $0xC708;
	s4 =	smov.u32 @p2 s2;
	s2 =	spop (v2sf)  }
0x175: {  	s0 =	smov.u32 @p2 s3;
	p1 =	sne.s32 s4, $0xFFFFFFFF;
	s5 =	smov.u32 s2  }
.Ltmp29:
0x176: {  	p2 =	seq.s32 s2, $0xFFFFFFFF;
	s5 =	smov.u32 @p1 s4;
	(pc) =	sbr.rel .LBB2_38-.Ltmp29, $4  }
0x177: {  	s13 =	simm.s32 $0xC788;
	s5 =	smov.u32 @p2 s4;
	s7 =	spop (v2sf)  }
0x178: {  	s14 =	simm.s32 $0x0;
	p1 =	sne.s32 s5, $0xFFFFFFFF;
	s8 =	smov.u32 s7  }
0x179: {  	s2 =	smov.u32 @p2 s0;
	p2 =	seq.s32 s7, $0xFFFFFFFF;
	s8 =	smov.u32 @p1 s5  }
0x17a: {  	[sflag:s9] =	ssyncpa.u1 $0x0;
	s7 =	smov.u32 @p2 s2;
	s8 =	smov.u32 @p2 s5  }
.LBB2_53:
0x17b: {  	s14 =	sadd.s32 $0x1, s14  }
0x17c: {  	p1 =	sne.s32 s14, $0x20  }
.Ltmp30:
0x17d: {  	_ = 	snop;
	(pc) =	sbr.rel @!p1 .LBB2_54-.Ltmp30, $2  }
0x17e: {  	_ =	sdelay $0x2  }
0x17f: {  	s10 =	sadd.s32 $0x200, s10  }
.LBB2_38:
0x180: {  	v0 =	vld.msk [tilespmem:s14+$0xC818], $0x1;
	_ =	sdelay $0x4  }
0x181: {  	(v2sf) =	vpush v0, $0x0;
	_ =	sdelay $0xe  }
0x182: {  	s0 =	spop (v2sf)  }
0x183: {  	p1 =	seq.s32 s0, $0xFFFFFFFF  }
.Ltmp31:
0x184: {  	_ = 	snop;
	(pc) =	sbr.rel @p1 .LBB2_53-.Ltmp31, $1  }
0x185: {  	_ =	sdelay $0x3  }
0x186: {  	p1 =	slt.s32 s6, $0x1  }
.Ltmp32:
0x187: {  	_ = 	snop;
	(pc) =	sbr.rel @p1 .LBB2_46-.Ltmp32, $1  }
0x188: {  	_ =	sdelay $0x3  }
0x189: {  	s2 =	simm.s32 $0xC818;
	p1 =	por $0x0, $0x0  }
0x18a: {  	v1 =	vld.msk @!p1 [tilespmem:s2+$0x0], $0x1;
	_ =	sdelay $0x4  }
0x18b: {  	(v2sf) =	vpush @!p1 v1, $0x0;
	_ =	sdelay $0xd  }
0x18c: {  	p3 =	sne.s32 s6, $0x1  }
.Ltmp33:
0x18d: {  	s3 =	spop @!p1 (v2sf);
	(pc) =	sbr.rel @!p3 .LBB2_42-.Ltmp33, $4  }
0x18e: {  	p2 =	seq.s32 @!p1 s0, s3  }
0x18f: {  	s4 =	simm.s32 $0x0;
	p2 =	por !p2, p1  }
0x190: {  	s3 =	simm.s32 $0xFFFFFFFF;
	s4 =	simm.s32 @p2 $0xFFFFFFFF  }
0x191: {  	s5 =	simm.s32 $0x1;
	s4 =	smov.u32 @p1 s3  }
.LBB2_41:
0x192: {  	s3 =	smov.u32 s4;
	p1 =	sne.s32 s4, $0xFFFFFFFF  }
0x193: {  	s2 =	sadd.s32 $0x1, s2;
	s4 =	smov.u32 s5;
	s5 =	sadd.s32 $0x1, s5  }
0x194: {  	p2 =	sne.s32 s6, s5;
	v1 =	vld.msk @!p1 [tilespmem:s2+$0x0], $0x1;
	_ =	sdelay $0x4  }
0x195: {  	(v2sf) =	vpush @!p1 v1, $0x0;
	_ =	sdelay $0xe  }
.Ltmp34:
0x196: {  	s15 =	spop @!p1 (v2sf);
	(pc) =	sbr.rel @p2 .LBB2_41-.Ltmp34, $4  }
0x197: {  	p3 =	seq.s32 @!p1 s0, s15  }
0x198: {  	p3 =	por !p3, p1  }
0x199: {  	s4 =	simm.s32 @p3 $0xFFFFFFFF  }
0x19a: {  	s4 =	smov.u32 @p1 s3  }
.LBB2_42:
0x19b: {  	p1 =	seq.s32 s4, $0xFFFFFFFF  }
.Ltmp35:
0x19c: {  	_ = 	snop;
	(pc) =	sbr.rel @p1 .LBB2_46-.Ltmp35, $1  }
0x19d: {  	_ =	sdelay $0x3  }
0x19e: {  	s0 =	sshll.u32 s4, $0xB  }
0x19f: {  	s0 =	sshra.s32 s0, $0x2  }
0x1a0: {  	s2 =	simm.s32 $0x0;
	v0 =	vld [tilespmem:s10+$0x0];
	s3 =	smov.u32 s10;
	s0 =	sadd.s32 $0xC838, s0  }
.LBB2_44:
0x1a1: {  	s2 =	sadd.s32 $0x10, s2  }
0x1a2: {  	p1 =	slt.u32 s2, $0x1F0  }
.Ltmp36:
0x1a3: {  	_ = 	snop;
	(pc) =	sbr.rel @p1 .LBB2_44-.Ltmp36, $3  }
0x1a4: {  	_ =	sdelay $0x1  }
0x1a5: {  	s3 =	sadd.s32 $0x10, s3;
	[tilespmem:s0+$0x0] =	vst.add.f32.msk $0xffff, v0;
	s0 =	sadd.s32 $0x10, s0  }
0x1a6: {  	v0 =	vld [tilespmem:s3+$0x0]  }
.Ltmp37:
0x1a7: {  	_ = 	snop;
	(pc) =	sbr.rel .LBB2_53-.Ltmp37, $2  }
0x1a8: {  	_ =	sdelay $0x2  }
0x1a9: {  	[tilespmem:s0+$0x0] =	vst.add.f32.msk $0xffff, v0  }
.LBB2_46:
0x1aa: {  	p1 =	sgt.u32 s0, $0x9C270  }
0x1ab: {  	p2 =	seq.s32 @!p1 s0, s8  }
0x1ac: {  	p1 =	por p1, p2  }
0x1ad: {  	p2 =	seq.s32 @!p1 s0, s7  }
0x1ae: {  	p1 =	por p1, p2  }
.Ltmp38:
0x1af: {  	_ = 	snop;
	(pc) =	sbr.rel @p1 .LBB2_50-.Ltmp38, $1  }
0x1b0: {  	_ =	sdelay $0x3  }
0x1b1: {  	s2 =	sand.u32 $0xFFFF8, s0;
	s4 =	sand.u32 $0x7, s0  }
0x1b2: {  	s29 =	sadd.s32 $0x80, s0;
	s3 =	sadd.s32 s1, s2;
	s2 =	simm.s32 $0xC608  }
0x1b3: {  	[tilespmem:s2], [sflag:$0x6] =	stream.linear.gather [hbm4b:s3+s4], $0x80, $0x38;
	[tilespmem:$0x1C938] =	vst v63  }
0x1b4: {  	s3 =	sand.u32 $0x1FFFF8, s29  }
0x1b5: {  	s30 =	sadd.s32 $0x100, s0;
	s3 =	sadd.s32 s1, s3  }
0x1b6: {  	[tilespmem:s11], [sflag:$0x6] =	stream.linear.gather [hbm4b:s3+s4], $0x80, $0x38;
	[tilespmem:$0x1C938] =	vst v63  }
0x1b7: {  	s31 =	sadd.s32 $0x180, s0;
	s3 =	sand.u32 $0x1FFFF8, s30  }
0x1b8: {  	s0 =	sand.u32 $0x1FFFF8, s31;
	s3 =	sadd.s32 s1, s3  }
0x1b9: {  	[tilespmem:s12], [sflag:$0x6] =	stream.linear.gather [hbm4b:s3+s4], $0x80, $0x38;
	[tilespmem:$0x1C938] =	vst v63  }
0x1ba: {  	s0 =	sadd.s32 s1, s0  }
0x1bb: {  	[tilespmem:s13], [sflag:$0x6] =	stream.linear.gather [hbm4b:s0+s4], $0x80, $0x38;
	[tilespmem:$0x1C938] =	vst v63  }
0x1bc: {  	_ =	swait.ge [sflag:s9], $0x200  }
0x1bd: {  	[sflag:s9] =	ssyncset.done $0x0  }
0x1be: {  	[sflag:s9] =	ssyncadd.s32 $0xFFFFFE00  }
0x1bf: {  	s3 =	smov.u32 s10;
	s0 =	simm.s32 $0x0;
	v1 =	vld [tilespmem:s2+$0x0]  }
.LBB2_48:
0x1c0: {  	s0 =	sadd.s32 $0x10, s0  }
0x1c1: {  	p1 =	slt.u32 s0, $0x1F0  }
.Ltmp39:
0x1c2: {  	_ = 	snop;
	(pc) =	sbr.rel @p1 .LBB2_48-.Ltmp39, $3  }
0x1c3: {  	_ =	sdelay $0x1  }
0x1c4: {  	s2 =	sadd.s32 $0x10, s2;
	[tilespmem:s3+$0x0] =	vst.add.f32.msk $0xffff, v1;
	s3 =	sadd.s32 $0x10, s3  }
0x1c5: {  	v1 =	vld [tilespmem:s2+$0x0]  }
0x1c6: {  	_ =	sdelay $0x3  }
0x1c7: {  	[tilespmem:s3+$0x0] =	vst.add.f32.msk $0xffff, v1  }
.LBB2_50:
0x1c8: {  	s0 =	sshll.u32 s6, $0xB  }
0x1c9: {  	[tilespmem:s6+$0xC818] =	vst.msk $0x1, v0;
	s0 =	sshra.s32 s0, $0x2  }
0x1ca: {  	s2 =	simm.s32 $0x0;
	s3 =	smov.u32 s10;
	v0 =	vld [tilespmem:s10+$0x0];
	s0 =	sadd.s32 $0xC838, s0  }
.LBB2_51:
0x1cb: {  	s2 =	sadd.s32 $0x10, s2  }
0x1cc: {  	p1 =	slt.u32 s2, $0x1F0  }
.Ltmp40:
0x1cd: {  	_ = 	snop;
	(pc) =	sbr.rel @p1 .LBB2_51-.Ltmp40, $3  }
0x1ce: {  	_ =	sdelay $0x1  }
0x1cf: {  	s3 =	sadd.s32 $0x10, s3;
	[tilespmem:s0+$0x0] =	vst v0;
	s0 =	sadd.s32 $0x10, s0  }
0x1d0: {  	v0 =	vld [tilespmem:s3+$0x0]  }
.Ltmp41:
0x1d1: {  	_ = 	snop;
	(pc) =	sbr.rel .LBB2_53-.Ltmp41, $2  }
0x1d2: {  	_ =	sdelay $0x2  }
0x1d3: {  	s6 =	sadd.s32 $0x1, s6;
	[tilespmem:s0+$0x0] =	vst v0  }
.LBB2_54:
0x1d4: {  	s0 =	simm.s32 $0x6;
	p1 =	seq.s32 s6, $0x0  }
0x1d5: {  	[sflag:s0] =	ssyncpa.u1 $0x1;
	v0 =	vimm.s32 @p1 $0xFFFFFFFF  }
0x1d6: {  	s0 =	sadd.s32 $0xFFFFFFFF, s6;
	[tilespmem:$0x10838] =	vst @p1 v0  }
0x1d7: {  	v0 =	vld.msk @!p1 [tilespmem:s0+$0xC818], $0x1;
	_ =	sdelay $0x1  }
0x1d8: {  	v1 =	vld.msk @!p1 [tilespmem:$0xC818], $0x1;
	_ =	sdelay $0x2  }
0x1d9: {  	p2 =	seq.s32 @!p1 s0, $0x0;
	v0 =	vbroadcast @!p1 v0, $0x0  }
0x1da: {  	vm0 =	vmmov @!p1 $0x1;
	p2 =	por !p2, p1  }
0x1db: {  	v1 =	vnsel @!p1 vm0, $0xFFFFFFFF, v1;
	vm0 =	vcmask @!p1 $0x308;
	v0 =	vpsel !p2, $0xFFFFFFFF, v0  }
0x1dc: {  	p2 =	sne.s32 @!p1 s8, s7;
	v0 =	vsel @!p1 vm0, v1, v0  }
0x1dd: {  	s2 =	simm.s32 @!p1 $0xC838;
	s3 =	simm.s32 @!p1 $0x0;
	p3 =	por !p2, p1;
	[tilespmem:$0x10838] =	vst @!p1 v0  }
0x1de: {  	[spmem:s3] =	stream.linear.scatter @!p1 [tilespmem:s2], [sflag:$0x1], $0x200, $0x38;
	[tilespmem:$0x1C938] =	vst v63  }
0x1df: {  	s2 =	sshll.u32 @!p3 s0, $0xB  }
0x1e0: {  	s2 =	sshra.s32 @!p3 s2, $0x2  }
0x1e1: {  	s3 =	simm.s32 @!p3 $0x200;
	s2 =	sadd.s32 @!p3 $0xC838, s2  }
0x1e2: {  	[spmem:s3] =	stream.linear.scatter @!p3 [tilespmem:s2], [sflag:$0x1], $0x200, $0x38;
	[tilespmem:$0x1C938] =	vst v63  }
0x1e3: {  	s2 =	simm.s32 @!p3 $0x1  }
0x1e4: {  	_ =	swait.ge @!p3 [sflag:s2], $0x400  }
0x1e5: {  	p1 =	por p2, p1;
	[sflag:s2] =	ssyncset.done @!p3 $0x0  }
0x1e6: {  	[sflag:s2] =	ssyncadd.s32 @!p3 $0xFFFFFC00;
	s2 =	simm.s32 @!p1 $0x1  }
0x1e7: {  	_ =	swait.ge @!p1 [sflag:s2], $0x200  }
0x1e8: {  	s29 =	simm.s32 $0x10838;
	[sflag:s2] =	ssyncset.done @!p1 $0x0  }
0x1e9: {  	s30 =	simm.s32 $0x4000;
	s31 =	simm.s32 $0x1;
	[sflag:s2] =	ssyncadd.s32 @!p1 $0xFFFFFE00  }
0x1ea: {  	[spmem:s30] =	stream.linear.scatter [tilespmem:s29], [sflag:$0x1], $0x10, $0x38;
	[tilespmem:$0x1C938] =	vst v63  }
0x1eb: {  	_ =	swait.ge [sflag:s31], $0x10  }
0x1ec: {  	[sflag:s31] =	ssyncset.done $0x0  }
0x1ed: {  	p1 =	seq.s32 s16, $0x0;
	s9 =	rddreg [dreg:$0x1];
	[sflag:s31] =	ssyncadd.s32 $0xFFFFFFF0  }
0x1ee: {  	s3 =	sshll.u32 @p1 s9, $0xE;
	s8 =	rddreg [dreg:$0x2]  }
0x1ef: {  	s2 =	sadd.s32 @p1 $0x15C3C, s3;
	s3 =	sshll.u32 @p1 s8, $0x11  }
0x1f0: {  	_ =	sfence.stream.spmem;
	s2 =	sor.u32 @p1 s3, s2  }
0x1f1: {  	[sflag:s2] =	ssyncadd.remote.s32 @p1 $0x1;
	s2 =	simm.s32 @p1 $0x4  }
0x1f2: {  	s4 =	simm.s32 @!p1 $0x3C;
	s3 =	sand.u32 $0xFFFFFFFE, s9;
	_ =	swait.ge @p1 [sflag:s2], $0x82  }
0x1f3: {  	s5 =	simm.s32 @!p1 $0x0;
	s3 =	sadd.s32 @!p1 $0x4, s3;
	[sflag:s2] =	ssyncset.done @p1 $0x0  }
0x1f4: {  	s7 =	simm.s32 @!p1 $0x400;
	[sflag:s2] =	ssyncadd.s32 @p1 $0xFFFFFF7E;
	s2 =	sshll.u32 @!p1 s3, $0x1A  }
0x1f5: {  	s3 =	sshll.u32 @!p1 s3, $0xD;
	s2 =	sor.u32 @!p1 s2, s8;
	_ =	swait.eq @!p1 [sflag:s4], $0x1  }
0x1f6: {  	s3 =	sor.u32 @!p1 $0x1C04, s3;
	s4 =	simm.s32 @!p1 $0x1C03;
	s2 =	sor.u32 @!p1 $0x80004000, s2  }
0x1f7: {  	[spmem:s7], [sflag:s3] =	dma.general @!p1 [spmem:s5], [sflag:s4], length:$0x80, [dreg:$0x0], stride_count:$0x0, ici_dest:s2, dma_misc:DstOpCode:WRITE  }
0x1f8: {  	p2 =	slt.s32 s0, $0x2;
	s5 =	simm.s32 @!p1 $0x800;
	s7 =	simm.s32 @!p1 $0x802  }
0x1f9: {  	[spmem:s7], [sflag:s3] =	dma.general @!p1 [spmem:s5], [sflag:s4], length:$0x2, [dreg:$0x0], stride_count:$0x0, ici_dest:s2, dma_misc:DstOpCode:WRITE  }
.Ltmp42:
0x1fa: {  	s2 =	simm.s32 @!p1 $0x3;
	(pc) =	sbr.rel @p2 .LBB2_58-.Ltmp42, $4  }
0x1fb: {  	s3 =	sshll.u32 @!p1 s9, $0xE;
	_ =	swait.ge @!p1 [sflag:s2], $0x82  }
0x1fc: {  	s4 =	sshll.u32 @!p1 s8, $0x11;
	s3 =	sadd.s32 @!p1 $0x11C3C, s3;
	[sflag:s2] =	ssyncset.done @!p1 $0x0  }
0x1fd: {  	[sflag:s2] =	ssyncadd.s32 @!p1 $0xFFFFFF7E;
	s2 =	sor.u32 @!p1 s4, s3  }
0x1fe: {  	s0 =	simm.s32 $0x0;
	[sflag:s2] =	ssyncadd.remote.s32 @!p1 $0xFFFFFFFF  }
0x1ff: {  	s0 =	simm.s32 $0xC819  }
0x200: {  	v0 =	vld.msk [tilespmem:s0+$0x0], $0x1;
	_ =	sdelay $0x4  }
0x201: {  	(v2sf) =	vpush v0, $0x0;
	_ =	sdelay $0xe  }
0x202: {  	s2 =	sadd.s32 $0xFFFFFFFE, s6;
	s3 =	spop (v2sf)  }
0x203: {  	s5 =	simm.s32 $0xCA38;
	s4 =	sadd.s32 $0xFFFFFFFF, s2;
	p1 =	sgt.u32 s3, $0x9C270  }
0x204: {  	s0 =	simm.s32 $0x0;
	p2 =	sne.s32 s4, $0x0;
	s2 =	sand.u32 @!p1 $0xFFFF8, s3  }
0x205: {  	s6 =	sadd.s32 @!p1 $0x80, s3;
	s7 =	sadd.s32 @!p1 $0x100, s3;
	s8 =	sadd.s32 @!p1 s1, s2  }
0x206: {  	s2 =	sand.u32 @!p1 $0x7, s3;
	s6 =	sand.u32 @!p1 $0x1FFFF8, s6;
	s7 =	sand.u32 @!p1 $0x1FFFF8, s7  }
0x207: {  	[hbm4b:s8+s2] =	stream.linear.scatter @!p1 [tilespmem:s5], [sflag:$0x5], $0x80, $0x38;
	[tilespmem:$0x1C938] =	vst v63  }
0x208: {  	s5 =	simm.s32 @!p1 $0xCAB8;
	s6 =	sadd.s32 @!p1 s1, s6;
	s7 =	sadd.s32 @!p1 s1, s7  }
.Ltmp43:
0x209: {  	s8 =	sadd.s32 @!p1 $0x180, s3;
	s3 =	simm.s32 $0x0;
	(pc) =	sbr.rel @!p2 .LBB2_57-.Ltmp43, $4  }
0x20a: {  	[hbm4b:s6+s2] =	stream.linear.scatter @!p1 [tilespmem:s5], [sflag:$0x5], $0x80, $0x38;
	[tilespmem:$0x1C938] =	vst v63  }
0x20b: {  	s3 =	simm.s32 @!p1 $0x800;
	s8 =	sand.u32 @!p1 $0x1FFFF8, s8;
	s6 =	simm.s32 @!p1 $0xCB38  }
0x20c: {  	[hbm4b:s7+s2] =	stream.linear.scatter @!p1 [tilespmem:s6], [sflag:$0x5], $0x80, $0x38;
	[tilespmem:$0x1C938] =	vst v63  }
0x20d: {  	s5 =	simm.s32 $0xC81A;
	s6 =	simm.s32 $0xCC38;
	s7 =	simm.s32 @!p1 $0xCBB8  }
.LBB2_56:
0x20e: {  	s4 =	sadd.s32 $0xFFFFFFFF, s4;
	s8 =	sadd.s32 @!p1 s1, s8;
	s0 =	sadd.s32 s0, s3  }
0x20f: {  	[hbm4b:s8+s2] =	stream.linear.scatter @!p1 [tilespmem:s7], [sflag:$0x5], $0x80, $0x38;
	[tilespmem:$0x1C938] =	vst v63  }
0x210: {  	p2 =	sne.s32 s4, $0x0;
	s7 =	smov.u32 s6;
	v0 =	vld.msk [tilespmem:s5+$0x0], $0x1;
	_ =	sdelay $0x4  }
0x211: {  	(v2sf) =	vpush v0, $0x0;
	_ =	sdelay $0xe  }
0x212: {  	s3 =	spop (v2sf)  }
0x213: {  	s6 =	sadd.s32 $0x200, s6;
	s5 =	sadd.s32 $0x1, s5;
	p1 =	sgt.u32 s3, $0x9C270  }
0x214: {  	s2 =	sand.u32 @!p1 $0xFFFF8, s3;
	s8 =	sadd.s32 @!p1 $0x80, s3;
	s9 =	sadd.s32 @!p1 $0x100, s3  }
0x215: {  	s10 =	sadd.s32 @!p1 s1, s2;
	s2 =	sand.u32 @!p1 $0x7, s3;
	s8 =	sand.u32 @!p1 $0x1FFFF8, s8  }
0x216: {  	[hbm4b:s10+s2] =	stream.linear.scatter @!p1 [tilespmem:s7], [sflag:$0x5], $0x80, $0x38;
	[tilespmem:$0x1C938] =	vst v63  }
0x217: {  	s9 =	sand.u32 @!p1 $0x1FFFF8, s9;
	s10 =	sadd.s32 @!p1 $0x80, s7  }
.Ltmp44:
0x218: {  	s8 =	sadd.s32 @!p1 s1, s8;
	s9 =	sadd.s32 @!p1 s1, s9;
	(pc) =	sbr.rel @p2 .LBB2_56-.Ltmp44, $4  }
0x219: {  	[hbm4b:s8+s2] =	stream.linear.scatter @!p1 [tilespmem:s10], [sflag:$0x5], $0x80, $0x38;
	[tilespmem:$0x1C938] =	vst v63  }
0x21a: {  	s8 =	sadd.s32 @!p1 $0x100, s7;
	s10 =	sadd.s32 @!p1 $0x180, s3;
	s3 =	simm.s32 $0x0  }
0x21b: {  	[hbm4b:s9+s2] =	stream.linear.scatter @!p1 [tilespmem:s8], [sflag:$0x5], $0x80, $0x38;
	[tilespmem:$0x1C938] =	vst v63  }
0x21c: {  	s7 =	sadd.s32 @!p1 $0x180, s7;
	s3 =	simm.s32 @!p1 $0x800;
	s8 =	sand.u32 @!p1 $0x1FFFF8, s10  }
.LBB2_57:
0x21d: {  	s4 =	sadd.s32 @!p1 s1, s8;
	s0 =	sadd.s32 s0, s3  }
0x21e: {  	[hbm4b:s4+s2] =	stream.linear.scatter @!p1 [tilespmem:s7], [sflag:$0x5], $0x80, $0x38;
	[tilespmem:$0x1C938] =	vst v63  }
0x21f: {  	s0 =	sshrl.u32 s0, $0x2  }
.LBB2_58:
0x220: {  	s2 =	simm.s32 $0x5  }
0x221: {  	_ =	swait.ge [sflag:s2], s0  }
0x222: {  	s31 =	ssub.s32 $0x0, s0;
	[sflag:s2] =	ssyncset.done $0x0  }
0x223: {  	[sflag:s2] =	ssyncadd.s32 s31  }
0x224: {  	[sflag:s2] =	ssyncpa.u1 $0x1  }
.LBB2_59:
0x225: {  	s0 =	sor.u32 s16, s17  }
0x226: {  	p1 =	sne.s32 s0, $0x0  }
.Ltmp45:
0x227: {  	_ = 	snop;
	(pc) =	sbr.rel @p1 .LBB2_82-.Ltmp45, $3  }
0x228: {  	_ =	sdelay $0x1  }
0x229: {  	[bflag:$0x0] =	sbarrier.arrive $0xFFFF  }
0x22a: {  	_ =	sfence  }
0x22b: {  	s0 =	simm.s32 $0x7  }
0x22c: {  	s2 =	simm.s32 $0x4000;
	s3 =	simm.s32 $0xC818;
	[sflag:s0] =	ssyncpa.u1 $0x0  }
0x22d: {  	[tilespmem:s3], [sflag:$0x7] =	stream.linear.gather [spmem:s2], $0x20, $0x38;
	[tilespmem:$0x1C938] =	vst v63  }
0x22e: {  	s2 =	simm.s32 $0x0;
	s3 =	simm.s32 $0xC838  }
0x22f: {  	[tilespmem:s3], [sflag:$0x7] =	stream.linear.gather [spmem:s2], $0x4000, $0x38;
	[tilespmem:$0x1C938] =	vst v63  }
.Ltmp46:
0x230: {  	_ = 	snop;
	(pc) =	sbr.rel .LBB2_61-.Ltmp46, $4  }
0x231: {  	_ =	swait.ge [sflag:s0], $0x4020  }
0x232: {  	s4 =	simm.s32 $0x8;
	[sflag:s0] =	ssyncset.done $0x0  }
0x233: {  	s5 =	simm.s32 $0xC688;
	s6 =	simm.s32 $0xC708;
	[sflag:s0] =	ssyncadd.s32 $0xFFFFBFE0  }
0x234: {  	s7 =	simm.s32 $0xC788;
	s8 =	simm.s32 $0x0;
	[sflag:s4] =	ssyncpa.u1 $0x0  }
.LBB2_76:
0x235: {  	s8 =	sadd.s32 $0x1, s8  }
0x236: {  	p1 =	sne.s32 s8, $0x20  }
.Ltmp47:
0x237: {  	_ = 	snop;
	(pc) =	sbr.rel @!p1 .LBB2_77-.Ltmp47, $2  }
0x238: {  	_ =	sdelay $0x2  }
0x239: {  	s3 =	sadd.s32 $0x200, s3  }
.LBB2_61:
0x23a: {  	v0 =	vld.msk [tilespmem:s8+$0xC818], $0x1;
	_ =	sdelay $0x4  }
0x23b: {  	(v2sf) =	vpush v0, $0x0;
	_ =	sdelay $0xe  }
0x23c: {  	s0 =	spop (v2sf)  }
0x23d: {  	p1 =	seq.s32 s0, $0xFFFFFFFF  }
.Ltmp48:
0x23e: {  	_ = 	snop;
	(pc) =	sbr.rel @p1 .LBB2_76-.Ltmp48, $1  }
0x23f: {  	_ =	sdelay $0x3  }
0x240: {  	p1 =	slt.s32 s2, $0x1  }
.Ltmp49:
0x241: {  	_ = 	snop;
	(pc) =	sbr.rel @p1 .LBB2_69-.Ltmp49, $1  }
0x242: {  	_ =	sdelay $0x3  }
0x243: {  	s9 =	simm.s32 $0xC818;
	p1 =	por $0x0, $0x0  }
0x244: {  	v1 =	vld.msk @!p1 [tilespmem:s9+$0x0], $0x1;
	_ =	sdelay $0x4  }
0x245: {  	(v2sf) =	vpush @!p1 v1, $0x0;
	_ =	sdelay $0xd  }
0x246: {  	p3 =	sne.s32 s2, $0x1  }
.Ltmp50:
0x247: {  	s10 =	spop @!p1 (v2sf);
	(pc) =	sbr.rel @!p3 .LBB2_65-.Ltmp50, $4  }
0x248: {  	p2 =	seq.s32 @!p1 s0, s10  }
0x249: {  	s10 =	simm.s32 $0x0;
	p2 =	por !p2, p1  }
0x24a: {  	s12 =	simm.s32 $0xFFFFFFFF;
	s10 =	simm.s32 @p2 $0xFFFFFFFF  }
0x24b: {  	s11 =	simm.s32 $0x1;
	s10 =	smov.u32 @p1 s12  }
.LBB2_64:
0x24c: {  	s12 =	smov.u32 s10;
	p1 =	sne.s32 s10, $0xFFFFFFFF  }
0x24d: {  	s9 =	sadd.s32 $0x1, s9;
	s10 =	smov.u32 s11;
	s11 =	sadd.s32 $0x1, s11  }
0x24e: {  	p2 =	sne.s32 s2, s11;
	v1 =	vld.msk @!p1 [tilespmem:s9+$0x0], $0x1;
	_ =	sdelay $0x4  }
0x24f: {  	(v2sf) =	vpush @!p1 v1, $0x0;
	_ =	sdelay $0xe  }
.Ltmp51:
0x250: {  	s13 =	spop @!p1 (v2sf);
	(pc) =	sbr.rel @p2 .LBB2_64-.Ltmp51, $4  }
0x251: {  	p3 =	seq.s32 @!p1 s0, s13  }
0x252: {  	p3 =	por !p3, p1  }
0x253: {  	s10 =	simm.s32 @p3 $0xFFFFFFFF  }
0x254: {  	s10 =	smov.u32 @p1 s12  }
.LBB2_65:
0x255: {  	p1 =	seq.s32 s10, $0xFFFFFFFF  }
.Ltmp52:
0x256: {  	_ = 	snop;
	(pc) =	sbr.rel @p1 .LBB2_69-.Ltmp52, $1  }
0x257: {  	_ =	sdelay $0x3  }
0x258: {  	s0 =	sshll.u32 s10, $0xB  }
0x259: {  	s0 =	sshra.s32 s0, $0x2  }
0x25a: {  	s9 =	simm.s32 $0x0;
	v0 =	vld [tilespmem:s3+$0x0];
	s10 =	smov.u32 s3;
	s0 =	sadd.s32 $0xC838, s0  }
.LBB2_67:
0x25b: {  	s9 =	sadd.s32 $0x10, s9  }
0x25c: {  	p1 =	slt.u32 s9, $0x1F0  }
.Ltmp53:
0x25d: {  	_ = 	snop;
	(pc) =	sbr.rel @p1 .LBB2_67-.Ltmp53, $3  }
0x25e: {  	_ =	sdelay $0x1  }
0x25f: {  	s10 =	sadd.s32 $0x10, s10;
	[tilespmem:s0+$0x0] =	vst.add.f32.msk $0xffff, v0;
	s0 =	sadd.s32 $0x10, s0  }
0x260: {  	v0 =	vld [tilespmem:s10+$0x0]  }
.Ltmp54:
0x261: {  	_ = 	snop;
	(pc) =	sbr.rel .LBB2_76-.Ltmp54, $2  }
0x262: {  	_ =	sdelay $0x2  }
0x263: {  	[tilespmem:s0+$0x0] =	vst.add.f32.msk $0xffff, v0  }
.LBB2_69:
0x264: {  	p1 =	sgt.u32 s0, $0x9C270  }
.Ltmp55:
0x265: {  	_ = 	snop;
	(pc) =	sbr.rel @p1 .LBB2_73-.Ltmp55, $1  }
0x266: {  	_ =	sdelay $0x3  }
0x267: {  	s9 =	sand.u32 $0xFFFF8, s0;
	s11 =	sand.u32 $0x7, s0  }
0x268: {  	s29 =	sadd.s32 $0x80, s0;
	s10 =	sadd.s32 s1, s9;
	s9 =	simm.s32 $0xC608  }
0x269: {  	[tilespmem:s9], [sflag:$0x8] =	stream.linear.gather [hbm4b:s10+s11], $0x80, $0x38;
	[tilespmem:$0x1C938] =	vst v63  }
0x26a: {  	s10 =	sand.u32 $0x1FFFF8, s29  }
0x26b: {  	s30 =	sadd.s32 $0x100, s0;
	s10 =	sadd.s32 s1, s10  }
0x26c: {  	[tilespmem:s5], [sflag:$0x8] =	stream.linear.gather [hbm4b:s10+s11], $0x80, $0x38;
	[tilespmem:$0x1C938] =	vst v63  }
0x26d: {  	s31 =	sadd.s32 $0x180, s0;
	s10 =	sand.u32 $0x1FFFF8, s30  }
0x26e: {  	s0 =	sand.u32 $0x1FFFF8, s31;
	s10 =	sadd.s32 s1, s10  }
0x26f: {  	[tilespmem:s6], [sflag:$0x8] =	stream.linear.gather [hbm4b:s10+s11], $0x80, $0x38;
	[tilespmem:$0x1C938] =	vst v63  }
0x270: {  	s0 =	sadd.s32 s1, s0  }
0x271: {  	[tilespmem:s7], [sflag:$0x8] =	stream.linear.gather [hbm4b:s0+s11], $0x80, $0x38;
	[tilespmem:$0x1C938] =	vst v63  }
0x272: {  	_ =	swait.ge [sflag:s4], $0x200  }
0x273: {  	[sflag:s4] =	ssyncset.done $0x0  }
0x274: {  	[sflag:s4] =	ssyncadd.s32 $0xFFFFFE00  }
0x275: {  	s10 =	smov.u32 s3;
	s0 =	simm.s32 $0x0;
	v1 =	vld [tilespmem:s9+$0x0]  }
.LBB2_71:
0x276: {  	s0 =	sadd.s32 $0x10, s0  }
0x277: {  	p1 =	slt.u32 s0, $0x1F0  }
.Ltmp56:
0x278: {  	_ = 	snop;
	(pc) =	sbr.rel @p1 .LBB2_71-.Ltmp56, $3  }
0x279: {  	_ =	sdelay $0x1  }
0x27a: {  	s9 =	sadd.s32 $0x10, s9;
	[tilespmem:s10+$0x0] =	vst.add.f32.msk $0xffff, v1;
	s10 =	sadd.s32 $0x10, s10  }
0x27b: {  	v1 =	vld [tilespmem:s9+$0x0]  }
0x27c: {  	_ =	sdelay $0x3  }
0x27d: {  	[tilespmem:s10+$0x0] =	vst.add.f32.msk $0xffff, v1  }
.LBB2_73:
0x27e: {  	s0 =	sshll.u32 s2, $0xB  }
0x27f: {  	[tilespmem:s2+$0xC818] =	vst.msk $0x1, v0;
	s0 =	sshra.s32 s0, $0x2  }
0x280: {  	s9 =	simm.s32 $0x0;
	s10 =	smov.u32 s3;
	v0 =	vld [tilespmem:s3+$0x0];
	s0 =	sadd.s32 $0xC838, s0  }
.LBB2_74:
0x281: {  	s9 =	sadd.s32 $0x10, s9  }
0x282: {  	p1 =	slt.u32 s9, $0x1F0  }
.Ltmp57:
0x283: {  	_ = 	snop;
	(pc) =	sbr.rel @p1 .LBB2_74-.Ltmp57, $3  }
0x284: {  	_ =	sdelay $0x1  }
0x285: {  	s10 =	sadd.s32 $0x10, s10;
	[tilespmem:s0+$0x0] =	vst v0;
	s0 =	sadd.s32 $0x10, s0  }
0x286: {  	v0 =	vld [tilespmem:s10+$0x0]  }
.Ltmp58:
0x287: {  	_ = 	snop;
	(pc) =	sbr.rel .LBB2_76-.Ltmp58, $2  }
0x288: {  	_ =	sdelay $0x2  }
0x289: {  	s2 =	sadd.s32 $0x1, s2;
	[tilespmem:s0+$0x0] =	vst v0  }
.LBB2_77:
0x28a: {  	p1 =	slt.s32 s2, $0x1  }
.Ltmp59:
0x28b: {  	_ = 	snop;
	(pc) =	sbr.rel @p1 .LBB2_81-.Ltmp59, $3  }
0x28c: {  	_ =	sdelay $0x1  }
0x28d: {  	s0 =	simm.s32 $0x8  }
0x28e: {  	[sflag:s0] =	ssyncpa.u1 $0x1;
	s0 =	simm.s32 $0x0  }
0x28f: {  	s3 =	simm.s32 $0xC818  }
0x290: {  	v0 =	vld.msk [tilespmem:s3+$0x0], $0x1;
	_ =	sdelay $0x4  }
0x291: {  	(v2sf) =	vpush v0, $0x0;
	_ =	sdelay $0xe  }
0x292: {  	s7 =	spop (v2sf)  }
0x293: {  	s2 =	sadd.s32 $0xFFFFFFFF, s2;
	p1 =	sgt.u32 s7, $0x9C270  }
0x294: {  	s3 =	simm.s32 $0xC838;
	s4 =	sand.u32 @!p1 $0xFFFF8, s7;
	s8 =	sadd.s32 @!p1 $0x80, s7  }
0x295: {  	s5 =	sand.u32 @!p1 $0x7, s7;
	s4 =	sadd.s32 @!p1 s1, s4;
	s8 =	sand.u32 @!p1 $0x1FFFF8, s8  }
0x296: {  	[hbm4b:s4+s5] =	stream.linear.scatter @!p1 [tilespmem:s3], [sflag:$0x7], $0x80, $0x38;
	[tilespmem:$0x1C938] =	vst v63  }
0x297: {  	p2 =	sne.s32 s2, $0x0;
	s3 =	simm.s32 @!p1 $0xC8B8;
	s4 =	sadd.s32 @!p1 s1, s8  }
0x298: {  	[hbm4b:s4+s5] =	stream.linear.scatter @!p1 [tilespmem:s3], [sflag:$0x7], $0x80, $0x38;
	[tilespmem:$0x1C938] =	vst v63  }
.Ltmp60:
0x299: {  	s6 =	simm.s32 $0x0;
	s9 =	sadd.s32 @!p1 $0x100, s7;
	(pc) =	sbr.rel @!p2 .LBB2_80-.Ltmp60, $4  }
0x29a: {  	s6 =	simm.s32 @!p1 $0x800;
	s8 =	sand.u32 @!p1 $0x1FFFF8, s9;
	s3 =	simm.s32 @!p1 $0xC938  }
0x29b: {  	s4 =	sadd.s32 @!p1 s1, s8;
	s8 =	sadd.s32 @!p1 $0x180, s7;
	s7 =	simm.s32 @!p1 $0xC9B8  }
0x29c: {  	[hbm4b:s4+s5] =	stream.linear.scatter @!p1 [tilespmem:s3], [sflag:$0x7], $0x80, $0x38;
	[tilespmem:$0x1C938] =	vst v63  }
0x29d: {  	s8 =	sand.u32 @!p1 $0x1FFFF8, s8;
	s3 =	simm.s32 $0xC819;
	s4 =	simm.s32 $0xCA38  }
.LBB2_79:
0x29e: {  	s2 =	sadd.s32 $0xFFFFFFFF, s2;
	s8 =	sadd.s32 @!p1 s1, s8;
	s0 =	sadd.s32 s0, s6  }
0x29f: {  	[hbm4b:s8+s5] =	stream.linear.scatter @!p1 [tilespmem:s7], [sflag:$0x7], $0x80, $0x38;
	[tilespmem:$0x1C938] =	vst v63  }
0x2a0: {  	p2 =	sne.s32 s2, $0x0;
	s7 =	smov.u32 s4;
	v0 =	vld.msk [tilespmem:s3+$0x0], $0x1;
	_ =	sdelay $0x4  }
0x2a1: {  	(v2sf) =	vpush v0, $0x0;
	_ =	sdelay $0xe  }
0x2a2: {  	s6 =	spop (v2sf)  }
0x2a3: {  	s4 =	sadd.s32 $0x200, s4;
	s3 =	sadd.s32 $0x1, s3;
	p1 =	sgt.u32 s6, $0x9C270  }
0x2a4: {  	s5 =	sand.u32 @!p1 $0xFFFF8, s6;
	s8 =	sadd.s32 @!p1 $0x80, s6;
	s9 =	sadd.s32 @!p1 $0x100, s6  }
0x2a5: {  	s10 =	sadd.s32 @!p1 s1, s5;
	s5 =	sand.u32 @!p1 $0x7, s6;
	s8 =	sand.u32 @!p1 $0x1FFFF8, s8  }
0x2a6: {  	[hbm4b:s10+s5] =	stream.linear.scatter @!p1 [tilespmem:s7], [sflag:$0x7], $0x80, $0x38;
	[tilespmem:$0x1C938] =	vst v63  }
0x2a7: {  	s9 =	sand.u32 @!p1 $0x1FFFF8, s9;
	s10 =	sadd.s32 @!p1 $0x80, s7  }
.Ltmp61:
0x2a8: {  	s8 =	sadd.s32 @!p1 s1, s8;
	s9 =	sadd.s32 @!p1 s1, s9;
	(pc) =	sbr.rel @p2 .LBB2_79-.Ltmp61, $4  }
0x2a9: {  	[hbm4b:s8+s5] =	stream.linear.scatter @!p1 [tilespmem:s10], [sflag:$0x7], $0x80, $0x38;
	[tilespmem:$0x1C938] =	vst v63  }
0x2aa: {  	s8 =	sadd.s32 @!p1 $0x100, s7;
	s10 =	sadd.s32 @!p1 $0x180, s6;
	s6 =	simm.s32 $0x0  }
0x2ab: {  	[hbm4b:s9+s5] =	stream.linear.scatter @!p1 [tilespmem:s8], [sflag:$0x7], $0x80, $0x38;
	[tilespmem:$0x1C938] =	vst v63  }
0x2ac: {  	s7 =	sadd.s32 @!p1 $0x180, s7;
	s6 =	simm.s32 @!p1 $0x800;
	s8 =	sand.u32 @!p1 $0x1FFFF8, s10  }
.LBB2_80:
0x2ad: {  	s1 =	sadd.s32 @!p1 s1, s8;
	s0 =	sadd.s32 s0, s6  }
0x2ae: {  	[hbm4b:s1+s5] =	stream.linear.scatter @!p1 [tilespmem:s7], [sflag:$0x7], $0x80, $0x38;
	[tilespmem:$0x1C938] =	vst v63  }
0x2af: {  	s0 =	sshrl.u32 s0, $0x2  }
.LBB2_81:
0x2b0: {  	s1 =	simm.s32 $0x7  }
0x2b1: {  	_ =	swait.ge [sflag:s1], s0  }
0x2b2: {  	s31 =	ssub.s32 $0x0, s0;
	[sflag:s1] =	ssyncset.done $0x0  }
0x2b3: {  	[sflag:s1] =	ssyncadd.s32 s31  }
0x2b4: {  	[sflag:s1] =	ssyncpa.u1 $0x1  }
.LBB2_82:
0x2b5: {  	_ =	sfence;
	s0 =	simm.s32 $0x1  }
0x2b6: {  	[sflag:s0] =	ssyncpa.u1 $0x1  }
0x2b7: {  	_ =	strace $0x9000005C  }
0x2b8: {  	[bflag:$0x2] =	sbarrier.arrive $0xFFFF  }
0x2b9: {  	s0 =	rddreg [dreg:$0x3]  }
0x2ba: {  	s0 =	sadd.s32 @!p0 $0x100000, s0  }
0x2bb: {  	[sflag:s0] =	ssyncadd.tile.s32 @!p0 $0x1;
	_ =	shalt  }
.Lfunc_end2:
_tile_overlayer_lowered:
.L_overlay_start_2:
0x2bc: {  	(tag) =	ssettag $0x2  }
0x2bd: {  	s0 =	rddreg [dreg:$0x0];
	s2 =	stileid.u32  }
0x2be: {  	s1 =	rddreg [dreg:$0x1];
	p0 =	sne.s32 s2, $0x0  }
0x2bf: {  	s3 =	rddreg [dreg:$0x2];
	[bflag:$0x3] =	sbarrier.arrive $0xFFFF;
	s2 =	simm.s32 @!p0 $0x1C01  }
0x2c0: {  	[timem:s3], [sflag:s2] =	dma.local @!p0 [hbm:s0], s1  }
0x2c1: {  	s0 =	simm.s32 @!p0 $0x1  }
0x2c2: {  	_ =	swait.ge @!p0 [sflag:s0], s1  }
0x2c3: {  	s1 =	ssub.s32 @!p0 $0x0, s1;
	[sflag:s0] =	ssyncset.done @!p0 $0x0  }
0x2c4: {  	[sflag:s0] =	ssyncadd.s32 @!p0 s1  }
0x2c5: {  	[bflag:$0x3] =	sbarrier.arrive $0xFFFF  }
0x2c6: {  	_ =	shalt  }

// kernel: scatter_offload_async_start
scs
__scs_entry_jumppad:
0x0: {  	(pc) =	sbr.rel $0x88, $3  }
0x1: {  	(tag) =	ssettag $0x0;
	lr =	simm.s32 $0x1  }
0x2: {  	[smem:$0x3F88] =	sst lr;
	_ =	strace $0xD0000000  }
0x3: {  	_ = 	snop  }
0x4: {  	_ = 	snop  }
0x5: {  	_ = 	snop  }
0x6: {  	_ = 	snop  }
0x7: {  	_ = 	snop  }
__scs_overlays_trampoline_lowered:
0x8: {  	[smem:$0x3F97] =	sst s0  }
0x9: {  	[smem:$0x3F98] =	sst s1  }
0xa: {  	[smem:$0x3F99] =	sst s2  }
0xb: {  	[smem:$0x3F9A] =	sst s3  }
0xc: {  	[smem:$0x3F9B] =	sst s4  }
0xd: {  	[smem:$0x3F9C] =	sst s5  }
0xe: {  	[smem:$0x3F9D] =	sst s6  }
0xf: {  	[smem:$0x3F9E] =	sst s7  }
0x10: {  	[smem:$0x3F9F] =	sst s8  }
0x11: {  	[smem:$0x3FA0] =	sst s9;
	s0 =	simm.s32 @!p0 $0x0  }
0x12: {  	s1 =	sld [smem:$0x3F86];
	s0 =	simm.s32 @p0 $0x1  }
0x13: {  	[smem:$0x3FA1] =	sst s0;
	s0 =	simm.s32 @!p1 $0x0  }
0x14: {  	s2 =	sld [smem:$0x3F85];
	s0 =	simm.s32 @p1 $0x1  }
0x15: {  	[smem:$0x3FA2] =	sst s0;
	s0 =	simm.s32 @!p2 $0x0  }
0x16: {  	s3 =	sld [smem:$0x3FDB];
	s0 =	simm.s32 @p2 $0x1  }
0x17: {  	s4 =	simm.s32 $0x1BF5;
	[smem:$0x3FA4] =	sst s0  }
0x18: {  	s0 =	sld [smem:$0x3F87];
	_ =	swait.ge [sflag:s4], $0x0  }
0x19: {  	s7 =	sld [smem:$0x3F88]  }
0x1a: {  	s8 =	sadd.s32 $0xFFFFE003, lr  }
0x1b: {  	s9 =	sadd.s32 $0xFFFFFEF7, lr;
	s5 =	simm.s32 $0xFFFFFFFF;
	p2 =	slt.u32 s8, $0xFFFFF086  }
0x1c: {  	p1 =	slt.u32 s9, $0xF7A;
	s5 =	simm.s32 @!p2 $0x0  }
0x1d: {  	s5 =	simm.s32 @p1 $0x1;
	p0 =	seq.s32 s7, s2  }
0x1e: {  	s7 =	smul.u32 @!p0 $0xF7A, s2;
	p2 =	seq.s32 @!p0 s5, $0x0  }
0x1f: {  	s9 =	smul.u32 $0xF7A, s1;
	s8 =	simm.s32 @!p0 $0x1BF5;
	p2 =	por !p2, p0  }
0x20: {  	[sflag:s8] =	ssyncset.s32 @!p0 $0xFFFFF086;
	s6 =	sadd.s32 @!p0 s3, s7;
	s7 =	simm.s32 @!p0 $0x108  }
0x21: {  	s3 =	sadd.s32 s3, s9;
	s6 =	sadd.s32 @!p0 $0x88, s6;
	s7 =	simm.s32 @p2 $0x1082  }
0x22: {  	[simem:s7], [sflag:s8] =	dma.local @!p0 [hbm:s6], $0xF7A  }
0x23: {  	s9 =	sor.u32 $0xD0000000, s2;
	s6 =	simm.s32 $0x108;
	_ =	swait.ge @!p0 [sflag:s8], $0x0  }
0x24: {  	s3 =	sadd.s32 $0x88, s3;
	s6 =	simm.s32 @!p1 $0x1082;
	[sflag:s4] =	ssyncset.s32 $0xFFFFF086  }
0x25: {  	[simem:s6], [sflag:s4] =	dma.local [hbm:s3], $0xF7A  }
0x26: {  	[smem:$0x3F88] =	sst s1;
	(tag) =	ssettag s2;
	_ =	strace s9  }
0x27: {  	s1 =	sld [smem:$0x3F98]  }
0x28: {  	s2 =	sld [smem:$0x3F99]  }
0x29: {  	s4 =	sld [smem:$0x3F9B]  }
0x2a: {  	p0 =	seq.s32 s5, $0x0;
	s5 =	sld [smem:$0x3F9C]  }
0x2b: {  	s6 =	sld [smem:$0x3F9D]  }
0x2c: {  	s7 =	sld [smem:$0x3F9E]  }
0x2d: {  	s3 =	simm.s32 $0x108;
	s8 =	sld [smem:$0x3F9F]  }
0x2e: {  	s3 =	simm.s32 @!p0 $0x1082;
	s9 =	sld [smem:$0x3FA0]  }
0x2f: {  	lr =	sadd.s32 s0, s3;
	s0 =	sld [smem:$0x3F97]  }
0x30: {  	s3 =	sld [smem:$0x3F9A]  }
0x31: {  	[smem:$0x3FA3] =	sst s10  }
0x32: {  	s10 =	sld [smem:$0x3FA1];
	_ =	sdelay $0x3  }
0x33: {  	p0 =	seq.s32 s10, $0x1;
	s10 =	sld [smem:$0x3FA3];
	_ =	sdelay $0x3  }
0x34: {  	[smem:$0x3FA3] =	sst s10  }
0x35: {  	s10 =	sld [smem:$0x3FA2];
	_ =	sdelay $0x3  }
0x36: {  	p1 =	seq.s32 s10, $0x1;
	s10 =	sld [smem:$0x3FA3];
	_ =	sdelay $0x3  }
0x37: {  	[smem:$0x3FA3] =	sst s10  }
0x38: {  	s10 =	sld [smem:$0x3FA4]  }
0x39: {  	_ = 	snop;
	(pc) =	sbr.ind lr, $3  }
0x3a: {  	_ = 	snop  }
0x3b: {  	_ = 	snop  }
0x3c: {  	p2 =	seq.s32 s10, $0x1;
	s10 =	sld [smem:$0x3FA3]  }
0x3d: {  	_ =	shalt  }
0x3e: {  	_ =	shalt  }
0x3f: {  	_ =	shalt  }
0x40: {  	_ =	shalt  }
0x41: {  	_ =	shalt  }
0x42: {  	_ =	shalt  }
0x43: {  	_ =	shalt  }
0x44: {  	_ =	shalt  }
0x45: {  	_ =	shalt  }
0x46: {  	_ =	shalt  }
0x47: {  	_ =	shalt  }
0x48: {  	_ =	shalt  }
0x49: {  	_ =	shalt  }
0x4a: {  	_ =	shalt  }
0x4b: {  	_ =	shalt  }
0x4c: {  	_ =	shalt  }
0x4d: {  	_ =	shalt  }
0x4e: {  	_ =	shalt  }
0x4f: {  	_ =	shalt  }
0x50: {  	_ =	shalt  }
0x51: {  	_ =	shalt  }
0x52: {  	_ =	shalt  }
0x53: {  	_ =	shalt  }
0x54: {  	_ =	shalt  }
0x55: {  	_ =	shalt  }
0x56: {  	_ =	shalt  }
0x57: {  	_ =	shalt  }
0x58: {  	_ =	shalt  }
0x59: {  	_ =	shalt  }
0x5a: {  	_ =	shalt  }
0x5b: {  	_ =	shalt  }
0x5c: {  	_ =	shalt  }
0x5d: {  	_ =	shalt  }
0x5e: {  	_ =	shalt  }
0x5f: {  	_ =	shalt  }
0x60: {  	_ =	shalt  }
0x61: {  	_ =	shalt  }
0x62: {  	_ =	shalt  }
0x63: {  	_ =	shalt  }
0x64: {  	_ =	shalt  }
0x65: {  	_ =	shalt  }
0x66: {  	_ =	shalt  }
0x67: {  	_ =	shalt  }
0x68: {  	_ =	shalt  }
0x69: {  	_ =	shalt  }
0x6a: {  	_ =	shalt  }
0x6b: {  	_ =	shalt  }
0x6c: {  	_ =	shalt  }
0x6d: {  	_ =	shalt  }
0x6e: {  	_ =	shalt  }
0x6f: {  	_ =	shalt  }
0x70: {  	_ =	shalt  }
0x71: {  	_ =	shalt  }
0x72: {  	_ =	shalt  }
0x73: {  	_ =	shalt  }
0x74: {  	_ =	shalt  }
0x75: {  	_ =	shalt  }
0x76: {  	_ =	shalt  }
0x77: {  	_ =	shalt  }
0x78: {  	_ =	shalt  }
0x79: {  	_ =	shalt  }
0x7a: {  	_ =	shalt  }
0x7b: {  	_ =	shalt  }
0x7c: {  	_ =	shalt  }
0x7d: {  	_ =	shalt  }
0x7e: {  	_ =	shalt  }
0x7f: {  	_ =	shalt  }
0x80: {  	_ =	shalt  }
0x81: {  	_ =	shalt  }
0x82: {  	_ =	shalt  }
0x83: {  	_ =	shalt  }
0x84: {  	_ =	shalt  }
0x85: {  	_ =	shalt  }
0x86: {  	_ =	shalt  }
0x87: {  	_ =	shalt  }
.Lfunc_end0:
.L_simem_size_0:
called_computation_lowered:
.L_overlay_start_0:
0x88: {  	s0 =	sld [smem:$0x3FD9]  }
0x89: {  	s1 =	sld [smem:$0x3FFE];
	_ =	sdelay $0x3  }
0x8a: {  	s0 =	sadd.s32 s1, s0  }
0x8b: {  	[smem:$0x3FAF] =	sst s0  }
0x8c: {  	_ = 	snop  }
0x8d: {  	(tm) =	ssettm $0x1  }
0x8e: {  	s15 =	sld [smem:$0x3FFB];
	_ =	sdelay $0x3  }
0x8f: {  	_ =	strace s15  }
0x90: {  	s0 =	sld [smem:$0x3FFC];
	_ =	sdelay $0x3  }
0x91: {  	_ =	strace s0  }
0x92: {  	s0 =	sld [smem:$0x3FFD];
	_ =	sdelay $0x3  }
0x93: {  	_ =	strace s0  }
0x94: {  	_ =	strace $0x8FFFFFFF  }
0x95: {  	s16 =	sld [smem:$0x3FDB];
	_ =	sdelay $0x1  }
0x96: {  	s17 =	simm.s32 $_scs_section_size  }
0x97: {  	s2 =	simm.s32 $_size__tile_overlayer_lowered;
	s3 =	simm.s32 $_tile_overlayer_lowered  }
0x98: {  	s20 =	simm.s32 $0x1BFF;
	s19 =	sshll.u32 s3, $0x1;
	s0 =	sadd.s32 s17, s16  }
0x99: {  	s4 =	simm.s32 $0x0;
	s18 =	sshll.u32 s2, $0x1;
	s2 =	sadd.s32 s19, s0  }
0x9a: {  	[timem:s4], [sflag:s20] =	dma.local [hbm:s2], s18  }
0x9b: {  	_ =	swait.ge [sflag:s20], s18  }
0x9c: {  	s1 =	ssub.s32 $0x0, s18;
	[sflag:s20] =	ssyncset.done $0x0  }
0x9d: {  	[sflag:s20] =	ssyncadd.s32 s1;
	_ =	sdelay $0x1  }
0x9e: {  	s21 =	simm.s32 $0x1B8B  }
0x9f: {  	_ =	swait.ge [sflag:s21], $0x1  }
0xa0: {  	[sflag:s21] =	ssyncset.done $0x0  }
0xa1: {  	s23 =	simm.s32 $0x1B8E;
	s22 =	sld [smem:$0x3FFE];
	[sflag:s21] =	ssyncadd.s32 $0xFFFFFFFF  }
0xa2: {  	s24 =	simm.s32 $execute0_lowered;
	[smem:$0x3FD2] =	sst s23  }
0xa3: {  	s2 =	sshll.u32 s24, $0x1;
	_ =	strace $0x80000049;
	[dreg:$0x1] =	wrdreg $0xFFFFFFFF  }
0xa4: {  	s25 =	simm.s32 $_size_execute0_lowered;
	s0 =	sadd.s32 s0, s2;
	[dreg:$0x0] =	wrdreg $0x0  }
0xa5: {  	s2 =	sshll.u32 s25, $0x1;
	[dreg:$0x2] =	wrdreg s0  }
0xa6: {  	[dreg:$0x3] =	wrdreg s2  }
0xa7: {  	[dreg:$0x4] =	wrdreg $0xC0  }
0xa8: {  	_ =	task [dreg:s4], $0x5FFFF  }
0xa9: {  	[dreg:$0x1] =	wrdreg $0xFFFFFFFF  }
0xaa: {  	[dreg:$0x0] =	wrdreg $0x60  }
0xab: {  	[dreg:$0x2] =	wrdreg s22  }
0xac: {  	[dreg:$0x3] =	wrdreg $0x9  }
0xad: {  	_ =	task.clear_ibuf [dreg:s4], $0x4FFFF;
	_ =	strace $0x90000049  }
0xae: {  	s26 =	simm.s32 $0x9;
	_ =	strace $0x8000004B  }
0xaf: {  	_ =	swait.ge [sflag:s26], $0x1  }
0xb0: {  	[sflag:s26] =	ssyncadd.s32 $0xFFFFFFFF  }
0xb1: {  	_ =	strace $0x9000004B  }
0xb2: {  	_ =	sfence  }
0xb3: {  	s28 =	sld [smem:$0x0];
	_ =	sdelay $0x1  }
0xb4: {  	s29 =	srdreg.scid  }
0xb5: {  	s30 =	sshll.u32 s29, $0xD;
	s31 =	sshrl.u32 s29, $0x2  }
0xb6: {  	s1 =	sand.u32 $0x1, s29;
	s2 =	sand.u32 $0x4000, s30;
	s0 =	sadd.s32 s31, s28  }
0xb7: {  	s1 =	sor.u32 s2, s1;
	s0 =	sshll.u32 s0, $0x11  }
0xb8: {  	s0 =	sor.u32 s0, s1  }
0xb9: {  	s0 =	sadd.s32 $0x8F2B, s0  }
0xba: {  	[sflag:s0] =	ssyncadd.remote.s32 $0x1  }
0xbb: {  	_ =	sfence.sel $0xFFFF  }
0xbc: {  	[dreg:$0x0] =	wrdreg $0xFFFFFFFF;
	(pc) =	sbr.abs _section_cstart, $3  }
0xbd: {  	[dreg:$0x1] =	wrdreg $0xFFFFFFFF  }
0xbe: {  	_ =	task.clear_ibuf [dreg:s4], $0x2FFFF;
	_ =	strace $0x9FFFFFFF  }
0xbf: {  	(tm) =	ssettm $0x7FFFFFFF  }
tec
execute0_lowered:
.L_overlay_start_1:
0x0: {  	(tag) =	ssettag $0x1  }
0x1: {  	s0 =	rddreg [dreg:$0x0];
	_ =	strace $0x8000004A;
	s15 =	stileid.u32  }
0x2: {  	s2 =	simm.s32 $0x1;
	s1 =	smin.u32 s15, $0x8;
	s3 =	sshll.u32 s15, $0x1  }
0x3: {  	v1 =	vimm.s32 $0xFFFFFFFF;
	[sflag:s2] =	ssyncpa.u1 $0x0;
	s1 =	sadd.s32 s1, s3  }
0x4: {  	p0 =	slt.u32 s15, $0x8;
	[tilespmem:$0x10] =	vst v1;
	s4 =	smul.u32 $0x1F40, s1;
	s1 =	simm.s32 $0x5DC0  }
0x5: {  	v0 =	vimm.f32 $0.0e+00;
	[tilespmem:$0x20] =	vst v1;
	s1 =	simm.s32 @!p0 $0x3E80  }
0x6: {  	[tilespmem:$0x30] =	vst v0;
	s1 =	sadd.s32 s1, s4  }
0x7: {  	[tilespmem:$0x40] =	vst v0;
	s5 =	smin.u32 s1, $0x4E200  }
0x8: {  	s7 =	simm.s32 $0x2;
	s8 =	simm.s32 $0x8;
	[tilespmem:$0x50] =	vst v0;
	s9 =	ssub.s32 s5, s4  }
0x9: {  	s31 =	simm.s32 $0x9;
	s16 =	simm.s32 $0x0;
	[tilespmem:$0x60] =	vst v1;
	p0 =	sgt.s32 s9, $0x0  }
0xa: {  	s17 =	simm.s32 $0xF0;
	s18 =	simm.s32 $0xFFFFFFFF;
	[tilespmem:$0x70] =	vst v1;
	s9 =	simm.s32 @!p0 $0x0  }
0xb: {  	s19 =	simm.s32 $0xFFFFC280;
	s20 =	simm.s32 $0xFFFFFFFE;
	[tilespmem:$0x80] =	vst v1;
	s30 =	smulhi.u32 $0x10624DD3, s9  }
0xc: {  	s21 =	simm.s32 $0xF;
	s25 =	simm.s32 $0x0;
	s24 =	simm.s32 $0x0;
	v1 =	vimm.s32 $0x0;
	[tilespmem:$0xB0] =	vst v0  }
0xd: {  	s6 =	sadd.s32 $0x548E00, s0;
	s15 =	sshllo.u32 s15, $0x1;
	[tilespmem:$0x90] =	vst v1;
	s10 =	sshrl.u32 s30, $0x9  }
0xe: {  	[tilespmem:$0xA0] =	vst v1;
	[sflag:s7] =	ssyncpa.u1 $0x0;
	s7 =	simm.s32 $0x7;
	s11 =	smul.u32 $0x1F40, s10  }
.Ltmp0:
0xf: {  	s13 =	sor.u32 $0x80, s3;
	[sflag:s7] =	ssyncpa.u1 $0x0;
	(pc) =	sbr.rel .LBB2_1-.Ltmp0, $4  }
0x10: {  	s14 =	sor.u32 $0x81, s3;
	[sflag:s8] =	ssyncpa.u1 $0x0;
	p0 =	sne.s32 s9, s11  }
0x11: {  	s23 =	smov.u32 s4;
	s1 =	sadd.s32 $0x3F000, s0;
	s2 =	simm.s32 @!p0 $0x0  }
0x12: {  	vm0 =	vmmov $0xffff;
	v2 =	vlaneseq.u32;
	[sflag:s31] =	ssyncpa.u1 $0x0;
	s9 =	sadd.s32 $0x552C00, s0;
	s10 =	sadd.s32 s2, s10  }
0x13: {  	vm1 =	vmxor vm1, vm1;
	vm2 =	vmmov $0x1;
	vm3 =	vcmask $0x3F3C;
	p0 =	por $0x0, $0x0;
	s11 =	sadd.s32 $0x1, s10;
	s12 =	sadd.s32 $0x2, s10  }
.LBB2_9:
0x14: {  	p1 =	slt.u32 s24, $0x3  }
0x15: {  	s0 =	simm.s32 @!p1 $0x2  }
0x16: {  	_ =	swait.ge @!p1 [sflag:s0], $0x1F40  }
0x17: {  	[sflag:s0] =	ssyncset.done @!p1 $0x0  }
0x18: {  	[sflag:s0] =	ssyncadd.s32 @!p1 $0xFFFFE0C0;
	s0 =	simm.s32 @!p1 $0x9  }
0x19: {  	_ =	swait.ge @!p1 [sflag:s0], $0x10  }
0x1a: {  	[sflag:s0] =	ssyncset.done @!p1 $0x0  }
0x1b: {  	[sflag:s0] =	ssyncadd.s32 @!p1 $0xFFFFFFF0;
	p1 =	sne.s32 s24, s12  }
.Ltmp1:
0x1c: {  	s2 =	sadd.s32 $0x1F40, s23;
	(pc) =	sbr.rel @!p1 .LBB2_10-.Ltmp1, $4  }
0x1d: {  	s22 =	smov.u32 s4;
	s31 =	sadd.s32 $0x1, s24;
	s17 =	sadd.s32 $0x1F40, s17  }
0x1e: {  	s18 =	sadd.s32 $0x1, s18;
	s25 =	smov.u32 s23;
	p2 =	slt.s32 s2, s5  }
0x1f: {  	p0 =	por !p0, !p0;
	s19 =	sadd.s32 $0x1F40, s19;
	s22 =	smov.u32 @p2 s2  }
0x20: {  	s20 =	sadd.s32 $0x1, s20;
	s23 =	smov.u32 s22;
	s24 =	smov.u32 s31  }
.LBB2_1:
0x21: {  	p1 =	sge.u32 s24, s10  }
0x22: {  	s0 =	smulhi.u32 @!p1 $0xAAAAAAAB, s24;
	_ =	sdelay $0x1  }
0x23: {  	s0 =	sshrl.u32 @!p1 s0, $0x1  }
0x24: {  	s0 =	smul.u32 @!p1 $0x3, s0;
	_ =	sdelay $0x1  }
0x25: {  	s0 =	ssub.s32 @!p1 s24, s0  }
0x26: {  	s0 =	smul.u32 @!p1 $0x7D00, s0;
	_ =	sdelay $0x1  }
0x27: {  	s2 =	sshrl.u32 @!p1 s23, $0x3;
	s0 =	sshrl.u32 @!p1 s0, $0x2  }
0x28: {  	s22 =	sand.u32 @!p1 $0x7, s23;
	s2 =	sadd.s32 @!p1 s6, s2;
	s0 =	sadd.s32 @!p1 $0x100, s0  }
0x29: {  	[tilespmem:s0], [sflag:$0x7] =	stream.linear.gather @!p1 [hbm4b:s2+s22], $0x1F40, $0x38;
	[tilespmem:$0x11A60] =	vst v63  }
0x2a: {  	s0 =	sadd.s32 $0xFFFFFFFF, s24  }
0x2b: {  	p1 =	sge.u32 s0, s10  }
.Ltmp2:
0x2c: {  	_ = 	snop;
	(pc) =	sbr.rel @p1 .LBB2_5-.Ltmp2, $1  }
0x2d: {  	_ =	sdelay $0x3  }
0x2e: {  	s2 =	smulhi.u32 $0xAAAAAAAB, s0;
	_ =	sdelay $0x1  }
0x2f: {  	s2 =	sshrl.u32 s2, $0x1  }
0x30: {  	s2 =	smul.u32 $0x3, s2;
	_ =	sdelay $0x1  }
0x31: {  	s2 =	ssub.s32 s0, s2  }
0x32: {  	s2 =	smul.u32 $0x7D00, s2  }
0x33: {  	_ =	swait.ge [sflag:s7], $0x1F40  }
0x34: {  	[sflag:s7] =	ssyncset.done $0x0;
	s2 =	sshrl.u32 s2, $0x2  }
0x35: {  	[sflag:s7] =	ssyncadd.s32 $0xFFFFE0C0;
	(ifvalue) =	ssetifvalue $0xFFFFFFFF;
	v3 =	vld.msk [tilespmem:s2+$0x100 ss:$0x1], $0xffff;
	_ =	sdelay $0x2  }
0x36: {  	s30 =	smulhi.u32 $0xAAAAAAAB, s18;
	p1 =	sne.s32 s24, $0x1  }
0x37: {  	v4 =	vimm.s32 @!p1 $0x0  }
0x38: {  	s2 =	sshrl.u32 s30, $0x1;
	v4 =	vperm.xlane @!p1 v3, v4  }
0x39: {  	s22 =	sshll.u32 s24, $0x4;
	s2 =	smul.u32 $0xFFFE8900, s2;
	vm4 =	vlt.u32 v3, $0x2800  }
0x3a: {  	s22 =	sand.u32 $0x10, s22;
	v3 =	vnsel vm4, $0xFFFFFFFE, v3;
	vm4 =	vlt.u32 @!p1 v4, $0x2800  }
0x3b: {  	s2 =	sshra.s32 s2, $0x2;
	[tilespmem:s22+$0x60] =	vst v3;
	v3 =	vnsel @!p1 vm4, $0xFFFFFFFE, v4  }
0x3c: {  	s28 =	sadd.s32 s2, s17;
	[tilespmem:$0x80] =	vst @!p1 v3  }
0x3d: {  	v3 =	vld.msk [tilespmem:s28+$0x0 ss:$0x1], $0xffff;
	_ =	sdelay $0x4  }
0x3e: {  	(xrf1) =	vunique.msk.u32 $0xffff, v3;
	_ =	sdelay $0xd  }
0x3f: {  	v4 =	vimm.s32 $0xFFFFFFFF;
	v5, _, _ =	vpop (xrf1)  }
0x40: {  	vm5 =	vne.s32 v3, v4;
	vm4 =	veq.s32 v5, v2  }
0x41: {  	vm6 =	vlt.u32 v3, $0x2800;
	vm4 =	vmand vm5, vm4  }
0x42: {  	vm4 =	vmand vm6, vm4  }
0x43: {  	v4 =	vnsel vm4, $0xFFFFFFFF, v3  }
0x44: {  	s31 =	sand.u32 $0x1, s0  }
0x45: {  	s0 =	simm.s32 $0x1F40;
	p1 =	seq.s32 s31, $0x1  }
0x46: {  	s0 =	simm.s32 @!p1 $0x0  }
0x47: {  	s26 =	sadd.s32 $0x7DF0, s0;
	(ifvalue) =	ssetifvalue $0xFFFFFFFF  }
0x48: {  	v3 =	vperm.xlane v3, v1;
	[tilespmem:s26], [sflag:$0x8] =	stream.indirect_vreg.gather [hbm4b:s1+s16], $0x1, v4, vm0, $0x4038;
	v4 =	vnsel vm6, $0xFFFFFFFE, v4;
	[tilespmem:$0x11A60] =	vst v63  }
0x49: {  	s2 =	simm.s32 $0x0;
	s22 =	sadd.s32 $0xFFFFFFF0, s28;
	[tilespmem:s28+$0x0] =	vst v4  }
.LBB2_3:
0x4a: {  	v4 =	vld.msk [tilespmem:s22+$0x0 ss:$0x1], $0xffff;
	s2 =	sadd.s32 $0x10, s2;
	v5 =	vmov v3;
	s28 =	smov.u32 s22  }
0x4b: {  	p1 =	slt.u32 s2, $0x1F30;
	_ =	sdelay $0x4  }
0x4c: {  	v3 =	vperm.xlane v4, v1;
	(xrf1) =	vunique.msk.u32 $0xffff, v4;
	_ =	sdelay $0xd  }
0x4d: {  	v6, _, _ =	vpop (xrf1)  }
0x4e: {  	vm5 =	vne.s32 v4, v5;
	vm4 =	veq.s32 v6, v2  }
0x4f: {  	vm6 =	vlt.u32 v4, $0x2800;
	vm4 =	vmand vm5, vm4  }
0x50: {  	vm4 =	vmand vm6, vm4  }
0x51: {  	v4 =	vnsel vm4, $0xFFFFFFFF, v4  }
.Ltmp3:
0x52: {  	v5 =	vnsel vm6, $0xFFFFFFFE, v4;
	(pc) =	sbr.rel @p1 .LBB2_3-.Ltmp3, $3  }
0x53: {  	_ =	sdelay $0x1  }
0x54: {  	s22 =	sadd.s32 $0xFFFFFFF0, s22;
	s26 =	sadd.s32 $0xFFFFFFF0, s26;
	(ifvalue) =	ssetifvalue $0xFFFFFFFF  }
0x55: {  	[tilespmem:s26], [sflag:$0x8] =	stream.indirect_vreg.gather [hbm4b:s1+s16], $0x1, v4, vm0, $0x4038;
	[tilespmem:s28+$0x0] =	vst v5  }
0x56: {  	s2 =	sshrl.u32 s25, $0x3  }
0x57: {  	s0 =	sadd.s32 $0x9D40, s0;
	s2 =	sadd.s32 s9, s2  }
0x58: {  	[tilespmem:s0], [sflag:$0x8] =	stream.linear.gather [hbm:s2], $0x1F40, $0x38;
	[tilespmem:$0x11A60] =	vst v63  }
.LBB2_5:
0x59: {  	p1 =	slt.u32 s24, $0x2  }
0x5a: {  	p2 =	sge.u32 @!p1 s24, s12  }
0x5b: {  	p1 =	por p1, p2  }
.Ltmp4:
0x5c: {  	_ = 	snop;
	(pc) =	sbr.rel @p1 .LBB2_9-.Ltmp4, $1  }
0x5d: {  	_ =	sdelay $0x3  }
0x5e: {  	s0 =	sadd.s32 $0xFFFFFFFE, s24  }
0x5f: {  	s2 =	smulhi.u32 $0xAAAAAAAB, s0;
	_ =	sdelay $0x1  }
0x60: {  	s2 =	sshrl.u32 s2, $0x1  }
0x61: {  	s2 =	smul.u32 $0x3, s2;
	_ =	sdelay $0x1  }
0x62: {  	s0 =	ssub.s32 s0, s2  }
0x63: {  	_ =	swait.ge [sflag:s8], $0x3E80;
	s0 =	smul.u32 $0x1F40, s0  }
0x64: {  	p1 =	sne.s32 s24, s11;
	[sflag:s8] =	ssyncset.done $0x0  }
0x65: {  	[sflag:s8] =	ssyncadd.s32 $0xFFFFC180;
	s2 =	sadd.s32 @!p1 $0x203F, s0  }
0x66: {  	[spmem:s14] =	stream.linear.scatter @!p1 [tilespmem:s2], [sflag:$0x1], $0x1, $0x38;
	[tilespmem:$0x11A60] =	vst v63  }
0x67: {  	s2 =	simm.s32 @!p1 $0x1  }
0x68: {  	_ =	swait.ge @!p1 [sflag:s2], $0x1  }
0x69: {  	s22 =	sshll.u32 s24, $0x4;
	[sflag:s2] =	ssyncset.done @!p1 $0x0  }
0x6a: {  	s25 =	sand.u32 $0x10, s22;
	[sflag:s2] =	ssyncadd.s32 @!p1 $0xFFFFFFFF  }
0x6b: {  	s2 =	sxor.u32 $0x10, s25;
	v4 =	vld [tilespmem:s25+$0x10]  }
0x6c: {  	v5 =	vld [tilespmem:s2+$0x60]  }
0x6d: {  	v3 =	vld [tilespmem:$0x80];
	_ =	sdelay $0x2  }
0x6e: {  	(v2sf) =	vpush v4, $0x0  }
0x6f: {  	(v2sf) =	vpush v5, $0x0  }
0x70: {  	(v2sf) =	vpush v3, $0x0;
	_ =	sdelay $0xc  }
0x71: {  	s22 =	spop (v2sf)  }
0x72: {  	s26 =	spop (v2sf)  }
0x73: {  	s28 =	spop (v2sf)  }
0x74: {  	p2 =	seq.s32 s22, s26;
	p3 =	seq.s32 s28, s22  }
0x75: {  	p3 =	por p2, p3  }
0x76: {  	s26 =	sand.u32 $0x1, s24;
	v4 =	vpsel p3, $0xFFFFFFFF, v4  }
0x77: {  	s29 =	smul.u32 $0x1F40, s26;
	[tilespmem:s25+$0x10] =	vst.msk $0x1, v4  }
0x78: {  	v4 =	vld [tilespmem:$0x30]  }
0x79: {  	v5 =	vld [tilespmem:s29+$0x9D40]  }
0x7a: {  	v6 =	vld [tilespmem:s25+$0x40];
	_ =	sdelay $0x3  }
0x7b: {  	vm4 =	vmmov vm1;
	v5 =	vadd.f32 v5, v4  }
0x7c: {  	vm5 =	vmmov vm2;
	vm4 =	vmmov @p2 vm2;
	s22 =	sshll.u32 s26, $0x4;
	v4 =	vadd.f32 v6, v4  }
0x7d: {  	s26 =	sor.u32 $0x11A40, s22;
	vm5 =	vmmov @p3 vm1;
	[tilespmem:s29+$0x9D40] =	vst.msk vm4, v5  }
0x7e: {  	[tilespmem:s26+$0x0] =	vst.msk vm5, v4  }
0x7f: {  	v4 =	vld [tilespmem:s29+$0x7DF0];
	_ =	sdelay $0x3  }
0x80: {  	v5 =	vimm.f32 $0.0e+00  }
0x81: {  	v4 =	vshift.insert v4, v5, s21  }
0x82: {  	s22 =	sor.u32 $0x40, s2  }
0x83: {  	[tilespmem:s22+$0x0] =	vst.msk $0x1, v4  }
0x84: {  	[tilespmem:s29+$0x7DFF] =	vst.msk $0x1, v5  }
0x85: {  	v4 =	vld [tilespmem:s0+$0x2030];
	_ =	sdelay $0x1  }
0x86: {  	s22 =	smulhi.u32 $0xAAAAAAAB, s20;
	s0 =	simm.s32 $0x1  }
0x87: {  	s0 =	simm.s32 @!p0 $0x0  }
0x88: {  	s22 =	sshrl.u32 s22, $0x1;
	s0 =	smul.u32 $0x7D00, s0  }
0x89: {  	s22 =	smul.u32 $0xFFFE8900, s22;
	v4 =	vshift.insert v4, v1, s21  }
0x8a: {  	s0 =	sshrl.u32 s0, $0x2  }
0x8b: {  	s22 =	sshra.s32 s22, $0x2;
	s30 =	sadd.s32 $0x9D40, s0;
	[tilespmem:s2+$0x10] =	vst.msk $0x1, v4  }
0x8c: {  	s22 =	sadd.s32 s22, s19;
	v6 =	vld [tilespmem:s30+$0x0]  }
0x8d: {  	v7 =	vld [tilespmem:s22+$0x0];
	_ =	sdelay $0x3  }
0x8e: {  	v5 =	vadd.f32 v6, v5  }
0x8f: {  	vm4 =	vne.s32 v7, $0xFFFFFFFF  }
0x90: {  	(xrf2) =	vadd.seg.scan.f32 vm4, v5;
	_ =	sdelay $0x3  }
0x91: {  	s31 =	sadd.s32 $0x5EC0, s0;
	v5 =	vperm.xlane v4, v1  }
0x92: {  	v6 =	vld [tilespmem:s31+$0x0]  }
0x93: {  	vm5 =	veq.s32 v7, v3;
	vm6 =	veq.s32 v7, v5  }
0x94: {  	vm7 =	vgt.u32 v7, $0xFFFFFFFD;
	vm6 =	vmor vm6, vm5  }
0x95: {  	vm6 =	vmor vm6, vm7  }
0x96: {  	v9 =	vld [tilespmem:$0xA0];
	v7 =	vsel vm6, $0xFFFFFFFF, v7  }
0x97: {  	v10 =	vld [tilespmem:$0x90];
	v6 =	vsel vm5, $0x0, v6;
	v8, _, _ =	vpop (xrf2)  }
0x98: {  	v6 =	vadd.f32 v8, v6  }
0x99: {  	s0 =	sadd.s32 $0xDBC0, s0  }
0x9a: {  	vm4 =	vmand vm4, vm3;
	[tilespmem:s0+$0x0] =	vst v6;
	(ifvalue) =	ssetifvalue $0xFFFFFFFF  }
0x9b: {  	vm6 =	veq.s32 v9, $0x1;
	[hbm4b:s1+s16] =	stream.indirect_vreg.scatter [tilespmem:s0], [sflag:$0x2], $0x1, v7, vm0, $0x4038;
	v7 =	vsel vm4, $0x0, v8;
	[tilespmem:$0x11A60] =	vst v63  }
0x9c: {  	s2 =	simm.s32 $0x0;
	s22 =	sadd.s32 $0x10, s22;
	vm4 =	vmor vm6, vm5;
	v6 =	vsel vm5, v8, v10;
	v7 =	vshift.insert v7, v0, s21  }
.LBB2_7:
0x9d: {  	v8 =	vld [tilespmem:s22+$0x0];
	s30 =	sadd.s32 $0x10, s30  }
0x9e: {  	s31 =	sadd.s32 $0x10, s31;
	v9 =	vld [tilespmem:s30+$0x0]  }
0x9f: {  	s2 =	sadd.s32 $0x10, s2;
	v10 =	vld [tilespmem:s31+$0x0]  }
0xa0: {  	p2 =	slt.u32 s2, $0x1F30;
	_ =	sdelay $0x2  }
0xa1: {  	v7 =	vadd.f32 v9, v7  }
0xa2: {  	vm5 =	vne.s32 v8, $0xFFFFFFFF  }
0xa3: {  	vm6 =	vmand vm5, vm3;
	(xrf2) =	vadd.seg.scan.f32 vm5, v7;
	_ =	sdelay $0x5  }
0xa4: {  	vm7 =	veq.s32 v8, v5;
	vm5 =	veq.s32 v8, v3  }
0xa5: {  	vm8 =	vgt.u32 v8, $0xFFFFFFFD;
	vm4 =	vmor vm4, vm5;
	vm7 =	vmor vm7, vm5  }
0xa6: {  	vm7 =	vmor vm7, vm8  }
0xa7: {  	v8 =	vsel vm7, $0xFFFFFFFF, v8  }
.Ltmp5:
0xa8: {  	v7 =	vsel vm5, $0x0, v10;
	v9, _, _ =	vpop (xrf2);
	(pc) =	sbr.rel @p2 .LBB2_7-.Ltmp5, $4  }
0xa9: {  	v6 =	vsel vm5, v9, v6;
	v10 =	vadd.f32 v9, v7;
	v7 =	vsel vm6, $0x0, v9  }
0xaa: {  	s0 =	sadd.s32 $0x10, s0;
	v7 =	vshift.insert v7, v0, s21  }
0xab: {  	s22 =	sadd.s32 $0x10, s22;
	[tilespmem:s0+$0x0] =	vst v10;
	(ifvalue) =	ssetifvalue $0xFFFFFFFF  }
0xac: {  	[hbm4b:s1+s16] =	stream.indirect_vreg.scatter [tilespmem:s0], [sflag:$0x2], $0x1, v8, vm0, $0x4038;
	[tilespmem:$0x11A60] =	vst v63  }
0xad: {  	v3 =	vld [tilespmem:s29+$0xFAF0];
	_ =	sdelay $0x4  }
0xae: {  	v3 =	vshift.insert v3, v0, s21  }
0xaf: {  	s0 =	simm.s32 $0x30  }
0xb0: {  	[tilespmem:s0+$0x0] =	vst.msk $0x1, v3  }
0xb1: {  	v3 =	vsel vm4, $0x1, v1;
	[tilespmem:$0x90] =	vst v6  }
0xb2: {  	s0 =	sadd.s32 @!p1 $0xFAFF, s29;
	[tilespmem:$0xA0] =	vst v3  }
0xb3: {  	[spmem:s15] =	stream.linear.scatter @!p1 [tilespmem:s0], [sflag:$0x1], $0x1, $0x38;
	[tilespmem:$0x11A60] =	vst v63  }
0xb4: {  	s0 =	simm.s32 @!p1 $0x1  }
0xb5: {  	v3 =	vmctz.xlane @!p1 vm4;
	_ =	swait.ge @!p1 [sflag:s0], $0x1  }
0xb6: {  	(v2sf) =	vpush @!p1 v4, $0x0  }
0xb7: {  	(v2sf) =	vpush @!p1 v3, $0x0;
	_ =	sdelay $0xd  }
0xb8: {  	s2 =	spop @!p1 (v2sf)  }
0xb9: {  	s22 =	spop @!p1 (v2sf)  }
0xba: {  	p2 =	sne.s32 @!p1 s28, s2;
	p3 =	slt.s32 @!p1 s22, $0xF  }
0xbb: {  	[sflag:s0] =	ssyncset.done @!p1 $0x0;
	p2 =	por p2, p1;
	p3 =	por !p3, p1  }
0xbc: {  	[sflag:s0] =	ssyncadd.s32 @!p1 $0xFFFFFFFF;
	v3 =	vimm.s32 @!p2 $0xFFFFFFFF;
	s22 =	simm.s32 @p3 $0xF  }
0xbd: {  	[tilespmem:$0x80] =	vst @!p2 v3;
	s2 =	sadd.s32 @!p1 $0x90, s22  }
0xbe: {  	[spmem:s3] =	stream.linear.scatter @!p1 [tilespmem:s2], [sflag:$0x1], $0x1, $0x38;
	[tilespmem:$0x11A60] =	vst v63  }
0xbf: {  	_ =	swait.ge @!p1 [sflag:s0], $0x1  }
0xc0: {  	[sflag:s0] =	ssyncset.done @!p1 $0x0  }
0xc1: {  	s2 =	simm.s32 @!p1 $0x80;
	[sflag:s0] =	ssyncadd.s32 @!p1 $0xFFFFFFFF  }
0xc2: {  	[spmem:s13] =	stream.linear.scatter @!p1 [tilespmem:s2], [sflag:$0x1], $0x1, $0x38;
	[tilespmem:$0x11A60] =	vst v63  }
0xc3: {  	_ =	swait.ge @!p1 [sflag:s0], $0x1  }
0xc4: {  	[sflag:s0] =	ssyncset.done @!p1 $0x0  }
0xc5: {  	[sflag:s0] =	ssyncadd.s32 @!p1 $0xFFFFFFFF;
	(ifvalue) =	ssetifvalue $0xFFFFFFFF;
	v3 =	vld [tilespmem:s25+$0x10];
	_ =	sdelay $0x3  }
.Ltmp6:
0xc6: {  	_ = 	snop;
	(pc) =	sbr.rel .LBB2_9-.Ltmp6, $3  }
0xc7: {  	_ =	sdelay $0x1  }
0xc8: {  	(ifvalue) =	ssetifvalue $0xFFFFFFFF  }
0xc9: {  	[hbm4b:s1+s16] =	stream.indirect_vreg.scatter [tilespmem:s26], [sflag:$0x9], $0x1, v3, vm0, $0x4038;
	[tilespmem:$0x11A60] =	vst v63  }
.LBB2_10:
0xca: {  	_ =	sfence.sel $0x180000  }
0xcb: {  	s0 =	simm.s32 $0x7;
	[bflag:$0x0] =	sbarrier.arrive $0xFFFF  }
0xcc: {  	s26 =	simm.s32 $0x8;
	[sflag:s0] =	ssyncpa.u1 $0x1  }
0xcd: {  	s28 =	simm.s32 $0x9;
	[sflag:s26] =	ssyncpa.u1 $0x1  }
0xce: {  	[sflag:s28] =	ssyncpa.u1 $0x1  }
0xcf: {  	_ =	sfence.stream.spmem  }
0xd0: {  	s29 =	simm.s32 $0x3;
	[bflag:$0x0] =	sbarrier.arrive $0xFFFF  }
0xd1: {  	s30 =	simm.s32 $0x4;
	[sflag:s29] =	ssyncpa.u1 $0x1  }
0xd2: {  	s31 =	simm.s32 $0x3C;
	s2 =	stileid.u32;
	[sflag:s30] =	ssyncpa.u1 $0x1  }
0xd3: {  	p0 =	sne.s32 s2, $0x0;
	[sflag:s31] =	ssyncpa.u1 $0x1  }
0xd4: {  	s0 =	simm.s32 @p0 $0x1;
	_ =	sfence @p0  }
0xd5: {  	[sflag:s0] =	ssyncpa.u1 @p0 $0x1;
	s0 =	simm.s32 @p0 $0x2  }
0xd6: {  	[sflag:s0] =	ssyncpa.u1 @p0 $0x1  }
0xd7: {  	_ =	strace @p0 $0x9000004A  }
0xd8: {  	[bflag:$0x2] =	sbarrier.arrive @p0 $0xFFFF  }
0xd9: {  	_ =	shalt @p0  }
.LBB2_11:
0xda: {  	_ =	sfence.stream.spmem;
	s0 =	simm.s32 $0x5  }
0xdb: {  	s2 =	simm.s32 $0x80;
	s3 =	simm.s32 $0xC0;
	[sflag:s0] =	ssyncpa.u1 $0x0  }
0xdc: {  	[tilespmem:s3], [sflag:$0x5] =	stream.linear.gather [spmem:s2], $0x20, $0x38;
	[tilespmem:$0x11A60] =	vst v63  }
0xdd: {  	s2 =	simm.s32 $0x0;
	s3 =	simm.s32 $0xE0  }
0xde: {  	[tilespmem:s3], [sflag:$0x5] =	stream.linear.gather [spmem:s2], $0x20, $0x38;
	[tilespmem:$0x11A60] =	vst v63  }
.Ltmp7:
0xdf: {  	_ = 	snop;
	(pc) =	sbr.rel .LBB2_12-.Ltmp7, $4  }
0xe0: {  	_ =	swait.ge [sflag:s0], $0x40  }
0xe1: {  	[sflag:s0] =	ssyncset.done $0x0  }
0xe2: {  	s31 =	simm.s32 $0x6;
	[sflag:s0] =	ssyncadd.s32 $0xFFFFFFC0  }
0xe3: {  	s4 =	simm.s32 $0x0;
	[sflag:s31] =	ssyncpa.u1 $0x0  }
.LBB2_17:
0xe4: {  	p0 =	sgt.u32 s5, $0x27FF  }
0xe5: {  	s0 =	sshrl.u32 @!p0 s5, $0x3  }
0xe6: {  	s5 =	sand.u32 @!p0 $0x7, s5;
	s6 =	simm.s32 @!p0 $0xB0;
	s0 =	sadd.s32 @!p0 s1, s0  }
0xe7: {  	[tilespmem:s6], [sflag:$0x6] =	stream.linear.gather @!p0 [hbm4b:s0+s5], $0x1, $0x38;
	[tilespmem:$0x11A60] =	vst v63  }
0xe8: {  	s0 =	simm.s32 @!p0 $0x6  }
0xe9: {  	_ =	swait.ge @!p0 [sflag:s0], $0x1  }
0xea: {  	[sflag:s0] =	ssyncset.done @!p0 $0x0  }
0xeb: {  	[sflag:s0] =	ssyncadd.s32 @!p0 $0xFFFFFFFF  }
0xec: {  	v2 =	vmov @!p0 s4;
	v1 =	vld.msk @!p0 [tilespmem:$0xB0], $0x1;
	_ =	sdelay $0x3  }
0xed: {  	s0 =	simm.s32 @!p0 $0xE0  }
0xee: {  	[tilespmem:v2+s0+$0x0], v1 =	vst.idx.ret.add.f32.msk @!p0 $0x1, v1  }
0xef: {  	[tilespmem:s2+$0xC0] =	vst.msk $0x1, v0  }
0xf0: {  	v0 =	vld.msk [tilespmem:s4+$0xE0], $0x1;
	_ =	sdelay $0x4  }
0xf1: {  	[tilespmem:s2+$0xE0] =	vst.msk $0x1, v0;
	s2 =	sadd.s32 $0x1, s2  }
.LBB2_19:
0xf2: {  	s4 =	sadd.s32 $0x1, s4  }
0xf3: {  	p0 =	sne.s32 s4, $0x20  }
.Ltmp8:
0xf4: {  	_ = 	snop;
	(pc) =	sbr.rel @!p0 .LBB2_20-.Ltmp8, $1  }
0xf5: {  	_ =	sdelay $0x3  }
.LBB2_12:
0xf6: {  	v0 =	vld.msk [tilespmem:s4+$0xC0], $0x1;
	_ =	sdelay $0x4  }
0xf7: {  	(v2sf) =	vpush v0, $0x0;
	_ =	sdelay $0xe  }
0xf8: {  	s5 =	spop (v2sf)  }
0xf9: {  	p0 =	seq.s32 s5, $0xFFFFFFFF  }
.Ltmp9:
0xfa: {  	_ = 	snop;
	(pc) =	sbr.rel @p0 .LBB2_19-.Ltmp9, $1  }
0xfb: {  	_ =	sdelay $0x3  }
0xfc: {  	p0 =	slt.s32 s2, $0x1  }
.Ltmp10:
0xfd: {  	_ = 	snop;
	(pc) =	sbr.rel @p0 .LBB2_17-.Ltmp10, $1  }
0xfe: {  	_ =	sdelay $0x3  }
0xff: {  	s0 =	simm.s32 $0xC0;
	p0 =	por $0x0, $0x0  }
0x100: {  	v1 =	vld.msk @!p0 [tilespmem:s0+$0x0], $0x1;
	_ =	sdelay $0x4  }
0x101: {  	(v2sf) =	vpush @!p0 v1, $0x0;
	_ =	sdelay $0xd  }
0x102: {  	p2 =	sne.s32 s2, $0x1  }
.Ltmp11:
0x103: {  	s6 =	spop @!p0 (v2sf);
	(pc) =	sbr.rel @!p2 .LBB2_16-.Ltmp11, $4  }
0x104: {  	p1 =	seq.s32 @!p0 s5, s6  }
0x105: {  	s6 =	simm.s32 $0x0;
	p1 =	por !p1, p0  }
0x106: {  	s8 =	simm.s32 $0xFFFFFFFF;
	s6 =	simm.s32 @p1 $0xFFFFFFFF  }
0x107: {  	s7 =	simm.s32 $0x1;
	s6 =	smov.u32 @p0 s8  }
.LBB2_15:
0x108: {  	s8 =	smov.u32 s6;
	p0 =	sne.s32 s6, $0xFFFFFFFF  }
0x109: {  	s0 =	sadd.s32 $0x1, s0;
	s6 =	smov.u32 s7;
	s7 =	sadd.s32 $0x1, s7  }
0x10a: {  	p1 =	sne.s32 s2, s7;
	v1 =	vld.msk @!p0 [tilespmem:s0+$0x0], $0x1;
	_ =	sdelay $0x4  }
0x10b: {  	(v2sf) =	vpush @!p0 v1, $0x0;
	_ =	sdelay $0xe  }
.Ltmp12:
0x10c: {  	s9 =	spop @!p0 (v2sf);
	(pc) =	sbr.rel @p1 .LBB2_15-.Ltmp12, $4  }
0x10d: {  	p2 =	seq.s32 @!p0 s5, s9  }
0x10e: {  	p2 =	por !p2, p0  }
0x10f: {  	s6 =	simm.s32 @p2 $0xFFFFFFFF  }
0x110: {  	s6 =	smov.u32 @p0 s8  }
.LBB2_16:
0x111: {  	p0 =	sne.s32 s6, $0xFFFFFFFF  }
.Ltmp13:
0x112: {  	_ = 	snop;
	(pc) =	sbr.rel @!p0 .LBB2_17-.Ltmp13, $1  }
0x113: {  	_ =	sdelay $0x3  }
0x114: {  	v0 =	vld.msk [tilespmem:s4+$0xE0], $0x1;
	v1 =	vmov s6  }
.Ltmp14:
0x115: {  	_ = 	snop;
	(pc) =	sbr.rel .LBB2_19-.Ltmp14, $2  }
0x116: {  	_ =	sdelay $0x2  }
0x117: {  	[tilespmem:v1+s3+$0x0], v0 =	vst.idx.ret.add.f32.msk $0x1, v0  }
.LBB2_20:
0x118: {  	p0 =	slt.s32 s2, $0x1  }
.Ltmp15:
0x119: {  	_ = 	snop;
	(pc) =	sbr.rel @p0 .LBB2_24-.Ltmp15, $3  }
0x11a: {  	_ =	sdelay $0x1  }
0x11b: {  	s0 =	simm.s32 $0x6  }
0x11c: {  	s3 =	simm.s32 $0x0;
	[sflag:s0] =	ssyncpa.u1 $0x1  }
0x11d: {  	s0 =	simm.s32 $0xC0  }
0x11e: {  	v0 =	vld.msk [tilespmem:s0+$0x0], $0x1;
	_ =	sdelay $0x4  }
0x11f: {  	(v2sf) =	vpush v0, $0x0;
	_ =	sdelay $0xe  }
0x120: {  	s2 =	sadd.s32 $0xFFFFFFFF, s2;
	s4 =	spop (v2sf)  }
0x121: {  	p1 =	sne.s32 s2, $0x0;
	p0 =	sgt.u32 s4, $0x27FF  }
.Ltmp16:
0x122: {  	s5 =	sshrl.u32 @!p0 s4, $0x3;
	(pc) =	sbr.rel @!p1 .LBB2_23-.Ltmp16, $4  }
0x123: {  	s0 =	simm.s32 $0xE0;
	s4 =	sand.u32 @!p0 $0x7, s4;
	s5 =	sadd.s32 @!p0 s1, s5  }
0x124: {  	[hbm4b:s5+s4] =	stream.linear.scatter @!p0 [tilespmem:s0], [sflag:$0x5], $0x1, $0x38;
	[tilespmem:$0x11A60] =	vst v63  }
0x125: {  	s5 =	simm.s32 $0x0  }
0x126: {  	s4 =	simm.s32 $0xC1;
	s5 =	simm.s32 @!p0 $0x4  }
.LBB2_22:
0x127: {  	v0 =	vld.msk [tilespmem:s4+$0x0], $0x1;
	s2 =	sadd.s32 $0xFFFFFFFF, s2;
	s3 =	sadd.s32 s3, s5  }
0x128: {  	p0 =	sne.s32 s2, $0x0;
	_ =	sdelay $0x3  }
0x129: {  	(v2sf) =	vpush v0, $0x0;
	_ =	sdelay $0xe  }
.Ltmp17:
0x12a: {  	s6 =	spop (v2sf);
	(pc) =	sbr.rel @p0 .LBB2_22-.Ltmp17, $4  }
0x12b: {  	s5 =	simm.s32 $0x0;
	p1 =	sgt.u32 s6, $0x27FF  }
0x12c: {  	s0 =	sadd.s32 $0x1, s0;
	s5 =	simm.s32 @!p1 $0x4;
	s7 =	sshrl.u32 @!p1 s6, $0x3  }
0x12d: {  	s4 =	sadd.s32 $0x1, s4;
	s6 =	sand.u32 @!p1 $0x7, s6;
	s7 =	sadd.s32 @!p1 s1, s7  }
0x12e: {  	[hbm4b:s7+s6] =	stream.linear.scatter @!p1 [tilespmem:s0], [sflag:$0x5], $0x1, $0x38;
	[tilespmem:$0x11A60] =	vst v63  }
.LBB2_23:
0x12f: {  	s0 =	sadd.s32 s3, s5  }
0x130: {  	s3 =	sshrl.u32 s0, $0x2  }
.LBB2_24:
0x131: {  	s0 =	simm.s32 $0x5  }
0x132: {  	_ =	swait.ge [sflag:s0], s3  }
0x133: {  	s1 =	ssub.s32 $0x0, s3;
	[sflag:s0] =	ssyncset.done $0x0  }
0x134: {  	[sflag:s0] =	ssyncadd.s32 s1  }
0x135: {  	[sflag:s0] =	ssyncpa.u1 $0x1  }
0x136: {  	s29 =	simm.s32 $0x1;
	_ =	sfence  }
0x137: {  	s30 =	simm.s32 $0x2;
	[sflag:s29] =	ssyncpa.u1 $0x1  }
0x138: {  	[sflag:s30] =	ssyncpa.u1 $0x1  }
0x139: {  	_ =	strace $0x9000004A  }
0x13a: {  	[bflag:$0x2] =	sbarrier.arrive $0xFFFF  }
0x13b: {  	s31 =	rddreg [dreg:$0x1]  }
0x13c: {  	s0 =	sadd.s32 $0x100000, s31  }
0x13d: {  	[sflag:s0] =	ssyncadd.tile.s32 $0x1;
	_ =	shalt  }
.Lfunc_end2:
_tile_overlayer_lowered:
.L_overlay_start_2:
0x13e: {  	(tag) =	ssettag $0x2  }
0x13f: {  	s0 =	rddreg [dreg:$0x0];
	s2 =	stileid.u32  }
0x140: {  	s1 =	rddreg [dreg:$0x1];
	p0 =	sne.s32 s2, $0x0  }
0x141: {  	s3 =	rddreg [dreg:$0x2];
	[bflag:$0x3] =	sbarrier.arrive $0xFFFF;
	s2 =	simm.s32 @!p0 $0x1C01  }
0x142: {  	[timem:s3], [sflag:s2] =	dma.local @!p0 [hbm:s0], s1  }
0x143: {  	s0 =	simm.s32 @!p0 $0x1  }
0x144: {  	_ =	swait.ge @!p0 [sflag:s0], s1  }
0x145: {  	s1 =	ssub.s32 @!p0 $0x0, s1;
	[sflag:s0] =	ssyncset.done @!p0 $0x0  }
0x146: {  	[sflag:s0] =	ssyncadd.s32 @!p0 s1  }
0x147: {  	[bflag:$0x3] =	sbarrier.arrive $0xFFFF  }
0x148: {  	_ =	shalt  }

</sc_bundles>
